<compile_context>
chip_gen: v7x
topology: tpu7x:2x2x1
jax: 0.10.2.dev20260603
libtpu: 0.0.44.dev20260713+nightly
codegen_flags: <defaults>
</compile_context>

<pallas_src>
import functools

import jax
import jax.numpy as jnp
from jax import lax
from jax.experimental import pallas as pl
from jax.experimental.pallas import tpu as pltpu
from jax.experimental.pallas import tpu_sc as plsc

D = 768
I = 384
E = 16
N = 2048
K = 2
NK = N * K
R = 256
T = NK // R
G = T + E
NC = 2
NS = 16
NW = NC * NS
CHUNK = N // NW
LANES = 16


HALFN = N // 2


def _router_body(x_ref, gw_ref, slots_ref, wts_ref, meta_ref, oh1_s, oh2_s):
    i = pl.program_id(0)
    xt = x_ref[...]
    logits = lax.dot_general(
        xt, gw_ref[...],
        dimension_numbers=(((1,), (1,)), ((), ())),
        preferred_element_type=jnp.float32,
    )
    m = jnp.max(logits, axis=1, keepdims=True)
    ex = jnp.exp(logits - m)
    scores = ex / jnp.sum(ex, axis=1, keepdims=True)
    laneh = lax.broadcasted_iota(jnp.int32, (HALFN, E), 1)
    m1 = jnp.max(scores, axis=1, keepdims=True)
    a1 = jnp.min(jnp.where(scores == m1, laneh, E), axis=1, keepdims=True)
    masked = jnp.where(laneh == a1, -jnp.inf, scores)
    m2 = jnp.max(masked, axis=1, keepdims=True)
    a2 = jnp.min(jnp.where(masked == m2, laneh, E), axis=1, keepdims=True)

    oh1_s[pl.ds(i * HALFN, HALFN), :] = (laneh == a1).astype(jnp.float32)
    oh2_s[pl.ds(i * HALFN, HALFN), :] = (laneh == a2).astype(jnp.float32)
    lane128h = lax.broadcasted_iota(jnp.int32, (HALFN, 128), 1)
    wts_ref[...] = (
        jnp.where(lane128h == 0, m1, 0.0) + jnp.where(lane128h == 1, m2, 0.0)
    )

    @pl.when(i == 1)
    def _bookkeeping():
        _router_finish(slots_ref, meta_ref, oh1_s, oh2_s)


def _router_finish(slots_ref, meta_ref, oh1_s, oh2_s):
    lane = lax.broadcasted_iota(jnp.int32, (N, E), 1)
    oh1 = oh1_s[...]
    oh2 = oh2_s[...]
    hist = oh1 + oh2

    c = hist
    step = 1
    while step < N:
        c = c + jnp.concatenate(
            [jnp.zeros((step, E), jnp.float32), c[: N - step]], axis=0
        )
        step *= 2
    base = c - hist
    totals = c[N - 1 : N, :]

    o = totals
    for sh in (1, 2, 4, 8):
        o = o + jnp.concatenate(
            [jnp.zeros((1, sh), jnp.float32), o[:, : E - sh]], axis=1
        )
    offs = o - totals

    slotpos = offs + base
    slot0 = jnp.sum(oh1 * slotpos, axis=1, keepdims=True)
    slot1 = jnp.sum(oh2 * slotpos, axis=1, keepdims=True)

    lane128 = lax.broadcasted_iota(jnp.int32, (N, 128), 1)
    slots_ref[...] = jnp.where(
        lane128 == 0, slot0.astype(jnp.int32), 0
    ) + jnp.where(lane128 == 1, slot1.astype(jnp.int32), 0)

    ends = offs + totals
    tt = lax.broadcasted_iota(jnp.int32, (T, E), 0).astype(jnp.float32)
    inter = (
        (offs < (tt + 1.0) * R) & (ends > tt * R) & (totals > 0)
    ).astype(jnp.float32)

    colcum = inter
    for sh in (1, 2, 4, 8):
        colcum = colcum + jnp.concatenate(
            [jnp.zeros((T, sh), jnp.float32), colcum[:, : E - sh]], axis=1
        )
    rowtot = colcum[:, E - 1 : E]
    rowbase = rowtot
    for sh in (1, 2, 4, 8):
        rowbase = rowbase + jnp.concatenate(
            [jnp.zeros((sh, 1), jnp.float32), rowbase[: T - sh]], axis=0
        )
    rowbase = rowbase - rowtot
    rank = rowbase + colcum - inter

    g_lane = lax.broadcasted_iota(jnp.int32, (T, E, 128), 2).astype(jnp.float32)
    sel = ((rank[:, :, None] == g_lane) & (inter[:, :, None] > 0)).astype(
        jnp.float32
    )
    t3 = lax.broadcasted_iota(jnp.int32, (T, E, 128), 0).astype(jnp.float32)
    e3 = lax.broadcasted_iota(jnp.int32, (T, E, 128), 1).astype(jnp.float32)
    map_t = jnp.sum(jnp.sum(sel * t3, axis=0), axis=0)[None, :]
    map_e = jnp.sum(jnp.sum(sel * e3, axis=0), axis=0)[None, :]
    vld = jnp.sum(jnp.sum(sel, axis=0), axis=0)[None, :]
    map_t = map_t + (1.0 - vld) * float(T - 1)
    map_e = map_e + (1.0 - vld) * float(E - 1)

    lane1 = lax.broadcasted_iota(jnp.int32, (1, 128), 1)
    offs_pad = jnp.concatenate(
        [offs, jnp.zeros((1, 128 - E), jnp.float32)], axis=1
    )
    offs17 = offs_pad + jnp.where(lane1 == E, float(NK), 0.0)

    row8 = lax.broadcasted_iota(jnp.int32, (8, 128), 0)
    meta_f = (
        jnp.where(row8 == 0, offs17, 0.0)
        + jnp.where(row8 == 1, map_t, 0.0)
        + jnp.where(row8 == 2, map_e, 0.0)
        + jnp.where(row8 == 3, vld, 0.0)
    )
    meta_ref[...] = meta_f.astype(jnp.int32)


def _router(xt, gate_w):
    return pl.pallas_call(
        _router_body,
        grid=(2,),
        in_specs=[
            pl.BlockSpec((HALFN, D), lambda i: (i, 0)),
            pl.BlockSpec((E, D), lambda i: (0, 0)),
        ],
        out_specs=[
            pl.BlockSpec((N, 128), lambda i: (0, 0)),
            pl.BlockSpec((HALFN, 128), lambda i: (i, 0)),
            pl.BlockSpec((8, 128), lambda i: (0, 0)),
        ],
        out_shape=[
            jax.ShapeDtypeStruct((N, 128), jnp.int32),
            jax.ShapeDtypeStruct((N, 128), jnp.float32),
            jax.ShapeDtypeStruct((8, 128), jnp.int32),
        ],
        scratch_shapes=[
            pltpu.VMEM((N, E), jnp.float32),
            pltpu.VMEM((N, E), jnp.float32),
        ],
    )(xt, gate_w)


def _dispatch(xt, slot0, slot1):
    mesh = plsc.VectorSubcoreMesh(core_axis_name="c", subcore_axis_name="s")

    @functools.partial(
        pl.kernel,
        mesh=mesh,
        out_type=jax.ShapeDtypeStruct((NK, D), jnp.float32),
        scratch_types=[
            pltpu.VMEM((CHUNK,), jnp.int32),
            pltpu.VMEM((CHUNK,), jnp.int32),
            pltpu.VMEM((CHUNK, D), jnp.float32),
            pltpu.SemaphoreType.DMA,
        ],
    )
    def k(x_hbm, s0_hbm, s1_hbm, xs_hbm, idx0_v, idx1_v, rows_v, sem):
        wid = lax.axis_index("s") * NC + lax.axis_index("c")
        b = wid * CHUNK
        pltpu.sync_copy(s0_hbm.at[pl.ds(b, CHUNK)], idx0_v)
        pltpu.sync_copy(s1_hbm.at[pl.ds(b, CHUNK)], idx1_v)
        pltpu.sync_copy(x_hbm.at[pl.ds(b, CHUNK)], rows_v)
        c0 = pltpu.async_copy(rows_v, xs_hbm.at[idx0_v], sem)
        c1 = pltpu.async_copy(rows_v, xs_hbm.at[idx1_v], sem)
        c0.wait()
        c1.wait()

    return k(xt, slot0, slot1)


def _ffn_body(meta_ref, xs_ref, wg_ref, wu_ref, wd_ref, out_ref):
    g = pl.program_id(0)
    t = meta_ref[1, g]
    e = meta_ref[2, g]
    v = meta_ref[3, g]
    lo = jnp.clip(meta_ref[0, e] - t * R, 0, R)
    hi = jnp.clip(meta_ref[0, e + 1] - t * R, 0, R)

    xt = xs_ref[...]
    cdim = (((1,), (1,)), ((), ()))
    h = lax.dot_general(xt, wg_ref[0], cdim,
                        preferred_element_type=jnp.float32)
    u = lax.dot_general(xt, wu_ref[0], cdim,
                        preferred_element_type=jnp.float32)
    a = (h * lax.logistic(h)) * u
    y = lax.dot_general(a, wd_ref[0], cdim,
                        preferred_element_type=jnp.float32)

    row = lax.broadcasted_iota(jnp.int32, (R, 1), 0)
    mask = (row >= lo) & (row < hi) & (v > 0)
    yw = jnp.where(mask, y, 0.0)

    prev = meta_ref[1, jnp.maximum(g - 1, 0)]
    first = (g == 0) | (t != prev)

    @pl.when(first)
    def _init():
        out_ref[...] = yw

    @pl.when(jnp.logical_not(first))
    def _accum():
        out_ref[...] += yw


def _ffn(meta_i, xs, Wg, Wu, Wd):
    grid_spec = pltpu.PrefetchScalarGridSpec(
        num_scalar_prefetch=1,
        grid=(G,),
        in_specs=[
            pl.BlockSpec((R, D), lambda g, m: (m[1, g], 0)),
            pl.BlockSpec((1, I, D), lambda g, m: (m[2, g], 0, 0)),
            pl.BlockSpec((1, I, D), lambda g, m: (m[2, g], 0, 0)),
            pl.BlockSpec((1, D, I), lambda g, m: (m[2, g], 0, 0)),
        ],
        out_specs=pl.BlockSpec((R, D), lambda g, m: (m[1, g], 0)),
    )
    return pl.pallas_call(
        _ffn_body,
        grid_spec=grid_spec,
        out_shape=jax.ShapeDtypeStruct((NK, D), jnp.float32),
    )(meta_i, xs, Wg, Wu, Wd)


def _combine(ys, slot0, slot1, w0, w1):
    mesh = plsc.VectorSubcoreMesh(core_axis_name="c", subcore_axis_name="s")

    @functools.partial(
        pl.kernel,
        mesh=mesh,
        out_type=jax.ShapeDtypeStruct((N, D), jnp.float32),
        scratch_types=[
            pltpu.VMEM((CHUNK,), jnp.int32),
            pltpu.VMEM((CHUNK,), jnp.int32),
            pltpu.VMEM((CHUNK + LANES,), jnp.float32),
            pltpu.VMEM((CHUNK + LANES,), jnp.float32),
            pltpu.VMEM((CHUNK, D), jnp.float32),
            pltpu.VMEM((CHUNK, D), jnp.float32),
            pltpu.SemaphoreType.DMA,
            pltpu.SemaphoreType.DMA,
        ],
    )
    def k(ys_hbm, s0_hbm, s1_hbm, w0_hbm, w1_hbm, out_hbm,
          idx0_v, idx1_v, w0_v, w1_v, y0_v, y1_v, sema, semb):
        wid = lax.axis_index("s") * NC + lax.axis_index("c")
        b = wid * CHUNK
        half = CHUNK // 2
        pltpu.sync_copy(s0_hbm.at[pl.ds(b, CHUNK)], idx0_v)
        pltpu.sync_copy(s1_hbm.at[pl.ds(b, CHUNK)], idx1_v)
        pltpu.sync_copy(w0_hbm.at[pl.ds(b, CHUNK)], w0_v.at[pl.ds(0, CHUNK)])
        pltpu.sync_copy(w1_hbm.at[pl.ds(b, CHUNK)], w1_v.at[pl.ds(0, CHUNK)])
        a0 = pltpu.async_copy(
            ys_hbm.at[idx0_v.at[pl.ds(0, half)]], y0_v.at[pl.ds(0, half)], sema)
        a1 = pltpu.async_copy(
            ys_hbm.at[idx1_v.at[pl.ds(0, half)]], y1_v.at[pl.ds(0, half)], sema)
        b0 = pltpu.async_copy(
            ys_hbm.at[idx0_v.at[pl.ds(half, half)]],
            y0_v.at[pl.ds(half, half)], semb)
        b1 = pltpu.async_copy(
            ys_hbm.at[idx1_v.at[pl.ds(half, half)]],
            y1_v.at[pl.ds(half, half)], semb)

        def body(r, carry):
            wv0 = jnp.full((LANES,), w0_v[pl.ds(r, LANES)][0], jnp.float32)
            wv1 = jnp.full((LANES,), w1_v[pl.ds(r, LANES)][0], jnp.float32)
            for j in range(D // LANES):
                sl = pl.ds(j * LANES, LANES)
                y0_v[r, sl] = wv0 * y0_v[r, sl] + wv1 * y1_v[r, sl]
            return carry

        a0.wait()
        a1.wait()
        lax.fori_loop(0, half, body, 0)
        pltpu.sync_copy(y0_v.at[pl.ds(0, half)], out_hbm.at[pl.ds(b, half)])
        b0.wait()
        b1.wait()
        lax.fori_loop(half, CHUNK, body, 0)
        pltpu.sync_copy(y0_v.at[pl.ds(half, half)],
                        out_hbm.at[pl.ds(b + half, half)])

    return k(ys, slot0, slot1, w0, w1)


@jax.jit
def kernel(x, gate_w, Wg, Wu, Wd):
    b, s, d = x.shape
    xt = x.reshape(-1, d)

    slots, wts, meta_i = _router(xt, gate_w)
    slot0 = slots[:, 0]
    slot1 = slots[:, 1]
    w0 = wts[:, 0]
    w1 = wts[:, 1]

    xs = _dispatch(xt, slot0, slot1)
    ys = _ffn(meta_i, xs, Wg, Wu, Wd)
    out = _combine(ys, slot0, slot1, w0, w1)
    return out.reshape(b, s, d)

# --- scband reference (transcript-rebuilt; emitter-appended) ---
"""Pipeline reference for scband-mo-e-65060164600307 (READ-ONLY COPY).

The authoritative reference and input builder live on the scoring server;
editing this copy changes nothing except your own understanding.
"""

import jax, jax.numpy as jnp
import numpy as np

D = 768
I = 384
E = 16
K = 2
ROUTE_SCALE = 1.0
B = 1
S = 2048


def setup_inputs(seed: int = 0) -> dict:
    key = jax.random.key(seed)
    ks = jax.random.split(key, 5)
    x = jax.random.normal(ks[0], (B, S, D), dtype=jnp.float32)
    # Gate router weight [E, D] (kaiming-uniform-like init)
    bound = 1.0 / np.sqrt(D)
    gate_w = jax.random.uniform(ks[1], (E, D), minval=-bound, maxval=bound, dtype=jnp.float32)
    # Stacked expert weights. torch Linear stores [out_features, in_features]:
    #   gate_proj/up_proj: [I, D], down_proj: [D, I]; stacked over E experts.
    Wg = jax.random.normal(ks[2], (E, I, D), dtype=jnp.float32) * 0.02
    Wu = jax.random.normal(ks[3], (E, I, D), dtype=jnp.float32) * 0.02
    Wd = jax.random.normal(ks[4], (E, D, I), dtype=jnp.float32) * 0.02
    return {"x": x, "gate_w": gate_w, "Wg": Wg, "Wu": Wu, "Wd": Wd}


def reference(x, gate_w, Wg, Wu, Wd):
    # x: [B, S, D] -> flatten tokens [N, D]
    b, s, d = x.shape
    xt = x.reshape(-1, d)
    N = xt.shape[0]

    # --- Gate (eval mode: no expert_bias, n_expert_groups == 1) ---
    logits = xt @ gate_w.T                      # [N, E]
    scores = jax.nn.softmax(logits, axis=-1)    # score_func == 'softmax'
    topk_w, topk_idx = jax.lax.top_k(scores, K)  # [N, K]
    # weights = scores.gather(topk_idx) == topk values (selection scores == scores in eval)
    weights = topk_w * ROUTE_SCALE

    # --- Token-centric dispatch (math-equivalent dense combine form) ---
    # combine[n, e] = sum of routing weights assigned from token n to expert e
    combine = jnp.zeros((N, E), dtype=xt.dtype).at[
        jnp.arange(N)[:, None], topk_idx
    ].add(weights)

    # Apply every expert's SwiGLU FFN: down(silu(gate(x)) * up(x))
    h = jnp.einsum('nd,eid->nei', xt, Wg)       # gate_proj
    u = jnp.einsum('nd,eid->nei', xt, Wu)       # up_proj
    a = jax.nn.silu(h) * u
    y = jnp.einsum('nei,edi->ned', a, Wd)       # down_proj -> [N, E, D]

    # Weighted combine == scatter_add of weighted expert outputs
    out = jnp.einsum('ned,ne->nd', y, combine)  # [N, D]
    return out.reshape(b, s, d)

if __name__ == "__main__":
    import jax
    _d = setup_inputs()
    print(jax.jit(kernel)(*tuple(_d.values())))

</pallas_src>

<mosaic_0001>
#map = affine_map<(d0, d1) -> (0, 0)>
#map1 = affine_map<(d0, d1) -> (0)>
module attributes {stable_mosaic.version = 14 : i64} {
  func.func @k(%arg0: i32, %arg1: i32, %arg2: memref<2048x768xf32, #tpu.memory_space<hbm>>, %arg3: memref<2048xi32, #tpu.memory_space<hbm>>, %arg4: memref<2048xi32, #tpu.memory_space<hbm>>, %arg5: memref<4096x768xf32, #tpu.memory_space<hbm>>, %arg6: memref<64xi32, #tpu.memory_space<vmem>>, %arg7: memref<64xi32, #tpu.memory_space<vmem>>, %arg8: memref<64x768xf32, #tpu.memory_space<vmem>>, %arg9: memref<!tpu.dma_semaphore, #tpu.memory_space<semaphore_mem>>) attributes {dimension_semantics = [#tpu.dimension_semantics<core_parallel>, #tpu.dimension_semantics<subcore_parallel>], iteration_bounds = array<i64: 2, 16>, scalar_prefetch = 0 : i64, scratch_operands = 4 : i64, tpu.core_type = #tpu.core_type<sc_vector_subcore>, window_params = [{transform_indices = #map}, {transform_indices = #map1}, {transform_indices = #map1}, {transform_indices = #map}]} {
    %mul3A = arith.constant 2 : i32
    %mul3A_0 = arith.muli %arg1, %mul3A : i32
    %add3A = arith.addi %mul3A_0, %arg0 : i32
    %mul3A_1 = arith.constant 64 : i32
    %mul3A_2 = arith.muli %add3A, %mul3A_1 : i32
    "tpu.region"() ({
      %run_scoped3A = tpu.sem_alloc : memref<!tpu.dma_semaphore, #tpu.memory_space<semaphore_mem>>
      %dma_start3A_13 = tpu.memref_slice %arg3[%mul3A_2] : memref<2048xi32, #tpu.memory_space<hbm>> -> memref<64xi32, #tpu.memory_space<hbm>>
      %dma_start3A_14 = tpu.memref_slice %arg3[%mul3A_2] : memref<2048xi32, #tpu.memory_space<hbm>> -> memref<64xi32, #tpu.memory_space<hbm>>
      tpu.enqueue_dma source(%dma_start3A_14 : memref<64xi32, #tpu.memory_space<hbm>>) target(%arg6 : memref<64xi32, #tpu.memory_space<vmem>>) target_semaphore(%run_scoped3A : memref<!tpu.dma_semaphore, #tpu.memory_space<semaphore_mem>>)
      %dma_wait3A_15 = tpu.memref_slice %arg3[%mul3A_2] : memref<2048xi32, #tpu.memory_space<hbm>> -> memref<64xi32, #tpu.memory_space<hbm>>
      %dma_wait3A_16 = tpu.memref_slice %arg3[%mul3A_2] : memref<2048xi32, #tpu.memory_space<hbm>> -> memref<64xi32, #tpu.memory_space<hbm>>
      tpu.wait_dma2 semaphore(%run_scoped3A : memref<!tpu.dma_semaphore, #tpu.memory_space<semaphore_mem>>) src(%dma_wait3A_16 : memref<64xi32, #tpu.memory_space<hbm>>) dst(%arg6 : memref<64xi32, #tpu.memory_space<vmem>>)
      tpu.yield
    }) : () -> ()
    "tpu.region"() ({
      %run_scoped3A = tpu.sem_alloc : memref<!tpu.dma_semaphore, #tpu.memory_space<semaphore_mem>>
      %dma_start3A_13 = tpu.memref_slice %arg4[%mul3A_2] : memref<2048xi32, #tpu.memory_space<hbm>> -> memref<64xi32, #tpu.memory_space<hbm>>
      %dma_start3A_14 = tpu.memref_slice %arg4[%mul3A_2] : memref<2048xi32, #tpu.memory_space<hbm>> -> memref<64xi32, #tpu.memory_space<hbm>>
      tpu.enqueue_dma source(%dma_start3A_14 : memref<64xi32, #tpu.memory_space<hbm>>) target(%arg7 : memref<64xi32, #tpu.memory_space<vmem>>) target_semaphore(%run_scoped3A : memref<!tpu.dma_semaphore, #tpu.memory_space<semaphore_mem>>)
      %dma_wait3A_15 = tpu.memref_slice %arg4[%mul3A_2] : memref<2048xi32, #tpu.memory_space<hbm>> -> memref<64xi32, #tpu.memory_space<hbm>>
      %dma_wait3A_16 = tpu.memref_slice %arg4[%mul3A_2] : memref<2048xi32, #tpu.memory_space<hbm>> -> memref<64xi32, #tpu.memory_space<hbm>>
      tpu.wait_dma2 semaphore(%run_scoped3A : memref<!tpu.dma_semaphore, #tpu.memory_space<semaphore_mem>>) src(%dma_wait3A_16 : memref<64xi32, #tpu.memory_space<hbm>>) dst(%arg7 : memref<64xi32, #tpu.memory_space<vmem>>)
      tpu.yield
    }) : () -> ()
    "tpu.region"() ({
      %run_scoped3A = tpu.sem_alloc : memref<!tpu.dma_semaphore, #tpu.memory_space<semaphore_mem>>
      %dma_start3A_13 = arith.constant 0 : i32
      %dma_start3A_14 = tpu.memref_slice %arg2[%mul3A_2, %dma_start3A_13] : memref<2048x768xf32, #tpu.memory_space<hbm>> -> memref<64x768xf32, #tpu.memory_space<hbm>>
      %dma_start3A_15 = arith.constant 0 : i32
      %dma_start3A_16 = tpu.memref_slice %arg2[%mul3A_2, %dma_start3A_15] : memref<2048x768xf32, #tpu.memory_space<hbm>> -> memref<64x768xf32, #tpu.memory_space<hbm>>
      tpu.enqueue_dma source(%dma_start3A_16 : memref<64x768xf32, #tpu.memory_space<hbm>>) target(%arg8 : memref<64x768xf32, #tpu.memory_space<vmem>>) target_semaphore(%run_scoped3A : memref<!tpu.dma_semaphore, #tpu.memory_space<semaphore_mem>>)
      %dma_wait3A_17 = arith.constant 0 : i32
      %dma_wait3A_18 = tpu.memref_slice %arg2[%mul3A_2, %dma_wait3A_17] : memref<2048x768xf32, #tpu.memory_space<hbm>> -> memref<64x768xf32, #tpu.memory_space<hbm>>
      %dma_wait3A_19 = arith.constant 0 : i32
      %dma_wait3A_20 = tpu.memref_slice %arg2[%mul3A_2, %dma_wait3A_19] : memref<2048x768xf32, #tpu.memory_space<hbm>> -> memref<64x768xf32, #tpu.memory_space<hbm>>
      tpu.wait_dma2 semaphore(%run_scoped3A : memref<!tpu.dma_semaphore, #tpu.memory_space<semaphore_mem>>) src(%dma_wait3A_20 : memref<64x768xf32, #tpu.memory_space<hbm>>) dst(%arg8 : memref<64x768xf32, #tpu.memory_space<vmem>>)
      tpu.yield
    }) : () -> ()
    %dma_start3A = arith.constant 0 : i32
    %dma_start3A_3 = arith.constant 0 : i32
    %dma_start3A_4 = tpu.memref_slice %arg5[%dma_start3A, %dma_start3A_3] : memref<4096x768xf32, #tpu.memory_space<hbm>> -> memref<4096x768xf32, #tpu.memory_space<hbm>>
    tpu.enqueue_indirect_dma source(%arg8 : memref<64x768xf32, #tpu.memory_space<vmem>>) target(%dma_start3A_4 : memref<4096x768xf32, #tpu.memory_space<hbm>>) offsets(%arg6 : memref<64xi32, #tpu.memory_space<vmem>>) semaphore(%arg9 : memref<!tpu.dma_semaphore, #tpu.memory_space<semaphore_mem>>)
    %dma_start3A_5 = arith.constant 0 : i32
    %dma_start3A_6 = arith.constant 0 : i32
    %dma_start3A_7 = tpu.memref_slice %arg5[%dma_start3A_5, %dma_start3A_6] : memref<4096x768xf32, #tpu.memory_space<hbm>> -> memref<4096x768xf32, #tpu.memory_space<hbm>>
    tpu.enqueue_indirect_dma source(%arg8 : memref<64x768xf32, #tpu.memory_space<vmem>>) target(%dma_start3A_7 : memref<4096x768xf32, #tpu.memory_space<hbm>>) offsets(%arg7 : memref<64xi32, #tpu.memory_space<vmem>>) semaphore(%arg9 : memref<!tpu.dma_semaphore, #tpu.memory_space<semaphore_mem>>)
    %dma_wait3A = arith.constant 0 : i32
    %dma_wait3A_8 = arith.constant 0 : i32
    %dma_wait3A_9 = tpu.memref_slice %arg5[%dma_wait3A, %dma_wait3A_8] : memref<4096x768xf32, #tpu.memory_space<hbm>> -> memref<4096x768xf32, #tpu.memory_space<hbm>>
    tpu.wait_indirect_dma semaphore(%arg9 : memref<!tpu.dma_semaphore, #tpu.memory_space<semaphore_mem>>) src(%arg8 : memref<64x768xf32, #tpu.memory_space<vmem>>) dst(%dma_wait3A_9 : memref<4096x768xf32, #tpu.memory_space<hbm>>)
    %dma_wait3A_10 = arith.constant 0 : i32
    %dma_wait3A_11 = arith.constant 0 : i32
    %dma_wait3A_12 = tpu.memref_slice %arg5[%dma_wait3A_10, %dma_wait3A_11] : memref<4096x768xf32, #tpu.memory_space<hbm>> -> memref<4096x768xf32, #tpu.memory_space<hbm>>
    tpu.wait_indirect_dma semaphore(%arg9 : memref<!tpu.dma_semaphore, #tpu.memory_space<semaphore_mem>>) src(%arg8 : memref<64x768xf32, #tpu.memory_space<vmem>>) dst(%dma_wait3A_12 : memref<4096x768xf32, #tpu.memory_space<hbm>>)
    return
  }
}

#map = affine_map<(d0, d1) -> (0, 0)>
#map1 = affine_map<(d0, d1) -> (0)>
module attributes {stable_mosaic.version = 14 : i64} {
  func.func @k(%arg0: i32, %arg1: i32, %arg2: memref<4096x768xf32, #tpu.memory_space<hbm>>, %arg3: memref<2048xi32, #tpu.memory_space<hbm>>, %arg4: memref<2048xi32, #tpu.memory_space<hbm>>, %arg5: memref<2048xf32, #tpu.memory_space<hbm>>, %arg6: memref<2048xf32, #tpu.memory_space<hbm>>, %arg7: memref<2048x768xf32, #tpu.memory_space<hbm>>, %arg8: memref<64xi32, #tpu.memory_space<vmem>>, %arg9: memref<64xi32, #tpu.memory_space<vmem>>, %arg10: memref<80xf32, #tpu.memory_space<vmem>>, %arg11: memref<80xf32, #tpu.memory_space<vmem>>, %arg12: memref<64x768xf32, #tpu.memory_space<vmem>>, %arg13: memref<64x768xf32, #tpu.memory_space<vmem>>, %arg14: memref<!tpu.dma_semaphore, #tpu.memory_space<semaphore_mem>>, %arg15: memref<!tpu.dma_semaphore, #tpu.memory_space<semaphore_mem>>) attributes {dimension_semantics = [#tpu.dimension_semantics<core_parallel>, #tpu.dimension_semantics<subcore_parallel>], iteration_bounds = array<i64: 2, 16>, scalar_prefetch = 0 : i64, scratch_operands = 8 : i64, tpu.core_type = #tpu.core_type<sc_vector_subcore>, window_params = [{transform_indices = #map}, {transform_indices = #map1}, {transform_indices = #map1}, {transform_indices = #map1}, {transform_indices = #map1}, {transform_indices = #map}]} {
    %mul3A = arith.constant 2 : i32
    %mul3A_0 = arith.muli %arg1, %mul3A : i32
    %add3A = arith.addi %mul3A_0, %arg0 : i32
    %mul3A_1 = arith.constant 64 : i32
    %mul3A_2 = arith.muli %add3A, %mul3A_1 : i32
    "tpu.region"() ({
      %run_scoped3A = tpu.sem_alloc : memref<!tpu.dma_semaphore, #tpu.memory_space<semaphore_mem>>
      %dma_start3A_78 = tpu.memref_slice %arg3[%mul3A_2] : memref<2048xi32, #tpu.memory_space<hbm>> -> memref<64xi32, #tpu.memory_space<hbm>>
      %dma_start3A_79 = tpu.memref_slice %arg3[%mul3A_2] : memref<2048xi32, #tpu.memory_space<hbm>> -> memref<64xi32, #tpu.memory_space<hbm>>
      tpu.enqueue_dma source(%dma_start3A_79 : memref<64xi32, #tpu.memory_space<hbm>>) target(%arg8 : memref<64xi32, #tpu.memory_space<vmem>>) target_semaphore(%run_scoped3A : memref<!tpu.dma_semaphore, #tpu.memory_space<semaphore_mem>>)
      %dma_wait3A_80 = tpu.memref_slice %arg3[%mul3A_2] : memref<2048xi32, #tpu.memory_space<hbm>> -> memref<64xi32, #tpu.memory_space<hbm>>
      %dma_wait3A_81 = tpu.memref_slice %arg3[%mul3A_2] : memref<2048xi32, #tpu.memory_space<hbm>> -> memref<64xi32, #tpu.memory_space<hbm>>
      tpu.wait_dma2 semaphore(%run_scoped3A : memref<!tpu.dma_semaphore, #tpu.memory_space<semaphore_mem>>) src(%dma_wait3A_81 : memref<64xi32, #tpu.memory_space<hbm>>) dst(%arg8 : memref<64xi32, #tpu.memory_space<vmem>>)
      tpu.yield
    }) : () -> ()
    "tpu.region"() ({
      %run_scoped3A = tpu.sem_alloc : memref<!tpu.dma_semaphore, #tpu.memory_space<semaphore_mem>>
      %dma_start3A_78 = tpu.memref_slice %arg4[%mul3A_2] : memref<2048xi32, #tpu.memory_space<hbm>> -> memref<64xi32, #tpu.memory_space<hbm>>
      %dma_start3A_79 = tpu.memref_slice %arg4[%mul3A_2] : memref<2048xi32, #tpu.memory_space<hbm>> -> memref<64xi32, #tpu.memory_space<hbm>>
      tpu.enqueue_dma source(%dma_start3A_79 : memref<64xi32, #tpu.memory_space<hbm>>) target(%arg9 : memref<64xi32, #tpu.memory_space<vmem>>) target_semaphore(%run_scoped3A : memref<!tpu.dma_semaphore, #tpu.memory_space<semaphore_mem>>)
      %dma_wait3A_80 = tpu.memref_slice %arg4[%mul3A_2] : memref<2048xi32, #tpu.memory_space<hbm>> -> memref<64xi32, #tpu.memory_space<hbm>>
      %dma_wait3A_81 = tpu.memref_slice %arg4[%mul3A_2] : memref<2048xi32, #tpu.memory_space<hbm>> -> memref<64xi32, #tpu.memory_space<hbm>>
      tpu.wait_dma2 semaphore(%run_scoped3A : memref<!tpu.dma_semaphore, #tpu.memory_space<semaphore_mem>>) src(%dma_wait3A_81 : memref<64xi32, #tpu.memory_space<hbm>>) dst(%arg9 : memref<64xi32, #tpu.memory_space<vmem>>)
      tpu.yield
    }) : () -> ()
    "tpu.region"() ({
      %run_scoped3A = tpu.sem_alloc : memref<!tpu.dma_semaphore, #tpu.memory_space<semaphore_mem>>
      %dma_start3A_78 = arith.constant 0 : i32
      %dma_start3A_79 = tpu.memref_slice %arg10[%dma_start3A_78] : memref<80xf32, #tpu.memory_space<vmem>> -> memref<64xf32, #tpu.memory_space<vmem>>
      %dma_start3A_80 = tpu.memref_slice %arg5[%mul3A_2] : memref<2048xf32, #tpu.memory_space<hbm>> -> memref<64xf32, #tpu.memory_space<hbm>>
      %dma_start3A_81 = arith.constant 0 : i32
      %dma_start3A_82 = tpu.memref_slice %arg10[%dma_start3A_81] : memref<80xf32, #tpu.memory_space<vmem>> -> memref<64xf32, #tpu.memory_space<vmem>>
      %dma_start3A_83 = tpu.memref_slice %arg5[%mul3A_2] : memref<2048xf32, #tpu.memory_space<hbm>> -> memref<64xf32, #tpu.memory_space<hbm>>
      tpu.enqueue_dma source(%dma_start3A_83 : memref<64xf32, #tpu.memory_space<hbm>>) target(%dma_start3A_82 : memref<64xf32, #tpu.memory_space<vmem>>) target_semaphore(%run_scoped3A : memref<!tpu.dma_semaphore, #tpu.memory_space<semaphore_mem>>)
      %dma_wait3A_84 = arith.constant 0 : i32
      %dma_wait3A_85 = tpu.memref_slice %arg10[%dma_wait3A_84] : memref<80xf32, #tpu.memory_space<vmem>> -> memref<64xf32, #tpu.memory_space<vmem>>
      %dma_wait3A_86 = tpu.memref_slice %arg5[%mul3A_2] : memref<2048xf32, #tpu.memory_space<hbm>> -> memref<64xf32, #tpu.memory_space<hbm>>
      %dma_wait3A_87 = arith.constant 0 : i32
      %dma_wait3A_88 = tpu.memref_slice %arg10[%dma_wait3A_87] : memref<80xf32, #tpu.memory_space<vmem>> -> memref<64xf32, #tpu.memory_space<vmem>>
      %dma_wait3A_89 = tpu.memref_slice %arg5[%mul3A_2] : memref<2048xf32, #tpu.memory_space<hbm>> -> memref<64xf32, #tpu.memory_space<hbm>>
      tpu.wait_dma2 semaphore(%run_scoped3A : memref<!tpu.dma_semaphore, #tpu.memory_space<semaphore_mem>>) src(%dma_wait3A_89 : memref<64xf32, #tpu.memory_space<hbm>>) dst(%dma_wait3A_88 : memref<64xf32, #tpu.memory_space<vmem>>)
      tpu.yield
    }) : () -> ()
    "tpu.region"() ({
      %run_scoped3A = tpu.sem_alloc : memref<!tpu.dma_semaphore, #tpu.memory_space<semaphore_mem>>
      %dma_start3A_78 = arith.constant 0 : i32
      %dma_start3A_79 = tpu.memref_slice %arg11[%dma_start3A_78] : memref<80xf32, #tpu.memory_space<vmem>> -> memref<64xf32, #tpu.memory_space<vmem>>
      %dma_start3A_80 = tpu.memref_slice %arg6[%mul3A_2] : memref<2048xf32, #tpu.memory_space<hbm>> -> memref<64xf32, #tpu.memory_space<hbm>>
      %dma_start3A_81 = arith.constant 0 : i32
      %dma_start3A_82 = tpu.memref_slice %arg11[%dma_start3A_81] : memref<80xf32, #tpu.memory_space<vmem>> -> memref<64xf32, #tpu.memory_space<vmem>>
      %dma_start3A_83 = tpu.memref_slice %arg6[%mul3A_2] : memref<2048xf32, #tpu.memory_space<hbm>> -> memref<64xf32, #tpu.memory_space<hbm>>
      tpu.enqueue_dma source(%dma_start3A_83 : memref<64xf32, #tpu.memory_space<hbm>>) target(%dma_start3A_82 : memref<64xf32, #tpu.memory_space<vmem>>) target_semaphore(%run_scoped3A : memref<!tpu.dma_semaphore, #tpu.memory_space<semaphore_mem>>)
      %dma_wait3A_84 = arith.constant 0 : i32
      %dma_wait3A_85 = tpu.memref_slice %arg11[%dma_wait3A_84] : memref<80xf32, #tpu.memory_space<vmem>> -> memref<64xf32, #tpu.memory_space<vmem>>
      %dma_wait3A_86 = tpu.memref_slice %arg6[%mul3A_2] : memref<2048xf32, #tpu.memory_space<hbm>> -> memref<64xf32, #tpu.memory_space<hbm>>
      %dma_wait3A_87 = arith.constant 0 : i32
      %dma_wait3A_88 = tpu.memref_slice %arg11[%dma_wait3A_87] : memref<80xf32, #tpu.memory_space<vmem>> -> memref<64xf32, #tpu.memory_space<vmem>>
      %dma_wait3A_89 = tpu.memref_slice %arg6[%mul3A_2] : memref<2048xf32, #tpu.memory_space<hbm>> -> memref<64xf32, #tpu.memory_space<hbm>>
      tpu.wait_dma2 semaphore(%run_scoped3A : memref<!tpu.dma_semaphore, #tpu.memory_space<semaphore_mem>>) src(%dma_wait3A_89 : memref<64xf32, #tpu.memory_space<hbm>>) dst(%dma_wait3A_88 : memref<64xf32, #tpu.memory_space<vmem>>)
      tpu.yield
    }) : () -> ()
    %dma_start3A = arith.constant 0 : i32
    %dma_start3A_3 = arith.constant 0 : i32
    %dma_start3A_4 = tpu.memref_slice %arg12[%dma_start3A, %dma_start3A_3] : memref<64x768xf32, #tpu.memory_space<vmem>> -> memref<32x768xf32, #tpu.memory_space<vmem>>
    %dma_start3A_5 = arith.constant 0 : i32
    %dma_start3A_6 = tpu.memref_slice %arg8[%dma_start3A_5] : memref<64xi32, #tpu.memory_space<vmem>> -> memref<32xi32, #tpu.memory_space<vmem>>
    %dma_start3A_7 = arith.constant 0 : i32
    %dma_start3A_8 = arith.constant 0 : i32
    %dma_start3A_9 = tpu.memref_slice %arg2[%dma_start3A_7, %dma_start3A_8] : memref<4096x768xf32, #tpu.memory_space<hbm>> -> memref<4096x768xf32, #tpu.memory_space<hbm>>
    tpu.enqueue_indirect_dma source(%dma_start3A_9 : memref<4096x768xf32, #tpu.memory_space<hbm>>) target(%dma_start3A_4 : memref<32x768xf32, #tpu.memory_space<vmem>>) offsets(%dma_start3A_6 : memref<32xi32, #tpu.memory_space<vmem>>) semaphore(%arg14 : memref<!tpu.dma_semaphore, #tpu.memory_space<semaphore_mem>>)
    %dma_start3A_10 = arith.constant 0 : i32
    %dma_start3A_11 = arith.constant 0 : i32
    %dma_start3A_12 = tpu.memref_slice %arg13[%dma_start3A_10, %dma_start3A_11] : memref<64x768xf32, #tpu.memory_space<vmem>> -> memref<32x768xf32, #tpu.memory_space<vmem>>
    %dma_start3A_13 = arith.constant 0 : i32
    %dma_start3A_14 = tpu.memref_slice %arg9[%dma_start3A_13] : memref<64xi32, #tpu.memory_space<vmem>> -> memref<32xi32, #tpu.memory_space<vmem>>
    %dma_start3A_15 = arith.constant 0 : i32
    %dma_start3A_16 = arith.constant 0 : i32
    %dma_start3A_17 = tpu.memref_slice %arg2[%dma_start3A_15, %dma_start3A_16] : memref<4096x768xf32, #tpu.memory_space<hbm>> -> memref<4096x768xf32, #tpu.memory_space<hbm>>
    tpu.enqueue_indirect_dma source(%dma_start3A_17 : memref<4096x768xf32, #tpu.memory_space<hbm>>) target(%dma_start3A_12 : memref<32x768xf32, #tpu.memory_space<vmem>>) offsets(%dma_start3A_14 : memref<32xi32, #tpu.memory_space<vmem>>) semaphore(%arg14 : memref<!tpu.dma_semaphore, #tpu.memory_space<semaphore_mem>>)
    %dma_start3A_18 = arith.constant 32 : i32
    %dma_start3A_19 = arith.constant 0 : i32
    %dma_start3A_20 = tpu.memref_slice %arg12[%dma_start3A_18, %dma_start3A_19] : memref<64x768xf32, #tpu.memory_space<vmem>> -> memref<32x768xf32, #tpu.memory_space<vmem>>
    %dma_start3A_21 = arith.constant 32 : i32
    %dma_start3A_22 = tpu.memref_slice %arg8[%dma_start3A_21] : memref<64xi32, #tpu.memory_space<vmem>> -> memref<32xi32, #tpu.memory_space<vmem>>
    %dma_start3A_23 = arith.constant 0 : i32
    %dma_start3A_24 = arith.constant 0 : i32
    %dma_start3A_25 = tpu.memref_slice %arg2[%dma_start3A_23, %dma_start3A_24] : memref<4096x768xf32, #tpu.memory_space<hbm>> -> memref<4096x768xf32, #tpu.memory_space<hbm>>
    tpu.enqueue_indirect_dma source(%dma_start3A_25 : memref<4096x768xf32, #tpu.memory_space<hbm>>) target(%dma_start3A_20 : memref<32x768xf32, #tpu.memory_space<vmem>>) offsets(%dma_start3A_22 : memref<32xi32, #tpu.memory_space<vmem>>) semaphore(%arg15 : memref<!tpu.dma_semaphore, #tpu.memory_space<semaphore_mem>>)
    %dma_start3A_26 = arith.constant 32 : i32
    %dma_start3A_27 = arith.constant 0 : i32
    %dma_start3A_28 = tpu.memref_slice %arg13[%dma_start3A_26, %dma_start3A_27] : memref<64x768xf32, #tpu.memory_space<vmem>> -> memref<32x768xf32, #tpu.memory_space<vmem>>
    %dma_start3A_29 = arith.constant 32 : i32
    %dma_start3A_30 = tpu.memref_slice %arg9[%dma_start3A_29] : memref<64xi32, #tpu.memory_space<vmem>> -> memref<32xi32, #tpu.memory_space<vmem>>
    %dma_start3A_31 = arith.constant 0 : i32
    %dma_start3A_32 = arith.constant 0 : i32
    %dma_start3A_33 = tpu.memref_slice %arg2[%dma_start3A_31, %dma_start3A_32] : memref<4096x768xf32, #tpu.memory_space<hbm>> -> memref<4096x768xf32, #tpu.memory_space<hbm>>
    tpu.enqueue_indirect_dma source(%dma_start3A_33 : memref<4096x768xf32, #tpu.memory_space<hbm>>) target(%dma_start3A_28 : memref<32x768xf32, #tpu.memory_space<vmem>>) offsets(%dma_start3A_30 : memref<32xi32, #tpu.memory_space<vmem>>) semaphore(%arg15 : memref<!tpu.dma_semaphore, #tpu.memory_space<semaphore_mem>>)
    %dma_wait3A = arith.constant 0 : i32
    %dma_wait3A_34 = arith.constant 0 : i32
    %dma_wait3A_35 = tpu.memref_slice %arg12[%dma_wait3A, %dma_wait3A_34] : memref<64x768xf32, #tpu.memory_space<vmem>> -> memref<32x768xf32, #tpu.memory_space<vmem>>
    %dma_wait3A_36 = arith.constant 0 : i32
    %dma_wait3A_37 = tpu.memref_slice %arg8[%dma_wait3A_36] : memref<64xi32, #tpu.memory_space<vmem>> -> memref<32xi32, #tpu.memory_space<vmem>>
    %dma_wait3A_38 = arith.constant 0 : i32
    %dma_wait3A_39 = arith.constant 0 : i32
    %dma_wait3A_40 = tpu.memref_slice %arg2[%dma_wait3A_38, %dma_wait3A_39] : memref<4096x768xf32, #tpu.memory_space<hbm>> -> memref<4096x768xf32, #tpu.memory_space<hbm>>
    tpu.wait_indirect_dma semaphore(%arg14 : memref<!tpu.dma_semaphore, #tpu.memory_space<semaphore_mem>>) src(%dma_wait3A_40 : memref<4096x768xf32, #tpu.memory_space<hbm>>) dst(%dma_wait3A_35 : memref<32x768xf32, #tpu.memory_space<vmem>>)
    %dma_wait3A_41 = arith.constant 0 : i32
    %dma_wait3A_42 = arith.constant 0 : i32
    %dma_wait3A_43 = tpu.memref_slice %arg13[%dma_wait3A_41, %dma_wait3A_42] : memref<64x768xf32, #tpu.memory_space<vmem>> -> memref<32x768xf32, #tpu.memory_space<vmem>>
    %dma_wait3A_44 = arith.constant 0 : i32
    %dma_wait3A_45 = tpu.memref_slice %arg9[%dma_wait3A_44] : memref<64xi32, #tpu.memory_space<vmem>> -> memref<32xi32, #tpu.memory_space<vmem>>
    %dma_wait3A_46 = arith.constant 0 : i32
    %dma_wait3A_47 = arith.constant 0 : i32
    %dma_wait3A_48 = tpu.memref_slice %arg2[%dma_wait3A_46, %dma_wait3A_47] : memref<4096x768xf32, #tpu.memory_space<hbm>> -> memref<4096x768xf32, #tpu.memory_space<hbm>>
    tpu.wait_indirect_dma semaphore(%arg14 : memref<!tpu.dma_semaphore, #tpu.memory_space<semaphore_mem>>) src(%dma_wait3A_48 : memref<4096x768xf32, #tpu.memory_space<hbm>>) dst(%dma_wait3A_43 : memref<32x768xf32, #tpu.memory_space<vmem>>)
    %scan3A = arith.constant 0 : i32
    %scan3A_49 = arith.constant 0 : i32
    %scan3A_50 = arith.constant 32 : i32
    %scan3A_51 = arith.addi %scan3A_49, %scan3A_50 : i32
    %scan3A_52 = arith.constant 1 : i32
    scf.for %scan3A_78 = %scan3A_49 to %scan3A_51 step %scan3A_52  : i32 {
      %get3A = arith.index_cast %scan3A_78 : i32 to index
      %get3A_79 = tpu.vector_load %arg10[%get3A] {strides = array<i32>} : memref<80xf32, #tpu.memory_space<vmem>>, vector<16xf32>,
      %get3A_80 = vector.shape_cast %get3A_79 : vector<16xf32> to vector<16xf32>
      %slice3A = vector.extract_strided_slice %get3A_80 {offsets = [0], sizes = [1], strides = [1]} : vector<16xf32> to vector<1xf32>
      %squeeze3A = vector.extract %slice3A[0] : f32 from vector<1xf32>
      %broadcast_in_dim3A = vector.broadcast %squeeze3A : f32 to vector<16xf32>
      %get3A_81 = arith.index_cast %scan3A_78 : i32 to index
      %get3A_82 = tpu.vector_load %arg11[%get3A_81] {strides = array<i32>} : memref<80xf32, #tpu.memory_space<vmem>>, vector<16xf32>,
      %get3A_83 = vector.shape_cast %get3A_82 : vector<16xf32> to vector<16xf32>
      %slice3A_84 = vector.extract_strided_slice %get3A_83 {offsets = [0], sizes = [1], strides = [1]} : vector<16xf32> to vector<1xf32>
      %squeeze3A_85 = vector.extract %slice3A_84[0] : f32 from vector<1xf32>
      %broadcast_in_dim3A_86 = vector.broadcast %squeeze3A_85 : f32 to vector<16xf32>
      %get3A_87 = arith.index_cast %scan3A_78 : i32 to index
      %get3A_88 = arith.constant 0 : index
      %get3A_89 = tpu.vector_load %arg12[%get3A_87, %get3A_88] {strides = array<i32>} : memref<64x768xf32, #tpu.memory_space<vmem>>, vector<1x16xf32>,
      %get3A_90 = vector.shape_cast %get3A_89 : vector<1x16xf32> to vector<16xf32>
      %mul3A_91 = arith.mulf %broadcast_in_dim3A, %get3A_90 : vector<16xf32>
      %get3A_92 = arith.index_cast %scan3A_78 : i32 to index
      %get3A_93 = arith.constant 0 : index
      %get3A_94 = tpu.vector_load %arg13[%get3A_92, %get3A_93] {strides = array<i32>} : memref<64x768xf32, #tpu.memory_space<vmem>>, vector<1x16xf32>,
      %get3A_95 = vector.shape_cast %get3A_94 : vector<1x16xf32> to vector<16xf32>
      %mul3A_96 = arith.mulf %broadcast_in_dim3A_86, %get3A_95 : vector<16xf32>
      %add3A_97 = arith.addf %mul3A_91, %mul3A_96 : vector<16xf32>
      %swap3A = arith.index_cast %scan3A_78 : i32 to index
      %swap3A_98 = arith.constant 0 : index
      %swap3A_99 = tpu.vector_load %arg12[%swap3A, %swap3A_98] {strides = array<i32>} : memref<64x768xf32, #tpu.memory_space<vmem>>, vector<1x16xf32>,
      %swap3A_100 = vector.shape_cast %swap3A_99 : vector<1x16xf32> to vector<16xf32>
      %swap3A_101 = vector.shape_cast %add3A_97 : vector<16xf32> to vector<1x16xf32>
      tpu.vector_store %arg12[%swap3A, %swap3A_98], %swap3A_101 {strides = array<i32>} : memref<64x768xf32, #tpu.memory_space<vmem>>, vector<1x16xf32>,
      %get3A_102 = arith.index_cast %scan3A_78 : i32 to index
      %get3A_103 = arith.constant 16 : index
      %get3A_104 = tpu.vector_load %arg12[%get3A_102, %get3A_103] {strides = array<i32>} : memref<64x768xf32, #tpu.memory_space<vmem>>, vector<1x16xf32>,
      %get3A_105 = vector.shape_cast %get3A_104 : vector<1x16xf32> to vector<16xf32>
      %mul3A_106 = arith.mulf %broadcast_in_dim3A, %get3A_105 : vector<16xf32>
      %get3A_107 = arith.index_cast %scan3A_78 : i32 to index
      %get3A_108 = arith.constant 16 : index
      %get3A_109 = tpu.vector_load %arg13[%get3A_107, %get3A_108] {strides = array<i32>} : memref<64x768xf32, #tpu.memory_space<vmem>>, vector<1x16xf32>,
      %get3A_110 = vector.shape_cast %get3A_109 : vector<1x16xf32> to vector<16xf32>
      %mul3A_111 = arith.mulf %broadcast_in_dim3A_86, %get3A_110 : vector<16xf32>
      %add3A_112 = arith.addf %mul3A_106, %mul3A_111 : vector<16xf32>
      %swap3A_113 = arith.index_cast %scan3A_78 : i32 to index
      %swap3A_114 = arith.constant 16 : index
      %swap3A_115 = tpu.vector_load %arg12[%swap3A_113, %swap3A_114] {strides = array<i32>} : memref<64x768xf32, #tpu.memory_space<vmem>>, vector<1x16xf32>,
      %swap3A_116 = vector.shape_cast %swap3A_115 : vector<1x16xf32> to vector<16xf32>
      %swap3A_117 = vector.shape_cast %add3A_112 : vector<16xf32> to vector<1x16xf32>
      tpu.vector_store %arg12[%swap3A_113, %swap3A_114], %swap3A_117 {strides = array<i32>} : memref<64x768xf32, #tpu.memory_space<vmem>>, vector<1x16xf32>,
      %get3A_118 = arith.index_cast %scan3A_78 : i32 to index
      %get3A_119 = arith.constant 32 : index
      %get3A_120 = tpu.vector_load %arg12[%get3A_118, %get3A_119] {strides = array<i32>} : memref<64x768xf32, #tpu.memory_space<vmem>>, vector<1x16xf32>,
      %get3A_121 = vector.shape_cast %get3A_120 : vector<1x16xf32> to vector<16xf32>
      %mul3A_122 = arith.mulf %broadcast_in_dim3A, %get3A_121 : vector<16xf32>
      %get3A_123 = arith.index_cast %scan3A_78 : i32 to index
      %get3A_124 = arith.constant 32 : index
      %get3A_125 = tpu.vector_load %arg13[%get3A_123, %get3A_124] {strides = array<i32>} : memref<64x768xf32, #tpu.memory_space<vmem>>, vector<1x16xf32>,
      %get3A_126 = vector.shape_cast %get3A_125 : vector<1x16xf32> to vector<16xf32>
      %mul3A_127 = arith.mulf %broadcast_in_dim3A_86, %get3A_126 : vector<16xf32>
      %add3A_128 = arith.addf %mul3A_122, %mul3A_127 : vector<16xf32>
      %swap3A_129 = arith.index_cast %scan3A_78 : i32 to index
      %swap3A_130 = arith.constant 32 : index
      %swap3A_131 = tpu.vector_load %arg12[%swap3A_129, %swap3A_130] {strides = array<i32>} : memref<64x768xf32, #tpu.memory_space<vmem>>, vector<1x16xf32>,
      %swap3A_132 = vector.shape_cast %swap3A_131 : vector<1x16xf32> to vector<16xf32>
      %swap3A_133 = vector.shape_cast %add3A_128 : vector<16xf32> to vector<1x16xf32>
      tpu.vector_store %arg12[%swap3A_129, %swap3A_130], %swap3A_133 {strides = array<i32>} : memref<64x768xf32, #tpu.memory_space<vmem>>, vector<1x16xf32>,
      %get3A_134 = arith.index_cast %scan3A_78 : i32 to index
      %get3A_135 = arith.constant 48 : index
      %get3A_136 = tpu.vector_load %arg12[%get3A_134, %get3A_135] {strides = array<i32>} : memref<64x768xf32, #tpu.memory_space<vmem>>, vector<1x16xf32>,
      %get3A_137 = vector.shape_cast %get3A_136 : vector<1x16xf32> to vector<16xf32>
      %mul3A_138 = arith.mulf %broadcast_in_dim3A, %get3A_137 : vector<16xf32>
      %get3A_139 = arith.index_cast %scan3A_78 : i32 to index
      %get3A_140 = arith.constant 48 : index
      %get3A_141 = tpu.vector_load %arg13[%get3A_139, %get3A_140] {strides = array<i32>} : memref<64x768xf32, #tpu.memory_space<vmem>>, vector<1x16xf32>,
      %get3A_142 = vector.shape_cast %get3A_141 : vector<1x16xf32> to vector<16xf32>
      %mul3A_143 = arith.mulf %broadcast_in_dim3A_86, %get3A_142 : vector<16xf32>
      %add3A_144 = arith.addf %mul3A_138, %mul3A_143 : vector<16xf32>
      %swap3A_145 = arith.index_cast %scan3A_78 : i32 to index
      %swap3A_146 = arith.constant 48 : index
      %swap3A_147 = tpu.vector_load %arg12[%swap3A_145, %swap3A_146] {strides = array<i32>} : memref<64x768xf32, #tpu.memory_space<vmem>>, vector<1x16xf32>,
      %swap3A_148 = vector.shape_cast %swap3A_147 : vector<1x16xf32> to vector<16xf32>
      %swap3A_149 = vector.shape_cast %add3A_144 : vector<16xf32> to vector<1x16xf32>
      tpu.vector_store %arg12[%swap3A_145, %swap3A_146], %swap3A_149 {strides = array<i32>} : memref<64x768xf32, #tpu.memory_space<vmem>>, vector<1x16xf32>,
      %get3A_150 = arith.index_cast %scan3A_78 : i32 to index
      %get3A_151 = arith.constant 64 : index
      %get3A_152 = tpu.vector_load %arg12[%get3A_150, %get3A_151] {strides = array<i32>} : memref<64x768xf32, #tpu.memory_space<vmem>>, vector<1x16xf32>,
      %get3A_153 = vector.shape_cast %get3A_152 : vector<1x16xf32> to vector<16xf32>
      %mul3A_154 = arith.mulf %broadcast_in_dim3A, %get3A_153 : vector<16xf32>
      %get3A_155 = arith.index_cast %scan3A_78 : i32 to index
      %get3A_156 = arith.constant 64 : index
      %get3A_157 = tpu.vector_load %arg13[%get3A_155, %get3A_156] {strides = array<i32>} : memref<64x768xf32, #tpu.memory_space<vmem>>, vector<1x16xf32>,
      %get3A_158 = vector.shape_cast %get3A_157 : vector<1x16xf32> to vector<16xf32>
      %mul3A_159 = arith.mulf %broadcast_in_dim3A_86, %get3A_158 : vector<16xf32>
      %add3A_160 = arith.addf %mul3A_154, %mul3A_159 : vector<16xf32>
      %swap3A_161 = arith.index_cast %scan3A_78 : i32 to index
      %swap3A_162 = arith.constant 64 : index
      %swap3A_163 = tpu.vector_load %arg12[%swap3A_161, %swap3A_162] {strides = array<i32>} : memref<64x768xf32, #tpu.memory_space<vmem>>, vector<1x16xf32>,
      %swap3A_164 = vector.shape_cast %swap3A_163 : vector<1x16xf32> to vector<16xf32>
      %swap3A_165 = vector.shape_cast %add3A_160 : vector<16xf32> to vector<1x16xf32>
      tpu.vector_store %arg12[%swap3A_161, %swap3A_162], %swap3A_165 {strides = array<i32>} : memref<64x768xf32, #tpu.memory_space<vmem>>, vector<1x16xf32>,
      %get3A_166 = arith.index_cast %scan3A_78 : i32 to index
      %get3A_167 = arith.constant 80 : index
      %get3A_168 = tpu.vector_load %arg12[%get3A_166, %get3A_167] {strides = array<i32>} : memref<64x768xf32, #tpu.memory_space<vmem>>, vector<1x16xf32>,
      %get3A_169 = vector.shape_cast %get3A_168 : vector<1x16xf32> to vector<16xf32>
      %mul3A_170 = arith.mulf %broadcast_in_dim3A, %get3A_169 : vector<16xf32>
      %get3A_171 = arith.index_cast %scan3A_78 : i32 to index
      %get3A_172 = arith.constant 80 : index
      %get3A_173 = tpu.vector_load %arg13[%get3A_171, %get3A_172] {strides = array<i32>} : memref<64x768xf32, #tpu.memory_space<vmem>>, vector<1x16xf32>,
      %get3A_174 = vector.shape_cast %get3A_173 : vector<1x16xf32> to vector<16xf32>
      %mul3A_175 = arith.mulf %broadcast_in_dim3A_86, %get3A_174 : vector<16xf32>
      %add3A_176 = arith.addf %mul3A_170, %mul3A_175 : vector<16xf32>
      %swap3A_177 = arith.index_cast %scan3A_78 : i32 to index
      %swap3A_178 = arith.constant 80 : index
      %swap3A_179 = tpu.vector_load %arg12[%swap3A_177, %swap3A_178] {strides = array<i32>} : memref<64x768xf32, #tpu.memory_space<vmem>>, vector<1x16xf32>,
      %swap3A_180 = vector.shape_cast %swap3A_179 : vector<1x16xf32> to vector<16xf32>
      %swap3A_181 = vector.shape_cast %add3A_176 : vector<16xf32> to vector<1x16xf32>
      tpu.vector_store %arg12[%swap3A_177, %swap3A_178], %swap3A_181 {strides = array<i32>} : memref<64x768xf32, #tpu.memory_space<vmem>>, vector<1x16xf32>,
      %get3A_182 = arith.index_cast %scan3A_78 : i32 to index
      %get3A_183 = arith.constant 96 : index
      %get3A_184 = tpu.vector_load %arg12[%get3A_182, %get3A_183] {strides = array<i32>} : memref<64x768xf32, #tpu.memory_space<vmem>>, vector<1x16xf32>,
      %get3A_185 = vector.shape_cast %get3A_184 : vector<1x16xf32> to vector<16xf32>
      %mul3A_186 = arith.mulf %broadcast_in_dim3A, %get3A_185 : vector<16xf32>
      %get3A_187 = arith.index_cast %scan3A_78 : i32 to index
      %get3A_188 = arith.constant 96 : index
      %get3A_189 = tpu.vector_load %arg13[%get3A_187, %get3A_188] {strides = array<i32>} : memref<64x768xf32, #tpu.memory_space<vmem>>, vector<1x16xf32>,
      %get3A_190 = vector.shape_cast %get3A_189 : vector<1x16xf32> to vector<16xf32>
      %mul3A_191 = arith.mulf %broadcast_in_dim3A_86, %get3A_190 : vector<16xf32>
      %add3A_192 = arith.addf %mul3A_186, %mul3A_191 : vector<16xf32>
      %swap3A_193 = arith.index_cast %scan3A_78 : i32 to index
      %swap3A_194 = arith.constant 96 : index
      %swap3A_195 = tpu.vector_load %arg12[%swap3A_193, %swap3A_194] {strides = array<i32>} : memref<64x768xf32, #tpu.memory_space<vmem>>, vector<1x16xf32>,
      %swap3A_196 = vector.shape_cast %swap3A_195 : vector<1x16xf32> to vector<16xf32>
      %swap3A_197 = vector.shape_cast %add3A_192 : vector<16xf32> to vector<1x16xf32>
      tpu.vector_store %arg12[%swap3A_193, %swap3A_194], %swap3A_197 {strides = array<i32>} : memref<64x768xf32, #tpu.memory_space<vmem>>, vector<1x16xf32>,
      %get3A_198 = arith.index_cast %scan3A_78 : i32 to index
      %get3A_199 = arith.constant 112 : index
      %get3A_200 = tpu.vector_load %arg12[%get3A_198, %get3A_199] {strides = array<i32>} : memref<64x768xf32, #tpu.memory_space<vmem>>, vector<1x16xf32>,
      %get3A_201 = vector.shape_cast %get3A_200 : vector<1x16xf32> to vector<16xf32>
      %mul3A_202 = arith.mulf %broadcast_in_dim3A, %get3A_201 : vector<16xf32>
      %get3A_203 = arith.index_cast %scan3A_78 : i32 to index
      %get3A_204 = arith.constant 112 : index
      %get3A_205 = tpu.vector_load %arg13[%get3A_203, %get3A_204] {strides = array<i32>} : memref<64x768xf32, #tpu.memory_space<vmem>>, vector<1x16xf32>,
      %get3A_206 = vector.shape_cast %get3A_205 : vector<1x16xf32> to vector<16xf32>
      %mul3A_207 = arith.mulf %broadcast_in_dim3A_86, %get3A_206 : vector<16xf32>
      %add3A_208 = arith.addf %mul3A_202, %mul3A_207 : vector<16xf32>
      %swap3A_209 = arith.index_cast %scan3A_78 : i32 to index
      %swap3A_210 = arith.constant 112 : index
      %swap3A_211 = tpu.vector_load %arg12[%swap3A_209, %swap3A_210] {strides = array<i32>} : memref<64x768xf32, #tpu.memory_space<vmem>>, vector<1x16xf32>,
      %swap3A_212 = vector.shape_cast %swap3A_211 : vector<1x16xf32> to vector<16xf32>
      %swap3A_213 = vector.shape_cast %add3A_208 : vector<16xf32> to vector<1x16xf32>
      tpu.vector_store %arg12[%swap3A_209, %swap3A_210], %swap3A_213 {strides = array<i32>} : memref<64x768xf32, #tpu.memory_space<vmem>>, vector<1x16xf32>,
      %get3A_214 = arith.index_cast %scan3A_78 : i32 to index
      %get3A_215 = arith.constant 128 : index
      %get3A_216 = tpu.vector_load %arg12[%get3A_214, %get3A_215] {strides = array<i32>} : memref<64x768xf32, #tpu.memory_space<vmem>>, vector<1x16xf32>,
      %get3A_217 = vector.shape_cast %get3A_216 : vector<1x16xf32> to vector<16xf32>
      %mul3A_218 = arith.mulf %broadcast_in_dim3A, %get3A_217 : vector<16xf32>
      %get3A_219 = arith.index_cast %scan3A_78 : i32 to index
      %get3A_220 = arith.constant 128 : index
      %get3A_221 = tpu.vector_load %arg13[%get3A_219, %get3A_220] {strides = array<i32>} : memref<64x768xf32, #tpu.memory_space<vmem>>, vector<1x16xf32>,
      %get3A_222 = vector.shape_cast %get3A_221 : vector<1x16xf32> to vector<16xf32>
      %mul3A_223 = arith.mulf %broadcast_in_dim3A_86, %get3A_222 : vector<16xf32>
      %add3A_224 = arith.addf %mul3A_218, %mul3A_223 : vector<16xf32>
      %swap3A_225 = arith.index_cast %scan3A_78 : i32 to index
      %swap3A_226 = arith.constant 128 : index
      %swap3A_227 = tpu.vector_load %arg12[%swap3A_225, %swap3A_226] {strides = array<i32>} : memref<64x768xf32, #tpu.memory_space<vmem>>, vector<1x16xf32>,
      %swap3A_228 = vector.shape_cast %swap3A_227 : vector<1x16xf32> to vector<16xf32>
      %swap3A_229 = vector.shape_cast %add3A_224 : vector<16xf32> to vector<1x16xf32>
      tpu.vector_store %arg12[%swap3A_225, %swap3A_226], %swap3A_229 {strides = array<i32>} : memref<64x768xf32, #tpu.memory_space<vmem>>, vector<1x16xf32>,
      %get3A_230 = arith.index_cast %scan3A_78 : i32 to index
      %get3A_231 = arith.constant 144 : index
      %get3A_232 = tpu.vector_load %arg12[%get3A_230, %get3A_231] {strides = array<i32>} : memref<64x768xf32, #tpu.memory_space<vmem>>, vector<1x16xf32>,
      %get3A_233 = vector.shape_cast %get3A_232 : vector<1x16xf32> to vector<16xf32>
      %mul3A_234 = arith.mulf %broadcast_in_dim3A, %get3A_233 : vector<16xf32>
      %get3A_235 = arith.index_cast %scan3A_78 : i32 to index
      %get3A_236 = arith.constant 144 : index
      %get3A_237 = tpu.vector_load %arg13[%get3A_235, %get3A_236] {strides = array<i32>} : memref<64x768xf32, #tpu.memory_space<vmem>>, vector<1x16xf32>,
      %get3A_238 = vector.shape_cast %get3A_237 : vector<1x16xf32> to vector<16xf32>
      %mul3A_239 = arith.mulf %broadcast_in_dim3A_86, %get3A_238 : vector<16xf32>
      %add3A_240 = arith.addf %mul3A_234, %mul3A_239 : vector<16xf32>
      %swap3A_241 = arith.index_cast %scan3A_78 : i32 to index
      %swap3A_242 = arith.constant 144 : index
      %swap3A_243 = tpu.vector_load %arg12[%swap3A_241, %swap3A_242] {strides = array<i32>} : memref<64x768xf32, #tpu.memory_space<vmem>>, vector<1x16xf32>,
      %swap3A_244 = vector.shape_cast %swap3A_243 : vector<1x16xf32> to vector<16xf32>
      %swap3A_245 = vector.shape_cast %add3A_240 : vector<16xf32> to vector<1x16xf32>
      tpu.vector_store %arg12[%swap3A_241, %swap3A_242], %swap3A_245 {strides = array<i32>} : memref<64x768xf32, #tpu.memory_space<vmem>>, vector<1x16xf32>,
      %get3A_246 = arith.index_cast %scan3A_78 : i32 to index
      %get3A_247 = arith.constant 160 : index
      %get3A_248 = tpu.vector_load %arg12[%get3A_246, %get3A_247] {strides = array<i32>} : memref<64x768xf32, #tpu.memory_space<vmem>>, vector<1x16xf32>,
      %get3A_249 = vector.shape_cast %get3A_248 : vector<1x16xf32> to vector<16xf32>
      %mul3A_250 = arith.mulf %broadcast_in_dim3A, %get3A_249 : vector<16xf32>
      %get3A_251 = arith.index_cast %scan3A_78 : i32 to index
      %get3A_252 = arith.constant 160 : index
      %get3A_253 = tpu.vector_load %arg13[%get3A_251, %get3A_252] {strides = array<i32>} : memref<64x768xf32, #tpu.memory_space<vmem>>, vector<1x16xf32>,
      %get3A_254 = vector.shape_cast %get3A_253 : vector<1x16xf32> to vector<16xf32>
      %mul3A_255 = arith.mulf %broadcast_in_dim3A_86, %get3A_254 : vector<16xf32>
      %add3A_256 = arith.addf %mul3A_250, %mul3A_255 : vector<16xf32>
      %swap3A_257 = arith.index_cast %scan3A_78 : i32 to index
      %swap3A_258 = arith.constant 160 : index
      %swap3A_259 = tpu.vector_load %arg12[%swap3A_257, %swap3A_258] {strides = array<i32>} : memref<64x768xf32, #tpu.memory_space<vmem>>, vector<1x16xf32>,
      %swap3A_260 = vector.shape_cast %swap3A_259 : vector<1x16xf32> to vector<16xf32>
      %swap3A_261 = vector.shape_cast %add3A_256 : vector<16xf32> to vector<1x16xf32>
      tpu.vector_store %arg12[%swap3A_257, %swap3A_258], %swap3A_261 {strides = array<i32>} : memref<64x768xf32, #tpu.memory_space<vmem>>, vector<1x16xf32>,
      %get3A_262 = arith.index_cast %scan3A_78 : i32 to index
      %get3A_263 = arith.constant 176 : index
      %get3A_264 = tpu.vector_load %arg12[%get3A_262, %get3A_263] {strides = array<i32>} : memref<64x768xf32, #tpu.memory_space<vmem>>, vector<1x16xf32>,
      %get3A_265 = vector.shape_cast %get3A_264 : vector<1x16xf32> to vector<16xf32>
      %mul3A_266 = arith.mulf %broadcast_in_dim3A, %get3A_265 : vector<16xf32>
      %get3A_267 = arith.index_cast %scan3A_78 : i32 to index
      %get3A_268 = arith.constant 176 : index
      %get3A_269 = tpu.vector_load %arg13[%get3A_267, %get3A_268] {strides = array<i32>} : memref<64x768xf32, #tpu.memory_space<vmem>>, vector<1x16xf32>,
      %get3A_270 = vector.shape_cast %get3A_269 : vector<1x16xf32> to vector<16xf32>
      %mul3A_271 = arith.mulf %broadcast_in_dim3A_86, %get3A_270 : vector<16xf32>
      %add3A_272 = arith.addf %mul3A_266, %mul3A_271 : vector<16xf32>
      %swap3A_273 = arith.index_cast %scan3A_78 : i32 to index
      %swap3A_274 = arith.constant 176 : index
      %swap3A_275 = tpu.vector_load %arg12[%swap3A_273, %swap3A_274] {strides = array<i32>} : memref<64x768xf32, #tpu.memory_space<vmem>>, vector<1x16xf32>,
      %swap3A_276 = vector.shape_cast %swap3A_275 : vector<1x16xf32> to vector<16xf32>
      %swap3A_277 = vector.shape_cast %add3A_272 : vector<16xf32> to vector<1x16xf32>
      tpu.vector_store %arg12[%swap3A_273, %swap3A_274], %swap3A_277 {strides = array<i32>} : memref<64x768xf32, #tpu.memory_space<vmem>>, vector<1x16xf32>,
      %get3A_278 = arith.index_cast %scan3A_78 : i32 to index
      %get3A_279 = arith.constant 192 : index
      %get3A_280 = tpu.vector_load %arg12[%get3A_278, %get3A_279] {strides = array<i32>} : memref<64x768xf32, #tpu.memory_space<vmem>>, vector<1x16xf32>,
      %get3A_281 = vector.shape_cast %get3A_280 : vector<1x16xf32> to vector<16xf32>
      %mul3A_282 = arith.mulf %broadcast_in_dim3A, %get3A_281 : vector<16xf32>
      %get3A_283 = arith.index_cast %scan3A_78 : i32 to index
      %get3A_284 = arith.constant 192 : index
      %get3A_285 = tpu.vector_load %arg13[%get3A_283, %get3A_284] {strides = array<i32>} : memref<64x768xf32, #tpu.memory_space<vmem>>, vector<1x16xf32>,
      %get3A_286 = vector.shape_cast %get3A_285 : vector<1x16xf32> to vector<16xf32>
      %mul3A_287 = arith.mulf %broadcast_in_dim3A_86, %get3A_286 : vector<16xf32>
      %add3A_288 = arith.addf %mul3A_282, %mul3A_287 : vector<16xf32>
      %swap3A_289 = arith.index_cast %scan3A_78 : i32 to index
      %swap3A_290 = arith.constant 192 : index
      %swap3A_291 = tpu.vector_load %arg12[%swap3A_289, %swap3A_290] {strides = array<i32>} : memref<64x768xf32, #tpu.memory_space<vmem>>, vector<1x16xf32>,
      %swap3A_292 = vector.shape_cast %swap3A_291 : vector<1x16xf32> to vector<16xf32>
      %swap3A_293 = vector.shape_cast %add3A_288 : vector<16xf32> to vector<1x16xf32>
      tpu.vector_store %arg12[%swap3A_289, %swap3A_290], %swap3A_293 {strides = array<i32>} : memref<64x768xf32, #tpu.memory_space<vmem>>, vector<1x16xf32>,
      %get3A_294 = arith.index_cast %scan3A_78 : i32 to index
      %get3A_295 = arith.constant 208 : index
      %get3A_296 = tpu.vector_load %arg12[%get3A_294, %get3A_295] {strides = array<i32>} : memref<64x768xf32, #tpu.memory_space<vmem>>, vector<1x16xf32>,
      %get3A_297 = vector.shape_cast %get3A_296 : vector<1x16xf32> to vector<16xf32>
      %mul3A_298 = arith.mulf %broadcast_in_dim3A, %get3A_297 : vector<16xf32>
      %get3A_299 = arith.index_cast %scan3A_78 : i32 to index
      %get3A_300 = arith.constant 208 : index
      %get3A_301 = tpu.vector_load %arg13[%get3A_299, %get3A_300] {strides = array<i32>} : memref<64x768xf32, #tpu.memory_space<vmem>>, vector<1x16xf32>,
      %get3A_302 = vector.shape_cast %get3A_301 : vector<1x16xf32> to vector<16xf32>
      %mul3A_303 = arith.mulf %broadcast_in_dim3A_86, %get3A_302 : vector<16xf32>
      %add3A_304 = arith.addf %mul3A_298, %mul3A_303 : vector<16xf32>
      %swap3A_305 = arith.index_cast %scan3A_78 : i32 to index
      %swap3A_306 = arith.constant 208 : index
      %swap3A_307 = tpu.vector_load %arg12[%swap3A_305, %swap3A_306] {strides = array<i32>} : memref<64x768xf32, #tpu.memory_space<vmem>>, vector<1x16xf32>,
      %swap3A_308 = vector.shape_cast %swap3A_307 : vector<1x16xf32> to vector<16xf32>
      %swap3A_309 = vector.shape_cast %add3A_304 : vector<16xf32> to vector<1x16xf32>
      tpu.vector_store %arg12[%swap3A_305, %swap3A_306], %swap3A_309 {strides = array<i32>} : memref<64x768xf32, #tpu.memory_space<vmem>>, vector<1x16xf32>,
      %get3A_310 = arith.index_cast %scan3A_78 : i32 to index
      %get3A_311 = arith.constant 224 : index
      %get3A_312 = tpu.vector_load %arg12[%get3A_310, %get3A_311] {strides = array<i32>} : memref<64x768xf32, #tpu.memory_space<vmem>>, vector<1x16xf32>,
      %get3A_313 = vector.shape_cast %get3A_312 : vector<1x16xf32> to vector<16xf32>
      %mul3A_314 = arith.mulf %broadcast_in_dim3A, %get3A_313 : vector<16xf32>
      %get3A_315 = arith.index_cast %scan3A_78 : i32 to index
      %get3A_316 = arith.constant 224 : index
      %get3A_317 = tpu.vector_load %arg13[%get3A_315, %get3A_316] {strides = array<i32>} : memref<64x768xf32, #tpu.memory_space<vmem>>, vector<1x16xf32>,
      %get3A_318 = vector.shape_cast %get3A_317 : vector<1x16xf32> to vector<16xf32>
      %mul3A_319 = arith.mulf %broadcast_in_dim3A_86, %get3A_318 : vector<16xf32>
      %add3A_320 = arith.addf %mul3A_314, %mul3A_319 : vector<16xf32>
      %swap3A_321 = arith.index_cast %scan3A_78 : i32 to index
      %swap3A_322 = arith.constant 224 : index
      %swap3A_323 = tpu.vector_load %arg12[%swap3A_321, %swap3A_322] {strides = array<i32>} : memref<64x768xf32, #tpu.memory_space<vmem>>, vector<1x16xf32>,
      %swap3A_324 = vector.shape_cast %swap3A_323 : vector<1x16xf32> to vector<16xf32>
      %swap3A_325 = vector.shape_cast %add3A_320 : vector<16xf32> to vector<1x16xf32>
      tpu.vector_store %arg12[%swap3A_321, %swap3A_322], %swap3A_325 {strides = array<i32>} : memref<64x768xf32, #tpu.memory_space<vmem>>, vector<1x16xf32>,
      %get3A_326 = arith.index_cast %scan3A_78 : i32 to index
      %get3A_327 = arith.constant 240 : index
      %get3A_328 = tpu.vector_load %arg12[%get3A_326, %get3A_327] {strides = array<i32>} : memref<64x768xf32, #tpu.memory_space<vmem>>, vector<1x16xf32>,
      %get3A_329 = vector.shape_cast %get3A_328 : vector<1x16xf32> to vector<16xf32>
      %mul3A_330 = arith.mulf %broadcast_in_dim3A, %get3A_329 : vector<16xf32>
      %get3A_331 = arith.index_cast %scan3A_78 : i32 to index
      %get3A_332 = arith.constant 240 : index
      %get3A_333 = tpu.vector_load %arg13[%get3A_331, %get3A_332] {strides = array<i32>} : memref<64x768xf32, #tpu.memory_space<vmem>>, vector<1x16xf32>,
      %get3A_334 = vector.shape_cast %get3A_333 : vector<1x16xf32> to vector<16xf32>
      %mul3A_335 = arith.mulf %broadcast_in_dim3A_86, %get3A_334 : vector<16xf32>
      %add3A_336 = arith.addf %mul3A_330, %mul3A_335 : vector<16xf32>
      %swap3A_337 = arith.index_cast %scan3A_78 : i32 to index
      %swap3A_338 = arith.constant 240 : index
      %swap3A_339 = tpu.vector_load %arg12[%swap3A_337, %swap3A_338] {strides = array<i32>} : memref<64x768xf32, #tpu.memory_space<vmem>>, vector<1x16xf32>,
      %swap3A_340 = vector.shape_cast %swap3A_339 : vector<1x16xf32> to vector<16xf32>
      %swap3A_341 = vector.shape_cast %add3A_336 : vector<16xf32> to vector<1x16xf32>
      tpu.vector_store %arg12[%swap3A_337, %swap3A_338], %swap3A_341 {strides = array<i32>} : memref<64x768xf32, #tpu.memory_space<vmem>>, vector<1x16xf32>,
      %get3A_342 = arith.index_cast %scan3A_78 : i32 to index
      %get3A_343 = arith.constant 256 : index
      %get3A_344 = tpu.vector_load %arg12[%get3A_342, %get3A_343] {strides = array<i32>} : memref<64x768xf32, #tpu.memory_space<vmem>>, vector<1x16xf32>,
      %get3A_345 = vector.shape_cast %get3A_344 : vector<1x16xf32> to vector<16xf32>
      %mul3A_346 = arith.mulf %broadcast_in_dim3A, %get3A_345 : vector<16xf32>
      %get3A_347 = arith.index_cast %scan3A_78 : i32 to index
      %get3A_348 = arith.constant 256 : index
      %get3A_349 = tpu.vector_load %arg13[%get3A_347, %get3A_348] {strides = array<i32>} : memref<64x768xf32, #tpu.memory_space<vmem>>, vector<1x16xf32>,
      %get3A_350 = vector.shape_cast %get3A_349 : vector<1x16xf32> to vector<16xf32>
      %mul3A_351 = arith.mulf %broadcast_in_dim3A_86, %get3A_350 : vector<16xf32>
      %add3A_352 = arith.addf %mul3A_346, %mul3A_351 : vector<16xf32>
      %swap3A_353 = arith.index_cast %scan3A_78 : i32 to index
      %swap3A_354 = arith.constant 256 : index
      %swap3A_355 = tpu.vector_load %arg12[%swap3A_353, %swap3A_354] {strides = array<i32>} : memref<64x768xf32, #tpu.memory_space<vmem>>, vector<1x16xf32>,
      %swap3A_356 = vector.shape_cast %swap3A_355 : vector<1x16xf32> to vector<16xf32>
      %swap3A_357 = vector.shape_cast %add3A_352 : vector<16xf32> to vector<1x16xf32>
      tpu.vector_store %arg12[%swap3A_353, %swap3A_354], %swap3A_357 {strides = array<i32>} : memref<64x768xf32, #tpu.memory_space<vmem>>, vector<1x16xf32>,
      %get3A_358 = arith.index_cast %scan3A_78 : i32 to index
      %get3A_359 = arith.constant 272 : index
      %get3A_360 = tpu.vector_load %arg12[%get3A_358, %get3A_359] {strides = array<i32>} : memref<64x768xf32, #tpu.memory_space<vmem>>, vector<1x16xf32>,
      %get3A_361 = vector.shape_cast %get3A_360 : vector<1x16xf32> to vector<16xf32>
      %mul3A_362 = arith.mulf %broadcast_in_dim3A, %get3A_361 : vector<16xf32>
      %get3A_363 = arith.index_cast %scan3A_78 : i32 to index
      %get3A_364 = arith.constant 272 : index
      %get3A_365 = tpu.vector_load %arg13[%get3A_363, %get3A_364] {strides = array<i32>} : memref<64x768xf32, #tpu.memory_space<vmem>>, vector<1x16xf32>,
      %get3A_366 = vector.shape_cast %get3A_365 : vector<1x16xf32> to vector<16xf32>
      %mul3A_367 = arith.mulf %broadcast_in_dim3A_86, %get3A_366 : vector<16xf32>
      %add3A_368 = arith.addf %mul3A_362, %mul3A_367 : vector<16xf32>
      %swap3A_369 = arith.index_cast %scan3A_78 : i32 to index
      %swap3A_370 = arith.constant 272 : index
      %swap3A_371 = tpu.vector_load %arg12[%swap3A_369, %swap3A_370] {strides = array<i32>} : memref<64x768xf32, #tpu.memory_space<vmem>>, vector<1x16xf32>,
      %swap3A_372 = vector.shape_cast %swap3A_371 : vector<1x16xf32> to vector<16xf32>
      %swap3A_373 = vector.shape_cast %add3A_368 : vector<16xf32> to vector<1x16xf32>
      tpu.vector_store %arg12[%swap3A_369, %swap3A_370], %swap3A_373 {strides = array<i32>} : memref<64x768xf32, #tpu.memory_space<vmem>>, vector<1x16xf32>,
      %get3A_374 = arith.index_cast %scan3A_78 : i32 to index
      %get3A_375 = arith.constant 288 : index
      %get3A_376 = tpu.vector_load %arg12[%get3A_374, %get3A_375] {strides = array<i32>} : memref<64x768xf32, #tpu.memory_space<vmem>>, vector<1x16xf32>,
      %get3A_377 = vector.shape_cast %get3A_376 : vector<1x16xf32> to vector<16xf32>
      %mul3A_378 = arith.mulf %broadcast_in_dim3A, %get3A_377 : vector<16xf32>
      %get3A_379 = arith.index_cast %scan3A_78 : i32 to index
      %get3A_380 = arith.constant 288 : index
      %get3A_381 = tpu.vector_load %arg13[%get3A_379, %get3A_380] {strides = array<i32>} : memref<64x768xf32, #tpu.memory_space<vmem>>, vector<1x16xf32>,
      %get3A_382 = vector.shape_cast %get3A_381 : vector<1x16xf32> to vector<16xf32>
      %mul3A_383 = arith.mulf %broadcast_in_dim3A_86, %get3A_382 : vector<16xf32>
      %add3A_384 = arith.addf %mul3A_378, %mul3A_383 : vector<16xf32>
      %swap3A_385 = arith.index_cast %scan3A_78 : i32 to index
      %swap3A_386 = arith.constant 288 : index
      %swap3A_387 = tpu.vector_load %arg12[%swap3A_385, %swap3A_386] {strides = array<i32>} : memref<64x768xf32, #tpu.memory_space<vmem>>, vector<1x16xf32>,
      %swap3A_388 = vector.shape_cast %swap3A_387 : vector<1x16xf32> to vector<16xf32>
      %swap3A_389 = vector.shape_cast %add3A_384 : vector<16xf32> to vector<1x16xf32>
      tpu.vector_store %arg12[%swap3A_385, %swap3A_386], %swap3A_389 {strides = array<i32>} : memref<64x768xf32, #tpu.memory_space<vmem>>, vector<1x16xf32>,
      %get3A_390 = arith.index_cast %scan3A_78 : i32 to index
      %get3A_391 = arith.constant 304 : index
      %get3A_392 = tpu.vector_load %arg12[%get3A_390, %get3A_391] {strides = array<i32>} : memref<64x768xf32, #tpu.memory_space<vmem>>, vector<1x16xf32>,
      %get3A_393 = vector.shape_cast %get3A_392 : vector<1x16xf32> to vector<16xf32>
      %mul3A_394 = arith.mulf %broadcast_in_dim3A, %get3A_393 : vector<16xf32>
      %get3A_395 = arith.index_cast %scan3A_78 : i32 to index
      %get3A_396 = arith.constant 304 : index
      %get3A_397 = tpu.vector_load %arg13[%get3A_395, %get3A_396] {strides = array<i32>} : memref<64x768xf32, #tpu.memory_space<vmem>>, vector<1x16xf32>,
      %get3A_398 = vector.shape_cast %get3A_397 : vector<1x16xf32> to vector<16xf32>
      %mul3A_399 = arith.mulf %broadcast_in_dim3A_86, %get3A_398 : vector<16xf32>
      %add3A_400 = arith.addf %mul3A_394, %mul3A_399 : vector<16xf32>
      %swap3A_401 = arith.index_cast %scan3A_78 : i32 to index
      %swap3A_402 = arith.constant 304 : index
      %swap3A_403 = tpu.vector_load %arg12[%swap3A_401, %swap3A_402] {strides = array<i32>} : memref<64x768xf32, #tpu.memory_space<vmem>>, vector<1x16xf32>,
      %swap3A_404 = vector.shape_cast %swap3A_403 : vector<1x16xf32> to vector<16xf32>
      %swap3A_405 = vector.shape_cast %add3A_400 : vector<16xf32> to vector<1x16xf32>
      tpu.vector_store %arg12[%swap3A_401, %swap3A_402], %swap3A_405 {strides = array<i32>} : memref<64x768xf32, #tpu.memory_space<vmem>>, vector<1x16xf32>,
      %get3A_406 = arith.index_cast %scan3A_78 : i32 to index
      %get3A_407 = arith.constant 320 : index
      %get3A_408 = tpu.vector_load %arg12[%get3A_406, %get3A_407] {strides = array<i32>} : memref<64x768xf32, #tpu.memory_space<vmem>>, vector<1x16xf32>,
      %get3A_409 = vector.shape_cast %get3A_408 : vector<1x16xf32> to vector<16xf32>
      %mul3A_410 = arith.mulf %broadcast_in_dim3A, %get3A_409 : vector<16xf32>
      %get3A_411 = arith.index_cast %scan3A_78 : i32 to index
      %get3A_412 = arith.constant 320 : index
      %get3A_413 = tpu.vector_load %arg13[%get3A_411, %get3A_412] {strides = array<i32>} : memref<64x768xf32, #tpu.memory_space<vmem>>, vector<1x16xf32>,
      %get3A_414 = vector.shape_cast %get3A_413 : vector<1x16xf32> to vector<16xf32>
      %mul3A_415 = arith.mulf %broadcast_in_dim3A_86, %get3A_414 : vector<16xf32>
      %add3A_416 = arith.addf %mul3A_410, %mul3A_415 : vector<16xf32>
      %swap3A_417 = arith.index_cast %scan3A_78 : i32 to index
      %swap3A_418 = arith.constant 320 : index
      %swap3A_419 = tpu.vector_load %arg12[%swap3A_417, %swap3A_418] {strides = array<i32>} : memref<64x768xf32, #tpu.memory_space<vmem>>, vector<1x16xf32>,
      %swap3A_420 = vector.shape_cast %swap3A_419 : vector<1x16xf32> to vector<16xf32>
      %swap3A_421 = vector.shape_cast %add3A_416 : vector<16xf32> to vector<1x16xf32>
      tpu.vector_store %arg12[%swap3A_417, %swap3A_418], %swap3A_421 {strides = array<i32>} : memref<64x768xf32, #tpu.memory_space<vmem>>, vector<1x16xf32>,
      %get3A_422 = arith.index_cast %scan3A_78 : i32 to index
      %get3A_423 = arith.constant 336 : index
      %get3A_424 = tpu.vector_load %arg12[%get3A_422, %get3A_423] {strides = array<i32>} : memref<64x768xf32, #tpu.memory_space<vmem>>, vector<1x16xf32>,
      %get3A_425 = vector.shape_cast %get3A_424 : vector<1x16xf32> to vector<16xf32>
      %mul3A_426 = arith.mulf %broadcast_in_dim3A, %get3A_425 : vector<16xf32>
      %get3A_427 = arith.index_cast %scan3A_78 : i32 to index
      %get3A_428 = arith.constant 336 : index
      %get3A_429 = tpu.vector_load %arg13[%get3A_427, %get3A_428] {strides = array<i32>} : memref<64x768xf32, #tpu.memory_space<vmem>>, vector<1x16xf32>,
      %get3A_430 = vector.shape_cast %get3A_429 : vector<1x16xf32> to vector<16xf32>
      %mul3A_431 = arith.mulf %broadcast_in_dim3A_86, %get3A_430 : vector<16xf32>
      %add3A_432 = arith.addf %mul3A_426, %mul3A_431 : vector<16xf32>
      %swap3A_433 = arith.index_cast %scan3A_78 : i32 to index
      %swap3A_434 = arith.constant 336 : index
      %swap3A_435 = tpu.vector_load %arg12[%swap3A_433, %swap3A_434] {strides = array<i32>} : memref<64x768xf32, #tpu.memory_space<vmem>>, vector<1x16xf32>,
      %swap3A_436 = vector.shape_cast %swap3A_435 : vector<1x16xf32> to vector<16xf32>
      %swap3A_437 = vector.shape_cast %add3A_432 : vector<16xf32> to vector<1x16xf32>
      tpu.vector_store %arg12[%swap3A_433, %swap3A_434], %swap3A_437 {strides = array<i32>} : memref<64x768xf32, #tpu.memory_space<vmem>>, vector<1x16xf32>,
      %get3A_438 = arith.index_cast %scan3A_78 : i32 to index
      %get3A_439 = arith.constant 352 : index
      %get3A_440 = tpu.vector_load %arg12[%get3A_438, %get3A_439] {strides = array<i32>} : memref<64x768xf32, #tpu.memory_space<vmem>>, vector<1x16xf32>,
      %get3A_441 = vector.shape_cast %get3A_440 : vector<1x16xf32> to vector<16xf32>
      %mul3A_442 = arith.mulf %broadcast_in_dim3A, %get3A_441 : vector<16xf32>
      %get3A_443 = arith.index_cast %scan3A_78 : i32 to index
      %get3A_444 = arith.constant 352 : index
      %get3A_445 = tpu.vector_load %arg13[%get3A_443, %get3A_444] {strides = array<i32>} : memref<64x768xf32, #tpu.memory_space<vmem>>, vector<1x16xf32>,
      %get3A_446 = vector.shape_cast %get3A_445 : vector<1x16xf32> to vector<16xf32>
      %mul3A_447 = arith.mulf %broadcast_in_dim3A_86, %get3A_446 : vector<16xf32>
      %add3A_448 = arith.addf %mul3A_442, %mul3A_447 : vector<16xf32>
      %swap3A_449 = arith.index_cast %scan3A_78 : i32 to index
      %swap3A_450 = arith.constant 352 : index
      %swap3A_451 = tpu.vector_load %arg12[%swap3A_449, %swap3A_450] {strides = array<i32>} : memref<64x768xf32, #tpu.memory_space<vmem>>, vector<1x16xf32>,
      %swap3A_452 = vector.shape_cast %swap3A_451 : vector<1x16xf32> to vector<16xf32>
      %swap3A_453 = vector.shape_cast %add3A_448 : vector<16xf32> to vector<1x16xf32>
      tpu.vector_store %arg12[%swap3A_449, %swap3A_450], %swap3A_453 {strides = array<i32>} : memref<64x768xf32, #tpu.memory_space<vmem>>, vector<1x16xf32>,
      %get3A_454 = arith.index_cast %scan3A_78 : i32 to index
      %get3A_455 = arith.constant 368 : index
      %get3A_456 = tpu.vector_load %arg12[%get3A_454, %get3A_455] {strides = array<i32>} : memref<64x768xf32, #tpu.memory_space<vmem>>, vector<1x16xf32>,
      %get3A_457 = vector.shape_cast %get3A_456 : vector<1x16xf32> to vector<16xf32>
      %mul3A_458 = arith.mulf %broadcast_in_dim3A, %get3A_457 : vector<16xf32>
      %get3A_459 = arith.index_cast %scan3A_78 : i32 to index
      %get3A_460 = arith.constant 368 : index
      %get3A_461 = tpu.vector_load %arg13[%get3A_459, %get3A_460] {strides = array<i32>} : memref<64x768xf32, #tpu.memory_space<vmem>>, vector<1x16xf32>,
      %get3A_462 = vector.shape_cast %get3A_461 : vector<1x16xf32> to vector<16xf32>
      %mul3A_463 = arith.mulf %broadcast_in_dim3A_86, %get3A_462 : vector<16xf32>
      %add3A_464 = arith.addf %mul3A_458, %mul3A_463 : vector<16xf32>
      %swap3A_465 = arith.index_cast %scan3A_78 : i32 to index
      %swap3A_466 = arith.constant 368 : index
      %swap3A_467 = tpu.vector_load %arg12[%swap3A_465, %swap3A_466] {strides = array<i32>} : memref<64x768xf32, #tpu.memory_space<vmem>>, vector<1x16xf32>,
      %swap3A_468 = vector.shape_cast %swap3A_467 : vector<1x16xf32> to vector<16xf32>
      %swap3A_469 = vector.shape_cast %add3A_464 : vector<16xf32> to vector<1x16xf32>
      tpu.vector_store %arg12[%swap3A_465, %swap3A_466], %swap3A_469 {strides = array<i32>} : memref<64x768xf32, #tpu.memory_space<vmem>>, vector<1x16xf32>,
      %get3A_470 = arith.index_cast %scan3A_78 : i32 to index
      %get3A_471 = arith.constant 384 : index
      %get3A_472 = tpu.vector_load %arg12[%get3A_470, %get3A_471] {strides = array<i32>} : memref<64x768xf32, #tpu.memory_space<vmem>>, vector<1x16xf32>,
      %get3A_473 = vector.shape_cast %get3A_472 : vector<1x16xf32> to vector<16xf32>
      %mul3A_474 = arith.mulf %broadcast_in_dim3A, %get3A_473 : vector<16xf32>
      %get3A_475 = arith.index_cast %scan3A_78 : i32 to index
      %get3A_476 = arith.constant 384 : index
      %get3A_477 = tpu.vector_load %arg13[%get3A_475, %get3A_476] {strides = array<i32>} : memref<64x768xf32, #tpu.memory_space<vmem>>, vector<1x16xf32>,
      %get3A_478 = vector.shape_cast %get3A_477 : vector<1x16xf32> to vector<16xf32>
      %mul3A_479 = arith.mulf %broadcast_in_dim3A_86, %get3A_478 : vector<16xf32>
      %add3A_480 = arith.addf %mul3A_474, %mul3A_479 : vector<16xf32>
      %swap3A_481 = arith.index_cast %scan3A_78 : i32 to index
      %swap3A_482 = arith.constant 384 : index
      %swap3A_483 = tpu.vector_load %arg12[%swap3A_481, %swap3A_482] {strides = array<i32>} : memref<64x768xf32, #tpu.memory_space<vmem>>, vector<1x16xf32>,
      %swap3A_484 = vector.shape_cast %swap3A_483 : vector<1x16xf32> to vector<16xf32>
      %swap3A_485 = vector.shape_cast %add3A_480 : vector<16xf32> to vector<1x16xf32>
      tpu.vector_store %arg12[%swap3A_481, %swap3A_482], %swap3A_485 {strides = array<i32>} : memref<64x768xf32, #tpu.memory_space<vmem>>, vector<1x16xf32>,
      %get3A_486 = arith.index_cast %scan3A_78 : i32 to index
      %get3A_487 = arith.constant 400 : index
      %get3A_488 = tpu.vector_load %arg12[%get3A_486, %get3A_487] {strides = array<i32>} : memref<64x768xf32, #tpu.memory_space<vmem>>, vector<1x16xf32>,
      %get3A_489 = vector.shape_cast %get3A_488 : vector<1x16xf32> to vector<16xf32>
      %mul3A_490 = arith.mulf %broadcast_in_dim3A, %get3A_489 : vector<16xf32>
      %get3A_491 = arith.index_cast %scan3A_78 : i32 to index
      %get3A_492 = arith.constant 400 : index
      %get3A_493 = tpu.vector_load %arg13[%get3A_491, %get3A_492] {strides = array<i32>} : memref<64x768xf32, #tpu.memory_space<vmem>>, vector<1x16xf32>,
      %get3A_494 = vector.shape_cast %get3A_493 : vector<1x16xf32> to vector<16xf32>
      %mul3A_495 = arith.mulf %broadcast_in_dim3A_86, %get3A_494 : vector<16xf32>
      %add3A_496 = arith.addf %mul3A_490, %mul3A_495 : vector<16xf32>
      %swap3A_497 = arith.index_cast %scan3A_78 : i32 to index
      %swap3A_498 = arith.constant 400 : index
      %swap3A_499 = tpu.vector_load %arg12[%swap3A_497, %swap3A_498] {strides = array<i32>} : memref<64x768xf32, #tpu.memory_space<vmem>>, vector<1x16xf32>,
      %swap3A_500 = vector.shape_cast %swap3A_499 : vector<1x16xf32> to vector<16xf32>
      %swap3A_501 = vector.shape_cast %add3A_496 : vector<16xf32> to vector<1x16xf32>
      tpu.vector_store %arg12[%swap3A_497, %swap3A_498], %swap3A_501 {strides = array<i32>} : memref<64x768xf32, #tpu.memory_space<vmem>>, vector<1x16xf32>,
      %get3A_502 = arith.index_cast %scan3A_78 : i32 to index
      %get3A_503 = arith.constant 416 : index
      %get3A_504 = tpu.vector_load %arg12[%get3A_502, %get3A_503] {strides = array<i32>} : memref<64x768xf32, #tpu.memory_space<vmem>>, vector<1x16xf32>,
      %get3A_505 = vector.shape_cast %get3A_504 : vector<1x16xf32> to vector<16xf32>
      %mul3A_506 = arith.mulf %broadcast_in_dim3A, %get3A_505 : vector<16xf32>
      %get3A_507 = arith.index_cast %scan3A_78 : i32 to index
      %get3A_508 = arith.constant 416 : index
      %get3A_509 = tpu.vector_load %arg13[%get3A_507, %get3A_508] {strides = array<i32>} : memref<64x768xf32, #tpu.memory_space<vmem>>, vector<1x16xf32>,
      %get3A_510 = vector.shape_cast %get3A_509 : vector<1x16xf32> to vector<16xf32>
      %mul3A_511 = arith.mulf %broadcast_in_dim3A_86, %get3A_510 : vector<16xf32>
      %add3A_512 = arith.addf %mul3A_506, %mul3A_511 : vector<16xf32>
      %swap3A_513 = arith.index_cast %scan3A_78 : i32 to index
      %swap3A_514 = arith.constant 416 : index
      %swap3A_515 = tpu.vector_load %arg12[%swap3A_513, %swap3A_514] {strides = array<i32>} : memref<64x768xf32, #tpu.memory_space<vmem>>, vector<1x16xf32>,
      %swap3A_516 = vector.shape_cast %swap3A_515 : vector<1x16xf32> to vector<16xf32>
      %swap3A_517 = vector.shape_cast %add3A_512 : vector<16xf32> to vector<1x16xf32>
      tpu.vector_store %arg12[%swap3A_513, %swap3A_514], %swap3A_517 {strides = array<i32>} : memref<64x768xf32, #tpu.memory_space<vmem>>, vector<1x16xf32>,
      %get3A_518 = arith.index_cast %scan3A_78 : i32 to index
      %get3A_519 = arith.constant 432 : index
      %get3A_520 = tpu.vector_load %arg12[%get3A_518, %get3A_519] {strides = array<i32>} : memref<64x768xf32, #tpu.memory_space<vmem>>, vector<1x16xf32>,
      %get3A_521 = vector.shape_cast %get3A_520 : vector<1x16xf32> to vector<16xf32>
      %mul3A_522 = arith.mulf %broadcast_in_dim3A, %get3A_521 : vector<16xf32>
      %get3A_523 = arith.index_cast %scan3A_78 : i32 to index
      %get3A_524 = arith.constant 432 : index
      %get3A_525 = tpu.vector_load %arg13[%get3A_523, %get3A_524] {strides = array<i32>} : memref<64x768xf32, #tpu.memory_space<vmem>>, vector<1x16xf32>,
      %get3A_526 = vector.shape_cast %get3A_525 : vector<1x16xf32> to vector<16xf32>
      %mul3A_527 = arith.mulf %broadcast_in_dim3A_86, %get3A_526 : vector<16xf32>
      %add3A_528 = arith.addf %mul3A_522, %mul3A_527 : vector<16xf32>
      %swap3A_529 = arith.index_cast %scan3A_78 : i32 to index
      %swap3A_530 = arith.constant 432 : index
      %swap3A_531 = tpu.vector_load %arg12[%swap3A_529, %swap3A_530] {strides = array<i32>} : memref<64x768xf32, #tpu.memory_space<vmem>>, vector<1x16xf32>,
      %swap3A_532 = vector.shape_cast %swap3A_531 : vector<1x16xf32> to vector<16xf32>
      %swap3A_533 = vector.shape_cast %add3A_528 : vector<16xf32> to vector<1x16xf32>
      tpu.vector_store %arg12[%swap3A_529, %swap3A_530], %swap3A_533 {strides = array<i32>} : memref<64x768xf32, #tpu.memory_space<vmem>>, vector<1x16xf32>,
      %get3A_534 = arith.index_cast %scan3A_78 : i32 to index
      %get3A_535 = arith.constant 448 : index
      %get3A_536 = tpu.vector_load %arg12[%get3A_534, %get3A_535] {strides = array<i32>} : memref<64x768xf32, #tpu.memory_space<vmem>>, vector<1x16xf32>,
      %get3A_537 = vector.shape_cast %get3A_536 : vector<1x16xf32> to vector<16xf32>
      %mul3A_538 = arith.mulf %broadcast_in_dim3A, %get3A_537 : vector<16xf32>
      %get3A_539 = arith.index_cast %scan3A_78 : i32 to index
      %get3A_540 = arith.constant 448 : index
      %get3A_541 = tpu.vector_load %arg13[%get3A_539, %get3A_540] {strides = array<i32>} : memref<64x768xf32, #tpu.memory_space<vmem>>, vector<1x16xf32>,
      %get3A_542 = vector.shape_cast %get3A_541 : vector<1x16xf32> to vector<16xf32>
      %mul3A_543 = arith.mulf %broadcast_in_dim3A_86, %get3A_542 : vector<16xf32>
      %add3A_544 = arith.addf %mul3A_538, %mul3A_543 : vector<16xf32>
      %swap3A_545 = arith.index_cast %scan3A_78 : i32 to index
      %swap3A_546 = arith.constant 448 : index
      %swap3A_547 = tpu.vector_load %arg12[%swap3A_545, %swap3A_546] {strides = array<i32>} : memref<64x768xf32, #tpu.memory_space<vmem>>, vector<1x16xf32>,
      %swap3A_548 = vector.shape_cast %swap3A_547 : vector<1x16xf32> to vector<16xf32>
      %swap3A_549 = vector.shape_cast %add3A_544 : vector<16xf32> to vector<1x16xf32>
      tpu.vector_store %arg12[%swap3A_545, %swap3A_546], %swap3A_549 {strides = array<i32>} : memref<64x768xf32, #tpu.memory_space<vmem>>, vector<1x16xf32>,
      %get3A_550 = arith.index_cast %scan3A_78 : i32 to index
      %get3A_551 = arith.constant 464 : index
      %get3A_552 = tpu.vector_load %arg12[%get3A_550, %get3A_551] {strides = array<i32>} : memref<64x768xf32, #tpu.memory_space<vmem>>, vector<1x16xf32>,
      %get3A_553 = vector.shape_cast %get3A_552 : vector<1x16xf32> to vector<16xf32>
      %mul3A_554 = arith.mulf %broadcast_in_dim3A, %get3A_553 : vector<16xf32>
      %get3A_555 = arith.index_cast %scan3A_78 : i32 to index
      %get3A_556 = arith.constant 464 : index
      %get3A_557 = tpu.vector_load %arg13[%get3A_555, %get3A_556] {strides = array<i32>} : memref<64x768xf32, #tpu.memory_space<vmem>>, vector<1x16xf32>,
      %get3A_558 = vector.shape_cast %get3A_557 : vector<1x16xf32> to vector<16xf32>
      %mul3A_559 = arith.mulf %broadcast_in_dim3A_86, %get3A_558 : vector<16xf32>
      %add3A_560 = arith.addf %mul3A_554, %mul3A_559 : vector<16xf32>
      %swap3A_561 = arith.index_cast %scan3A_78 : i32 to index
      %swap3A_562 = arith.constant 464 : index
      %swap3A_563 = tpu.vector_load %arg12[%swap3A_561, %swap3A_562] {strides = array<i32>} : memref<64x768xf32, #tpu.memory_space<vmem>>, vector<1x16xf32>,
      %swap3A_564 = vector.shape_cast %swap3A_563 : vector<1x16xf32> to vector<16xf32>
      %swap3A_565 = vector.shape_cast %add3A_560 : vector<16xf32> to vector<1x16xf32>
      tpu.vector_store %arg12[%swap3A_561, %swap3A_562], %swap3A_565 {strides = array<i32>} : memref<64x768xf32, #tpu.memory_space<vmem>>, vector<1x16xf32>,
      %get3A_566 = arith.index_cast %scan3A_78 : i32 to index
      %get3A_567 = arith.constant 480 : index
      %get3A_568 = tpu.vector_load %arg12[%get3A_566, %get3A_567] {strides = array<i32>} : memref<64x768xf32, #tpu.memory_space<vmem>>, vector<1x16xf32>,
      %get3A_569 = vector.shape_cast %get3A_568 : vector<1x16xf32> to vector<16xf32>
      %mul3A_570 = arith.mulf %broadcast_in_dim3A, %get3A_569 : vector<16xf32>
      %get3A_571 = arith.index_cast %scan3A_78 : i32 to index
      %get3A_572 = arith.constant 480 : index
      %get3A_573 = tpu.vector_load %arg13[%get3A_571, %get3A_572] {strides = array<i32>} : memref<64x768xf32, #tpu.memory_space<vmem>>, vector<1x16xf32>,
      %get3A_574 = vector.shape_cast %get3A_573 : vector<1x16xf32> to vector<16xf32>
      %mul3A_575 = arith.mulf %broadcast_in_dim3A_86, %get3A_574 : vector<16xf32>
      %add3A_576 = arith.addf %mul3A_570, %mul3A_575 : vector<16xf32>
      %swap3A_577 = arith.index_cast %scan3A_78 : i32 to index
      %swap3A_578 = arith.constant 480 : index
      %swap3A_579 = tpu.vector_load %arg12[%swap3A_577, %swap3A_578] {strides = array<i32>} : memref<64x768xf32, #tpu.memory_space<vmem>>, vector<1x16xf32>,
      %swap3A_580 = vector.shape_cast %swap3A_579 : vector<1x16xf32> to vector<16xf32>
      %swap3A_581 = vector.shape_cast %add3A_576 : vector<16xf32> to vector<1x16xf32>
      tpu.vector_store %arg12[%swap3A_577, %swap3A_578], %swap3A_581 {strides = array<i32>} : memref<64x768xf32, #tpu.memory_space<vmem>>, vector<1x16xf32>,
      %get3A_582 = arith.index_cast %scan3A_78 : i32 to index
      %get3A_583 = arith.constant 496 : index
      %get3A_584 = tpu.vector_load %arg12[%get3A_582, %get3A_583] {strides = array<i32>} : memref<64x768xf32, #tpu.memory_space<vmem>>, vector<1x16xf32>,
      %get3A_585 = vector.shape_cast %get3A_584 : vector<1x16xf32> to vector<16xf32>
      %mul3A_586 = arith.mulf %broadcast_in_dim3A, %get3A_585 : vector<16xf32>
      %get3A_587 = arith.index_cast %scan3A_78 : i32 to index
      %get3A_588 = arith.constant 496 : index
      %get3A_589 = tpu.vector_load %arg13[%get3A_587, %get3A_588] {strides = array<i32>} : memref<64x768xf32, #tpu.memory_space<vmem>>, vector<1x16xf32>,
      %get3A_590 = vector.shape_cast %get3A_589 : vector<1x16xf32> to vector<16xf32>
      %mul3A_591 = arith.mulf %broadcast_in_dim3A_86, %get3A_590 : vector<16xf32>
      %add3A_592 = arith.addf %mul3A_586, %mul3A_591 : vector<16xf32>
      %swap3A_593 = arith.index_cast %scan3A_78 : i32 to index
      %swap3A_594 = arith.constant 496 : index
      %swap3A_595 = tpu.vector_load %arg12[%swap3A_593, %swap3A_594] {strides = array<i32>} : memref<64x768xf32, #tpu.memory_space<vmem>>, vector<1x16xf32>,
      %swap3A_596 = vector.shape_cast %swap3A_595 : vector<1x16xf32> to vector<16xf32>
      %swap3A_597 = vector.shape_cast %add3A_592 : vector<16xf32> to vector<1x16xf32>
      tpu.vector_store %arg12[%swap3A_593, %swap3A_594], %swap3A_597 {strides = array<i32>} : memref<64x768xf32, #tpu.memory_space<vmem>>, vector<1x16xf32>,
      %get3A_598 = arith.index_cast %scan3A_78 : i32 to index
      %get3A_599 = arith.constant 512 : index
      %get3A_600 = tpu.vector_load %arg12[%get3A_598, %get3A_599] {strides = array<i32>} : memref<64x768xf32, #tpu.memory_space<vmem>>, vector<1x16xf32>,
      %get3A_601 = vector.shape_cast %get3A_600 : vector<1x16xf32> to vector<16xf32>
      %mul3A_602 = arith.mulf %broadcast_in_dim3A, %get3A_601 : vector<16xf32>
      %get3A_603 = arith.index_cast %scan3A_78 : i32 to index
      %get3A_604 = arith.constant 512 : index
      %get3A_605 = tpu.vector_load %arg13[%get3A_603, %get3A_604] {strides = array<i32>} : memref<64x768xf32, #tpu.memory_space<vmem>>, vector<1x16xf32>,
      %get3A_606 = vector.shape_cast %get3A_605 : vector<1x16xf32> to vector<16xf32>
      %mul3A_607 = arith.mulf %broadcast_in_dim3A_86, %get3A_606 : vector<16xf32>
      %add3A_608 = arith.addf %mul3A_602, %mul3A_607 : vector<16xf32>
      %swap3A_609 = arith.index_cast %scan3A_78 : i32 to index
      %swap3A_610 = arith.constant 512 : index
      %swap3A_611 = tpu.vector_load %arg12[%swap3A_609, %swap3A_610] {strides = array<i32>} : memref<64x768xf32, #tpu.memory_space<vmem>>, vector<1x16xf32>,
      %swap3A_612 = vector.shape_cast %swap3A_611 : vector<1x16xf32> to vector<16xf32>
      %swap3A_613 = vector.shape_cast %add3A_608 : vector<16xf32> to vector<1x16xf32>
      tpu.vector_store %arg12[%swap3A_609, %swap3A_610], %swap3A_613 {strides = array<i32>} : memref<64x768xf32, #tpu.memory_space<vmem>>, vector<1x16xf32>,
      %get3A_614 = arith.index_cast %scan3A_78 : i32 to index
      %get3A_615 = arith.constant 528 : index
      %get3A_616 = tpu.vector_load %arg12[%get3A_614, %get3A_615] {strides = array<i32>} : memref<64x768xf32, #tpu.memory_space<vmem>>, vector<1x16xf32>,
      %get3A_617 = vector.shape_cast %get3A_616 : vector<1x16xf32> to vector<16xf32>
      %mul3A_618 = arith.mulf %broadcast_in_dim3A, %get3A_617 : vector<16xf32>
      %get3A_619 = arith.index_cast %scan3A_78 : i32 to index
      %get3A_620 = arith.constant 528 : index
      %get3A_621 = tpu.vector_load %arg13[%get3A_619, %get3A_620] {strides = array<i32>} : memref<64x768xf32, #tpu.memory_space<vmem>>, vector<1x16xf32>,
      %get3A_622 = vector.shape_cast %get3A_621 : vector<1x16xf32> to vector<16xf32>
      %mul3A_623 = arith.mulf %broadcast_in_dim3A_86, %get3A_622 : vector<16xf32>
      %add3A_624 = arith.addf %mul3A_618, %mul3A_623 : vector<16xf32>
      %swap3A_625 = arith.index_cast %scan3A_78 : i32 to index
      %swap3A_626 = arith.constant 528 : index
      %swap3A_627 = tpu.vector_load %arg12[%swap3A_625, %swap3A_626] {strides = array<i32>} : memref<64x768xf32, #tpu.memory_space<vmem>>, vector<1x16xf32>,
      %swap3A_628 = vector.shape_cast %swap3A_627 : vector<1x16xf32> to vector<16xf32>
      %swap3A_629 = vector.shape_cast %add3A_624 : vector<16xf32> to vector<1x16xf32>
      tpu.vector_store %arg12[%swap3A_625, %swap3A_626], %swap3A_629 {strides = array<i32>} : memref<64x768xf32, #tpu.memory_space<vmem>>, vector<1x16xf32>,
      %get3A_630 = arith.index_cast %scan3A_78 : i32 to index
      %get3A_631 = arith.constant 544 : index
      %get3A_632 = tpu.vector_load %arg12[%get3A_630, %get3A_631] {strides = array<i32>} : memref<64x768xf32, #tpu.memory_space<vmem>>, vector<1x16xf32>,
      %get3A_633 = vector.shape_cast %get3A_632 : vector<1x16xf32> to vector<16xf32>
      %mul3A_634 = arith.mulf %broadcast_in_dim3A, %get3A_633 : vector<16xf32>
      %get3A_635 = arith.index_cast %scan3A_78 : i32 to index
      %get3A_636 = arith.constant 544 : index
      %get3A_637 = tpu.vector_load %arg13[%get3A_635, %get3A_636] {strides = array<i32>} : memref<64x768xf32, #tpu.memory_space<vmem>>, vector<1x16xf32>,
      %get3A_638 = vector.shape_cast %get3A_637 : vector<1x16xf32> to vector<16xf32>
      %mul3A_639 = arith.mulf %broadcast_in_dim3A_86, %get3A_638 : vector<16xf32>
      %add3A_640 = arith.addf %mul3A_634, %mul3A_639 : vector<16xf32>
      %swap3A_641 = arith.index_cast %scan3A_78 : i32 to index
      %swap3A_642 = arith.constant 544 : index
      %swap3A_643 = tpu.vector_load %arg12[%swap3A_641, %swap3A_642] {strides = array<i32>} : memref<64x768xf32, #tpu.memory_space<vmem>>, vector<1x16xf32>,
      %swap3A_644 = vector.shape_cast %swap3A_643 : vector<1x16xf32> to vector<16xf32>
      %swap3A_645 = vector.shape_cast %add3A_640 : vector<16xf32> to vector<1x16xf32>
      tpu.vector_store %arg12[%swap3A_641, %swap3A_642], %swap3A_645 {strides = array<i32>} : memref<64x768xf32, #tpu.memory_space<vmem>>, vector<1x16xf32>,
      %get3A_646 = arith.index_cast %scan3A_78 : i32 to index
      %get3A_647 = arith.constant 560 : index
      %get3A_648 = tpu.vector_load %arg12[%get3A_646, %get3A_647] {strides = array<i32>} : memref<64x768xf32, #tpu.memory_space<vmem>>, vector<1x16xf32>,
      %get3A_649 = vector.shape_cast %get3A_648 : vector<1x16xf32> to vector<16xf32>
      %mul3A_650 = arith.mulf %broadcast_in_dim3A, %get3A_649 : vector<16xf32>
      %get3A_651 = arith.index_cast %scan3A_78 : i32 to index
      %get3A_652 = arith.constant 560 : index
      %get3A_653 = tpu.vector_load %arg13[%get3A_651, %get3A_652] {strides = array<i32>} : memref<64x768xf32, #tpu.memory_space<vmem>>, vector<1x16xf32>,
      %get3A_654 = vector.shape_cast %get3A_653 : vector<1x16xf32> to vector<16xf32>
      %mul3A_655 = arith.mulf %broadcast_in_dim3A_86, %get3A_654 : vector<16xf32>
      %add3A_656 = arith.addf %mul3A_650, %mul3A_655 : vector<16xf32>
      %swap3A_657 = arith.index_cast %scan3A_78 : i32 to index
      %swap3A_658 = arith.constant 560 : index
      %swap3A_659 = tpu.vector_load %arg12[%swap3A_657, %swap3A_658] {strides = array<i32>} : memref<64x768xf32, #tpu.memory_space<vmem>>, vector<1x16xf32>,
      %swap3A_660 = vector.shape_cast %swap3A_659 : vector<1x16xf32> to vector<16xf32>
      %swap3A_661 = vector.shape_cast %add3A_656 : vector<16xf32> to vector<1x16xf32>
      tpu.vector_store %arg12[%swap3A_657, %swap3A_658], %swap3A_661 {strides = array<i32>} : memref<64x768xf32, #tpu.memory_space<vmem>>, vector<1x16xf32>,
      %get3A_662 = arith.index_cast %scan3A_78 : i32 to index
      %get3A_663 = arith.constant 576 : index
      %get3A_664 = tpu.vector_load %arg12[%get3A_662, %get3A_663] {strides = array<i32>} : memref<64x768xf32, #tpu.memory_space<vmem>>, vector<1x16xf32>,
      %get3A_665 = vector.shape_cast %get3A_664 : vector<1x16xf32> to vector<16xf32>
      %mul3A_666 = arith.mulf %broadcast_in_dim3A, %get3A_665 : vector<16xf32>
      %get3A_667 = arith.index_cast %scan3A_78 : i32 to index
      %get3A_668 = arith.constant 576 : index
      %get3A_669 = tpu.vector_load %arg13[%get3A_667, %get3A_668] {strides = array<i32>} : memref<64x768xf32, #tpu.memory_space<vmem>>, vector<1x16xf32>,
      %get3A_670 = vector.shape_cast %get3A_669 : vector<1x16xf32> to vector<16xf32>
      %mul3A_671 = arith.mulf %broadcast_in_dim3A_86, %get3A_670 : vector<16xf32>
      %add3A_672 = arith.addf %mul3A_666, %mul3A_671 : vector<16xf32>
      %swap3A_673 = arith.index_cast %scan3A_78 : i32 to index
      %swap3A_674 = arith.constant 576 : index
      %swap3A_675 = tpu.vector_load %arg12[%swap3A_673, %swap3A_674] {strides = array<i32>} : memref<64x768xf32, #tpu.memory_space<vmem>>, vector<1x16xf32>,
      %swap3A_676 = vector.shape_cast %swap3A_675 : vector<1x16xf32> to vector<16xf32>
      %swap3A_677 = vector.shape_cast %add3A_672 : vector<16xf32> to vector<1x16xf32>
      tpu.vector_store %arg12[%swap3A_673, %swap3A_674], %swap3A_677 {strides = array<i32>} : memref<64x768xf32, #tpu.memory_space<vmem>>, vector<1x16xf32>,
      %get3A_678 = arith.index_cast %scan3A_78 : i32 to index
      %get3A_679 = arith.constant 592 : index
      %get3A_680 = tpu.vector_load %arg12[%get3A_678, %get3A_679] {strides = array<i32>} : memref<64x768xf32, #tpu.memory_space<vmem>>, vector<1x16xf32>,
      %get3A_681 = vector.shape_cast %get3A_680 : vector<1x16xf32> to vector<16xf32>
      %mul3A_682 = arith.mulf %broadcast_in_dim3A, %get3A_681 : vector<16xf32>
      %get3A_683 = arith.index_cast %scan3A_78 : i32 to index
      %get3A_684 = arith.constant 592 : index
      %get3A_685 = tpu.vector_load %arg13[%get3A_683, %get3A_684] {strides = array<i32>} : memref<64x768xf32, #tpu.memory_space<vmem>>, vector<1x16xf32>,
      %get3A_686 = vector.shape_cast %get3A_685 : vector<1x16xf32> to vector<16xf32>
      %mul3A_687 = arith.mulf %broadcast_in_dim3A_86, %get3A_686 : vector<16xf32>
      %add3A_688 = arith.addf %mul3A_682, %mul3A_687 : vector<16xf32>
      %swap3A_689 = arith.index_cast %scan3A_78 : i32 to index
      %swap3A_690 = arith.constant 592 : index
      %swap3A_691 = tpu.vector_load %arg12[%swap3A_689, %swap3A_690] {strides = array<i32>} : memref<64x768xf32, #tpu.memory_space<vmem>>, vector<1x16xf32>,
      %swap3A_692 = vector.shape_cast %swap3A_691 : vector<1x16xf32> to vector<16xf32>
      %swap3A_693 = vector.shape_cast %add3A_688 : vector<16xf32> to vector<1x16xf32>
      tpu.vector_store %arg12[%swap3A_689, %swap3A_690], %swap3A_693 {strides = array<i32>} : memref<64x768xf32, #tpu.memory_space<vmem>>, vector<1x16xf32>,
      %get3A_694 = arith.index_cast %scan3A_78 : i32 to index
      %get3A_695 = arith.constant 608 : index
      %get3A_696 = tpu.vector_load %arg12[%get3A_694, %get3A_695] {strides = array<i32>} : memref<64x768xf32, #tpu.memory_space<vmem>>, vector<1x16xf32>,
      %get3A_697 = vector.shape_cast %get3A_696 : vector<1x16xf32> to vector<16xf32>
      %mul3A_698 = arith.mulf %broadcast_in_dim3A, %get3A_697 : vector<16xf32>
      %get3A_699 = arith.index_cast %scan3A_78 : i32 to index
      %get3A_700 = arith.constant 608 : index
      %get3A_701 = tpu.vector_load %arg13[%get3A_699, %get3A_700] {strides = array<i32>} : memref<64x768xf32, #tpu.memory_space<vmem>>, vector<1x16xf32>,
      %get3A_702 = vector.shape_cast %get3A_701 : vector<1x16xf32> to vector<16xf32>
      %mul3A_703 = arith.mulf %broadcast_in_dim3A_86, %get3A_702 : vector<16xf32>
      %add3A_704 = arith.addf %mul3A_698, %mul3A_703 : vector<16xf32>
      %swap3A_705 = arith.index_cast %scan3A_78 : i32 to index
      %swap3A_706 = arith.constant 608 : index
      %swap3A_707 = tpu.vector_load %arg12[%swap3A_705, %swap3A_706] {strides = array<i32>} : memref<64x768xf32, #tpu.memory_space<vmem>>, vector<1x16xf32>,
      %swap3A_708 = vector.shape_cast %swap3A_707 : vector<1x16xf32> to vector<16xf32>
      %swap3A_709 = vector.shape_cast %add3A_704 : vector<16xf32> to vector<1x16xf32>
      tpu.vector_store %arg12[%swap3A_705, %swap3A_706], %swap3A_709 {strides = array<i32>} : memref<64x768xf32, #tpu.memory_space<vmem>>, vector<1x16xf32>,
      %get3A_710 = arith.index_cast %scan3A_78 : i32 to index
      %get3A_711 = arith.constant 624 : index
      %get3A_712 = tpu.vector_load %arg12[%get3A_710, %get3A_711] {strides = array<i32>} : memref<64x768xf32, #tpu.memory_space<vmem>>, vector<1x16xf32>,
      %get3A_713 = vector.shape_cast %get3A_712 : vector<1x16xf32> to vector<16xf32>
      %mul3A_714 = arith.mulf %broadcast_in_dim3A, %get3A_713 : vector<16xf32>
      %get3A_715 = arith.index_cast %scan3A_78 : i32 to index
      %get3A_716 = arith.constant 624 : index
      %get3A_717 = tpu.vector_load %arg13[%get3A_715, %get3A_716] {strides = array<i32>} : memref<64x768xf32, #tpu.memory_space<vmem>>, vector<1x16xf32>,
      %get3A_718 = vector.shape_cast %get3A_717 : vector<1x16xf32> to vector<16xf32>
      %mul3A_719 = arith.mulf %broadcast_in_dim3A_86, %get3A_718 : vector<16xf32>
      %add3A_720 = arith.addf %mul3A_714, %mul3A_719 : vector<16xf32>
      %swap3A_721 = arith.index_cast %scan3A_78 : i32 to index
      %swap3A_722 = arith.constant 624 : index
      %swap3A_723 = tpu.vector_load %arg12[%swap3A_721, %swap3A_722] {strides = array<i32>} : memref<64x768xf32, #tpu.memory_space<vmem>>, vector<1x16xf32>,
      %swap3A_724 = vector.shape_cast %swap3A_723 : vector<1x16xf32> to vector<16xf32>
      %swap3A_725 = vector.shape_cast %add3A_720 : vector<16xf32> to vector<1x16xf32>
      tpu.vector_store %arg12[%swap3A_721, %swap3A_722], %swap3A_725 {strides = array<i32>} : memref<64x768xf32, #tpu.memory_space<vmem>>, vector<1x16xf32>,
      %get3A_726 = arith.index_cast %scan3A_78 : i32 to index
      %get3A_727 = arith.constant 640 : index
      %get3A_728 = tpu.vector_load %arg12[%get3A_726, %get3A_727] {strides = array<i32>} : memref<64x768xf32, #tpu.memory_space<vmem>>, vector<1x16xf32>,
      %get3A_729 = vector.shape_cast %get3A_728 : vector<1x16xf32> to vector<16xf32>
      %mul3A_730 = arith.mulf %broadcast_in_dim3A, %get3A_729 : vector<16xf32>
      %get3A_731 = arith.index_cast %scan3A_78 : i32 to index
      %get3A_732 = arith.constant 640 : index
      %get3A_733 = tpu.vector_load %arg13[%get3A_731, %get3A_732] {strides = array<i32>} : memref<64x768xf32, #tpu.memory_space<vmem>>, vector<1x16xf32>,
      %get3A_734 = vector.shape_cast %get3A_733 : vector<1x16xf32> to vector<16xf32>
      %mul3A_735 = arith.mulf %broadcast_in_dim3A_86, %get3A_734 : vector<16xf32>
      %add3A_736 = arith.addf %mul3A_730, %mul3A_735 : vector<16xf32>
      %swap3A_737 = arith.index_cast %scan3A_78 : i32 to index
      %swap3A_738 = arith.constant 640 : index
      %swap3A_739 = tpu.vector_load %arg12[%swap3A_737, %swap3A_738] {strides = array<i32>} : memref<64x768xf32, #tpu.memory_space<vmem>>, vector<1x16xf32>,
      %swap3A_740 = vector.shape_cast %swap3A_739 : vector<1x16xf32> to vector<16xf32>
      %swap3A_741 = vector.shape_cast %add3A_736 : vector<16xf32> to vector<1x16xf32>
      tpu.vector_store %arg12[%swap3A_737, %swap3A_738], %swap3A_741 {strides = array<i32>} : memref<64x768xf32, #tpu.memory_space<vmem>>, vector<1x16xf32>,
      %get3A_742 = arith.index_cast %scan3A_78 : i32 to index
      %get3A_743 = arith.constant 656 : index
      %get3A_744 = tpu.vector_load %arg12[%get3A_742, %get3A_743] {strides = array<i32>} : memref<64x768xf32, #tpu.memory_space<vmem>>, vector<1x16xf32>,
      %get3A_745 = vector.shape_cast %get3A_744 : vector<1x16xf32> to vector<16xf32>
      %mul3A_746 = arith.mulf %broadcast_in_dim3A, %get3A_745 : vector<16xf32>
      %get3A_747 = arith.index_cast %scan3A_78 : i32 to index
      %get3A_748 = arith.constant 656 : index
      %get3A_749 = tpu.vector_load %arg13[%get3A_747, %get3A_748] {strides = array<i32>} : memref<64x768xf32, #tpu.memory_space<vmem>>, vector<1x16xf32>,
      %get3A_750 = vector.shape_cast %get3A_749 : vector<1x16xf32> to vector<16xf32>
      %mul3A_751 = arith.mulf %broadcast_in_dim3A_86, %get3A_750 : vector<16xf32>
      %add3A_752 = arith.addf %mul3A_746, %mul3A_751 : vector<16xf32>
      %swap3A_753 = arith.index_cast %scan3A_78 : i32 to index
      %swap3A_754 = arith.constant 656 : index
      %swap3A_755 = tpu.vector_load %arg12[%swap3A_753, %swap3A_754] {strides = array<i32>} : memref<64x768xf32, #tpu.memory_space<vmem>>, vector<1x16xf32>,
      %swap3A_756 = vector.shape_cast %swap3A_755 : vector<1x16xf32> to vector<16xf32>
      %swap3A_757 = vector.shape_cast %add3A_752 : vector<16xf32> to vector<1x16xf32>
      tpu.vector_store %arg12[%swap3A_753, %swap3A_754], %swap3A_757 {strides = array<i32>} : memref<64x768xf32, #tpu.memory_space<vmem>>, vector<1x16xf32>,
      %get3A_758 = arith.index_cast %scan3A_78 : i32 to index
      %get3A_759 = arith.constant 672 : index
      %get3A_760 = tpu.vector_load %arg12[%get3A_758, %get3A_759] {strides = array<i32>} : memref<64x768xf32, #tpu.memory_space<vmem>>, vector<1x16xf32>,
      %get3A_761 = vector.shape_cast %get3A_760 : vector<1x16xf32> to vector<16xf32>
      %mul3A_762 = arith.mulf %broadcast_in_dim3A, %get3A_761 : vector<16xf32>
      %get3A_763 = arith.index_cast %scan3A_78 : i32 to index
      %get3A_764 = arith.constant 672 : index
      %get3A_765 = tpu.vector_load %arg13[%get3A_763, %get3A_764] {strides = array<i32>} : memref<64x768xf32, #tpu.memory_space<vmem>>, vector<1x16xf32>,
      %get3A_766 = vector.shape_cast %get3A_765 : vector<1x16xf32> to vector<16xf32>
      %mul3A_767 = arith.mulf %broadcast_in_dim3A_86, %get3A_766 : vector<16xf32>
      %add3A_768 = arith.addf %mul3A_762, %mul3A_767 : vector<16xf32>
      %swap3A_769 = arith.index_cast %scan3A_78 : i32 to index
      %swap3A_770 = arith.constant 672 : index
      %swap3A_771 = tpu.vector_load %arg12[%swap3A_769, %swap3A_770] {strides = array<i32>} : memref<64x768xf32, #tpu.memory_space<vmem>>, vector<1x16xf32>,
      %swap3A_772 = vector.shape_cast %swap3A_771 : vector<1x16xf32> to vector<16xf32>
      %swap3A_773 = vector.shape_cast %add3A_768 : vector<16xf32> to vector<1x16xf32>
      tpu.vector_store %arg12[%swap3A_769, %swap3A_770], %swap3A_773 {strides = array<i32>} : memref<64x768xf32, #tpu.memory_space<vmem>>, vector<1x16xf32>,
      %get3A_774 = arith.index_cast %scan3A_78 : i32 to index
      %get3A_775 = arith.constant 688 : index
      %get3A_776 = tpu.vector_load %arg12[%get3A_774, %get3A_775] {strides = array<i32>} : memref<64x768xf32, #tpu.memory_space<vmem>>, vector<1x16xf32>,
      %get3A_777 = vector.shape_cast %get3A_776 : vector<1x16xf32> to vector<16xf32>
      %mul3A_778 = arith.mulf %broadcast_in_dim3A, %get3A_777 : vector<16xf32>
      %get3A_779 = arith.index_cast %scan3A_78 : i32 to index
      %get3A_780 = arith.constant 688 : index
      %get3A_781 = tpu.vector_load %arg13[%get3A_779, %get3A_780] {strides = array<i32>} : memref<64x768xf32, #tpu.memory_space<vmem>>, vector<1x16xf32>,
      %get3A_782 = vector.shape_cast %get3A_781 : vector<1x16xf32> to vector<16xf32>
      %mul3A_783 = arith.mulf %broadcast_in_dim3A_86, %get3A_782 : vector<16xf32>
      %add3A_784 = arith.addf %mul3A_778, %mul3A_783 : vector<16xf32>
      %swap3A_785 = arith.index_cast %scan3A_78 : i32 to index
      %swap3A_786 = arith.constant 688 : index
      %swap3A_787 = tpu.vector_load %arg12[%swap3A_785, %swap3A_786] {strides = array<i32>} : memref<64x768xf32, #tpu.memory_space<vmem>>, vector<1x16xf32>,
      %swap3A_788 = vector.shape_cast %swap3A_787 : vector<1x16xf32> to vector<16xf32>
      %swap3A_789 = vector.shape_cast %add3A_784 : vector<16xf32> to vector<1x16xf32>
      tpu.vector_store %arg12[%swap3A_785, %swap3A_786], %swap3A_789 {strides = array<i32>} : memref<64x768xf32, #tpu.memory_space<vmem>>, vector<1x16xf32>,
      %get3A_790 = arith.index_cast %scan3A_78 : i32 to index
      %get3A_791 = arith.constant 704 : index
      %get3A_792 = tpu.vector_load %arg12[%get3A_790, %get3A_791] {strides = array<i32>} : memref<64x768xf32, #tpu.memory_space<vmem>>, vector<1x16xf32>,
      %get3A_793 = vector.shape_cast %get3A_792 : vector<1x16xf32> to vector<16xf32>
      %mul3A_794 = arith.mulf %broadcast_in_dim3A, %get3A_793 : vector<16xf32>
      %get3A_795 = arith.index_cast %scan3A_78 : i32 to index
      %get3A_796 = arith.constant 704 : index
      %get3A_797 = tpu.vector_load %arg13[%get3A_795, %get3A_796] {strides = array<i32>} : memref<64x768xf32, #tpu.memory_space<vmem>>, vector<1x16xf32>,
      %get3A_798 = vector.shape_cast %get3A_797 : vector<1x16xf32> to vector<16xf32>
      %mul3A_799 = arith.mulf %broadcast_in_dim3A_86, %get3A_798 : vector<16xf32>
      %add3A_800 = arith.addf %mul3A_794, %mul3A_799 : vector<16xf32>
      %swap3A_801 = arith.index_cast %scan3A_78 : i32 to index
      %swap3A_802 = arith.constant 704 : index
      %swap3A_803 = tpu.vector_load %arg12[%swap3A_801, %swap3A_802] {strides = array<i32>} : memref<64x768xf32, #tpu.memory_space<vmem>>, vector<1x16xf32>,
      %swap3A_804 = vector.shape_cast %swap3A_803 : vector<1x16xf32> to vector<16xf32>
      %swap3A_805 = vector.shape_cast %add3A_800 : vector<16xf32> to vector<1x16xf32>
      tpu.vector_store %arg12[%swap3A_801, %swap3A_802], %swap3A_805 {strides = array<i32>} : memref<64x768xf32, #tpu.memory_space<vmem>>, vector<1x16xf32>,
      %get3A_806 = arith.index_cast %scan3A_78 : i32 to index
      %get3A_807 = arith.constant 720 : index
      %get3A_808 = tpu.vector_load %arg12[%get3A_806, %get3A_807] {strides = array<i32>} : memref<64x768xf32, #tpu.memory_space<vmem>>, vector<1x16xf32>,
      %get3A_809 = vector.shape_cast %get3A_808 : vector<1x16xf32> to vector<16xf32>
      %mul3A_810 = arith.mulf %broadcast_in_dim3A, %get3A_809 : vector<16xf32>
      %get3A_811 = arith.index_cast %scan3A_78 : i32 to index
      %get3A_812 = arith.constant 720 : index
      %get3A_813 = tpu.vector_load %arg13[%get3A_811, %get3A_812] {strides = array<i32>} : memref<64x768xf32, #tpu.memory_space<vmem>>, vector<1x16xf32>,
      %get3A_814 = vector.shape_cast %get3A_813 : vector<1x16xf32> to vector<16xf32>
      %mul3A_815 = arith.mulf %broadcast_in_dim3A_86, %get3A_814 : vector<16xf32>
      %add3A_816 = arith.addf %mul3A_810, %mul3A_815 : vector<16xf32>
      %swap3A_817 = arith.index_cast %scan3A_78 : i32 to index
      %swap3A_818 = arith.constant 720 : index
      %swap3A_819 = tpu.vector_load %arg12[%swap3A_817, %swap3A_818] {strides = array<i32>} : memref<64x768xf32, #tpu.memory_space<vmem>>, vector<1x16xf32>,
      %swap3A_820 = vector.shape_cast %swap3A_819 : vector<1x16xf32> to vector<16xf32>
      %swap3A_821 = vector.shape_cast %add3A_816 : vector<16xf32> to vector<1x16xf32>
      tpu.vector_store %arg12[%swap3A_817, %swap3A_818], %swap3A_821 {strides = array<i32>} : memref<64x768xf32, #tpu.memory_space<vmem>>, vector<1x16xf32>,
      %get3A_822 = arith.index_cast %scan3A_78 : i32 to index
      %get3A_823 = arith.constant 736 : index
      %get3A_824 = tpu.vector_load %arg12[%get3A_822, %get3A_823] {strides = array<i32>} : memref<64x768xf32, #tpu.memory_space<vmem>>, vector<1x16xf32>,
      %get3A_825 = vector.shape_cast %get3A_824 : vector<1x16xf32> to vector<16xf32>
      %mul3A_826 = arith.mulf %broadcast_in_dim3A, %get3A_825 : vector<16xf32>
      %get3A_827 = arith.index_cast %scan3A_78 : i32 to index
      %get3A_828 = arith.constant 736 : index
      %get3A_829 = tpu.vector_load %arg13[%get3A_827, %get3A_828] {strides = array<i32>} : memref<64x768xf32, #tpu.memory_space<vmem>>, vector<1x16xf32>,
      %get3A_830 = vector.shape_cast %get3A_829 : vector<1x16xf32> to vector<16xf32>
      %mul3A_831 = arith.mulf %broadcast_in_dim3A_86, %get3A_830 : vector<16xf32>
      %add3A_832 = arith.addf %mul3A_826, %mul3A_831 : vector<16xf32>
      %swap3A_833 = arith.index_cast %scan3A_78 : i32 to index
      %swap3A_834 = arith.constant 736 : index
      %swap3A_835 = tpu.vector_load %arg12[%swap3A_833, %swap3A_834] {strides = array<i32>} : memref<64x768xf32, #tpu.memory_space<vmem>>, vector<1x16xf32>,
      %swap3A_836 = vector.shape_cast %swap3A_835 : vector<1x16xf32> to vector<16xf32>
      %swap3A_837 = vector.shape_cast %add3A_832 : vector<16xf32> to vector<1x16xf32>
      tpu.vector_store %arg12[%swap3A_833, %swap3A_834], %swap3A_837 {strides = array<i32>} : memref<64x768xf32, #tpu.memory_space<vmem>>, vector<1x16xf32>,
      %get3A_838 = arith.index_cast %scan3A_78 : i32 to index
      %get3A_839 = arith.constant 752 : index
      %get3A_840 = tpu.vector_load %arg12[%get3A_838, %get3A_839] {strides = array<i32>} : memref<64x768xf32, #tpu.memory_space<vmem>>, vector<1x16xf32>,
      %get3A_841 = vector.shape_cast %get3A_840 : vector<1x16xf32> to vector<16xf32>
      %mul3A_842 = arith.mulf %broadcast_in_dim3A, %get3A_841 : vector<16xf32>
      %get3A_843 = arith.index_cast %scan3A_78 : i32 to index
      %get3A_844 = arith.constant 752 : index
      %get3A_845 = tpu.vector_load %arg13[%get3A_843, %get3A_844] {strides = array<i32>} : memref<64x768xf32, #tpu.memory_space<vmem>>, vector<1x16xf32>,
      %get3A_846 = vector.shape_cast %get3A_845 : vector<1x16xf32> to vector<16xf32>
      %mul3A_847 = arith.mulf %broadcast_in_dim3A_86, %get3A_846 : vector<16xf32>
      %add3A_848 = arith.addf %mul3A_842, %mul3A_847 : vector<16xf32>
      %swap3A_849 = arith.index_cast %scan3A_78 : i32 to index
      %swap3A_850 = arith.constant 752 : index
      %swap3A_851 = tpu.vector_load %arg12[%swap3A_849, %swap3A_850] {strides = array<i32>} : memref<64x768xf32, #tpu.memory_space<vmem>>, vector<1x16xf32>,
      %swap3A_852 = vector.shape_cast %swap3A_851 : vector<1x16xf32> to vector<16xf32>
      %swap3A_853 = vector.shape_cast %add3A_848 : vector<16xf32> to vector<1x16xf32>
      tpu.vector_store %arg12[%swap3A_849, %swap3A_850], %swap3A_853 {strides = array<i32>} : memref<64x768xf32, #tpu.memory_space<vmem>>, vector<1x16xf32>,
    }
    %scan3A_53 = arith.constant 32 : i32
    "tpu.region"() ({
      %run_scoped3A = tpu.sem_alloc : memref<!tpu.dma_semaphore, #tpu.memory_space<semaphore_mem>>
      %dma_start3A_78 = arith.constant 0 : i32
      %dma_start3A_79 = arith.constant 0 : i32
      %dma_start3A_80 = tpu.memref_slice %arg12[%dma_start3A_78, %dma_start3A_79] : memref<64x768xf32, #tpu.memory_space<vmem>> -> memref<32x768xf32, #tpu.memory_space<vmem>>
      %dma_start3A_81 = arith.constant 0 : i32
      %dma_start3A_82 = tpu.memref_slice %arg7[%mul3A_2, %dma_start3A_81] : memref<2048x768xf32, #tpu.memory_space<hbm>> -> memref<32x768xf32, #tpu.memory_space<hbm>>
      %dma_start3A_83 = arith.constant 0 : i32
      %dma_start3A_84 = tpu.memref_slice %arg7[%mul3A_2, %dma_start3A_83] : memref<2048x768xf32, #tpu.memory_space<hbm>> -> memref<32x768xf32, #tpu.memory_space<hbm>>
      %dma_start3A_85 = arith.constant 0 : i32
      %dma_start3A_86 = arith.constant 0 : i32
      %dma_start3A_87 = tpu.memref_slice %arg12[%dma_start3A_85, %dma_start3A_86] : memref<64x768xf32, #tpu.memory_space<vmem>> -> memref<32x768xf32, #tpu.memory_space<vmem>>
      tpu.enqueue_dma source(%dma_start3A_87 : memref<32x768xf32, #tpu.memory_space<vmem>>) target(%dma_start3A_84 : memref<32x768xf32, #tpu.memory_space<hbm>>) target_semaphore(%run_scoped3A : memref<!tpu.dma_semaphore, #tpu.memory_space<semaphore_mem>>)
      %dma_wait3A_88 = arith.constant 0 : i32
      %dma_wait3A_89 = arith.constant 0 : i32
      %dma_wait3A_90 = tpu.memref_slice %arg12[%dma_wait3A_88, %dma_wait3A_89] : memref<64x768xf32, #tpu.memory_space<vmem>> -> memref<32x768xf32, #tpu.memory_space<vmem>>
      %dma_wait3A_91 = arith.constant 0 : i32
      %dma_wait3A_92 = tpu.memref_slice %arg7[%mul3A_2, %dma_wait3A_91] : memref<2048x768xf32, #tpu.memory_space<hbm>> -> memref<32x768xf32, #tpu.memory_space<hbm>>
      %dma_wait3A_93 = arith.constant 0 : i32
      %dma_wait3A_94 = tpu.memref_slice %arg7[%mul3A_2, %dma_wait3A_93] : memref<2048x768xf32, #tpu.memory_space<hbm>> -> memref<32x768xf32, #tpu.memory_space<hbm>>
      %dma_wait3A_95 = arith.constant 0 : i32
      %dma_wait3A_96 = arith.constant 0 : i32
      %dma_wait3A_97 = tpu.memref_slice %arg12[%dma_wait3A_95, %dma_wait3A_96] : memref<64x768xf32, #tpu.memory_space<vmem>> -> memref<32x768xf32, #tpu.memory_space<vmem>>
      tpu.wait_dma2 semaphore(%run_scoped3A : memref<!tpu.dma_semaphore, #tpu.memory_space<semaphore_mem>>) src(%dma_wait3A_97 : memref<32x768xf32, #tpu.memory_space<vmem>>) dst(%dma_wait3A_94 : memref<32x768xf32, #tpu.memory_space<hbm>>)
      tpu.yield
    }) : () -> ()
    %dma_wait3A_54 = arith.constant 32 : i32
    %dma_wait3A_55 = arith.constant 0 : i32
    %dma_wait3A_56 = tpu.memref_slice %arg12[%dma_wait3A_54, %dma_wait3A_55] : memref<64x768xf32, #tpu.memory_space<vmem>> -> memref<32x768xf32, #tpu.memory_space<vmem>>
    %dma_wait3A_57 = arith.constant 32 : i32
    %dma_wait3A_58 = tpu.memref_slice %arg8[%dma_wait3A_57] : memref<64xi32, #tpu.memory_space<vmem>> -> memref<32xi32, #tpu.memory_space<vmem>>
    %dma_wait3A_59 = arith.constant 0 : i32
    %dma_wait3A_60 = arith.constant 0 : i32
    %dma_wait3A_61 = tpu.memref_slice %arg2[%dma_wait3A_59, %dma_wait3A_60] : memref<4096x768xf32, #tpu.memory_space<hbm>> -> memref<4096x768xf32, #tpu.memory_space<hbm>>
    tpu.wait_indirect_dma semaphore(%arg15 : memref<!tpu.dma_semaphore, #tpu.memory_space<semaphore_mem>>) src(%dma_wait3A_61 : memref<4096x768xf32, #tpu.memory_space<hbm>>) dst(%dma_wait3A_56 : memref<32x768xf32, #tpu.memory_space<vmem>>)
    %dma_wait3A_62 = arith.constant 32 : i32
    %dma_wait3A_63 = arith.constant 0 : i32
    %dma_wait3A_64 = tpu.memref_slice %arg13[%dma_wait3A_62, %dma_wait3A_63] : memref<64x768xf32, #tpu.memory_space<vmem>> -> memref<32x768xf32, #tpu.memory_space<vmem>>
    %dma_wait3A_65 = arith.constant 32 : i32
    %dma_wait3A_66 = tpu.memref_slice %arg9[%dma_wait3A_65] : memref<64xi32, #tpu.memory_space<vmem>> -> memref<32xi32, #tpu.memory_space<vmem>>
    %dma_wait3A_67 = arith.constant 0 : i32
    %dma_wait3A_68 = arith.constant 0 : i32
    %dma_wait3A_69 = tpu.memref_slice %arg2[%dma_wait3A_67, %dma_wait3A_68] : memref<4096x768xf32, #tpu.memory_space<hbm>> -> memref<4096x768xf32, #tpu.memory_space<hbm>>
    tpu.wait_indirect_dma semaphore(%arg15 : memref<!tpu.dma_semaphore, #tpu.memory_space<semaphore_mem>>) src(%dma_wait3A_69 : memref<4096x768xf32, #tpu.memory_space<hbm>>) dst(%dma_wait3A_64 : memref<32x768xf32, #tpu.memory_space<vmem>>)
    %scan3A_70 = arith.constant 0 : i32
    %scan3A_71 = arith.constant 32 : i32
    %scan3A_72 = arith.constant 32 : i32
    %scan3A_73 = arith.addi %scan3A_71, %scan3A_72 : i32
    %scan3A_74 = arith.constant 1 : i32
    scf.for %scan3A_78 = %scan3A_71 to %scan3A_73 step %scan3A_74  : i32 {
      %get3A = arith.index_cast %scan3A_78 : i32 to index
      %get3A_79 = tpu.vector_load %arg10[%get3A] {strides = array<i32>} : memref<80xf32, #tpu.memory_space<vmem>>, vector<16xf32>,
      %get3A_80 = vector.shape_cast %get3A_79 : vector<16xf32> to vector<16xf32>
      %slice3A = vector.extract_strided_slice %get3A_80 {offsets = [0], sizes = [1], strides = [1]} : vector<16xf32> to vector<1xf32>
      %squeeze3A = vector.extract %slice3A[0] : f32 from vector<1xf32>
      %broadcast_in_dim3A = vector.broadcast %squeeze3A : f32 to vector<16xf32>
      %get3A_81 = arith.index_cast %scan3A_78 : i32 to index
      %get3A_82 = tpu.vector_load %arg11[%get3A_81] {strides = array<i32>} : memref<80xf32, #tpu.memory_space<vmem>>, vector<16xf32>,
      %get3A_83 = vector.shape_cast %get3A_82 : vector<16xf32> to vector<16xf32>
      %slice3A_84 = vector.extract_strided_slice %get3A_83 {offsets = [0], sizes = [1], strides = [1]} : vector<16xf32> to vector<1xf32>
      %squeeze3A_85 = vector.extract %slice3A_84[0] : f32 from vector<1xf32>
      %broadcast_in_dim3A_86 = vector.broadcast %squeeze3A_85 : f32 to vector<16xf32>
      %get3A_87 = arith.index_cast %scan3A_78 : i32 to index
      %get3A_88 = arith.constant 0 : index
      %get3A_89 = tpu.vector_load %arg12[%get3A_87, %get3A_88] {strides = array<i32>} : memref<64x768xf32, #tpu.memory_space<vmem>>, vector<1x16xf32>,
      %get3A_90 = vector.shape_cast %get3A_89 : vector<1x16xf32> to vector<16xf32>
      %mul3A_91 = arith.mulf %broadcast_in_dim3A, %get3A_90 : vector<16xf32>
      %get3A_92 = arith.index_cast %scan3A_78 : i32 to index
      %get3A_93 = arith.constant 0 : index
      %get3A_94 = tpu.vector_load %arg13[%get3A_92, %get3A_93] {strides = array<i32>} : memref<64x768xf32, #tpu.memory_space<vmem>>, vector<1x16xf32>,
      %get3A_95 = vector.shape_cast %get3A_94 : vector<1x16xf32> to vector<16xf32>
      %mul3A_96 = arith.mulf %broadcast_in_dim3A_86, %get3A_95 : vector<16xf32>
      %add3A_97 = arith.addf %mul3A_91, %mul3A_96 : vector<16xf32>
      %swap3A = arith.index_cast %scan3A_78 : i32 to index
      %swap3A_98 = arith.constant 0 : index
      %swap3A_99 = tpu.vector_load %arg12[%swap3A, %swap3A_98] {strides = array<i32>} : memref<64x768xf32, #tpu.memory_space<vmem>>, vector<1x16xf32>,
      %swap3A_100 = vector.shape_cast %swap3A_99 : vector<1x16xf32> to vector<16xf32>
      %swap3A_101 = vector.shape_cast %add3A_97 : vector<16xf32> to vector<1x16xf32>
      tpu.vector_store %arg12[%swap3A, %swap3A_98], %swap3A_101 {strides = array<i32>} : memref<64x768xf32, #tpu.memory_space<vmem>>, vector<1x16xf32>,
      %get3A_102 = arith.index_cast %scan3A_78 : i32 to index
      %get3A_103 = arith.constant 16 : index
      %get3A_104 = tpu.vector_load %arg12[%get3A_102, %get3A_103] {strides = array<i32>} : memref<64x768xf32, #tpu.memory_space<vmem>>, vector<1x16xf32>,
      %get3A_105 = vector.shape_cast %get3A_104 : vector<1x16xf32> to vector<16xf32>
      %mul3A_106 = arith.mulf %broadcast_in_dim3A, %get3A_105 : vector<16xf32>
      %get3A_107 = arith.index_cast %scan3A_78 : i32 to index
      %get3A_108 = arith.constant 16 : index
      %get3A_109 = tpu.vector_load %arg13[%get3A_107, %get3A_108] {strides = array<i32>} : memref<64x768xf32, #tpu.memory_space<vmem>>, vector<1x16xf32>,
      %get3A_110 = vector.shape_cast %get3A_109 : vector<1x16xf32> to vector<16xf32>
      %mul3A_111 = arith.mulf %broadcast_in_dim3A_86, %get3A_110 : vector<16xf32>
      %add3A_112 = arith.addf %mul3A_106, %mul3A_111 : vector<16xf32>
      %swap3A_113 = arith.index_cast %scan3A_78 : i32 to index
      %swap3A_114 = arith.constant 16 : index
      %swap3A_115 = tpu.vector_load %arg12[%swap3A_113, %swap3A_114] {strides = array<i32>} : memref<64x768xf32, #tpu.memory_space<vmem>>, vector<1x16xf32>,
      %swap3A_116 = vector.shape_cast %swap3A_115 : vector<1x16xf32> to vector<16xf32>
      %swap3A_117 = vector.shape_cast %add3A_112 : vector<16xf32> to vector<1x16xf32>
      tpu.vector_store %arg12[%swap3A_113, %swap3A_114], %swap3A_117 {strides = array<i32>} : memref<64x768xf32, #tpu.memory_space<vmem>>, vector<1x16xf32>,
      %get3A_118 = arith.index_cast %scan3A_78 : i32 to index
      %get3A_119 = arith.constant 32 : index
      %get3A_120 = tpu.vector_load %arg12[%get3A_118, %get3A_119] {strides = array<i32>} : memref<64x768xf32, #tpu.memory_space<vmem>>, vector<1x16xf32>,
      %get3A_121 = vector.shape_cast %get3A_120 : vector<1x16xf32> to vector<16xf32>
      %mul3A_122 = arith.mulf %broadcast_in_dim3A, %get3A_121 : vector<16xf32>
      %get3A_123 = arith.index_cast %scan3A_78 : i32 to index
      %get3A_124 = arith.constant 32 : index
      %get3A_125 = tpu.vector_load %arg13[%get3A_123, %get3A_124] {strides = array<i32>} : memref<64x768xf32, #tpu.memory_space<vmem>>, vector<1x16xf32>,
      %get3A_126 = vector.shape_cast %get3A_125 : vector<1x16xf32> to vector<16xf32>
      %mul3A_127 = arith.mulf %broadcast_in_dim3A_86, %get3A_126 : vector<16xf32>
      %add3A_128 = arith.addf %mul3A_122, %mul3A_127 : vector<16xf32>
      %swap3A_129 = arith.index_cast %scan3A_78 : i32 to index
      %swap3A_130 = arith.constant 32 : index
      %swap3A_131 = tpu.vector_load %arg12[%swap3A_129, %swap3A_130] {strides = array<i32>} : memref<64x768xf32, #tpu.memory_space<vmem>>, vector<1x16xf32>,
      %swap3A_132 = vector.shape_cast %swap3A_131 : vector<1x16xf32> to vector<16xf32>
      %swap3A_133 = vector.shape_cast %add3A_128 : vector<16xf32> to vector<1x16xf32>
      tpu.vector_store %arg12[%swap3A_129, %swap3A_130], %swap3A_133 {strides = array<i32>} : memref<64x768xf32, #tpu.memory_space<vmem>>, vector<1x16xf32>,
      %get3A_134 = arith.index_cast %scan3A_78 : i32 to index
      %get3A_135 = arith.constant 48 : index
      %get3A_136 = tpu.vector_load %arg12[%get3A_134, %get3A_135] {strides = array<i32>} : memref<64x768xf32, #tpu.memory_space<vmem>>, vector<1x16xf32>,
      %get3A_137 = vector.shape_cast %get3A_136 : vector<1x16xf32> to vector<16xf32>
      %mul3A_138 = arith.mulf %broadcast_in_dim3A, %get3A_137 : vector<16xf32>
      %get3A_139 = arith.index_cast %scan3A_78 : i32 to index
      %get3A_140 = arith.constant 48 : index
      %get3A_141 = tpu.vector_load %arg13[%get3A_139, %get3A_140] {strides = array<i32>} : memref<64x768xf32, #tpu.memory_space<vmem>>, vector<1x16xf32>,
      %get3A_142 = vector.shape_cast %get3A_141 : vector<1x16xf32> to vector<16xf32>
      %mul3A_143 = arith.mulf %broadcast_in_dim3A_86, %get3A_142 : vector<16xf32>
      %add3A_144 = arith.addf %mul3A_138, %mul3A_143 : vector<16xf32>
      %swap3A_145 = arith.index_cast %scan3A_78 : i32 to index
      %swap3A_146 = arith.constant 48 : index
      %swap3A_147 = tpu.vector_load %arg12[%swap3A_145, %swap3A_146] {strides = array<i32>} : memref<64x768xf32, #tpu.memory_space<vmem>>, vector<1x16xf32>,
      %swap3A_148 = vector.shape_cast %swap3A_147 : vector<1x16xf32> to vector<16xf32>
      %swap3A_149 = vector.shape_cast %add3A_144 : vector<16xf32> to vector<1x16xf32>
      tpu.vector_store %arg12[%swap3A_145, %swap3A_146], %swap3A_149 {strides = array<i32>} : memref<64x768xf32, #tpu.memory_space<vmem>>, vector<1x16xf32>,
      %get3A_150 = arith.index_cast %scan3A_78 : i32 to index
      %get3A_151 = arith.constant 64 : index
      %get3A_152 = tpu.vector_load %arg12[%get3A_150, %get3A_151] {strides = array<i32>} : memref<64x768xf32, #tpu.memory_space<vmem>>, vector<1x16xf32>,
      %get3A_153 = vector.shape_cast %get3A_152 : vector<1x16xf32> to vector<16xf32>
      %mul3A_154 = arith.mulf %broadcast_in_dim3A, %get3A_153 : vector<16xf32>
      %get3A_155 = arith.index_cast %scan3A_78 : i32 to index
      %get3A_156 = arith.constant 64 : index
      %get3A_157 = tpu.vector_load %arg13[%get3A_155, %get3A_156] {strides = array<i32>} : memref<64x768xf32, #tpu.memory_space<vmem>>, vector<1x16xf32>,
      %get3A_158 = vector.shape_cast %get3A_157 : vector<1x16xf32> to vector<16xf32>
      %mul3A_159 = arith.mulf %broadcast_in_dim3A_86, %get3A_158 : vector<16xf32>
      %add3A_160 = arith.addf %mul3A_154, %mul3A_159 : vector<16xf32>
      %swap3A_161 = arith.index_cast %scan3A_78 : i32 to index
      %swap3A_162 = arith.constant 64 : index
      %swap3A_163 = tpu.vector_load %arg12[%swap3A_161, %swap3A_162] {strides = array<i32>} : memref<64x768xf32, #tpu.memory_space<vmem>>, vector<1x16xf32>,
      %swap3A_164 = vector.shape_cast %swap3A_163 : vector<1x16xf32> to vector<16xf32>
      %swap3A_165 = vector.shape_cast %add3A_160 : vector<16xf32> to vector<1x16xf32>
      tpu.vector_store %arg12[%swap3A_161, %swap3A_162], %swap3A_165 {strides = array<i32>} : memref<64x768xf32, #tpu.memory_space<vmem>>, vector<1x16xf32>,
      %get3A_166 = arith.index_cast %scan3A_78 : i32 to index
      %get3A_167 = arith.constant 80 : index
      %get3A_168 = tpu.vector_load %arg12[%get3A_166, %get3A_167] {strides = array<i32>} : memref<64x768xf32, #tpu.memory_space<vmem>>, vector<1x16xf32>,
      %get3A_169 = vector.shape_cast %get3A_168 : vector<1x16xf32> to vector<16xf32>
      %mul3A_170 = arith.mulf %broadcast_in_dim3A, %get3A_169 : vector<16xf32>
      %get3A_171 = arith.index_cast %scan3A_78 : i32 to index
      %get3A_172 = arith.constant 80 : index
      %get3A_173 = tpu.vector_load %arg13[%get3A_171, %get3A_172] {strides = array<i32>} : memref<64x768xf32, #tpu.memory_space<vmem>>, vector<1x16xf32>,
      %get3A_174 = vector.shape_cast %get3A_173 : vector<1x16xf32> to vector<16xf32>
      %mul3A_175 = arith.mulf %broadcast_in_dim3A_86, %get3A_174 : vector<16xf32>
      %add3A_176 = arith.addf %mul3A_170, %mul3A_175 : vector<16xf32>
      %swap3A_177 = arith.index_cast %scan3A_78 : i32 to index
      %swap3A_178 = arith.constant 80 : index
      %swap3A_179 = tpu.vector_load %arg12[%swap3A_177, %swap3A_178] {strides = array<i32>} : memref<64x768xf32, #tpu.memory_space<vmem>>, vector<1x16xf32>,
      %swap3A_180 = vector.shape_cast %swap3A_179 : vector<1x16xf32> to vector<16xf32>
      %swap3A_181 = vector.shape_cast %add3A_176 : vector<16xf32> to vector<1x16xf32>
      tpu.vector_store %arg12[%swap3A_177, %swap3A_178], %swap3A_181 {strides = array<i32>} : memref<64x768xf32, #tpu.memory_space<vmem>>, vector<1x16xf32>,
      %get3A_182 = arith.index_cast %scan3A_78 : i32 to index
      %get3A_183 = arith.constant 96 : index
      %get3A_184 = tpu.vector_load %arg12[%get3A_182, %get3A_183] {strides = array<i32>} : memref<64x768xf32, #tpu.memory_space<vmem>>, vector<1x16xf32>,
      %get3A_185 = vector.shape_cast %get3A_184 : vector<1x16xf32> to vector<16xf32>
      %mul3A_186 = arith.mulf %broadcast_in_dim3A, %get3A_185 : vector<16xf32>
      %get3A_187 = arith.index_cast %scan3A_78 : i32 to index
      %get3A_188 = arith.constant 96 : index
      %get3A_189 = tpu.vector_load %arg13[%get3A_187, %get3A_188] {strides = array<i32>} : memref<64x768xf32, #tpu.memory_space<vmem>>, vector<1x16xf32>,
      %get3A_190 = vector.shape_cast %get3A_189 : vector<1x16xf32> to vector<16xf32>
      %mul3A_191 = arith.mulf %broadcast_in_dim3A_86, %get3A_190 : vector<16xf32>
      %add3A_192 = arith.addf %mul3A_186, %mul3A_191 : vector<16xf32>
      %swap3A_193 = arith.index_cast %scan3A_78 : i32 to index
      %swap3A_194 = arith.constant 96 : index
      %swap3A_195 = tpu.vector_load %arg12[%swap3A_193, %swap3A_194] {strides = array<i32>} : memref<64x768xf32, #tpu.memory_space<vmem>>, vector<1x16xf32>,
      %swap3A_196 = vector.shape_cast %swap3A_195 : vector<1x16xf32> to vector<16xf32>
      %swap3A_197 = vector.shape_cast %add3A_192 : vector<16xf32> to vector<1x16xf32>
      tpu.vector_store %arg12[%swap3A_193, %swap3A_194], %swap3A_197 {strides = array<i32>} : memref<64x768xf32, #tpu.memory_space<vmem>>, vector<1x16xf32>,
      %get3A_198 = arith.index_cast %scan3A_78 : i32 to index
      %get3A_199 = arith.constant 112 : index
      %get3A_200 = tpu.vector_load %arg12[%get3A_198, %get3A_199] {strides = array<i32>} : memref<64x768xf32, #tpu.memory_space<vmem>>, vector<1x16xf32>,
      %get3A_201 = vector.shape_cast %get3A_200 : vector<1x16xf32> to vector<16xf32>
      %mul3A_202 = arith.mulf %broadcast_in_dim3A, %get3A_201 : vector<16xf32>
      %get3A_203 = arith.index_cast %scan3A_78 : i32 to index
      %get3A_204 = arith.constant 112 : index
      %get3A_205 = tpu.vector_load %arg13[%get3A_203, %get3A_204] {strides = array<i32>} : memref<64x768xf32, #tpu.memory_space<vmem>>, vector<1x16xf32>,
      %get3A_206 = vector.shape_cast %get3A_205 : vector<1x16xf32> to vector<16xf32>
      %mul3A_207 = arith.mulf %broadcast_in_dim3A_86, %get3A_206 : vector<16xf32>
      %add3A_208 = arith.addf %mul3A_202, %mul3A_207 : vector<16xf32>
      %swap3A_209 = arith.index_cast %scan3A_78 : i32 to index
      %swap3A_210 = arith.constant 112 : index
      %swap3A_211 = tpu.vector_load %arg12[%swap3A_209, %swap3A_210] {strides = array<i32>} : memref<64x768xf32, #tpu.memory_space<vmem>>, vector<1x16xf32>,
      %swap3A_212 = vector.shape_cast %swap3A_211 : vector<1x16xf32> to vector<16xf32>
      %swap3A_213 = vector.shape_cast %add3A_208 : vector<16xf32> to vector<1x16xf32>
      tpu.vector_store %arg12[%swap3A_209, %swap3A_210], %swap3A_213 {strides = array<i32>} : memref<64x768xf32, #tpu.memory_space<vmem>>, vector<1x16xf32>,
      %get3A_214 = arith.index_cast %scan3A_78 : i32 to index
      %get3A_215 = arith.constant 128 : index
      %get3A_216 = tpu.vector_load %arg12[%get3A_214, %get3A_215] {strides = array<i32>} : memref<64x768xf32, #tpu.memory_space<vmem>>, vector<1x16xf32>,
      %get3A_217 = vector.shape_cast %get3A_216 : vector<1x16xf32> to vector<16xf32>
      %mul3A_218 = arith.mulf %broadcast_in_dim3A, %get3A_217 : vector<16xf32>
      %get3A_219 = arith.index_cast %scan3A_78 : i32 to index
      %get3A_220 = arith.constant 128 : index
      %get3A_221 = tpu.vector_load %arg13[%get3A_219, %get3A_220] {strides = array<i32>} : memref<64x768xf32, #tpu.memory_space<vmem>>, vector<1x16xf32>,
      %get3A_222 = vector.shape_cast %get3A_221 : vector<1x16xf32> to vector<16xf32>
      %mul3A_223 = arith.mulf %broadcast_in_dim3A_86, %get3A_222 : vector<16xf32>
      %add3A_224 = arith.addf %mul3A_218, %mul3A_223 : vector<16xf32>
      %swap3A_225 = arith.index_cast %scan3A_78 : i32 to index
      %swap3A_226 = arith.constant 128 : index
      %swap3A_227 = tpu.vector_load %arg12[%swap3A_225, %swap3A_226] {strides = array<i32>} : memref<64x768xf32, #tpu.memory_space<vmem>>, vector<1x16xf32>,
      %swap3A_228 = vector.shape_cast %swap3A_227 : vector<1x16xf32> to vector<16xf32>
      %swap3A_229 = vector.shape_cast %add3A_224 : vector<16xf32> to vector<1x16xf32>
      tpu.vector_store %arg12[%swap3A_225, %swap3A_226], %swap3A_229 {strides = array<i32>} : memref<64x768xf32, #tpu.memory_space<vmem>>, vector<1x16xf32>,
      %get3A_230 = arith.index_cast %scan3A_78 : i32 to index
      %get3A_231 = arith.constant 144 : index
      %get3A_232 = tpu.vector_load %arg12[%get3A_230, %get3A_231] {strides = array<i32>} : memref<64x768xf32, #tpu.memory_space<vmem>>, vector<1x16xf32>,
      %get3A_233 = vector.shape_cast %get3A_232 : vector<1x16xf32> to vector<16xf32>
      %mul3A_234 = arith.mulf %broadcast_in_dim3A, %get3A_233 : vector<16xf32>
      %get3A_235 = arith.index_cast %scan3A_78 : i32 to index
      %get3A_236 = arith.constant 144 : index
      %get3A_237 = tpu.vector_load %arg13[%get3A_235, %get3A_236] {strides = array<i32>} : memref<64x768xf32, #tpu.memory_space<vmem>>, vector<1x16xf32>,
      %get3A_238 = vector.shape_cast %get3A_237 : vector<1x16xf32> to vector<16xf32>
      %mul3A_239 = arith.mulf %broadcast_in_dim3A_86, %get3A_238 : vector<16xf32>
      %add3A_240 = arith.addf %mul3A_234, %mul3A_239 : vector<16xf32>
      %swap3A_241 = arith.index_cast %scan3A_78 : i32 to index
      %swap3A_242 = arith.constant 144 : index
      %swap3A_243 = tpu.vector_load %arg12[%swap3A_241, %swap3A_242] {strides = array<i32>} : memref<64x768xf32, #tpu.memory_space<vmem>>, vector<1x16xf32>,
      %swap3A_244 = vector.shape_cast %swap3A_243 : vector<1x16xf32> to vector<16xf32>
      %swap3A_245 = vector.shape_cast %add3A_240 : vector<16xf32> to vector<1x16xf32>
      tpu.vector_store %arg12[%swap3A_241, %swap3A_242], %swap3A_245 {strides = array<i32>} : memref<64x768xf32, #tpu.memory_space<vmem>>, vector<1x16xf32>,
      %get3A_246 = arith.index_cast %scan3A_78 : i32 to index
      %get3A_247 = arith.constant 160 : index
      %get3A_248 = tpu.vector_load %arg12[%get3A_246, %get3A_247] {strides = array<i32>} : memref<64x768xf32, #tpu.memory_space<vmem>>, vector<1x16xf32>,
      %get3A_249 = vector.shape_cast %get3A_248 : vector<1x16xf32> to vector<16xf32>
      %mul3A_250 = arith.mulf %broadcast_in_dim3A, %get3A_249 : vector<16xf32>
      %get3A_251 = arith.index_cast %scan3A_78 : i32 to index
      %get3A_252 = arith.constant 160 : index
      %get3A_253 = tpu.vector_load %arg13[%get3A_251, %get3A_252] {strides = array<i32>} : memref<64x768xf32, #tpu.memory_space<vmem>>, vector<1x16xf32>,
      %get3A_254 = vector.shape_cast %get3A_253 : vector<1x16xf32> to vector<16xf32>
      %mul3A_255 = arith.mulf %broadcast_in_dim3A_86, %get3A_254 : vector<16xf32>
      %add3A_256 = arith.addf %mul3A_250, %mul3A_255 : vector<16xf32>
      %swap3A_257 = arith.index_cast %scan3A_78 : i32 to index
      %swap3A_258 = arith.constant 160 : index
      %swap3A_259 = tpu.vector_load %arg12[%swap3A_257, %swap3A_258] {strides = array<i32>} : memref<64x768xf32, #tpu.memory_space<vmem>>, vector<1x16xf32>,
      %swap3A_260 = vector.shape_cast %swap3A_259 : vector<1x16xf32> to vector<16xf32>
      %swap3A_261 = vector.shape_cast %add3A_256 : vector<16xf32> to vector<1x16xf32>
      tpu.vector_store %arg12[%swap3A_257, %swap3A_258], %swap3A_261 {strides = array<i32>} : memref<64x768xf32, #tpu.memory_space<vmem>>, vector<1x16xf32>,
      %get3A_262 = arith.index_cast %scan3A_78 : i32 to index
      %get3A_263 = arith.constant 176 : index
      %get3A_264 = tpu.vector_load %arg12[%get3A_262, %get3A_263] {strides = array<i32>} : memref<64x768xf32, #tpu.memory_space<vmem>>, vector<1x16xf32>,
      %get3A_265 = vector.shape_cast %get3A_264 : vector<1x16xf32> to vector<16xf32>
      %mul3A_266 = arith.mulf %broadcast_in_dim3A, %get3A_265 : vector<16xf32>
      %get3A_267 = arith.index_cast %scan3A_78 : i32 to index
      %get3A_268 = arith.constant 176 : index
      %get3A_269 = tpu.vector_load %arg13[%get3A_267, %get3A_268] {strides = array<i32>} : memref<64x768xf32, #tpu.memory_space<vmem>>, vector<1x16xf32>,
      %get3A_270 = vector.shape_cast %get3A_269 : vector<1x16xf32> to vector<16xf32>
      %mul3A_271 = arith.mulf %broadcast_in_dim3A_86, %get3A_270 : vector<16xf32>
      %add3A_272 = arith.addf %mul3A_266, %mul3A_271 : vector<16xf32>
      %swap3A_273 = arith.index_cast %scan3A_78 : i32 to index
      %swap3A_274 = arith.constant 176 : index
      %swap3A_275 = tpu.vector_load %arg12[%swap3A_273, %swap3A_274] {strides = array<i32>} : memref<64x768xf32, #tpu.memory_space<vmem>>, vector<1x16xf32>,
      %swap3A_276 = vector.shape_cast %swap3A_275 : vector<1x16xf32> to vector<16xf32>
      %swap3A_277 = vector.shape_cast %add3A_272 : vector<16xf32> to vector<1x16xf32>
      tpu.vector_store %arg12[%swap3A_273, %swap3A_274], %swap3A_277 {strides = array<i32>} : memref<64x768xf32, #tpu.memory_space<vmem>>, vector<1x16xf32>,
      %get3A_278 = arith.index_cast %scan3A_78 : i32 to index
      %get3A_279 = arith.constant 192 : index
      %get3A_280 = tpu.vector_load %arg12[%get3A_278, %get3A_279] {strides = array<i32>} : memref<64x768xf32, #tpu.memory_space<vmem>>, vector<1x16xf32>,
      %get3A_281 = vector.shape_cast %get3A_280 : vector<1x16xf32> to vector<16xf32>
      %mul3A_282 = arith.mulf %broadcast_in_dim3A, %get3A_281 : vector<16xf32>
      %get3A_283 = arith.index_cast %scan3A_78 : i32 to index
      %get3A_284 = arith.constant 192 : index
      %get3A_285 = tpu.vector_load %arg13[%get3A_283, %get3A_284] {strides = array<i32>} : memref<64x768xf32, #tpu.memory_space<vmem>>, vector<1x16xf32>,
      %get3A_286 = vector.shape_cast %get3A_285 : vector<1x16xf32> to vector<16xf32>
      %mul3A_287 = arith.mulf %broadcast_in_dim3A_86, %get3A_286 : vector<16xf32>
      %add3A_288 = arith.addf %mul3A_282, %mul3A_287 : vector<16xf32>
      %swap3A_289 = arith.index_cast %scan3A_78 : i32 to index
      %swap3A_290 = arith.constant 192 : index
      %swap3A_291 = tpu.vector_load %arg12[%swap3A_289, %swap3A_290] {strides = array<i32>} : memref<64x768xf32, #tpu.memory_space<vmem>>, vector<1x16xf32>,
      %swap3A_292 = vector.shape_cast %swap3A_291 : vector<1x16xf32> to vector<16xf32>
      %swap3A_293 = vector.shape_cast %add3A_288 : vector<16xf32> to vector<1x16xf32>
      tpu.vector_store %arg12[%swap3A_289, %swap3A_290], %swap3A_293 {strides = array<i32>} : memref<64x768xf32, #tpu.memory_space<vmem>>, vector<1x16xf32>,
      %get3A_294 = arith.index_cast %scan3A_78 : i32 to index
      %get3A_295 = arith.constant 208 : index
      %get3A_296 = tpu.vector_load %arg12[%get3A_294, %get3A_295] {strides = array<i32>} : memref<64x768xf32, #tpu.memory_space<vmem>>, vector<1x16xf32>,
      %get3A_297 = vector.shape_cast %get3A_296 : vector<1x16xf32> to vector<16xf32>
      %mul3A_298 = arith.mulf %broadcast_in_dim3A, %get3A_297 : vector<16xf32>
      %get3A_299 = arith.index_cast %scan3A_78 : i32 to index
      %get3A_300 = arith.constant 208 : index
      %get3A_301 = tpu.vector_load %arg13[%get3A_299, %get3A_300] {strides = array<i32>} : memref<64x768xf32, #tpu.memory_space<vmem>>, vector<1x16xf32>,
      %get3A_302 = vector.shape_cast %get3A_301 : vector<1x16xf32> to vector<16xf32>
      %mul3A_303 = arith.mulf %broadcast_in_dim3A_86, %get3A_302 : vector<16xf32>
      %add3A_304 = arith.addf %mul3A_298, %mul3A_303 : vector<16xf32>
      %swap3A_305 = arith.index_cast %scan3A_78 : i32 to index
      %swap3A_306 = arith.constant 208 : index
      %swap3A_307 = tpu.vector_load %arg12[%swap3A_305, %swap3A_306] {strides = array<i32>} : memref<64x768xf32, #tpu.memory_space<vmem>>, vector<1x16xf32>,
      %swap3A_308 = vector.shape_cast %swap3A_307 : vector<1x16xf32> to vector<16xf32>
      %swap3A_309 = vector.shape_cast %add3A_304 : vector<16xf32> to vector<1x16xf32>
      tpu.vector_store %arg12[%swap3A_305, %swap3A_306], %swap3A_309 {strides = array<i32>} : memref<64x768xf32, #tpu.memory_space<vmem>>, vector<1x16xf32>,
      %get3A_310 = arith.index_cast %scan3A_78 : i32 to index
      %get3A_311 = arith.constant 224 : index
      %get3A_312 = tpu.vector_load %arg12[%get3A_310, %get3A_311] {strides = array<i32>} : memref<64x768xf32, #tpu.memory_space<vmem>>, vector<1x16xf32>,
      %get3A_313 = vector.shape_cast %get3A_312 : vector<1x16xf32> to vector<16xf32>
      %mul3A_314 = arith.mulf %broadcast_in_dim3A, %get3A_313 : vector<16xf32>
      %get3A_315 = arith.index_cast %scan3A_78 : i32 to index
      %get3A_316 = arith.constant 224 : index
      %get3A_317 = tpu.vector_load %arg13[%get3A_315, %get3A_316] {strides = array<i32>} : memref<64x768xf32, #tpu.memory_space<vmem>>, vector<1x16xf32>,
      %get3A_318 = vector.shape_cast %get3A_317 : vector<1x16xf32> to vector<16xf32>
      %mul3A_319 = arith.mulf %broadcast_in_dim3A_86, %get3A_318 : vector<16xf32>
      %add3A_320 = arith.addf %mul3A_314, %mul3A_319 : vector<16xf32>
      %swap3A_321 = arith.index_cast %scan3A_78 : i32 to index
      %swap3A_322 = arith.constant 224 : index
      %swap3A_323 = tpu.vector_load %arg12[%swap3A_321, %swap3A_322] {strides = array<i32>} : memref<64x768xf32, #tpu.memory_space<vmem>>, vector<1x16xf32>,
      %swap3A_324 = vector.shape_cast %swap3A_323 : vector<1x16xf32> to vector<16xf32>
      %swap3A_325 = vector.shape_cast %add3A_320 : vector<16xf32> to vector<1x16xf32>
      tpu.vector_store %arg12[%swap3A_321, %swap3A_322], %swap3A_325 {strides = array<i32>} : memref<64x768xf32, #tpu.memory_space<vmem>>, vector<1x16xf32>,
      %get3A_326 = arith.index_cast %scan3A_78 : i32 to index
      %get3A_327 = arith.constant 240 : index
      %get3A_328 = tpu.vector_load %arg12[%get3A_326, %get3A_327] {strides = array<i32>} : memref<64x768xf32, #tpu.memory_space<vmem>>, vector<1x16xf32>,
      %get3A_329 = vector.shape_cast %get3A_328 : vector<1x16xf32> to vector<16xf32>
      %mul3A_330 = arith.mulf %broadcast_in_dim3A, %get3A_329 : vector<16xf32>
      %get3A_331 = arith.index_cast %scan3A_78 : i32 to index
      %get3A_332 = arith.constant 240 : index
      %get3A_333 = tpu.vector_load %arg13[%get3A_331, %get3A_332] {strides = array<i32>} : memref<64x768xf32, #tpu.memory_space<vmem>>, vector<1x16xf32>,
      %get3A_334 = vector.shape_cast %get3A_333 : vector<1x16xf32> to vector<16xf32>
      %mul3A_335 = arith.mulf %broadcast_in_dim3A_86, %get3A_334 : vector<16xf32>
      %add3A_336 = arith.addf %mul3A_330, %mul3A_335 : vector<16xf32>
      %swap3A_337 = arith.index_cast %scan3A_78 : i32 to index
      %swap3A_338 = arith.constant 240 : index
      %swap3A_339 = tpu.vector_load %arg12[%swap3A_337, %swap3A_338] {strides = array<i32>} : memref<64x768xf32, #tpu.memory_space<vmem>>, vector<1x16xf32>,
      %swap3A_340 = vector.shape_cast %swap3A_339 : vector<1x16xf32> to vector<16xf32>
      %swap3A_341 = vector.shape_cast %add3A_336 : vector<16xf32> to vector<1x16xf32>
      tpu.vector_store %arg12[%swap3A_337, %swap3A_338], %swap3A_341 {strides = array<i32>} : memref<64x768xf32, #tpu.memory_space<vmem>>, vector<1x16xf32>,
      %get3A_342 = arith.index_cast %scan3A_78 : i32 to index
      %get3A_343 = arith.constant 256 : index
      %get3A_344 = tpu.vector_load %arg12[%get3A_342, %get3A_343] {strides = array<i32>} : memref<64x768xf32, #tpu.memory_space<vmem>>, vector<1x16xf32>,
      %get3A_345 = vector.shape_cast %get3A_344 : vector<1x16xf32> to vector<16xf32>
      %mul3A_346 = arith.mulf %broadcast_in_dim3A, %get3A_345 : vector<16xf32>
      %get3A_347 = arith.index_cast %scan3A_78 : i32 to index
      %get3A_348 = arith.constant 256 : index
      %get3A_349 = tpu.vector_load %arg13[%get3A_347, %get3A_348] {strides = array<i32>} : memref<64x768xf32, #tpu.memory_space<vmem>>, vector<1x16xf32>,
      %get3A_350 = vector.shape_cast %get3A_349 : vector<1x16xf32> to vector<16xf32>
      %mul3A_351 = arith.mulf %broadcast_in_dim3A_86, %get3A_350 : vector<16xf32>
      %add3A_352 = arith.addf %mul3A_346, %mul3A_351 : vector<16xf32>
      %swap3A_353 = arith.index_cast %scan3A_78 : i32 to index
      %swap3A_354 = arith.constant 256 : index
      %swap3A_355 = tpu.vector_load %arg12[%swap3A_353, %swap3A_354] {strides = array<i32>} : memref<64x768xf32, #tpu.memory_space<vmem>>, vector<1x16xf32>,
      %swap3A_356 = vector.shape_cast %swap3A_355 : vector<1x16xf32> to vector<16xf32>
      %swap3A_357 = vector.shape_cast %add3A_352 : vector<16xf32> to vector<1x16xf32>
      tpu.vector_store %arg12[%swap3A_353, %swap3A_354], %swap3A_357 {strides = array<i32>} : memref<64x768xf32, #tpu.memory_space<vmem>>, vector<1x16xf32>,
      %get3A_358 = arith.index_cast %scan3A_78 : i32 to index
      %get3A_359 = arith.constant 272 : index
      %get3A_360 = tpu.vector_load %arg12[%get3A_358, %get3A_359] {strides = array<i32>} : memref<64x768xf32, #tpu.memory_space<vmem>>, vector<1x16xf32>,
      %get3A_361 = vector.shape_cast %get3A_360 : vector<1x16xf32> to vector<16xf32>
      %mul3A_362 = arith.mulf %broadcast_in_dim3A, %get3A_361 : vector<16xf32>
      %get3A_363 = arith.index_cast %scan3A_78 : i32 to index
      %get3A_364 = arith.constant 272 : index
      %get3A_365 = tpu.vector_load %arg13[%get3A_363, %get3A_364] {strides = array<i32>} : memref<64x768xf32, #tpu.memory_space<vmem>>, vector<1x16xf32>,
      %get3A_366 = vector.shape_cast %get3A_365 : vector<1x16xf32> to vector<16xf32>
      %mul3A_367 = arith.mulf %broadcast_in_dim3A_86, %get3A_366 : vector<16xf32>
      %add3A_368 = arith.addf %mul3A_362, %mul3A_367 : vector<16xf32>
      %swap3A_369 = arith.index_cast %scan3A_78 : i32 to index
      %swap3A_370 = arith.constant 272 : index
      %swap3A_371 = tpu.vector_load %arg12[%swap3A_369, %swap3A_370] {strides = array<i32>} : memref<64x768xf32, #tpu.memory_space<vmem>>, vector<1x16xf32>,
      %swap3A_372 = vector.shape_cast %swap3A_371 : vector<1x16xf32> to vector<16xf32>
      %swap3A_373 = vector.shape_cast %add3A_368 : vector<16xf32> to vector<1x16xf32>
      tpu.vector_store %arg12[%swap3A_369, %swap3A_370], %swap3A_373 {strides = array<i32>} : memref<64x768xf32, #tpu.memory_space<vmem>>, vector<1x16xf32>,
      %get3A_374 = arith.index_cast %scan3A_78 : i32 to index
      %get3A_375 = arith.constant 288 : index
      %get3A_376 = tpu.vector_load %arg12[%get3A_374, %get3A_375] {strides = array<i32>} : memref<64x768xf32, #tpu.memory_space<vmem>>, vector<1x16xf32>,
      %get3A_377 = vector.shape_cast %get3A_376 : vector<1x16xf32> to vector<16xf32>
      %mul3A_378 = arith.mulf %broadcast_in_dim3A, %get3A_377 : vector<16xf32>
      %get3A_379 = arith.index_cast %scan3A_78 : i32 to index
      %get3A_380 = arith.constant 288 : index
      %get3A_381 = tpu.vector_load %arg13[%get3A_379, %get3A_380] {strides = array<i32>} : memref<64x768xf32, #tpu.memory_space<vmem>>, vector<1x16xf32>,
      %get3A_382 = vector.shape_cast %get3A_381 : vector<1x16xf32> to vector<16xf32>
      %mul3A_383 = arith.mulf %broadcast_in_dim3A_86, %get3A_382 : vector<16xf32>
      %add3A_384 = arith.addf %mul3A_378, %mul3A_383 : vector<16xf32>
      %swap3A_385 = arith.index_cast %scan3A_78 : i32 to index
      %swap3A_386 = arith.constant 288 : index
      %swap3A_387 = tpu.vector_load %arg12[%swap3A_385, %swap3A_386] {strides = array<i32>} : memref<64x768xf32, #tpu.memory_space<vmem>>, vector<1x16xf32>,
      %swap3A_388 = vector.shape_cast %swap3A_387 : vector<1x16xf32> to vector<16xf32>
      %swap3A_389 = vector.shape_cast %add3A_384 : vector<16xf32> to vector<1x16xf32>
      tpu.vector_store %arg12[%swap3A_385, %swap3A_386], %swap3A_389 {strides = array<i32>} : memref<64x768xf32, #tpu.memory_space<vmem>>, vector<1x16xf32>,
      %get3A_390 = arith.index_cast %scan3A_78 : i32 to index
      %get3A_391 = arith.constant 304 : index
      %get3A_392 = tpu.vector_load %arg12[%get3A_390, %get3A_391] {strides = array<i32>} : memref<64x768xf32, #tpu.memory_space<vmem>>, vector<1x16xf32>,
      %get3A_393 = vector.shape_cast %get3A_392 : vector<1x16xf32> to vector<16xf32>
      %mul3A_394 = arith.mulf %broadcast_in_dim3A, %get3A_393 : vector<16xf32>
      %get3A_395 = arith.index_cast %scan3A_78 : i32 to index
      %get3A_396 = arith.constant 304 : index
      %get3A_397 = tpu.vector_load %arg13[%get3A_395, %get3A_396] {strides = array<i32>} : memref<64x768xf32, #tpu.memory_space<vmem>>, vector<1x16xf32>,
      %get3A_398 = vector.shape_cast %get3A_397 : vector<1x16xf32> to vector<16xf32>
      %mul3A_399 = arith.mulf %broadcast_in_dim3A_86, %get3A_398 : vector<16xf32>
      %add3A_400 = arith.addf %mul3A_394, %mul3A_399 : vector<16xf32>
      %swap3A_401 = arith.index_cast %scan3A_78 : i32 to index
      %swap3A_402 = arith.constant 304 : index
      %swap3A_403 = tpu.vector_load %arg12[%swap3A_401, %swap3A_402] {strides = array<i32>} : memref<64x768xf32, #tpu.memory_space<vmem>>, vector<1x16xf32>,
      %swap3A_404 = vector.shape_cast %swap3A_403 : vector<1x16xf32> to vector<16xf32>
      %swap3A_405 = vector.shape_cast %add3A_400 : vector<16xf32> to vector<1x16xf32>
      tpu.vector_store %arg12[%swap3A_401, %swap3A_402], %swap3A_405 {strides = array<i32>} : memref<64x768xf32, #tpu.memory_space<vmem>>, vector<1x16xf32>,
      %get3A_406 = arith.index_cast %scan3A_78 : i32 to index
      %get3A_407 = arith.constant 320 : index
      %get3A_408 = tpu.vector_load %arg12[%get3A_406, %get3A_407] {strides = array<i32>} : memref<64x768xf32, #tpu.memory_space<vmem>>, vector<1x16xf32>,
      %get3A_409 = vector.shape_cast %get3A_408 : vector<1x16xf32> to vector<16xf32>
      %mul3A_410 = arith.mulf %broadcast_in_dim3A, %get3A_409 : vector<16xf32>
      %get3A_411 = arith.index_cast %scan3A_78 : i32 to index
      %get3A_412 = arith.constant 320 : index
      %get3A_413 = tpu.vector_load %arg13[%get3A_411, %get3A_412] {strides = array<i32>} : memref<64x768xf32, #tpu.memory_space<vmem>>, vector<1x16xf32>,
      %get3A_414 = vector.shape_cast %get3A_413 : vector<1x16xf32> to vector<16xf32>
      %mul3A_415 = arith.mulf %broadcast_in_dim3A_86, %get3A_414 : vector<16xf32>
      %add3A_416 = arith.addf %mul3A_410, %mul3A_415 : vector<16xf32>
      %swap3A_417 = arith.index_cast %scan3A_78 : i32 to index
      %swap3A_418 = arith.constant 320 : index
      %swap3A_419 = tpu.vector_load %arg12[%swap3A_417, %swap3A_418] {strides = array<i32>} : memref<64x768xf32, #tpu.memory_space<vmem>>, vector<1x16xf32>,
      %swap3A_420 = vector.shape_cast %swap3A_419 : vector<1x16xf32> to vector<16xf32>
      %swap3A_421 = vector.shape_cast %add3A_416 : vector<16xf32> to vector<1x16xf32>
      tpu.vector_store %arg12[%swap3A_417, %swap3A_418], %swap3A_421 {strides = array<i32>} : memref<64x768xf32, #tpu.memory_space<vmem>>, vector<1x16xf32>,
      %get3A_422 = arith.index_cast %scan3A_78 : i32 to index
      %get3A_423 = arith.constant 336 : index
      %get3A_424 = tpu.vector_load %arg12[%get3A_422, %get3A_423] {strides = array<i32>} : memref<64x768xf32, #tpu.memory_space<vmem>>, vector<1x16xf32>,
      %get3A_425 = vector.shape_cast %get3A_424 : vector<1x16xf32> to vector<16xf32>
      %mul3A_426 = arith.mulf %broadcast_in_dim3A, %get3A_425 : vector<16xf32>
      %get3A_427 = arith.index_cast %scan3A_78 : i32 to index
      %get3A_428 = arith.constant 336 : index
      %get3A_429 = tpu.vector_load %arg13[%get3A_427, %get3A_428] {strides = array<i32>} : memref<64x768xf32, #tpu.memory_space<vmem>>, vector<1x16xf32>,
      %get3A_430 = vector.shape_cast %get3A_429 : vector<1x16xf32> to vector<16xf32>
      %mul3A_431 = arith.mulf %broadcast_in_dim3A_86, %get3A_430 : vector<16xf32>
      %add3A_432 = arith.addf %mul3A_426, %mul3A_431 : vector<16xf32>
      %swap3A_433 = arith.index_cast %scan3A_78 : i32 to index
      %swap3A_434 = arith.constant 336 : index
      %swap3A_435 = tpu.vector_load %arg12[%swap3A_433, %swap3A_434] {strides = array<i32>} : memref<64x768xf32, #tpu.memory_space<vmem>>, vector<1x16xf32>,
      %swap3A_436 = vector.shape_cast %swap3A_435 : vector<1x16xf32> to vector<16xf32>
      %swap3A_437 = vector.shape_cast %add3A_432 : vector<16xf32> to vector<1x16xf32>
      tpu.vector_store %arg12[%swap3A_433, %swap3A_434], %swap3A_437 {strides = array<i32>} : memref<64x768xf32, #tpu.memory_space<vmem>>, vector<1x16xf32>,
      %get3A_438 = arith.index_cast %scan3A_78 : i32 to index
      %get3A_439 = arith.constant 352 : index
      %get3A_440 = tpu.vector_load %arg12[%get3A_438, %get3A_439] {strides = array<i32>} : memref<64x768xf32, #tpu.memory_space<vmem>>, vector<1x16xf32>,
      %get3A_441 = vector.shape_cast %get3A_440 : vector<1x16xf32> to vector<16xf32>
      %mul3A_442 = arith.mulf %broadcast_in_dim3A, %get3A_441 : vector<16xf32>
      %get3A_443 = arith.index_cast %scan3A_78 : i32 to index
      %get3A_444 = arith.constant 352 : index
      %get3A_445 = tpu.vector_load %arg13[%get3A_443, %get3A_444] {strides = array<i32>} : memref<64x768xf32, #tpu.memory_space<vmem>>, vector<1x16xf32>,
      %get3A_446 = vector.shape_cast %get3A_445 : vector<1x16xf32> to vector<16xf32>
      %mul3A_447 = arith.mulf %broadcast_in_dim3A_86, %get3A_446 : vector<16xf32>
      %add3A_448 = arith.addf %mul3A_442, %mul3A_447 : vector<16xf32>
      %swap3A_449 = arith.index_cast %scan3A_78 : i32 to index
      %swap3A_450 = arith.constant 352 : index
      %swap3A_451 = tpu.vector_load %arg12[%swap3A_449, %swap3A_450] {strides = array<i32>} : memref<64x768xf32, #tpu.memory_space<vmem>>, vector<1x16xf32>,
      %swap3A_452 = vector.shape_cast %swap3A_451 : vector<1x16xf32> to vector<16xf32>
      %swap3A_453 = vector.shape_cast %add3A_448 : vector<16xf32> to vector<1x16xf32>
      tpu.vector_store %arg12[%swap3A_449, %swap3A_450], %swap3A_453 {strides = array<i32>} : memref<64x768xf32, #tpu.memory_space<vmem>>, vector<1x16xf32>,
      %get3A_454 = arith.index_cast %scan3A_78 : i32 to index
      %get3A_455 = arith.constant 368 : index
      %get3A_456 = tpu.vector_load %arg12[%get3A_454, %get3A_455] {strides = array<i32>} : memref<64x768xf32, #tpu.memory_space<vmem>>, vector<1x16xf32>,
      %get3A_457 = vector.shape_cast %get3A_456 : vector<1x16xf32> to vector<16xf32>
      %mul3A_458 = arith.mulf %broadcast_in_dim3A, %get3A_457 : vector<16xf32>
      %get3A_459 = arith.index_cast %scan3A_78 : i32 to index
      %get3A_460 = arith.constant 368 : index
      %get3A_461 = tpu.vector_load %arg13[%get3A_459, %get3A_460] {strides = array<i32>} : memref<64x768xf32, #tpu.memory_space<vmem>>, vector<1x16xf32>,
      %get3A_462 = vector.shape_cast %get3A_461 : vector<1x16xf32> to vector<16xf32>
      %mul3A_463 = arith.mulf %broadcast_in_dim3A_86, %get3A_462 : vector<16xf32>
      %add3A_464 = arith.addf %mul3A_458, %mul3A_463 : vector<16xf32>
      %swap3A_465 = arith.index_cast %scan3A_78 : i32 to index
      %swap3A_466 = arith.constant 368 : index
      %swap3A_467 = tpu.vector_load %arg12[%swap3A_465, %swap3A_466] {strides = array<i32>} : memref<64x768xf32, #tpu.memory_space<vmem>>, vector<1x16xf32>,
      %swap3A_468 = vector.shape_cast %swap3A_467 : vector<1x16xf32> to vector<16xf32>
      %swap3A_469 = vector.shape_cast %add3A_464 : vector<16xf32> to vector<1x16xf32>
      tpu.vector_store %arg12[%swap3A_465, %swap3A_466], %swap3A_469 {strides = array<i32>} : memref<64x768xf32, #tpu.memory_space<vmem>>, vector<1x16xf32>,
      %get3A_470 = arith.index_cast %scan3A_78 : i32 to index
      %get3A_471 = arith.constant 384 : index
      %get3A_472 = tpu.vector_load %arg12[%get3A_470, %get3A_471] {strides = array<i32>} : memref<64x768xf32, #tpu.memory_space<vmem>>, vector<1x16xf32>,
      %get3A_473 = vector.shape_cast %get3A_472 : vector<1x16xf32> to vector<16xf32>
      %mul3A_474 = arith.mulf %broadcast_in_dim3A, %get3A_473 : vector<16xf32>
      %get3A_475 = arith.index_cast %scan3A_78 : i32 to index
      %get3A_476 = arith.constant 384 : index
      %get3A_477 = tpu.vector_load %arg13[%get3A_475, %get3A_476] {strides = array<i32>} : memref<64x768xf32, #tpu.memory_space<vmem>>, vector<1x16xf32>,
      %get3A_478 = vector.shape_cast %get3A_477 : vector<1x16xf32> to vector<16xf32>
      %mul3A_479 = arith.mulf %broadcast_in_dim3A_86, %get3A_478 : vector<16xf32>
      %add3A_480 = arith.addf %mul3A_474, %mul3A_479 : vector<16xf32>
      %swap3A_481 = arith.index_cast %scan3A_78 : i32 to index
      %swap3A_482 = arith.constant 384 : index
      %swap3A_483 = tpu.vector_load %arg12[%swap3A_481, %swap3A_482] {strides = array<i32>} : memref<64x768xf32, #tpu.memory_space<vmem>>, vector<1x16xf32>,
      %swap3A_484 = vector.shape_cast %swap3A_483 : vector<1x16xf32> to vector<16xf32>
      %swap3A_485 = vector.shape_cast %add3A_480 : vector<16xf32> to vector<1x16xf32>
      tpu.vector_store %arg12[%swap3A_481, %swap3A_482], %swap3A_485 {strides = array<i32>} : memref<64x768xf32, #tpu.memory_space<vmem>>, vector<1x16xf32>,
      %get3A_486 = arith.index_cast %scan3A_78 : i32 to index
      %get3A_487 = arith.constant 400 : index
      %get3A_488 = tpu.vector_load %arg12[%get3A_486, %get3A_487] {strides = array<i32>} : memref<64x768xf32, #tpu.memory_space<vmem>>, vector<1x16xf32>,
      %get3A_489 = vector.shape_cast %get3A_488 : vector<1x16xf32> to vector<16xf32>
      %mul3A_490 = arith.mulf %broadcast_in_dim3A, %get3A_489 : vector<16xf32>
      %get3A_491 = arith.index_cast %scan3A_78 : i32 to index
      %get3A_492 = arith.constant 400 : index
      %get3A_493 = tpu.vector_load %arg13[%get3A_491, %get3A_492] {strides = array<i32>} : memref<64x768xf32, #tpu.memory_space<vmem>>, vector<1x16xf32>,
      %get3A_494 = vector.shape_cast %get3A_493 : vector<1x16xf32> to vector<16xf32>
      %mul3A_495 = arith.mulf %broadcast_in_dim3A_86, %get3A_494 : vector<16xf32>
      %add3A_496 = arith.addf %mul3A_490, %mul3A_495 : vector<16xf32>
      %swap3A_497 = arith.index_cast %scan3A_78 : i32 to index
      %swap3A_498 = arith.constant 400 : index
      %swap3A_499 = tpu.vector_load %arg12[%swap3A_497, %swap3A_498] {strides = array<i32>} : memref<64x768xf32, #tpu.memory_space<vmem>>, vector<1x16xf32>,
      %swap3A_500 = vector.shape_cast %swap3A_499 : vector<1x16xf32> to vector<16xf32>
      %swap3A_501 = vector.shape_cast %add3A_496 : vector<16xf32> to vector<1x16xf32>
      tpu.vector_store %arg12[%swap3A_497, %swap3A_498], %swap3A_501 {strides = array<i32>} : memref<64x768xf32, #tpu.memory_space<vmem>>, vector<1x16xf32>,
      %get3A_502 = arith.index_cast %scan3A_78 : i32 to index
      %get3A_503 = arith.constant 416 : index
      %get3A_504 = tpu.vector_load %arg12[%get3A_502, %get3A_503] {strides = array<i32>} : memref<64x768xf32, #tpu.memory_space<vmem>>, vector<1x16xf32>,
      %get3A_505 = vector.shape_cast %get3A_504 : vector<1x16xf32> to vector<16xf32>
      %mul3A_506 = arith.mulf %broadcast_in_dim3A, %get3A_505 : vector<16xf32>
      %get3A_507 = arith.index_cast %scan3A_78 : i32 to index
      %get3A_508 = arith.constant 416 : index
      %get3A_509 = tpu.vector_load %arg13[%get3A_507, %get3A_508] {strides = array<i32>} : memref<64x768xf32, #tpu.memory_space<vmem>>, vector<1x16xf32>,
      %get3A_510 = vector.shape_cast %get3A_509 : vector<1x16xf32> to vector<16xf32>
      %mul3A_511 = arith.mulf %broadcast_in_dim3A_86, %get3A_510 : vector<16xf32>
      %add3A_512 = arith.addf %mul3A_506, %mul3A_511 : vector<16xf32>
      %swap3A_513 = arith.index_cast %scan3A_78 : i32 to index
      %swap3A_514 = arith.constant 416 : index
      %swap3A_515 = tpu.vector_load %arg12[%swap3A_513, %swap3A_514] {strides = array<i32>} : memref<64x768xf32, #tpu.memory_space<vmem>>, vector<1x16xf32>,
      %swap3A_516 = vector.shape_cast %swap3A_515 : vector<1x16xf32> to vector<16xf32>
      %swap3A_517 = vector.shape_cast %add3A_512 : vector<16xf32> to vector<1x16xf32>
      tpu.vector_store %arg12[%swap3A_513, %swap3A_514], %swap3A_517 {strides = array<i32>} : memref<64x768xf32, #tpu.memory_space<vmem>>, vector<1x16xf32>,
      %get3A_518 = arith.index_cast %scan3A_78 : i32 to index
      %get3A_519 = arith.constant 432 : index
      %get3A_520 = tpu.vector_load %arg12[%get3A_518, %get3A_519] {strides = array<i32>} : memref<64x768xf32, #tpu.memory_space<vmem>>, vector<1x16xf32>,
      %get3A_521 = vector.shape_cast %get3A_520 : vector<1x16xf32> to vector<16xf32>
      %mul3A_522 = arith.mulf %broadcast_in_dim3A, %get3A_521 : vector<16xf32>
      %get3A_523 = arith.index_cast %scan3A_78 : i32 to index
      %get3A_524 = arith.constant 432 : index
      %get3A_525 = tpu.vector_load %arg13[%get3A_523, %get3A_524] {strides = array<i32>} : memref<64x768xf32, #tpu.memory_space<vmem>>, vector<1x16xf32>,
      %get3A_526 = vector.shape_cast %get3A_525 : vector<1x16xf32> to vector<16xf32>
      %mul3A_527 = arith.mulf %broadcast_in_dim3A_86, %get3A_526 : vector<16xf32>
      %add3A_528 = arith.addf %mul3A_522, %mul3A_527 : vector<16xf32>
      %swap3A_529 = arith.index_cast %scan3A_78 : i32 to index
      %swap3A_530 = arith.constant 432 : index
      %swap3A_531 = tpu.vector_load %arg12[%swap3A_529, %swap3A_530] {strides = array<i32>} : memref<64x768xf32, #tpu.memory_space<vmem>>, vector<1x16xf32>,
      %swap3A_532 = vector.shape_cast %swap3A_531 : vector<1x16xf32> to vector<16xf32>
      %swap3A_533 = vector.shape_cast %add3A_528 : vector<16xf32> to vector<1x16xf32>
      tpu.vector_store %arg12[%swap3A_529, %swap3A_530], %swap3A_533 {strides = array<i32>} : memref<64x768xf32, #tpu.memory_space<vmem>>, vector<1x16xf32>,
      %get3A_534 = arith.index_cast %scan3A_78 : i32 to index
      %get3A_535 = arith.constant 448 : index
      %get3A_536 = tpu.vector_load %arg12[%get3A_534, %get3A_535] {strides = array<i32>} : memref<64x768xf32, #tpu.memory_space<vmem>>, vector<1x16xf32>,
      %get3A_537 = vector.shape_cast %get3A_536 : vector<1x16xf32> to vector<16xf32>
      %mul3A_538 = arith.mulf %broadcast_in_dim3A, %get3A_537 : vector<16xf32>
      %get3A_539 = arith.index_cast %scan3A_78 : i32 to index
      %get3A_540 = arith.constant 448 : index
      %get3A_541 = tpu.vector_load %arg13[%get3A_539, %get3A_540] {strides = array<i32>} : memref<64x768xf32, #tpu.memory_space<vmem>>, vector<1x16xf32>,
      %get3A_542 = vector.shape_cast %get3A_541 : vector<1x16xf32> to vector<16xf32>
      %mul3A_543 = arith.mulf %broadcast_in_dim3A_86, %get3A_542 : vector<16xf32>
      %add3A_544 = arith.addf %mul3A_538, %mul3A_543 : vector<16xf32>
      %swap3A_545 = arith.index_cast %scan3A_78 : i32 to index
      %swap3A_546 = arith.constant 448 : index
      %swap3A_547 = tpu.vector_load %arg12[%swap3A_545, %swap3A_546] {strides = array<i32>} : memref<64x768xf32, #tpu.memory_space<vmem>>, vector<1x16xf32>,
      %swap3A_548 = vector.shape_cast %swap3A_547 : vector<1x16xf32> to vector<16xf32>
      %swap3A_549 = vector.shape_cast %add3A_544 : vector<16xf32> to vector<1x16xf32>
      tpu.vector_store %arg12[%swap3A_545, %swap3A_546], %swap3A_549 {strides = array<i32>} : memref<64x768xf32, #tpu.memory_space<vmem>>, vector<1x16xf32>,
      %get3A_550 = arith.index_cast %scan3A_78 : i32 to index
      %get3A_551 = arith.constant 464 : index
      %get3A_552 = tpu.vector_load %arg12[%get3A_550, %get3A_551] {strides = array<i32>} : memref<64x768xf32, #tpu.memory_space<vmem>>, vector<1x16xf32>,
      %get3A_553 = vector.shape_cast %get3A_552 : vector<1x16xf32> to vector<16xf32>
      %mul3A_554 = arith.mulf %broadcast_in_dim3A, %get3A_553 : vector<16xf32>
      %get3A_555 = arith.index_cast %scan3A_78 : i32 to index
      %get3A_556 = arith.constant 464 : index
      %get3A_557 = tpu.vector_load %arg13[%get3A_555, %get3A_556] {strides = array<i32>} : memref<64x768xf32, #tpu.memory_space<vmem>>, vector<1x16xf32>,
      %get3A_558 = vector.shape_cast %get3A_557 : vector<1x16xf32> to vector<16xf32>
      %mul3A_559 = arith.mulf %broadcast_in_dim3A_86, %get3A_558 : vector<16xf32>
      %add3A_560 = arith.addf %mul3A_554, %mul3A_559 : vector<16xf32>
      %swap3A_561 = arith.index_cast %scan3A_78 : i32 to index
      %swap3A_562 = arith.constant 464 : index
      %swap3A_563 = tpu.vector_load %arg12[%swap3A_561, %swap3A_562] {strides = array<i32>} : memref<64x768xf32, #tpu.memory_space<vmem>>, vector<1x16xf32>,
      %swap3A_564 = vector.shape_cast %swap3A_563 : vector<1x16xf32> to vector<16xf32>
      %swap3A_565 = vector.shape_cast %add3A_560 : vector<16xf32> to vector<1x16xf32>
      tpu.vector_store %arg12[%swap3A_561, %swap3A_562], %swap3A_565 {strides = array<i32>} : memref<64x768xf32, #tpu.memory_space<vmem>>, vector<1x16xf32>,
      %get3A_566 = arith.index_cast %scan3A_78 : i32 to index
      %get3A_567 = arith.constant 480 : index
      %get3A_568 = tpu.vector_load %arg12[%get3A_566, %get3A_567] {strides = array<i32>} : memref<64x768xf32, #tpu.memory_space<vmem>>, vector<1x16xf32>,
      %get3A_569 = vector.shape_cast %get3A_568 : vector<1x16xf32> to vector<16xf32>
      %mul3A_570 = arith.mulf %broadcast_in_dim3A, %get3A_569 : vector<16xf32>
      %get3A_571 = arith.index_cast %scan3A_78 : i32 to index
      %get3A_572 = arith.constant 480 : index
      %get3A_573 = tpu.vector_load %arg13[%get3A_571, %get3A_572] {strides = array<i32>} : memref<64x768xf32, #tpu.memory_space<vmem>>, vector<1x16xf32>,
      %get3A_574 = vector.shape_cast %get3A_573 : vector<1x16xf32> to vector<16xf32>
      %mul3A_575 = arith.mulf %broadcast_in_dim3A_86, %get3A_574 : vector<16xf32>
      %add3A_576 = arith.addf %mul3A_570, %mul3A_575 : vector<16xf32>
      %swap3A_577 = arith.index_cast %scan3A_78 : i32 to index
      %swap3A_578 = arith.constant 480 : index
      %swap3A_579 = tpu.vector_load %arg12[%swap3A_577, %swap3A_578] {strides = array<i32>} : memref<64x768xf32, #tpu.memory_space<vmem>>, vector<1x16xf32>,
      %swap3A_580 = vector.shape_cast %swap3A_579 : vector<1x16xf32> to vector<16xf32>
      %swap3A_581 = vector.shape_cast %add3A_576 : vector<16xf32> to vector<1x16xf32>
      tpu.vector_store %arg12[%swap3A_577, %swap3A_578], %swap3A_581 {strides = array<i32>} : memref<64x768xf32, #tpu.memory_space<vmem>>, vector<1x16xf32>,
      %get3A_582 = arith.index_cast %scan3A_78 : i32 to index
      %get3A_583 = arith.constant 496 : index
      %get3A_584 = tpu.vector_load %arg12[%get3A_582, %get3A_583] {strides = array<i32>} : memref<64x768xf32, #tpu.memory_space<vmem>>, vector<1x16xf32>,
      %get3A_585 = vector.shape_cast %get3A_584 : vector<1x16xf32> to vector<16xf32>
      %mul3A_586 = arith.mulf %broadcast_in_dim3A, %get3A_585 : vector<16xf32>
      %get3A_587 = arith.index_cast %scan3A_78 : i32 to index
      %get3A_588 = arith.constant 496 : index
      %get3A_589 = tpu.vector_load %arg13[%get3A_587, %get3A_588] {strides = array<i32>} : memref<64x768xf32, #tpu.memory_space<vmem>>, vector<1x16xf32>,
      %get3A_590 = vector.shape_cast %get3A_589 : vector<1x16xf32> to vector<16xf32>
      %mul3A_591 = arith.mulf %broadcast_in_dim3A_86, %get3A_590 : vector<16xf32>
      %add3A_592 = arith.addf %mul3A_586, %mul3A_591 : vector<16xf32>
      %swap3A_593 = arith.index_cast %scan3A_78 : i32 to index
      %swap3A_594 = arith.constant 496 : index
      %swap3A_595 = tpu.vector_load %arg12[%swap3A_593, %swap3A_594] {strides = array<i32>} : memref<64x768xf32, #tpu.memory_space<vmem>>, vector<1x16xf32>,
      %swap3A_596 = vector.shape_cast %swap3A_595 : vector<1x16xf32> to vector<16xf32>
      %swap3A_597 = vector.shape_cast %add3A_592 : vector<16xf32> to vector<1x16xf32>
      tpu.vector_store %arg12[%swap3A_593, %swap3A_594], %swap3A_597 {strides = array<i32>} : memref<64x768xf32, #tpu.memory_space<vmem>>, vector<1x16xf32>,
      %get3A_598 = arith.index_cast %scan3A_78 : i32 to index
      %get3A_599 = arith.constant 512 : index
      %get3A_600 = tpu.vector_load %arg12[%get3A_598, %get3A_599] {strides = array<i32>} : memref<64x768xf32, #tpu.memory_space<vmem>>, vector<1x16xf32>,
      %get3A_601 = vector.shape_cast %get3A_600 : vector<1x16xf32> to vector<16xf32>
      %mul3A_602 = arith.mulf %broadcast_in_dim3A, %get3A_601 : vector<16xf32>
      %get3A_603 = arith.index_cast %scan3A_78 : i32 to index
      %get3A_604 = arith.constant 512 : index
      %get3A_605 = tpu.vector_load %arg13[%get3A_603, %get3A_604] {strides = array<i32>} : memref<64x768xf32, #tpu.memory_space<vmem>>, vector<1x16xf32>,
      %get3A_606 = vector.shape_cast %get3A_605 : vector<1x16xf32> to vector<16xf32>
      %mul3A_607 = arith.mulf %broadcast_in_dim3A_86, %get3A_606 : vector<16xf32>
      %add3A_608 = arith.addf %mul3A_602, %mul3A_607 : vector<16xf32>
      %swap3A_609 = arith.index_cast %scan3A_78 : i32 to index
      %swap3A_610 = arith.constant 512 : index
      %swap3A_611 = tpu.vector_load %arg12[%swap3A_609, %swap3A_610] {strides = array<i32>} : memref<64x768xf32, #tpu.memory_space<vmem>>, vector<1x16xf32>,
      %swap3A_612 = vector.shape_cast %swap3A_611 : vector<1x16xf32> to vector<16xf32>
      %swap3A_613 = vector.shape_cast %add3A_608 : vector<16xf32> to vector<1x16xf32>
      tpu.vector_store %arg12[%swap3A_609, %swap3A_610], %swap3A_613 {strides = array<i32>} : memref<64x768xf32, #tpu.memory_space<vmem>>, vector<1x16xf32>,
      %get3A_614 = arith.index_cast %scan3A_78 : i32 to index
      %get3A_615 = arith.constant 528 : index
      %get3A_616 = tpu.vector_load %arg12[%get3A_614, %get3A_615] {strides = array<i32>} : memref<64x768xf32, #tpu.memory_space<vmem>>, vector<1x16xf32>,
      %get3A_617 = vector.shape_cast %get3A_616 : vector<1x16xf32> to vector<16xf32>
      %mul3A_618 = arith.mulf %broadcast_in_dim3A, %get3A_617 : vector<16xf32>
      %get3A_619 = arith.index_cast %scan3A_78 : i32 to index
      %get3A_620 = arith.constant 528 : index
      %get3A_621 = tpu.vector_load %arg13[%get3A_619, %get3A_620] {strides = array<i32>} : memref<64x768xf32, #tpu.memory_space<vmem>>, vector<1x16xf32>,
      %get3A_622 = vector.shape_cast %get3A_621 : vector<1x16xf32> to vector<16xf32>
      %mul3A_623 = arith.mulf %broadcast_in_dim3A_86, %get3A_622 : vector<16xf32>
      %add3A_624 = arith.addf %mul3A_618, %mul3A_623 : vector<16xf32>
      %swap3A_625 = arith.index_cast %scan3A_78 : i32 to index
      %swap3A_626 = arith.constant 528 : index
      %swap3A_627 = tpu.vector_load %arg12[%swap3A_625, %swap3A_626] {strides = array<i32>} : memref<64x768xf32, #tpu.memory_space<vmem>>, vector<1x16xf32>,
      %swap3A_628 = vector.shape_cast %swap3A_627 : vector<1x16xf32> to vector<16xf32>
      %swap3A_629 = vector.shape_cast %add3A_624 : vector<16xf32> to vector<1x16xf32>
      tpu.vector_store %arg12[%swap3A_625, %swap3A_626], %swap3A_629 {strides = array<i32>} : memref<64x768xf32, #tpu.memory_space<vmem>>, vector<1x16xf32>,
      %get3A_630 = arith.index_cast %scan3A_78 : i32 to index
      %get3A_631 = arith.constant 544 : index
      %get3A_632 = tpu.vector_load %arg12[%get3A_630, %get3A_631] {strides = array<i32>} : memref<64x768xf32, #tpu.memory_space<vmem>>, vector<1x16xf32>,
      %get3A_633 = vector.shape_cast %get3A_632 : vector<1x16xf32> to vector<16xf32>
      %mul3A_634 = arith.mulf %broadcast_in_dim3A, %get3A_633 : vector<16xf32>
      %get3A_635 = arith.index_cast %scan3A_78 : i32 to index
      %get3A_636 = arith.constant 544 : index
      %get3A_637 = tpu.vector_load %arg13[%get3A_635, %get3A_636] {strides = array<i32>} : memref<64x768xf32, #tpu.memory_space<vmem>>, vector<1x16xf32>,
      %get3A_638 = vector.shape_cast %get3A_637 : vector<1x16xf32> to vector<16xf32>
      %mul3A_639 = arith.mulf %broadcast_in_dim3A_86, %get3A_638 : vector<16xf32>
      %add3A_640 = arith.addf %mul3A_634, %mul3A_639 : vector<16xf32>
      %swap3A_641 = arith.index_cast %scan3A_78 : i32 to index
      %swap3A_642 = arith.constant 544 : index
      %swap3A_643 = tpu.vector_load %arg12[%swap3A_641, %swap3A_642] {strides = array<i32>} : memref<64x768xf32, #tpu.memory_space<vmem>>, vector<1x16xf32>,
      %swap3A_644 = vector.shape_cast %swap3A_643 : vector<1x16xf32> to vector<16xf32>
      %swap3A_645 = vector.shape_cast %add3A_640 : vector<16xf32> to vector<1x16xf32>
      tpu.vector_store %arg12[%swap3A_641, %swap3A_642], %swap3A_645 {strides = array<i32>} : memref<64x768xf32, #tpu.memory_space<vmem>>, vector<1x16xf32>,
      %get3A_646 = arith.index_cast %scan3A_78 : i32 to index
      %get3A_647 = arith.constant 560 : index
      %get3A_648 = tpu.vector_load %arg12[%get3A_646, %get3A_647] {strides = array<i32>} : memref<64x768xf32, #tpu.memory_space<vmem>>, vector<1x16xf32>,
      %get3A_649 = vector.shape_cast %get3A_648 : vector<1x16xf32> to vector<16xf32>
      %mul3A_650 = arith.mulf %broadcast_in_dim3A, %get3A_649 : vector<16xf32>
      %get3A_651 = arith.index_cast %scan3A_78 : i32 to index
      %get3A_652 = arith.constant 560 : index
      %get3A_653 = tpu.vector_load %arg13[%get3A_651, %get3A_652] {strides = array<i32>} : memref<64x768xf32, #tpu.memory_space<vmem>>, vector<1x16xf32>,
      %get3A_654 = vector.shape_cast %get3A_653 : vector<1x16xf32> to vector<16xf32>
      %mul3A_655 = arith.mulf %broadcast_in_dim3A_86, %get3A_654 : vector<16xf32>
      %add3A_656 = arith.addf %mul3A_650, %mul3A_655 : vector<16xf32>
      %swap3A_657 = arith.index_cast %scan3A_78 : i32 to index
      %swap3A_658 = arith.constant 560 : index
      %swap3A_659 = tpu.vector_load %arg12[%swap3A_657, %swap3A_658] {strides = array<i32>} : memref<64x768xf32, #tpu.memory_space<vmem>>, vector<1x16xf32>,
      %swap3A_660 = vector.shape_cast %swap3A_659 : vector<1x16xf32> to vector<16xf32>
      %swap3A_661 = vector.shape_cast %add3A_656 : vector<16xf32> to vector<1x16xf32>
      tpu.vector_store %arg12[%swap3A_657, %swap3A_658], %swap3A_661 {strides = array<i32>} : memref<64x768xf32, #tpu.memory_space<vmem>>, vector<1x16xf32>,
      %get3A_662 = arith.index_cast %scan3A_78 : i32 to index
      %get3A_663 = arith.constant 576 : index
      %get3A_664 = tpu.vector_load %arg12[%get3A_662, %get3A_663] {strides = array<i32>} : memref<64x768xf32, #tpu.memory_space<vmem>>, vector<1x16xf32>,
      %get3A_665 = vector.shape_cast %get3A_664 : vector<1x16xf32> to vector<16xf32>
      %mul3A_666 = arith.mulf %broadcast_in_dim3A, %get3A_665 : vector<16xf32>
      %get3A_667 = arith.index_cast %scan3A_78 : i32 to index
      %get3A_668 = arith.constant 576 : index
      %get3A_669 = tpu.vector_load %arg13[%get3A_667, %get3A_668] {strides = array<i32>} : memref<64x768xf32, #tpu.memory_space<vmem>>, vector<1x16xf32>,
      %get3A_670 = vector.shape_cast %get3A_669 : vector<1x16xf32> to vector<16xf32>
      %mul3A_671 = arith.mulf %broadcast_in_dim3A_86, %get3A_670 : vector<16xf32>
      %add3A_672 = arith.addf %mul3A_666, %mul3A_671 : vector<16xf32>
      %swap3A_673 = arith.index_cast %scan3A_78 : i32 to index
      %swap3A_674 = arith.constant 576 : index
      %swap3A_675 = tpu.vector_load %arg12[%swap3A_673, %swap3A_674] {strides = array<i32>} : memref<64x768xf32, #tpu.memory_space<vmem>>, vector<1x16xf32>,
      %swap3A_676 = vector.shape_cast %swap3A_675 : vector<1x16xf32> to vector<16xf32>
      %swap3A_677 = vector.shape_cast %add3A_672 : vector<16xf32> to vector<1x16xf32>
      tpu.vector_store %arg12[%swap3A_673, %swap3A_674], %swap3A_677 {strides = array<i32>} : memref<64x768xf32, #tpu.memory_space<vmem>>, vector<1x16xf32>,
      %get3A_678 = arith.index_cast %scan3A_78 : i32 to index
      %get3A_679 = arith.constant 592 : index
      %get3A_680 = tpu.vector_load %arg12[%get3A_678, %get3A_679] {strides = array<i32>} : memref<64x768xf32, #tpu.memory_space<vmem>>, vector<1x16xf32>,
      %get3A_681 = vector.shape_cast %get3A_680 : vector<1x16xf32> to vector<16xf32>
      %mul3A_682 = arith.mulf %broadcast_in_dim3A, %get3A_681 : vector<16xf32>
      %get3A_683 = arith.index_cast %scan3A_78 : i32 to index
      %get3A_684 = arith.constant 592 : index
      %get3A_685 = tpu.vector_load %arg13[%get3A_683, %get3A_684] {strides = array<i32>} : memref<64x768xf32, #tpu.memory_space<vmem>>, vector<1x16xf32>,
      %get3A_686 = vector.shape_cast %get3A_685 : vector<1x16xf32> to vector<16xf32>
      %mul3A_687 = arith.mulf %broadcast_in_dim3A_86, %get3A_686 : vector<16xf32>
      %add3A_688 = arith.addf %mul3A_682, %mul3A_687 : vector<16xf32>
      %swap3A_689 = arith.index_cast %scan3A_78 : i32 to index
      %swap3A_690 = arith.constant 592 : index
      %swap3A_691 = tpu.vector_load %arg12[%swap3A_689, %swap3A_690] {strides = array<i32>} : memref<64x768xf32, #tpu.memory_space<vmem>>, vector<1x16xf32>,
      %swap3A_692 = vector.shape_cast %swap3A_691 : vector<1x16xf32> to vector<16xf32>
      %swap3A_693 = vector.shape_cast %add3A_688 : vector<16xf32> to vector<1x16xf32>
      tpu.vector_store %arg12[%swap3A_689, %swap3A_690], %swap3A_693 {strides = array<i32>} : memref<64x768xf32, #tpu.memory_space<vmem>>, vector<1x16xf32>,
      %get3A_694 = arith.index_cast %scan3A_78 : i32 to index
      %get3A_695 = arith.constant 608 : index
      %get3A_696 = tpu.vector_load %arg12[%get3A_694, %get3A_695] {strides = array<i32>} : memref<64x768xf32, #tpu.memory_space<vmem>>, vector<1x16xf32>,
      %get3A_697 = vector.shape_cast %get3A_696 : vector<1x16xf32> to vector<16xf32>
      %mul3A_698 = arith.mulf %broadcast_in_dim3A, %get3A_697 : vector<16xf32>
      %get3A_699 = arith.index_cast %scan3A_78 : i32 to index
      %get3A_700 = arith.constant 608 : index
      %get3A_701 = tpu.vector_load %arg13[%get3A_699, %get3A_700] {strides = array<i32>} : memref<64x768xf32, #tpu.memory_space<vmem>>, vector<1x16xf32>,
      %get3A_702 = vector.shape_cast %get3A_701 : vector<1x16xf32> to vector<16xf32>
      %mul3A_703 = arith.mulf %broadcast_in_dim3A_86, %get3A_702 : vector<16xf32>
      %add3A_704 = arith.addf %mul3A_698, %mul3A_703 : vector<16xf32>
      %swap3A_705 = arith.index_cast %scan3A_78 : i32 to index
      %swap3A_706 = arith.constant 608 : index
      %swap3A_707 = tpu.vector_load %arg12[%swap3A_705, %swap3A_706] {strides = array<i32>} : memref<64x768xf32, #tpu.memory_space<vmem>>, vector<1x16xf32>,
      %swap3A_708 = vector.shape_cast %swap3A_707 : vector<1x16xf32> to vector<16xf32>
      %swap3A_709 = vector.shape_cast %add3A_704 : vector<16xf32> to vector<1x16xf32>
      tpu.vector_store %arg12[%swap3A_705, %swap3A_706], %swap3A_709 {strides = array<i32>} : memref<64x768xf32, #tpu.memory_space<vmem>>, vector<1x16xf32>,
      %get3A_710 = arith.index_cast %scan3A_78 : i32 to index
      %get3A_711 = arith.constant 624 : index
      %get3A_712 = tpu.vector_load %arg12[%get3A_710, %get3A_711] {strides = array<i32>} : memref<64x768xf32, #tpu.memory_space<vmem>>, vector<1x16xf32>,
      %get3A_713 = vector.shape_cast %get3A_712 : vector<1x16xf32> to vector<16xf32>
      %mul3A_714 = arith.mulf %broadcast_in_dim3A, %get3A_713 : vector<16xf32>
      %get3A_715 = arith.index_cast %scan3A_78 : i32 to index
      %get3A_716 = arith.constant 624 : index
      %get3A_717 = tpu.vector_load %arg13[%get3A_715, %get3A_716] {strides = array<i32>} : memref<64x768xf32, #tpu.memory_space<vmem>>, vector<1x16xf32>,
      %get3A_718 = vector.shape_cast %get3A_717 : vector<1x16xf32> to vector<16xf32>
      %mul3A_719 = arith.mulf %broadcast_in_dim3A_86, %get3A_718 : vector<16xf32>
      %add3A_720 = arith.addf %mul3A_714, %mul3A_719 : vector<16xf32>
      %swap3A_721 = arith.index_cast %scan3A_78 : i32 to index
      %swap3A_722 = arith.constant 624 : index
      %swap3A_723 = tpu.vector_load %arg12[%swap3A_721, %swap3A_722] {strides = array<i32>} : memref<64x768xf32, #tpu.memory_space<vmem>>, vector<1x16xf32>,
      %swap3A_724 = vector.shape_cast %swap3A_723 : vector<1x16xf32> to vector<16xf32>
      %swap3A_725 = vector.shape_cast %add3A_720 : vector<16xf32> to vector<1x16xf32>
      tpu.vector_store %arg12[%swap3A_721, %swap3A_722], %swap3A_725 {strides = array<i32>} : memref<64x768xf32, #tpu.memory_space<vmem>>, vector<1x16xf32>,
      %get3A_726 = arith.index_cast %scan3A_78 : i32 to index
      %get3A_727 = arith.constant 640 : index
      %get3A_728 = tpu.vector_load %arg12[%get3A_726, %get3A_727] {strides = array<i32>} : memref<64x768xf32, #tpu.memory_space<vmem>>, vector<1x16xf32>,
      %get3A_729 = vector.shape_cast %get3A_728 : vector<1x16xf32> to vector<16xf32>
      %mul3A_730 = arith.mulf %broadcast_in_dim3A, %get3A_729 : vector<16xf32>
      %get3A_731 = arith.index_cast %scan3A_78 : i32 to index
      %get3A_732 = arith.constant 640 : index
      %get3A_733 = tpu.vector_load %arg13[%get3A_731, %get3A_732] {strides = array<i32>} : memref<64x768xf32, #tpu.memory_space<vmem>>, vector<1x16xf32>,
      %get3A_734 = vector.shape_cast %get3A_733 : vector<1x16xf32> to vector<16xf32>
      %mul3A_735 = arith.mulf %broadcast_in_dim3A_86, %get3A_734 : vector<16xf32>
      %add3A_736 = arith.addf %mul3A_730, %mul3A_735 : vector<16xf32>
      %swap3A_737 = arith.index_cast %scan3A_78 : i32 to index
      %swap3A_738 = arith.constant 640 : index
      %swap3A_739 = tpu.vector_load %arg12[%swap3A_737, %swap3A_738] {strides = array<i32>} : memref<64x768xf32, #tpu.memory_space<vmem>>, vector<1x16xf32>,
      %swap3A_740 = vector.shape_cast %swap3A_739 : vector<1x16xf32> to vector<16xf32>
      %swap3A_741 = vector.shape_cast %add3A_736 : vector<16xf32> to vector<1x16xf32>
      tpu.vector_store %arg12[%swap3A_737, %swap3A_738], %swap3A_741 {strides = array<i32>} : memref<64x768xf32, #tpu.memory_space<vmem>>, vector<1x16xf32>,
      %get3A_742 = arith.index_cast %scan3A_78 : i32 to index
      %get3A_743 = arith.constant 656 : index
      %get3A_744 = tpu.vector_load %arg12[%get3A_742, %get3A_743] {strides = array<i32>} : memref<64x768xf32, #tpu.memory_space<vmem>>, vector<1x16xf32>,
      %get3A_745 = vector.shape_cast %get3A_744 : vector<1x16xf32> to vector<16xf32>
      %mul3A_746 = arith.mulf %broadcast_in_dim3A, %get3A_745 : vector<16xf32>
      %get3A_747 = arith.index_cast %scan3A_78 : i32 to index
      %get3A_748 = arith.constant 656 : index
      %get3A_749 = tpu.vector_load %arg13[%get3A_747, %get3A_748] {strides = array<i32>} : memref<64x768xf32, #tpu.memory_space<vmem>>, vector<1x16xf32>,
      %get3A_750 = vector.shape_cast %get3A_749 : vector<1x16xf32> to vector<16xf32>
      %mul3A_751 = arith.mulf %broadcast_in_dim3A_86, %get3A_750 : vector<16xf32>
      %add3A_752 = arith.addf %mul3A_746, %mul3A_751 : vector<16xf32>
      %swap3A_753 = arith.index_cast %scan3A_78 : i32 to index
      %swap3A_754 = arith.constant 656 : index
      %swap3A_755 = tpu.vector_load %arg12[%swap3A_753, %swap3A_754] {strides = array<i32>} : memref<64x768xf32, #tpu.memory_space<vmem>>, vector<1x16xf32>,
      %swap3A_756 = vector.shape_cast %swap3A_755 : vector<1x16xf32> to vector<16xf32>
      %swap3A_757 = vector.shape_cast %add3A_752 : vector<16xf32> to vector<1x16xf32>
      tpu.vector_store %arg12[%swap3A_753, %swap3A_754], %swap3A_757 {strides = array<i32>} : memref<64x768xf32, #tpu.memory_space<vmem>>, vector<1x16xf32>,
      %get3A_758 = arith.index_cast %scan3A_78 : i32 to index
      %get3A_759 = arith.constant 672 : index
      %get3A_760 = tpu.vector_load %arg12[%get3A_758, %get3A_759] {strides = array<i32>} : memref<64x768xf32, #tpu.memory_space<vmem>>, vector<1x16xf32>,
      %get3A_761 = vector.shape_cast %get3A_760 : vector<1x16xf32> to vector<16xf32>
      %mul3A_762 = arith.mulf %broadcast_in_dim3A, %get3A_761 : vector<16xf32>
      %get3A_763 = arith.index_cast %scan3A_78 : i32 to index
      %get3A_764 = arith.constant 672 : index
      %get3A_765 = tpu.vector_load %arg13[%get3A_763, %get3A_764] {strides = array<i32>} : memref<64x768xf32, #tpu.memory_space<vmem>>, vector<1x16xf32>,
      %get3A_766 = vector.shape_cast %get3A_765 : vector<1x16xf32> to vector<16xf32>
      %mul3A_767 = arith.mulf %broadcast_in_dim3A_86, %get3A_766 : vector<16xf32>
      %add3A_768 = arith.addf %mul3A_762, %mul3A_767 : vector<16xf32>
      %swap3A_769 = arith.index_cast %scan3A_78 : i32 to index
      %swap3A_770 = arith.constant 672 : index
      %swap3A_771 = tpu.vector_load %arg12[%swap3A_769, %swap3A_770] {strides = array<i32>} : memref<64x768xf32, #tpu.memory_space<vmem>>, vector<1x16xf32>,
      %swap3A_772 = vector.shape_cast %swap3A_771 : vector<1x16xf32> to vector<16xf32>
      %swap3A_773 = vector.shape_cast %add3A_768 : vector<16xf32> to vector<1x16xf32>
      tpu.vector_store %arg12[%swap3A_769, %swap3A_770], %swap3A_773 {strides = array<i32>} : memref<64x768xf32, #tpu.memory_space<vmem>>, vector<1x16xf32>,
      %get3A_774 = arith.index_cast %scan3A_78 : i32 to index
      %get3A_775 = arith.constant 688 : index
      %get3A_776 = tpu.vector_load %arg12[%get3A_774, %get3A_775] {strides = array<i32>} : memref<64x768xf32, #tpu.memory_space<vmem>>, vector<1x16xf32>,
      %get3A_777 = vector.shape_cast %get3A_776 : vector<1x16xf32> to vector<16xf32>
      %mul3A_778 = arith.mulf %broadcast_in_dim3A, %get3A_777 : vector<16xf32>
      %get3A_779 = arith.index_cast %scan3A_78 : i32 to index
      %get3A_780 = arith.constant 688 : index
      %get3A_781 = tpu.vector_load %arg13[%get3A_779, %get3A_780] {strides = array<i32>} : memref<64x768xf32, #tpu.memory_space<vmem>>, vector<1x16xf32>,
      %get3A_782 = vector.shape_cast %get3A_781 : vector<1x16xf32> to vector<16xf32>
      %mul3A_783 = arith.mulf %broadcast_in_dim3A_86, %get3A_782 : vector<16xf32>
      %add3A_784 = arith.addf %mul3A_778, %mul3A_783 : vector<16xf32>
      %swap3A_785 = arith.index_cast %scan3A_78 : i32 to index
      %swap3A_786 = arith.constant 688 : index
      %swap3A_787 = tpu.vector_load %arg12[%swap3A_785, %swap3A_786] {strides = array<i32>} : memref<64x768xf32, #tpu.memory_space<vmem>>, vector<1x16xf32>,
      %swap3A_788 = vector.shape_cast %swap3A_787 : vector<1x16xf32> to vector<16xf32>
      %swap3A_789 = vector.shape_cast %add3A_784 : vector<16xf32> to vector<1x16xf32>
      tpu.vector_store %arg12[%swap3A_785, %swap3A_786], %swap3A_789 {strides = array<i32>} : memref<64x768xf32, #tpu.memory_space<vmem>>, vector<1x16xf32>,
      %get3A_790 = arith.index_cast %scan3A_78 : i32 to index
      %get3A_791 = arith.constant 704 : index
      %get3A_792 = tpu.vector_load %arg12[%get3A_790, %get3A_791] {strides = array<i32>} : memref<64x768xf32, #tpu.memory_space<vmem>>, vector<1x16xf32>,
      %get3A_793 = vector.shape_cast %get3A_792 : vector<1x16xf32> to vector<16xf32>
      %mul3A_794 = arith.mulf %broadcast_in_dim3A, %get3A_793 : vector<16xf32>
      %get3A_795 = arith.index_cast %scan3A_78 : i32 to index
      %get3A_796 = arith.constant 704 : index
      %get3A_797 = tpu.vector_load %arg13[%get3A_795, %get3A_796] {strides = array<i32>} : memref<64x768xf32, #tpu.memory_space<vmem>>, vector<1x16xf32>,
      %get3A_798 = vector.shape_cast %get3A_797 : vector<1x16xf32> to vector<16xf32>
      %mul3A_799 = arith.mulf %broadcast_in_dim3A_86, %get3A_798 : vector<16xf32>
      %add3A_800 = arith.addf %mul3A_794, %mul3A_799 : vector<16xf32>
      %swap3A_801 = arith.index_cast %scan3A_78 : i32 to index
      %swap3A_802 = arith.constant 704 : index
      %swap3A_803 = tpu.vector_load %arg12[%swap3A_801, %swap3A_802] {strides = array<i32>} : memref<64x768xf32, #tpu.memory_space<vmem>>, vector<1x16xf32>,
      %swap3A_804 = vector.shape_cast %swap3A_803 : vector<1x16xf32> to vector<16xf32>
      %swap3A_805 = vector.shape_cast %add3A_800 : vector<16xf32> to vector<1x16xf32>
      tpu.vector_store %arg12[%swap3A_801, %swap3A_802], %swap3A_805 {strides = array<i32>} : memref<64x768xf32, #tpu.memory_space<vmem>>, vector<1x16xf32>,
      %get3A_806 = arith.index_cast %scan3A_78 : i32 to index
      %get3A_807 = arith.constant 720 : index
      %get3A_808 = tpu.vector_load %arg12[%get3A_806, %get3A_807] {strides = array<i32>} : memref<64x768xf32, #tpu.memory_space<vmem>>, vector<1x16xf32>,
      %get3A_809 = vector.shape_cast %get3A_808 : vector<1x16xf32> to vector<16xf32>
      %mul3A_810 = arith.mulf %broadcast_in_dim3A, %get3A_809 : vector<16xf32>
      %get3A_811 = arith.index_cast %scan3A_78 : i32 to index
      %get3A_812 = arith.constant 720 : index
      %get3A_813 = tpu.vector_load %arg13[%get3A_811, %get3A_812] {strides = array<i32>} : memref<64x768xf32, #tpu.memory_space<vmem>>, vector<1x16xf32>,
      %get3A_814 = vector.shape_cast %get3A_813 : vector<1x16xf32> to vector<16xf32>
      %mul3A_815 = arith.mulf %broadcast_in_dim3A_86, %get3A_814 : vector<16xf32>
      %add3A_816 = arith.addf %mul3A_810, %mul3A_815 : vector<16xf32>
      %swap3A_817 = arith.index_cast %scan3A_78 : i32 to index
      %swap3A_818 = arith.constant 720 : index
      %swap3A_819 = tpu.vector_load %arg12[%swap3A_817, %swap3A_818] {strides = array<i32>} : memref<64x768xf32, #tpu.memory_space<vmem>>, vector<1x16xf32>,
      %swap3A_820 = vector.shape_cast %swap3A_819 : vector<1x16xf32> to vector<16xf32>
      %swap3A_821 = vector.shape_cast %add3A_816 : vector<16xf32> to vector<1x16xf32>
      tpu.vector_store %arg12[%swap3A_817, %swap3A_818], %swap3A_821 {strides = array<i32>} : memref<64x768xf32, #tpu.memory_space<vmem>>, vector<1x16xf32>,
      %get3A_822 = arith.index_cast %scan3A_78 : i32 to index
      %get3A_823 = arith.constant 736 : index
      %get3A_824 = tpu.vector_load %arg12[%get3A_822, %get3A_823] {strides = array<i32>} : memref<64x768xf32, #tpu.memory_space<vmem>>, vector<1x16xf32>,
      %get3A_825 = vector.shape_cast %get3A_824 : vector<1x16xf32> to vector<16xf32>
      %mul3A_826 = arith.mulf %broadcast_in_dim3A, %get3A_825 : vector<16xf32>
      %get3A_827 = arith.index_cast %scan3A_78 : i32 to index
      %get3A_828 = arith.constant 736 : index
      %get3A_829 = tpu.vector_load %arg13[%get3A_827, %get3A_828] {strides = array<i32>} : memref<64x768xf32, #tpu.memory_space<vmem>>, vector<1x16xf32>,
      %get3A_830 = vector.shape_cast %get3A_829 : vector<1x16xf32> to vector<16xf32>
      %mul3A_831 = arith.mulf %broadcast_in_dim3A_86, %get3A_830 : vector<16xf32>
      %add3A_832 = arith.addf %mul3A_826, %mul3A_831 : vector<16xf32>
      %swap3A_833 = arith.index_cast %scan3A_78 : i32 to index
      %swap3A_834 = arith.constant 736 : index
      %swap3A_835 = tpu.vector_load %arg12[%swap3A_833, %swap3A_834] {strides = array<i32>} : memref<64x768xf32, #tpu.memory_space<vmem>>, vector<1x16xf32>,
      %swap3A_836 = vector.shape_cast %swap3A_835 : vector<1x16xf32> to vector<16xf32>
      %swap3A_837 = vector.shape_cast %add3A_832 : vector<16xf32> to vector<1x16xf32>
      tpu.vector_store %arg12[%swap3A_833, %swap3A_834], %swap3A_837 {strides = array<i32>} : memref<64x768xf32, #tpu.memory_space<vmem>>, vector<1x16xf32>,
      %get3A_838 = arith.index_cast %scan3A_78 : i32 to index
      %get3A_839 = arith.constant 752 : index
      %get3A_840 = tpu.vector_load %arg12[%get3A_838, %get3A_839] {strides = array<i32>} : memref<64x768xf32, #tpu.memory_space<vmem>>, vector<1x16xf32>,
      %get3A_841 = vector.shape_cast %get3A_840 : vector<1x16xf32> to vector<16xf32>
      %mul3A_842 = arith.mulf %broadcast_in_dim3A, %get3A_841 : vector<16xf32>
      %get3A_843 = arith.index_cast %scan3A_78 : i32 to index
      %get3A_844 = arith.constant 752 : index
      %get3A_845 = tpu.vector_load %arg13[%get3A_843, %get3A_844] {strides = array<i32>} : memref<64x768xf32, #tpu.memory_space<vmem>>, vector<1x16xf32>,
      %get3A_846 = vector.shape_cast %get3A_845 : vector<1x16xf32> to vector<16xf32>
      %mul3A_847 = arith.mulf %broadcast_in_dim3A_86, %get3A_846 : vector<16xf32>
      %add3A_848 = arith.addf %mul3A_842, %mul3A_847 : vector<16xf32>
      %swap3A_849 = arith.index_cast %scan3A_78 : i32 to index
      %swap3A_850 = arith.constant 752 : index
      %swap3A_851 = tpu.vector_load %arg12[%swap3A_849, %swap3A_850] {strides = array<i32>} : memref<64x768xf32, #tpu.memory_space<vmem>>, vector<1x16xf32>,
      %swap3A_852 = vector.shape_cast %swap3A_851 : vector<1x16xf32> to vector<16xf32>
      %swap3A_853 = vector.shape_cast %add3A_848 : vector<16xf32> to vector<1x16xf32>
      tpu.vector_store %arg12[%swap3A_849, %swap3A_850], %swap3A_853 {strides = array<i32>} : memref<64x768xf32, #tpu.memory_space<vmem>>, vector<1x16xf32>,
    }
    %scan3A_75 = arith.constant 32 : i32
    %add3A_76 = arith.constant 32 : i32
    %add3A_77 = arith.addi %mul3A_2, %add3A_76 : i32
    "tpu.region"() ({
      %run_scoped3A = tpu.sem_alloc : memref<!tpu.dma_semaphore, #tpu.memory_space<semaphore_mem>>
      %dma_start3A_78 = arith.constant 32 : i32
      %dma_start3A_79 = arith.constant 0 : i32
      %dma_start3A_80 = tpu.memref_slice %arg12[%dma_start3A_78, %dma_start3A_79] : memref<64x768xf32, #tpu.memory_space<vmem>> -> memref<32x768xf32, #tpu.memory_space<vmem>>
      %dma_start3A_81 = arith.constant 0 : i32
      %dma_start3A_82 = tpu.memref_slice %arg7[%add3A_77, %dma_start3A_81] : memref<2048x768xf32, #tpu.memory_space<hbm>> -> memref<32x768xf32, #tpu.memory_space<hbm>>
      %dma_start3A_83 = arith.constant 0 : i32
      %dma_start3A_84 = tpu.memref_slice %arg7[%add3A_77, %dma_start3A_83] : memref<2048x768xf32, #tpu.memory_space<hbm>> -> memref<32x768xf32, #tpu.memory_space<hbm>>
      %dma_start3A_85 = arith.constant 32 : i32
      %dma_start3A_86 = arith.constant 0 : i32
      %dma_start3A_87 = tpu.memref_slice %arg12[%dma_start3A_85, %dma_start3A_86] : memref<64x768xf32, #tpu.memory_space<vmem>> -> memref<32x768xf32, #tpu.memory_space<vmem>>
      tpu.enqueue_dma source(%dma_start3A_87 : memref<32x768xf32, #tpu.memory_space<vmem>>) target(%dma_start3A_84 : memref<32x768xf32, #tpu.memory_space<hbm>>) target_semaphore(%run_scoped3A : memref<!tpu.dma_semaphore, #tpu.memory_space<semaphore_mem>>)
      %dma_wait3A_88 = arith.constant 32 : i32
      %dma_wait3A_89 = arith.constant 0 : i32
      %dma_wait3A_90 = tpu.memref_slice %arg12[%dma_wait3A_88, %dma_wait3A_89] : memref<64x768xf32, #tpu.memory_space<vmem>> -> memref<32x768xf32, #tpu.memory_space<vmem>>
      %dma_wait3A_91 = arith.constant 0 : i32
      %dma_wait3A_92 = tpu.memref_slice %arg7[%add3A_77, %dma_wait3A_91] : memref<2048x768xf32, #tpu.memory_space<hbm>> -> memref<32x768xf32, #tpu.memory_space<hbm>>
      %dma_wait3A_93 = arith.constant 0 : i32
      %dma_wait3A_94 = tpu.memref_slice %arg7[%add3A_77, %dma_wait3A_93] : memref<2048x768xf32, #tpu.memory_space<hbm>> -> memref<32x768xf32, #tpu.memory_space<hbm>>
      %dma_wait3A_95 = arith.constant 32 : i32
      %dma_wait3A_96 = arith.constant 0 : i32
      %dma_wait3A_97 = tpu.memref_slice %arg12[%dma_wait3A_95, %dma_wait3A_96] : memref<64x768xf32, #tpu.memory_space<vmem>> -> memref<32x768xf32, #tpu.memory_space<vmem>>
      tpu.wait_dma2 semaphore(%run_scoped3A : memref<!tpu.dma_semaphore, #tpu.memory_space<semaphore_mem>>) src(%dma_wait3A_97 : memref<32x768xf32, #tpu.memory_space<vmem>>) dst(%dma_wait3A_94 : memref<32x768xf32, #tpu.memory_space<hbm>>)
      tpu.yield
    }) : () -> ()
    return
  }
}

module attributes {stable_mosaic.version = 14 : i64} {
  func.func @_router_body(%arg0: i32, %arg1: memref<1024x768xf32, #tpu.memory_space<vmem>>, %arg2: memref<16x768xf32, #tpu.memory_space<vmem>>, %arg3: memref<2048x128xi32, #tpu.memory_space<vmem>>, %arg4: memref<1024x128xf32, #tpu.memory_space<vmem>>, %arg5: memref<8x128xi32, #tpu.memory_space<vmem>>, %arg6: memref<2048x16xf32, #tpu.memory_space<vmem>>, %arg7: memref<2048x16xf32, #tpu.memory_space<vmem>>) attributes {dimension_semantics = [#tpu.dimension_semantics<arbitrary>], iteration_bounds = array<i64: 2>, scalar_prefetch = 0 : i64, scratch_operands = 2 : i64, tpu.core_type = #tpu.core_type<tc>, window_params = [{transform_indices = @transform_0, window_bounds = array<i64: 1024, 768>}, {pipeline_mode = #tpu.pipeline_mode<synchronous>, transform_indices = @transform_1, window_bounds = array<i64: 16, 768>}, {pipeline_mode = #tpu.pipeline_mode<synchronous>, transform_indices = @transform_2, window_bounds = array<i64: 2048, 128>}, {transform_indices = @transform_3, window_bounds = array<i64: 1024, 128>}, {pipeline_mode = #tpu.pipeline_mode<synchronous>, transform_indices = @transform_4, window_bounds = array<i64: 8, 128>}]} {
    %get3A = arith.constant 0 : index
    %get3A_0 = arith.constant 0 : index
    %get3A_1 = vector.load %arg1[%get3A, %get3A_0] : memref<1024x768xf32, #tpu.memory_space<vmem>>, vector<1024x768xf32>
    %get3A_2 = arith.constant 0 : index
    %get3A_3 = arith.constant 0 : index
    %get3A_4 = vector.load %arg2[%get3A_2, %get3A_3] : memref<16x768xf32, #tpu.memory_space<vmem>>, vector<16x768xf32>
    %dot_general3A = arith.constant dense<0.000000e+00> : vector<1024x16xf32>
    %dot_general3A_5 = tpu.matmul %get3A_1, %get3A_4, %dot_general3A {dimension_numbers = #tpu.dot_dimension_numbers<[1], [1], [0], [0], [0, 0, 1, 0], [], []>, transpose_lhs_hint = false} : vector<1024x768xf32>, vector<16x768xf32>, vector<1024x16xf32> -> vector<1024x16xf32>
    %reduce_max3A = arith.constant dense<0xFF800000> : vector<1024xf32>
    %reduce_max3A_6 = vector.multi_reduction <maximumf>, %dot_general3A_5, %reduce_max3A [1] : vector<1024x16xf32> to vector<1024xf32>
    %broadcast_in_dim3A = vector.shape_cast %reduce_max3A_6 : vector<1024xf32> to vector<1024x1xf32>
    %sub3A = vector.broadcast %broadcast_in_dim3A : vector<1024x1xf32> to vector<1024x16xf32>
    %sub3A_7 = arith.subf %dot_general3A_5, %sub3A : vector<1024x16xf32>
    %exp3A = math.exp %sub3A_7 : vector<1024x16xf32>
    %reduce_sum3A = arith.constant dense<0.000000e+00> : vector<1024xf32>
    %reduce_sum3A_8 = vector.multi_reduction <add>, %exp3A, %reduce_sum3A [1] : vector<1024x16xf32> to vector<1024xf32>
    %broadcast_in_dim3A_9 = vector.shape_cast %reduce_sum3A_8 : vector<1024xf32> to vector<1024x1xf32>
    %div3A = vector.broadcast %broadcast_in_dim3A_9 : vector<1024x1xf32> to vector<1024x16xf32>
    %div3A_10 = arith.divf %exp3A, %div3A : vector<1024x16xf32>
    %iota3A = tpu.iota {dimensions = array<i32: 1>} : vector<1024x16xi32>
    %reduce_max3A_11 = arith.constant dense<0xFF800000> : vector<1024xf32>
    %reduce_max3A_12 = vector.multi_reduction <maximumf>, %div3A_10, %reduce_max3A_11 [1] : vector<1024x16xf32> to vector<1024xf32>
    %broadcast_in_dim3A_13 = vector.shape_cast %reduce_max3A_12 : vector<1024xf32> to vector<1024x1xf32>
    %eq3A = vector.broadcast %broadcast_in_dim3A_13 : vector<1024x1xf32> to vector<1024x16xf32>
    %eq3A_14 = arith.cmpf oeq, %div3A_10, %eq3A : vector<1024x16xf32>
    %jit3A = arith.constant 16 : i32
    %broadcast_in_dim3A_15 = vector.broadcast %jit3A : i32 to vector<1024x16xi32>
    %select_n3A = arith.select %eq3A_14, %iota3A, %broadcast_in_dim3A_15 : vector<1024x16xi1>, vector<1024x16xi32>
    %reduce_min3A = arith.constant dense<2147483647> : vector<1024xi32>
    %reduce_min3A_16 = vector.multi_reduction <minsi>, %select_n3A, %reduce_min3A [1] : vector<1024x16xi32> to vector<1024xi32>
    %broadcast_in_dim3A_17 = vector.shape_cast %reduce_min3A_16 : vector<1024xi32> to vector<1024x1xi32>
    %eq3A_18 = vector.broadcast %broadcast_in_dim3A_17 : vector<1024x1xi32> to vector<1024x16xi32>
    %eq3A_19 = arith.cmpi eq, %iota3A, %eq3A_18 : vector<1024x16xi32>
    %jit3A_20 = arith.constant 0xFF800000 : f32
    %broadcast_in_dim3A_21 = vector.broadcast %jit3A_20 : f32 to vector<1024x16xf32>
    %select_n3A_22 = arith.select %eq3A_19, %broadcast_in_dim3A_21, %div3A_10 : vector<1024x16xi1>, vector<1024x16xf32>
    %reduce_max3A_23 = arith.constant dense<0xFF800000> : vector<1024xf32>
    %reduce_max3A_24 = vector.multi_reduction <maximumf>, %select_n3A_22, %reduce_max3A_23 [1] : vector<1024x16xf32> to vector<1024xf32>
    %broadcast_in_dim3A_25 = vector.shape_cast %reduce_max3A_24 : vector<1024xf32> to vector<1024x1xf32>
    %eq3A_26 = vector.broadcast %broadcast_in_dim3A_25 : vector<1024x1xf32> to vector<1024x16xf32>
    %eq3A_27 = arith.cmpf oeq, %select_n3A_22, %eq3A_26 : vector<1024x16xf32>
    %jit3A_28 = arith.constant 16 : i32
    %broadcast_in_dim3A_29 = vector.broadcast %jit3A_28 : i32 to vector<1024x16xi32>
    %select_n3A_30 = arith.select %eq3A_27, %iota3A, %broadcast_in_dim3A_29 : vector<1024x16xi1>, vector<1024x16xi32>
    %reduce_min3A_31 = arith.constant dense<2147483647> : vector<1024xi32>
    %reduce_min3A_32 = vector.multi_reduction <minsi>, %select_n3A_30, %reduce_min3A_31 [1] : vector<1024x16xi32> to vector<1024xi32>
    %broadcast_in_dim3A_33 = vector.shape_cast %reduce_min3A_32 : vector<1024xi32> to vector<1024x1xi32>
    %eq3A_34 = vector.broadcast %broadcast_in_dim3A_17 : vector<1024x1xi32> to vector<1024x16xi32>
    %eq3A_35 = arith.cmpi eq, %iota3A, %eq3A_34 : vector<1024x16xi32>
    %convert_element_type3A = arith.extui %eq3A_35 : vector<1024x16xi1> to vector<1024x16xi32>
    %convert_element_type3A_36 = arith.sitofp %convert_element_type3A : vector<1024x16xi32> to vector<1024x16xf32>
    %mul3A = arith.constant 1024 : i32
    %mul3A_37 = arith.muli %arg0, %mul3A : i32
    %swap3A = arith.index_cast %mul3A_37 : i32 to index
    %swap3A_38 = arith.constant 0 : index
    %swap3A_39 = vector.load %arg6[%swap3A, %swap3A_38] : memref<2048x16xf32, #tpu.memory_space<vmem>>, vector<1024x16xf32>
    tpu.vector_store %arg6[%swap3A, %swap3A_38], %convert_element_type3A_36 {strides = array<i32>} : memref<2048x16xf32, #tpu.memory_space<vmem>>, vector<1024x16xf32>,
    %eq3A_40 = vector.broadcast %broadcast_in_dim3A_33 : vector<1024x1xi32> to vector<1024x16xi32>
    %eq3A_41 = arith.cmpi eq, %iota3A, %eq3A_40 : vector<1024x16xi32>
    %convert_element_type3A_42 = arith.extui %eq3A_41 : vector<1024x16xi1> to vector<1024x16xi32>
    %convert_element_type3A_43 = arith.sitofp %convert_element_type3A_42 : vector<1024x16xi32> to vector<1024x16xf32>
    %mul3A_44 = arith.constant 1024 : i32
    %mul3A_45 = arith.muli %arg0, %mul3A_44 : i32
    %swap3A_46 = arith.index_cast %mul3A_45 : i32 to index
    %swap3A_47 = arith.constant 0 : index
    %swap3A_48 = vector.load %arg7[%swap3A_46, %swap3A_47] : memref<2048x16xf32, #tpu.memory_space<vmem>>, vector<1024x16xf32>
    tpu.vector_store %arg7[%swap3A_46, %swap3A_47], %convert_element_type3A_43 {strides = array<i32>} : memref<2048x16xf32, #tpu.memory_space<vmem>>, vector<1024x16xf32>,
    %iota3A_49 = tpu.iota {dimensions = array<i32: 1>} : vector<1024x128xi32>
    %eq3A_50 = arith.constant 0 : i32
    %eq3A_51 = vector.broadcast %eq3A_50 : i32 to vector<1024x128xi32>
    %eq3A_52 = arith.cmpi eq, %iota3A_49, %eq3A_51 : vector<1024x128xi32>
    %jit3A_53 = arith.constant 0.000000e+00 : f32
    %broadcast_in_dim3A_54 = vector.shape_cast %broadcast_in_dim3A_13 : vector<1024x1xf32> to vector<1024x1xf32>
    %broadcast_in_dim3A_55 = vector.broadcast %broadcast_in_dim3A_54 : vector<1024x1xf32> to vector<1024x128xf32>
    %broadcast_in_dim3A_56 = vector.broadcast %jit3A_53 : f32 to vector<1024x128xf32>
    %select_n3A_57 = arith.select %eq3A_52, %broadcast_in_dim3A_55, %broadcast_in_dim3A_56 : vector<1024x128xi1>, vector<1024x128xf32>
    %eq3A_58 = arith.constant 1 : i32
    %eq3A_59 = vector.broadcast %eq3A_58 : i32 to vector<1024x128xi32>
    %eq3A_60 = arith.cmpi eq, %iota3A_49, %eq3A_59 : vector<1024x128xi32>
    %jit3A_61 = arith.constant 0.000000e+00 : f32
    %broadcast_in_dim3A_62 = vector.shape_cast %broadcast_in_dim3A_25 : vector<1024x1xf32> to vector<1024x1xf32>
    %broadcast_in_dim3A_63 = vector.broadcast %broadcast_in_dim3A_62 : vector<1024x1xf32> to vector<1024x128xf32>
    %broadcast_in_dim3A_64 = vector.broadcast %jit3A_61 : f32 to vector<1024x128xf32>
    %select_n3A_65 = arith.select %eq3A_60, %broadcast_in_dim3A_63, %broadcast_in_dim3A_64 : vector<1024x128xi1>, vector<1024x128xf32>
    %add3A = arith.addf %select_n3A_57, %select_n3A_65 : vector<1024x128xf32>
    %swap3A_66 = arith.constant 0 : index
    %swap3A_67 = arith.constant 0 : index
    %swap3A_68 = vector.load %arg4[%swap3A_66, %swap3A_67] : memref<1024x128xf32, #tpu.memory_space<vmem>>, vector<1024x128xf32>
    tpu.vector_store %arg4[%swap3A_66, %swap3A_67], %add3A {strides = array<i32>} : memref<1024x128xf32, #tpu.memory_space<vmem>>, vector<1024x128xf32>,
    %eq3A_69 = arith.constant 1 : i32
    %eq3A_70 = arith.cmpi eq, %arg0, %eq3A_69 : i32
    %convert_element_type3A_71 = arith.extui %eq3A_70 : i1 to i32
    %cond3A = arith.constant 0 : i32
    %cond3A_72 = arith.cmpi ne, %convert_element_type3A_71, %cond3A : i32
    scf.if %cond3A_72 {
      %get3A_73 = arith.constant 0 : index
      %get3A_74 = arith.constant 0 : index
      %get3A_75 = vector.load %arg6[%get3A_73, %get3A_74] : memref<2048x16xf32, #tpu.memory_space<vmem>>, vector<2048x16xf32>
      %get3A_76 = arith.constant 0 : index
      %get3A_77 = arith.constant 0 : index
      %get3A_78 = vector.load %arg7[%get3A_76, %get3A_77] : memref<2048x16xf32, #tpu.memory_space<vmem>>, vector<2048x16xf32>
      %add3A_79 = arith.addf %get3A_75, %get3A_78 : vector<2048x16xf32>
      %broadcast_in_dim3A_80 = arith.constant 0.000000e+00 : f32
      %broadcast_in_dim3A_81 = vector.broadcast %broadcast_in_dim3A_80 : f32 to vector<1x16xf32>
      %slice3A = vector.extract_strided_slice %add3A_79 {offsets = [0, 0], sizes = [2047, 16], strides = [1, 1]} : vector<2048x16xf32> to vector<2047x16xf32>
      %concatenate3A = tpu.concatenate %broadcast_in_dim3A_81, %slice3A in 0 : vector<1x16xf32>, vector<2047x16xf32> -> vector<2048x16xf32>
      %add3A_82 = arith.addf %add3A_79, %concatenate3A : vector<2048x16xf32>
      %broadcast_in_dim3A_83 = arith.constant 0.000000e+00 : f32
      %broadcast_in_dim3A_84 = vector.broadcast %broadcast_in_dim3A_83 : f32 to vector<2x16xf32>
      %slice3A_85 = vector.extract_strided_slice %add3A_82 {offsets = [0, 0], sizes = [2046, 16], strides = [1, 1]} : vector<2048x16xf32> to vector<2046x16xf32>
      %concatenate3A_86 = tpu.concatenate %broadcast_in_dim3A_84, %slice3A_85 in 0 : vector<2x16xf32>, vector<2046x16xf32> -> vector<2048x16xf32>
      %add3A_87 = arith.addf %add3A_82, %concatenate3A_86 : vector<2048x16xf32>
      %broadcast_in_dim3A_88 = arith.constant 0.000000e+00 : f32
      %broadcast_in_dim3A_89 = vector.broadcast %broadcast_in_dim3A_88 : f32 to vector<4x16xf32>
      %slice3A_90 = vector.extract_strided_slice %add3A_87 {offsets = [0, 0], sizes = [2044, 16], strides = [1, 1]} : vector<2048x16xf32> to vector<2044x16xf32>
      %concatenate3A_91 = tpu.concatenate %broadcast_in_dim3A_89, %slice3A_90 in 0 : vector<4x16xf32>, vector<2044x16xf32> -> vector<2048x16xf32>
      %add3A_92 = arith.addf %add3A_87, %concatenate3A_91 : vector<2048x16xf32>
      %broadcast_in_dim3A_93 = arith.constant 0.000000e+00 : f32
      %broadcast_in_dim3A_94 = vector.broadcast %broadcast_in_dim3A_93 : f32 to vector<8x16xf32>
      %slice3A_95 = vector.extract_strided_slice %add3A_92 {offsets = [0, 0], sizes = [2040, 16], strides = [1, 1]} : vector<2048x16xf32> to vector<2040x16xf32>
      %concatenate3A_96 = tpu.concatenate %broadcast_in_dim3A_94, %slice3A_95 in 0 : vector<8x16xf32>, vector<2040x16xf32> -> vector<2048x16xf32>
      %add3A_97 = arith.addf %add3A_92, %concatenate3A_96 : vector<2048x16xf32>
      %broadcast_in_dim3A_98 = arith.constant 0.000000e+00 : f32
      %broadcast_in_dim3A_99 = vector.broadcast %broadcast_in_dim3A_98 : f32 to vector<16x16xf32>
      %slice3A_100 = vector.extract_strided_slice %add3A_97 {offsets = [0, 0], sizes = [2032, 16], strides = [1, 1]} : vector<2048x16xf32> to vector<2032x16xf32>
      %concatenate3A_101 = tpu.concatenate %broadcast_in_dim3A_99, %slice3A_100 in 0 : vector<16x16xf32>, vector<2032x16xf32> -> vector<2048x16xf32>
      %add3A_102 = arith.addf %add3A_97, %concatenate3A_101 : vector<2048x16xf32>
      %broadcast_in_dim3A_103 = arith.constant 0.000000e+00 : f32
      %broadcast_in_dim3A_104 = vector.broadcast %broadcast_in_dim3A_103 : f32 to vector<32x16xf32>
      %slice3A_105 = vector.extract_strided_slice %add3A_102 {offsets = [0, 0], sizes = [2016, 16], strides = [1, 1]} : vector<2048x16xf32> to vector<2016x16xf32>
      %concatenate3A_106 = tpu.concatenate %broadcast_in_dim3A_104, %slice3A_105 in 0 : vector<32x16xf32>, vector<2016x16xf32> -> vector<2048x16xf32>
      %add3A_107 = arith.addf %add3A_102, %concatenate3A_106 : vector<2048x16xf32>
      %broadcast_in_dim3A_108 = arith.constant 0.000000e+00 : f32
      %broadcast_in_dim3A_109 = vector.broadcast %broadcast_in_dim3A_108 : f32 to vector<64x16xf32>
      %slice3A_110 = vector.extract_strided_slice %add3A_107 {offsets = [0, 0], sizes = [1984, 16], strides = [1, 1]} : vector<2048x16xf32> to vector<1984x16xf32>
      %concatenate3A_111 = tpu.concatenate %broadcast_in_dim3A_109, %slice3A_110 in 0 : vector<64x16xf32>, vector<1984x16xf32> -> vector<2048x16xf32>
      %add3A_112 = arith.addf %add3A_107, %concatenate3A_111 : vector<2048x16xf32>
      %broadcast_in_dim3A_113 = arith.constant 0.000000e+00 : f32
      %broadcast_in_dim3A_114 = vector.broadcast %broadcast_in_dim3A_113 : f32 to vector<128x16xf32>
      %slice3A_115 = vector.extract_strided_slice %add3A_112 {offsets = [0, 0], sizes = [1920, 16], strides = [1, 1]} : vector<2048x16xf32> to vector<1920x16xf32>
      %concatenate3A_116 = tpu.concatenate %broadcast_in_dim3A_114, %slice3A_115 in 0 : vector<128x16xf32>, vector<1920x16xf32> -> vector<2048x16xf32>
      %add3A_117 = arith.addf %add3A_112, %concatenate3A_116 : vector<2048x16xf32>
      %broadcast_in_dim3A_118 = arith.constant 0.000000e+00 : f32
      %broadcast_in_dim3A_119 = vector.broadcast %broadcast_in_dim3A_118 : f32 to vector<256x16xf32>
      %slice3A_120 = vector.extract_strided_slice %add3A_117 {offsets = [0, 0], sizes = [1792, 16], strides = [1, 1]} : vector<2048x16xf32> to vector<1792x16xf32>
      %concatenate3A_121 = tpu.concatenate %broadcast_in_dim3A_119, %slice3A_120 in 0 : vector<256x16xf32>, vector<1792x16xf32> -> vector<2048x16xf32>
      %add3A_122 = arith.addf %add3A_117, %concatenate3A_121 : vector<2048x16xf32>
      %broadcast_in_dim3A_123 = arith.constant 0.000000e+00 : f32
      %broadcast_in_dim3A_124 = vector.broadcast %broadcast_in_dim3A_123 : f32 to vector<512x16xf32>
      %slice3A_125 = vector.extract_strided_slice %add3A_122 {offsets = [0, 0], sizes = [1536, 16], strides = [1, 1]} : vector<2048x16xf32> to vector<1536x16xf32>
      %concatenate3A_126 = tpu.concatenate %broadcast_in_dim3A_124, %slice3A_125 in 0 : vector<512x16xf32>, vector<1536x16xf32> -> vector<2048x16xf32>
      %add3A_127 = arith.addf %add3A_122, %concatenate3A_126 : vector<2048x16xf32>
      %broadcast_in_dim3A_128 = arith.constant 0.000000e+00 : f32
      %broadcast_in_dim3A_129 = vector.broadcast %broadcast_in_dim3A_128 : f32 to vector<1024x16xf32>
      %slice3A_130 = vector.extract_strided_slice %add3A_127 {offsets = [0, 0], sizes = [1024, 16], strides = [1, 1]} : vector<2048x16xf32> to vector<1024x16xf32>
      %concatenate3A_131 = tpu.concatenate %broadcast_in_dim3A_129, %slice3A_130 in 0 : vector<1024x16xf32>, vector<1024x16xf32> -> vector<2048x16xf32>
      %add3A_132 = arith.addf %add3A_127, %concatenate3A_131 : vector<2048x16xf32>
      %sub3A_133 = arith.subf %add3A_132, %add3A_79 : vector<2048x16xf32>
      %slice3A_134 = vector.extract_strided_slice %add3A_132 {offsets = [2047, 0], sizes = [1, 16], strides = [1, 1]} : vector<2048x16xf32> to vector<1x16xf32>
      %broadcast_in_dim3A_135 = arith.constant 0.000000e+00 : f32
      %broadcast_in_dim3A_136 = vector.broadcast %broadcast_in_dim3A_135 : f32 to vector<1x1xf32>
      %slice3A_137 = vector.extract_strided_slice %slice3A_134 {offsets = [0, 0], sizes = [1, 15], strides = [1, 1]} : vector<1x16xf32> to vector<1x15xf32>
      %concatenate3A_138 = tpu.concatenate %broadcast_in_dim3A_136, %slice3A_137 in 1 : vector<1x1xf32>, vector<1x15xf32> -> vector<1x16xf32>
      %add3A_139 = arith.addf %slice3A_134, %concatenate3A_138 : vector<1x16xf32>
      %broadcast_in_dim3A_140 = arith.constant 0.000000e+00 : f32
      %broadcast_in_dim3A_141 = vector.broadcast %broadcast_in_dim3A_140 : f32 to vector<1x2xf32>
      %slice3A_142 = vector.extract_strided_slice %add3A_139 {offsets = [0, 0], sizes = [1, 14], strides = [1, 1]} : vector<1x16xf32> to vector<1x14xf32>
      %concatenate3A_143 = tpu.concatenate %broadcast_in_dim3A_141, %slice3A_142 in 1 : vector<1x2xf32>, vector<1x14xf32> -> vector<1x16xf32>
      %add3A_144 = arith.addf %add3A_139, %concatenate3A_143 : vector<1x16xf32>
      %broadcast_in_dim3A_145 = arith.constant 0.000000e+00 : f32
      %broadcast_in_dim3A_146 = vector.broadcast %broadcast_in_dim3A_145 : f32 to vector<1x4xf32>
      %slice3A_147 = vector.extract_strided_slice %add3A_144 {offsets = [0, 0], sizes = [1, 12], strides = [1, 1]} : vector<1x16xf32> to vector<1x12xf32>
      %concatenate3A_148 = tpu.concatenate %broadcast_in_dim3A_146, %slice3A_147 in 1 : vector<1x4xf32>, vector<1x12xf32> -> vector<1x16xf32>
      %add3A_149 = arith.addf %add3A_144, %concatenate3A_148 : vector<1x16xf32>
      %broadcast_in_dim3A_150 = arith.constant 0.000000e+00 : f32
      %broadcast_in_dim3A_151 = vector.broadcast %broadcast_in_dim3A_150 : f32 to vector<1x8xf32>
      %slice3A_152 = vector.extract_strided_slice %add3A_149 {offsets = [0, 0], sizes = [1, 8], strides = [1, 1]} : vector<1x16xf32> to vector<1x8xf32>
      %concatenate3A_153 = tpu.concatenate %broadcast_in_dim3A_151, %slice3A_152 in 1 : vector<1x8xf32>, vector<1x8xf32> -> vector<1x16xf32>
      %add3A_154 = arith.addf %add3A_149, %concatenate3A_153 : vector<1x16xf32>
      %sub3A_155 = arith.subf %add3A_154, %slice3A_134 : vector<1x16xf32>
      %add3A_156 = vector.broadcast %sub3A_155 : vector<1x16xf32> to vector<2048x16xf32>
      %add3A_157 = arith.addf %add3A_156, %sub3A_133 : vector<2048x16xf32>
      %mul3A_158 = arith.mulf %get3A_75, %add3A_157 : vector<2048x16xf32>
      %reduce_sum3A_159 = arith.constant dense<0.000000e+00> : vector<2048xf32>
      %reduce_sum3A_160 = vector.multi_reduction <add>, %mul3A_158, %reduce_sum3A_159 [1] : vector<2048x16xf32> to vector<2048xf32>
      %broadcast_in_dim3A_161 = vector.shape_cast %reduce_sum3A_160 : vector<2048xf32> to vector<2048x1xf32>
      %mul3A_162 = arith.mulf %get3A_78, %add3A_157 : vector<2048x16xf32>
      %reduce_sum3A_163 = arith.constant dense<0.000000e+00> : vector<2048xf32>
      %reduce_sum3A_164 = vector.multi_reduction <add>, %mul3A_162, %reduce_sum3A_163 [1] : vector<2048x16xf32> to vector<2048xf32>
      %broadcast_in_dim3A_165 = vector.shape_cast %reduce_sum3A_164 : vector<2048xf32> to vector<2048x1xf32>
      %iota3A_166 = tpu.iota {dimensions = array<i32: 1>} : vector<2048x128xi32>
      %eq3A_167 = arith.constant 0 : i32
      %eq3A_168 = vector.broadcast %eq3A_167 : i32 to vector<2048x128xi32>
      %eq3A_169 = arith.cmpi eq, %iota3A_166, %eq3A_168 : vector<2048x128xi32>
      %convert_element_type3A_170 = arith.fptosi %broadcast_in_dim3A_161 : vector<2048x1xf32> to vector<2048x1xi32>
      %jit3A_171 = arith.constant 0 : i32
      %broadcast_in_dim3A_172 = vector.shape_cast %convert_element_type3A_170 : vector<2048x1xi32> to vector<2048x1xi32>
      %broadcast_in_dim3A_173 = vector.broadcast %broadcast_in_dim3A_172 : vector<2048x1xi32> to vector<2048x128xi32>
      %broadcast_in_dim3A_174 = vector.broadcast %jit3A_171 : i32 to vector<2048x128xi32>
      %select_n3A_175 = arith.select %eq3A_169, %broadcast_in_dim3A_173, %broadcast_in_dim3A_174 : vector<2048x128xi1>, vector<2048x128xi32>
      %eq3A_176 = arith.constant 1 : i32
      %eq3A_177 = vector.broadcast %eq3A_176 : i32 to vector<2048x128xi32>
      %eq3A_178 = arith.cmpi eq, %iota3A_166, %eq3A_177 : vector<2048x128xi32>
      %convert_element_type3A_179 = arith.fptosi %broadcast_in_dim3A_165 : vector<2048x1xf32> to vector<2048x1xi32>
      %jit3A_180 = arith.constant 0 : i32
      %broadcast_in_dim3A_181 = vector.shape_cast %convert_element_type3A_179 : vector<2048x1xi32> to vector<2048x1xi32>
      %broadcast_in_dim3A_182 = vector.broadcast %broadcast_in_dim3A_181 : vector<2048x1xi32> to vector<2048x128xi32>
      %broadcast_in_dim3A_183 = vector.broadcast %jit3A_180 : i32 to vector<2048x128xi32>
      %select_n3A_184 = arith.select %eq3A_178, %broadcast_in_dim3A_182, %broadcast_in_dim3A_183 : vector<2048x128xi1>, vector<2048x128xi32>
      %add3A_185 = arith.addi %select_n3A_175, %select_n3A_184 : vector<2048x128xi32>
      %swap3A_186 = arith.constant 0 : index
      %swap3A_187 = arith.constant 0 : index
      %swap3A_188 = vector.load %arg3[%swap3A_186, %swap3A_187] : memref<2048x128xi32, #tpu.memory_space<vmem>>, vector<2048x128xi32>
      tpu.vector_store %arg3[%swap3A_186, %swap3A_187], %add3A_185 {strides = array<i32>} : memref<2048x128xi32, #tpu.memory_space<vmem>>, vector<2048x128xi32>,
      %add3A_189 = arith.addf %sub3A_155, %slice3A_134 : vector<1x16xf32>
      %iota3A_190 = tpu.iota {dimensions = array<i32: 0>} : vector<16x16xi32>
      %convert_element_type3A_191 = arith.sitofp %iota3A_190 : vector<16x16xi32> to vector<16x16xf32>
      %add3A_192 = arith.constant 1.000000e+00 : f32
      %add3A_193 = vector.broadcast %add3A_192 : f32 to vector<16x16xf32>
      %add3A_194 = arith.addf %convert_element_type3A_191, %add3A_193 : vector<16x16xf32>
      %mul3A_195 = arith.constant 2.560000e+02 : f32
      %mul3A_196 = vector.broadcast %mul3A_195 : f32 to vector<16x16xf32>
      %mul3A_197 = arith.mulf %add3A_194, %mul3A_196 : vector<16x16xf32>
      %lt3A = vector.broadcast %sub3A_155 : vector<1x16xf32> to vector<16x16xf32>
      %lt3A_198 = arith.cmpf olt, %lt3A, %mul3A_197 : vector<16x16xf32>
      %mul3A_199 = arith.constant 2.560000e+02 : f32
      %mul3A_200 = vector.broadcast %mul3A_199 : f32 to vector<16x16xf32>
      %mul3A_201 = arith.mulf %convert_element_type3A_191, %mul3A_200 : vector<16x16xf32>
      %gt3A = vector.broadcast %add3A_189 : vector<1x16xf32> to vector<16x16xf32>
      %gt3A_202 = arith.cmpf ogt, %gt3A, %mul3A_201 : vector<16x16xf32>
      %and3A = arith.andi %lt3A_198, %gt3A_202 : vector<16x16xi1>
      %gt3A_203 = arith.constant 0.000000e+00 : f32
      %gt3A_204 = vector.broadcast %gt3A_203 : f32 to vector<1x16xf32>
      %gt3A_205 = arith.cmpf ogt, %slice3A_134, %gt3A_204 : vector<1x16xf32>
      %and3A_206 = vector.broadcast %gt3A_205 : vector<1x16xi1> to vector<16x16xi1>
      %and3A_207 = arith.andi %and3A, %and3A_206 : vector<16x16xi1>
      %convert_element_type3A_208 = arith.extui %and3A_207 : vector<16x16xi1> to vector<16x16xi32>
      %convert_element_type3A_209 = arith.sitofp %convert_element_type3A_208 : vector<16x16xi32> to vector<16x16xf32>
      %broadcast_in_dim3A_210 = arith.constant 0.000000e+00 : f32
      %broadcast_in_dim3A_211 = vector.broadcast %broadcast_in_dim3A_210 : f32 to vector<16x1xf32>
      %slice3A_212 = vector.extract_strided_slice %convert_element_type3A_209 {offsets = [0, 0], sizes = [16, 15], strides = [1, 1]} : vector<16x16xf32> to vector<16x15xf32>
      %concatenate3A_213 = tpu.concatenate %broadcast_in_dim3A_211, %slice3A_212 in 1 : vector<16x1xf32>, vector<16x15xf32> -> vector<16x16xf32>
      %add3A_214 = arith.addf %convert_element_type3A_209, %concatenate3A_213 : vector<16x16xf32>
      %broadcast_in_dim3A_215 = arith.constant 0.000000e+00 : f32
      %broadcast_in_dim3A_216 = vector.broadcast %broadcast_in_dim3A_215 : f32 to vector<16x2xf32>
      %slice3A_217 = vector.extract_strided_slice %add3A_214 {offsets = [0, 0], sizes = [16, 14], strides = [1, 1]} : vector<16x16xf32> to vector<16x14xf32>
      %concatenate3A_218 = tpu.concatenate %broadcast_in_dim3A_216, %slice3A_217 in 1 : vector<16x2xf32>, vector<16x14xf32> -> vector<16x16xf32>
      %add3A_219 = arith.addf %add3A_214, %concatenate3A_218 : vector<16x16xf32>
      %broadcast_in_dim3A_220 = arith.constant 0.000000e+00 : f32
      %broadcast_in_dim3A_221 = vector.broadcast %broadcast_in_dim3A_220 : f32 to vector<16x4xf32>
      %slice3A_222 = vector.extract_strided_slice %add3A_219 {offsets = [0, 0], sizes = [16, 12], strides = [1, 1]} : vector<16x16xf32> to vector<16x12xf32>
      %concatenate3A_223 = tpu.concatenate %broadcast_in_dim3A_221, %slice3A_222 in 1 : vector<16x4xf32>, vector<16x12xf32> -> vector<16x16xf32>
      %add3A_224 = arith.addf %add3A_219, %concatenate3A_223 : vector<16x16xf32>
      %broadcast_in_dim3A_225 = arith.constant 0.000000e+00 : f32
      %broadcast_in_dim3A_226 = vector.broadcast %broadcast_in_dim3A_225 : f32 to vector<16x8xf32>
      %slice3A_227 = vector.extract_strided_slice %add3A_224 {offsets = [0, 0], sizes = [16, 8], strides = [1, 1]} : vector<16x16xf32> to vector<16x8xf32>
      %concatenate3A_228 = tpu.concatenate %broadcast_in_dim3A_226, %slice3A_227 in 1 : vector<16x8xf32>, vector<16x8xf32> -> vector<16x16xf32>
      %add3A_229 = arith.addf %add3A_224, %concatenate3A_228 : vector<16x16xf32>
      %slice3A_230 = vector.extract_strided_slice %add3A_229 {offsets = [0, 15], sizes = [16, 1], strides = [1, 1]} : vector<16x16xf32> to vector<16x1xf32>
      %broadcast_in_dim3A_231 = arith.constant 0.000000e+00 : f32
      %broadcast_in_dim3A_232 = vector.broadcast %broadcast_in_dim3A_231 : f32 to vector<1x1xf32>
      %slice3A_233 = vector.extract_strided_slice %slice3A_230 {offsets = [0, 0], sizes = [15, 1], strides = [1, 1]} : vector<16x1xf32> to vector<15x1xf32>
      %concatenate3A_234 = tpu.concatenate %broadcast_in_dim3A_232, %slice3A_233 in 0 : vector<1x1xf32>, vector<15x1xf32> -> vector<16x1xf32>
      %add3A_235 = arith.addf %slice3A_230, %concatenate3A_234 : vector<16x1xf32>
      %broadcast_in_dim3A_236 = arith.constant 0.000000e+00 : f32
      %broadcast_in_dim3A_237 = vector.broadcast %broadcast_in_dim3A_236 : f32 to vector<2x1xf32>
      %slice3A_238 = vector.extract_strided_slice %add3A_235 {offsets = [0, 0], sizes = [14, 1], strides = [1, 1]} : vector<16x1xf32> to vector<14x1xf32>
      %concatenate3A_239 = tpu.concatenate %broadcast_in_dim3A_237, %slice3A_238 in 0 : vector<2x1xf32>, vector<14x1xf32> -> vector<16x1xf32>
      %add3A_240 = arith.addf %add3A_235, %concatenate3A_239 : vector<16x1xf32>
      %broadcast_in_dim3A_241 = arith.constant 0.000000e+00 : f32
      %broadcast_in_dim3A_242 = vector.broadcast %broadcast_in_dim3A_241 : f32 to vector<4x1xf32>
      %slice3A_243 = vector.extract_strided_slice %add3A_240 {offsets = [0, 0], sizes = [12, 1], strides = [1, 1]} : vector<16x1xf32> to vector<12x1xf32>
      %concatenate3A_244 = tpu.concatenate %broadcast_in_dim3A_242, %slice3A_243 in 0 : vector<4x1xf32>, vector<12x1xf32> -> vector<16x1xf32>
      %add3A_245 = arith.addf %add3A_240, %concatenate3A_244 : vector<16x1xf32>
      %broadcast_in_dim3A_246 = arith.constant 0.000000e+00 : f32
      %broadcast_in_dim3A_247 = vector.broadcast %broadcast_in_dim3A_246 : f32 to vector<8x1xf32>
      %slice3A_248 = vector.extract_strided_slice %add3A_245 {offsets = [0, 0], sizes = [8, 1], strides = [1, 1]} : vector<16x1xf32> to vector<8x1xf32>
      %concatenate3A_249 = tpu.concatenate %broadcast_in_dim3A_247, %slice3A_248 in 0 : vector<8x1xf32>, vector<8x1xf32> -> vector<16x1xf32>
      %add3A_250 = arith.addf %add3A_245, %concatenate3A_249 : vector<16x1xf32>
      %sub3A_251 = arith.subf %add3A_250, %slice3A_230 : vector<16x1xf32>
      %add3A_252 = vector.broadcast %sub3A_251 : vector<16x1xf32> to vector<16x16xf32>
      %add3A_253 = arith.addf %add3A_252, %add3A_229 : vector<16x16xf32>
      %sub3A_254 = arith.subf %add3A_253, %convert_element_type3A_209 : vector<16x16xf32>
      %iota3A_255 = tpu.iota {dimensions = array<i32: 2>} : vector<16x16x128xi32>
      %convert_element_type3A_256 = arith.sitofp %iota3A_255 : vector<16x16x128xi32> to vector<16x16x128xf32>
      %broadcast_in_dim3A_257 = vector.shape_cast %sub3A_254 : vector<16x16xf32> to vector<16x16x1xf32>
      %eq3A_258 = vector.broadcast %broadcast_in_dim3A_257 : vector<16x16x1xf32> to vector<16x16x128xf32>
      %eq3A_259 = arith.cmpf oeq, %eq3A_258, %convert_element_type3A_256 : vector<16x16x128xf32>
      %broadcast_in_dim3A_260 = vector.shape_cast %convert_element_type3A_209 : vector<16x16xf32> to vector<16x16x1xf32>
      %gt3A_261 = arith.constant 0.000000e+00 : f32
      %gt3A_262 = vector.broadcast %gt3A_261 : f32 to vector<16x16x1xf32>
      %gt3A_263 = arith.cmpf ogt, %broadcast_in_dim3A_260, %gt3A_262 : vector<16x16x1xf32>
      %and3A_264 = vector.broadcast %gt3A_263 : vector<16x16x1xi1> to vector<16x16x128xi1>
      %and3A_265 = arith.andi %eq3A_259, %and3A_264 : vector<16x16x128xi1>
      %convert_element_type3A_266 = arith.extui %and3A_265 : vector<16x16x128xi1> to vector<16x16x128xi32>
      %convert_element_type3A_267 = arith.sitofp %convert_element_type3A_266 : vector<16x16x128xi32> to vector<16x16x128xf32>
      %iota3A_268 = tpu.iota {dimensions = array<i32: 0>} : vector<16x16x128xi32>
      %convert_element_type3A_269 = arith.sitofp %iota3A_268 : vector<16x16x128xi32> to vector<16x16x128xf32>
      %iota3A_270 = tpu.iota {dimensions = array<i32: 1>} : vector<16x16x128xi32>
      %convert_element_type3A_271 = arith.sitofp %iota3A_270 : vector<16x16x128xi32> to vector<16x16x128xf32>
      %mul3A_272 = arith.mulf %convert_element_type3A_267, %convert_element_type3A_269 : vector<16x16x128xf32>
      %reduce_sum3A_273 = arith.constant dense<0.000000e+00> : vector<16x128xf32>
      %reduce_sum3A_274 = vector.multi_reduction <add>, %mul3A_272, %reduce_sum3A_273 [0] : vector<16x16x128xf32> to vector<16x128xf32>
      %reduce_sum3A_275 = arith.constant dense<0.000000e+00> : vector<128xf32>
      %reduce_sum3A_276 = vector.multi_reduction <add>, %reduce_sum3A_274, %reduce_sum3A_275 [0] : vector<16x128xf32> to vector<128xf32>
      %broadcast_in_dim3A_277 = vector.shape_cast %reduce_sum3A_276 : vector<128xf32> to vector<1x128xf32>
      %mul3A_278 = arith.mulf %convert_element_type3A_267, %convert_element_type3A_271 : vector<16x16x128xf32>
      %reduce_sum3A_279 = arith.constant dense<0.000000e+00> : vector<16x128xf32>
      %reduce_sum3A_280 = vector.multi_reduction <add>, %mul3A_278, %reduce_sum3A_279 [0] : vector<16x16x128xf32> to vector<16x128xf32>
      %reduce_sum3A_281 = arith.constant dense<0.000000e+00> : vector<128xf32>
      %reduce_sum3A_282 = vector.multi_reduction <add>, %reduce_sum3A_280, %reduce_sum3A_281 [0] : vector<16x128xf32> to vector<128xf32>
      %broadcast_in_dim3A_283 = vector.shape_cast %reduce_sum3A_282 : vector<128xf32> to vector<1x128xf32>
      %reduce_sum3A_284 = arith.constant dense<0.000000e+00> : vector<16x128xf32>
      %reduce_sum3A_285 = vector.multi_reduction <add>, %convert_element_type3A_267, %reduce_sum3A_284 [0] : vector<16x16x128xf32> to vector<16x128xf32>
      %reduce_sum3A_286 = arith.constant dense<0.000000e+00> : vector<128xf32>
      %reduce_sum3A_287 = vector.multi_reduction <add>, %reduce_sum3A_285, %reduce_sum3A_286 [0] : vector<16x128xf32> to vector<128xf32>
      %broadcast_in_dim3A_288 = vector.shape_cast %reduce_sum3A_287 : vector<128xf32> to vector<1x128xf32>
      %sub3A_289 = arith.constant 1.000000e+00 : f32
      %sub3A_290 = vector.broadcast %sub3A_289 : f32 to vector<1x128xf32>
      %sub3A_291 = arith.subf %sub3A_290, %broadcast_in_dim3A_288 : vector<1x128xf32>
      %mul3A_292 = arith.constant 1.500000e+01 : f32
      %mul3A_293 = vector.broadcast %mul3A_292 : f32 to vector<1x128xf32>
      %mul3A_294 = arith.mulf %sub3A_291, %mul3A_293 : vector<1x128xf32>
      %add3A_295 = arith.addf %broadcast_in_dim3A_277, %mul3A_294 : vector<1x128xf32>
      %sub3A_296 = arith.constant 1.000000e+00 : f32
      %sub3A_297 = vector.broadcast %sub3A_296 : f32 to vector<1x128xf32>
      %sub3A_298 = arith.subf %sub3A_297, %broadcast_in_dim3A_288 : vector<1x128xf32>
      %mul3A_299 = arith.constant 1.500000e+01 : f32
      %mul3A_300 = vector.broadcast %mul3A_299 : f32 to vector<1x128xf32>
      %mul3A_301 = arith.mulf %sub3A_298, %mul3A_300 : vector<1x128xf32>
      %add3A_302 = arith.addf %broadcast_in_dim3A_283, %mul3A_301 : vector<1x128xf32>
      %iota3A_303 = tpu.iota {dimensions = array<i32: 1>} : vector<1x128xi32>
      %broadcast_in_dim3A_304 = arith.constant 0.000000e+00 : f32
      %broadcast_in_dim3A_305 = vector.broadcast %broadcast_in_dim3A_304 : f32 to vector<1x112xf32>
      %concatenate3A_306 = tpu.concatenate %sub3A_155, %broadcast_in_dim3A_305 in 1 : vector<1x16xf32>, vector<1x112xf32> -> vector<1x128xf32>
      %eq3A_307 = arith.constant 16 : i32
      %eq3A_308 = vector.broadcast %eq3A_307 : i32 to vector<1x128xi32>
      %eq3A_309 = arith.cmpi eq, %iota3A_303, %eq3A_308 : vector<1x128xi32>
      %jit3A_310 = arith.constant 4.096000e+03 : f32
      %jit3A_311 = arith.constant 0.000000e+00 : f32
      %broadcast_in_dim3A_312 = vector.broadcast %jit3A_310 : f32 to vector<1x128xf32>
      %broadcast_in_dim3A_313 = vector.broadcast %jit3A_311 : f32 to vector<1x128xf32>
      %select_n3A_314 = arith.select %eq3A_309, %broadcast_in_dim3A_312, %broadcast_in_dim3A_313 : vector<1x128xi1>, vector<1x128xf32>
      %add3A_315 = arith.addf %concatenate3A_306, %select_n3A_314 : vector<1x128xf32>
      %iota3A_316 = tpu.iota {dimensions = array<i32: 0>} : vector<8x128xi32>
      %eq3A_317 = arith.constant 0 : i32
      %eq3A_318 = vector.broadcast %eq3A_317 : i32 to vector<8x128xi32>
      %eq3A_319 = arith.cmpi eq, %iota3A_316, %eq3A_318 : vector<8x128xi32>
      %jit3A_320 = arith.constant 0.000000e+00 : f32
      %broadcast_in_dim3A_321 = vector.shape_cast %add3A_315 : vector<1x128xf32> to vector<1x128xf32>
      %broadcast_in_dim3A_322 = vector.broadcast %broadcast_in_dim3A_321 : vector<1x128xf32> to vector<8x128xf32>
      %broadcast_in_dim3A_323 = vector.broadcast %jit3A_320 : f32 to vector<8x128xf32>
      %select_n3A_324 = arith.select %eq3A_319, %broadcast_in_dim3A_322, %broadcast_in_dim3A_323 : vector<8x128xi1>, vector<8x128xf32>
      %eq3A_325 = arith.constant 1 : i32
      %eq3A_326 = vector.broadcast %eq3A_325 : i32 to vector<8x128xi32>
      %eq3A_327 = arith.cmpi eq, %iota3A_316, %eq3A_326 : vector<8x128xi32>
      %jit3A_328 = arith.constant 0.000000e+00 : f32
      %broadcast_in_dim3A_329 = vector.shape_cast %add3A_295 : vector<1x128xf32> to vector<1x128xf32>
      %broadcast_in_dim3A_330 = vector.broadcast %broadcast_in_dim3A_329 : vector<1x128xf32> to vector<8x128xf32>
      %broadcast_in_dim3A_331 = vector.broadcast %jit3A_328 : f32 to vector<8x128xf32>
      %select_n3A_332 = arith.select %eq3A_327, %broadcast_in_dim3A_330, %broadcast_in_dim3A_331 : vector<8x128xi1>, vector<8x128xf32>
      %add3A_333 = arith.addf %select_n3A_324, %select_n3A_332 : vector<8x128xf32>
      %eq3A_334 = arith.constant 2 : i32
      %eq3A_335 = vector.broadcast %eq3A_334 : i32 to vector<8x128xi32>
      %eq3A_336 = arith.cmpi eq, %iota3A_316, %eq3A_335 : vector<8x128xi32>
      %jit3A_337 = arith.constant 0.000000e+00 : f32
      %broadcast_in_dim3A_338 = vector.shape_cast %add3A_302 : vector<1x128xf32> to vector<1x128xf32>
      %broadcast_in_dim3A_339 = vector.broadcast %broadcast_in_dim3A_338 : vector<1x128xf32> to vector<8x128xf32>
      %broadcast_in_dim3A_340 = vector.broadcast %jit3A_337 : f32 to vector<8x128xf32>
      %select_n3A_341 = arith.select %eq3A_336, %broadcast_in_dim3A_339, %broadcast_in_dim3A_340 : vector<8x128xi1>, vector<8x128xf32>
      %add3A_342 = arith.addf %add3A_333, %select_n3A_341 : vector<8x128xf32>
      %eq3A_343 = arith.constant 3 : i32
      %eq3A_344 = vector.broadcast %eq3A_343 : i32 to vector<8x128xi32>
      %eq3A_345 = arith.cmpi eq, %iota3A_316, %eq3A_344 : vector<8x128xi32>
      %jit3A_346 = arith.constant 0.000000e+00 : f32
      %broadcast_in_dim3A_347 = vector.shape_cast %broadcast_in_dim3A_288 : vector<1x128xf32> to vector<1x128xf32>
      %broadcast_in_dim3A_348 = vector.broadcast %broadcast_in_dim3A_347 : vector<1x128xf32> to vector<8x128xf32>
      %broadcast_in_dim3A_349 = vector.broadcast %jit3A_346 : f32 to vector<8x128xf32>
      %select_n3A_350 = arith.select %eq3A_345, %broadcast_in_dim3A_348, %broadcast_in_dim3A_349 : vector<8x128xi1>, vector<8x128xf32>
      %add3A_351 = arith.addf %add3A_342, %select_n3A_350 : vector<8x128xf32>
      %convert_element_type3A_352 = arith.fptosi %add3A_351 : vector<8x128xf32> to vector<8x128xi32>
      %swap3A_353 = arith.constant 0 : index
      %swap3A_354 = arith.constant 0 : index
      %swap3A_355 = vector.load %arg5[%swap3A_353, %swap3A_354] : memref<8x128xi32, #tpu.memory_space<vmem>>, vector<8x128xi32>
      tpu.vector_store %arg5[%swap3A_353, %swap3A_354], %convert_element_type3A_352 {strides = array<i32>} : memref<8x128xi32, #tpu.memory_space<vmem>>, vector<8x128xi32>,
    } else {
    }
    return
  }
  func.func @transform_0(%arg0: i32) -> (i32, i32) {
    %c0_i32 = arith.constant 0 : i32
    %c0_i32_0 = arith.constant 0 : i32
    return %arg0, %c0_i32 : i32, i32
  }
  func.func @transform_1(%arg0: i32) -> (i32, i32) {
    %c0_i32 = arith.constant 0 : i32
    %c0_i32_0 = arith.constant 0 : i32
    %c0_i32_1 = arith.constant 0 : i32
    return %c0_i32, %c0_i32_0 : i32, i32
  }
  func.func @transform_2(%arg0: i32) -> (i32, i32) {
    %c0_i32 = arith.constant 0 : i32
    %c0_i32_0 = arith.constant 0 : i32
    %c0_i32_1 = arith.constant 0 : i32
    return %c0_i32, %c0_i32_0 : i32, i32
  }
  func.func @transform_3(%arg0: i32) -> (i32, i32) {
    %c0_i32 = arith.constant 0 : i32
    %c0_i32_0 = arith.constant 0 : i32
    return %arg0, %c0_i32 : i32, i32
  }
  func.func @transform_4(%arg0: i32) -> (i32, i32) {
    %c0_i32 = arith.constant 0 : i32
    %c0_i32_0 = arith.constant 0 : i32
    %c0_i32_1 = arith.constant 0 : i32
    return %c0_i32, %c0_i32_0 : i32, i32
  }
}

module attributes {stable_mosaic.version = 14 : i64} {
  func.func @_ffn_body(%arg0: i32, %arg1: memref<8x128xi32, #tpu.memory_space<smem>>, %arg2: memref<256x768xf32, #tpu.memory_space<vmem>>, %arg3: memref<1x384x768xf32, #tpu.memory_space<vmem>>, %arg4: memref<1x384x768xf32, #tpu.memory_space<vmem>>, %arg5: memref<1x768x384xf32, #tpu.memory_space<vmem>>, %arg6: memref<256x768xf32, #tpu.memory_space<vmem>>) attributes {dimension_semantics = [#tpu.dimension_semantics<arbitrary>], iteration_bounds = array<i64: 32>, scalar_prefetch = 1 : i64, scratch_operands = 0 : i64, tpu.core_type = #tpu.core_type<tc>, window_params = [{transform_indices = @transform_0, window_bounds = array<i64: 256, 768>}, {transform_indices = @transform_1, window_bounds = array<i64: 1, 384, 768>}, {transform_indices = @transform_2, window_bounds = array<i64: 1, 384, 768>}, {transform_indices = @transform_3, window_bounds = array<i64: 1, 768, 384>}, {transform_indices = @transform_4, window_bounds = array<i64: 256, 768>}]} {
    %get3A = arith.constant 1 : index
    %get3A_0 = arith.index_cast %arg0 : i32 to index
    %get3A_1 = memref.load %arg1[%get3A, %get3A_0] : memref<8x128xi32, #tpu.memory_space<smem>>
    %get3A_2 = arith.constant 2 : index
    %get3A_3 = arith.index_cast %arg0 : i32 to index
    %get3A_4 = memref.load %arg1[%get3A_2, %get3A_3] : memref<8x128xi32, #tpu.memory_space<smem>>
    %get3A_5 = arith.constant 3 : index
    %get3A_6 = arith.index_cast %arg0 : i32 to index
    %get3A_7 = memref.load %arg1[%get3A_5, %get3A_6] : memref<8x128xi32, #tpu.memory_space<smem>>
    %get3A_8 = arith.constant 0 : index
    %get3A_9 = arith.index_cast %get3A_4 : i32 to index
    %get3A_10 = memref.load %arg1[%get3A_8, %get3A_9] : memref<8x128xi32, #tpu.memory_space<smem>>
    %mul3A = arith.constant 256 : i32
    %mul3A_11 = arith.muli %get3A_1, %mul3A : i32
    %sub3A = arith.subi %get3A_10, %mul3A_11 : i32
    %jit3A = arith.constant 0 : i32
    %jit3A_12 = arith.constant 256 : i32
    %max3A = arith.maxsi %jit3A, %sub3A : i32
    %min3A = arith.minsi %jit3A_12, %max3A : i32
    %add3A = arith.constant 1 : i32
    %add3A_13 = arith.addi %get3A_4, %add3A : i32
    %get3A_14 = arith.constant 0 : index
    %get3A_15 = arith.index_cast %add3A_13 : i32 to index
    %get3A_16 = memref.load %arg1[%get3A_14, %get3A_15] : memref<8x128xi32, #tpu.memory_space<smem>>
    %mul3A_17 = arith.constant 256 : i32
    %mul3A_18 = arith.muli %get3A_1, %mul3A_17 : i32
    %sub3A_19 = arith.subi %get3A_16, %mul3A_18 : i32
    %jit3A_20 = arith.constant 0 : i32
    %jit3A_21 = arith.constant 256 : i32
    %max3A_22 = arith.maxsi %jit3A_20, %sub3A_19 : i32
    %min3A_23 = arith.minsi %jit3A_21, %max3A_22 : i32
    %get3A_24 = arith.constant 0 : index
    %get3A_25 = arith.constant 0 : index
    %get3A_26 = vector.load %arg2[%get3A_24, %get3A_25] : memref<256x768xf32, #tpu.memory_space<vmem>>, vector<256x768xf32>
    %get3A_27 = arith.constant 0 : index
    %get3A_28 = arith.constant 0 : index
    %get3A_29 = arith.constant 0 : index
    %get3A_30 = vector.load %arg3[%get3A_27, %get3A_28, %get3A_29] : memref<1x384x768xf32, #tpu.memory_space<vmem>>, vector<1x384x768xf32>
    %get3A_31 = vector.shape_cast %get3A_30 : vector<1x384x768xf32> to vector<384x768xf32>
    %dot_general3A = arith.constant dense<0.000000e+00> : vector<256x384xf32>
    %dot_general3A_32 = tpu.matmul %get3A_26, %get3A_31, %dot_general3A {dimension_numbers = #tpu.dot_dimension_numbers<[1], [1], [0], [0], [0, 0, 1, 0], [], []>, transpose_lhs_hint = false} : vector<256x768xf32>, vector<384x768xf32>, vector<256x384xf32> -> vector<256x384xf32>
    %get3A_33 = arith.constant 0 : index
    %get3A_34 = arith.constant 0 : index
    %get3A_35 = arith.constant 0 : index
    %get3A_36 = vector.load %arg4[%get3A_33, %get3A_34, %get3A_35] : memref<1x384x768xf32, #tpu.memory_space<vmem>>, vector<1x384x768xf32>
    %get3A_37 = vector.shape_cast %get3A_36 : vector<1x384x768xf32> to vector<384x768xf32>
    %dot_general3A_38 = arith.constant dense<0.000000e+00> : vector<256x384xf32>
    %dot_general3A_39 = tpu.matmul %get3A_26, %get3A_37, %dot_general3A_38 {dimension_numbers = #tpu.dot_dimension_numbers<[1], [1], [0], [0], [0, 0, 1, 0], [], []>, transpose_lhs_hint = false} : vector<256x768xf32>, vector<384x768xf32>, vector<256x384xf32> -> vector<256x384xf32>
    %logistic3A = arith.negf %dot_general3A_32 : vector<256x384xf32>
    %logistic3A_40 = math.exp %logistic3A : vector<256x384xf32>
    %logistic3A_41 = arith.constant 1.000000e+00 : f32
    %logistic3A_42 = vector.broadcast %logistic3A_41 : f32 to vector<256x384xf32>
    %logistic3A_43 = arith.addf %logistic3A_42, %logistic3A_40 : vector<256x384xf32>
    %logistic3A_44 = arith.divf %logistic3A_42, %logistic3A_43 : vector<256x384xf32>
    %mul3A_45 = arith.mulf %dot_general3A_32, %logistic3A_44 : vector<256x384xf32>
    %mul3A_46 = arith.mulf %mul3A_45, %dot_general3A_39 : vector<256x384xf32>
    %get3A_47 = arith.constant 0 : index
    %get3A_48 = arith.constant 0 : index
    %get3A_49 = arith.constant 0 : index
    %get3A_50 = vector.load %arg5[%get3A_47, %get3A_48, %get3A_49] : memref<1x768x384xf32, #tpu.memory_space<vmem>>, vector<1x768x384xf32>
    %get3A_51 = vector.shape_cast %get3A_50 : vector<1x768x384xf32> to vector<768x384xf32>
    %dot_general3A_52 = arith.constant dense<0.000000e+00> : vector<256x768xf32>
    %dot_general3A_53 = tpu.matmul %mul3A_46, %get3A_51, %dot_general3A_52 {dimension_numbers = #tpu.dot_dimension_numbers<[1], [1], [0], [0], [0, 0, 1, 0], [], []>, transpose_lhs_hint = false} : vector<256x384xf32>, vector<768x384xf32>, vector<256x768xf32> -> vector<256x768xf32>
    %iota3A = tpu.iota {dimensions = array<i32: 0>} : vector<256x1xi32>
    %ge3A = vector.broadcast %min3A : i32 to vector<256x1xi32>
    %ge3A_54 = arith.cmpi sge, %iota3A, %ge3A : vector<256x1xi32>
    %lt3A = vector.broadcast %min3A_23 : i32 to vector<256x1xi32>
    %lt3A_55 = arith.cmpi slt, %iota3A, %lt3A : vector<256x1xi32>
    %and3A = arith.andi %ge3A_54, %lt3A_55 : vector<256x1xi1>
    %gt3A = arith.constant 0 : i32
    %gt3A_56 = arith.cmpi sgt, %get3A_7, %gt3A : i32
    %and3A_57 = vector.broadcast %gt3A_56 : i1 to vector<256x1xi1>
    %and3A_58 = arith.andi %and3A, %and3A_57 : vector<256x1xi1>
    %jit3A_59 = arith.constant 0.000000e+00 : f32
    %broadcast_in_dim3A = vector.shape_cast %and3A_58 : vector<256x1xi1> to vector<256x1xi1>
    %broadcast_in_dim3A_60 = vector.broadcast %broadcast_in_dim3A : vector<256x1xi1> to vector<256x768xi1>
    %broadcast_in_dim3A_61 = vector.broadcast %jit3A_59 : f32 to vector<256x768xf32>
    %select_n3A = arith.select %broadcast_in_dim3A_60, %dot_general3A_53, %broadcast_in_dim3A_61 : vector<256x768xi1>, vector<256x768xf32>
    %sub3A_62 = arith.constant 1 : i32
    %sub3A_63 = arith.subi %arg0, %sub3A_62 : i32
    %max3A_64 = arith.constant 0 : i32
    %max3A_65 = arith.maxsi %sub3A_63, %max3A_64 : i32
    %get3A_66 = arith.constant 1 : index
    %get3A_67 = arith.index_cast %max3A_65 : i32 to index
    %get3A_68 = memref.load %arg1[%get3A_66, %get3A_67] : memref<8x128xi32, #tpu.memory_space<smem>>
    %eq3A = arith.constant 0 : i32
    %eq3A_69 = arith.cmpi eq, %arg0, %eq3A : i32
    %ne3A = arith.cmpi ne, %get3A_1, %get3A_68 : i32
    %or3A = arith.ori %eq3A_69, %ne3A : i1
    %convert_element_type3A = arith.extui %or3A : i1 to i32
    %cond3A = arith.constant 0 : i32
    %cond3A_70 = arith.cmpi ne, %convert_element_type3A, %cond3A : i32
    scf.if %cond3A_70 {
      %swap3A = arith.constant 0 : index
      %swap3A_75 = arith.constant 0 : index
      %swap3A_76 = vector.load %arg6[%swap3A, %swap3A_75] : memref<256x768xf32, #tpu.memory_space<vmem>>, vector<256x768xf32>
      tpu.vector_store %arg6[%swap3A, %swap3A_75], %select_n3A {strides = array<i32>} : memref<256x768xf32, #tpu.memory_space<vmem>>, vector<256x768xf32>,
    } else {
    }
    %not3A = arith.constant true
    %not3A_71 = arith.xori %or3A, %not3A : i1
    %convert_element_type3A_72 = arith.extui %not3A_71 : i1 to i32
    %cond3A_73 = arith.constant 0 : i32
    %cond3A_74 = arith.cmpi ne, %convert_element_type3A_72, %cond3A_73 : i32
    scf.if %cond3A_74 {
      %get3A_75 = arith.constant 0 : index
      %get3A_76 = arith.constant 0 : index
      %get3A_77 = vector.load %arg6[%get3A_75, %get3A_76] : memref<256x768xf32, #tpu.memory_space<vmem>>, vector<256x768xf32>
      %add3A_78 = arith.addf %get3A_77, %select_n3A : vector<256x768xf32>
      %swap3A = arith.constant 0 : index
      %swap3A_79 = arith.constant 0 : index
      %swap3A_80 = vector.load %arg6[%swap3A, %swap3A_79] : memref<256x768xf32, #tpu.memory_space<vmem>>, vector<256x768xf32>
      tpu.vector_store %arg6[%swap3A, %swap3A_79], %add3A_78 {strides = array<i32>} : memref<256x768xf32, #tpu.memory_space<vmem>>, vector<256x768xf32>,
    } else {
    }
    return
  }
  func.func @transform_0(%arg0: i32, %arg1: memref<8x128xi32, #tpu.memory_space<smem>>) -> (i32, i32) {
    %get3A = arith.constant 1 : index
    %get3A_0 = arith.index_cast %arg0 : i32 to index
    %get3A_1 = memref.load %arg1[%get3A, %get3A_0] : memref<8x128xi32, #tpu.memory_space<smem>>
    %c0_i32 = arith.constant 0 : i32
    %c0_i32_2 = arith.constant 0 : i32
    return %get3A_1, %c0_i32 : i32, i32
  }
  func.func @transform_1(%arg0: i32, %arg1: memref<8x128xi32, #tpu.memory_space<smem>>) -> (i32, i32, i32) {
    %get3A = arith.constant 2 : index
    %get3A_0 = arith.index_cast %arg0 : i32 to index
    %get3A_1 = memref.load %arg1[%get3A, %get3A_0] : memref<8x128xi32, #tpu.memory_space<smem>>
    %c0_i32 = arith.constant 0 : i32
    %c0_i32_2 = arith.constant 0 : i32
    %c0_i32_3 = arith.constant 0 : i32
    return %get3A_1, %c0_i32, %c0_i32_2 : i32, i32, i32
  }
  func.func @transform_2(%arg0: i32, %arg1: memref<8x128xi32, #tpu.memory_space<smem>>) -> (i32, i32, i32) {
    %get3A = arith.constant 2 : index
    %get3A_0 = arith.index_cast %arg0 : i32 to index
    %get3A_1 = memref.load %arg1[%get3A, %get3A_0] : memref<8x128xi32, #tpu.memory_space<smem>>
    %c0_i32 = arith.constant 0 : i32
    %c0_i32_2 = arith.constant 0 : i32
    %c0_i32_3 = arith.constant 0 : i32
    return %get3A_1, %c0_i32, %c0_i32_2 : i32, i32, i32
  }
  func.func @transform_3(%arg0: i32, %arg1: memref<8x128xi32, #tpu.memory_space<smem>>) -> (i32, i32, i32) {
    %get3A = arith.constant 2 : index
    %get3A_0 = arith.index_cast %arg0 : i32 to index
    %get3A_1 = memref.load %arg1[%get3A, %get3A_0] : memref<8x128xi32, #tpu.memory_space<smem>>
    %c0_i32 = arith.constant 0 : i32
    %c0_i32_2 = arith.constant 0 : i32
    %c0_i32_3 = arith.constant 0 : i32
    return %get3A_1, %c0_i32, %c0_i32_2 : i32, i32, i32
  }
  func.func @transform_4(%arg0: i32, %arg1: memref<8x128xi32, #tpu.memory_space<smem>>) -> (i32, i32) {
    %get3A = arith.constant 1 : index
    %get3A_0 = arith.index_cast %arg0 : i32 to index
    %get3A_1 = memref.load %arg1[%get3A, %get3A_0] : memref<8x128xi32, #tpu.memory_space<smem>>
    %c0_i32 = arith.constant 0 : i32
    %c0_i32_2 = arith.constant 0 : i32
    return %get3A_1, %c0_i32 : i32, i32
  }
}

</mosaic_0001>

<sc_bundles>
// kernel: kernel.6.cloned.1.call-start
scs
__scs_entry_jumppad:
0x0: {  	(pc) =	sbr.rel $0x88, $3  }
0x1: {  	(tag) =	ssettag $0x0;
	lr =	simm.s32 $0x1  }
0x2: {  	[smem:$0x3F9C] =	sst lr;
	_ =	strace $0xD0000000  }
0x3: {  	_ = 	snop  }
0x4: {  	_ = 	snop  }
0x5: {  	_ = 	snop  }
0x6: {  	_ = 	snop  }
0x7: {  	_ = 	snop  }
__scs_overlays_trampoline_lowered:
0x8: {  	[smem:$0x3FAB] =	sst s0  }
0x9: {  	[smem:$0x3FAC] =	sst s1  }
0xa: {  	[smem:$0x3FAD] =	sst s2  }
0xb: {  	[smem:$0x3FAE] =	sst s3  }
0xc: {  	[smem:$0x3FAF] =	sst s4  }
0xd: {  	[smem:$0x3FB0] =	sst s5  }
0xe: {  	[smem:$0x3FB1] =	sst s6  }
0xf: {  	[smem:$0x3FB2] =	sst s7  }
0x10: {  	[smem:$0x3FB3] =	sst s8  }
0x11: {  	[smem:$0x3FB4] =	sst s9;
	s0 =	simm.s32 @!p0 $0x0  }
0x12: {  	s1 =	sld [smem:$0x3F9A];
	s0 =	simm.s32 @p0 $0x1  }
0x13: {  	[smem:$0x3FB5] =	sst s0;
	s0 =	simm.s32 @!p1 $0x0  }
0x14: {  	s2 =	sld [smem:$0x3F99];
	s0 =	simm.s32 @p1 $0x1  }
0x15: {  	[smem:$0x3FB6] =	sst s0;
	s0 =	simm.s32 @!p2 $0x0  }
0x16: {  	s3 =	sld [smem:$0x3FDB];
	s0 =	simm.s32 @p2 $0x1  }
0x17: {  	s4 =	simm.s32 $0x1BF5;
	[smem:$0x3FB8] =	sst s0  }
0x18: {  	s0 =	sld [smem:$0x3F9B];
	_ =	swait.ge [sflag:s4], $0x0  }
0x19: {  	s7 =	sld [smem:$0x3F9C]  }
0x1a: {  	s8 =	sadd.s32 $0xFFFFE003, lr  }
0x1b: {  	s9 =	sadd.s32 $0xFFFFFEF7, lr;
	s5 =	simm.s32 $0xFFFFFFFF;
	p2 =	slt.u32 s8, $0xFFFFF086  }
0x1c: {  	p1 =	slt.u32 s9, $0xF7A;
	s5 =	simm.s32 @!p2 $0x0  }
0x1d: {  	s5 =	simm.s32 @p1 $0x1;
	p0 =	seq.s32 s7, s2  }
0x1e: {  	s7 =	smul.u32 @!p0 $0xF7A, s2;
	p2 =	seq.s32 @!p0 s5, $0x0  }
0x1f: {  	s9 =	smul.u32 $0xF7A, s1;
	s8 =	simm.s32 @!p0 $0x1BF5;
	p2 =	por !p2, p0  }
0x20: {  	[sflag:s8] =	ssyncset.s32 @!p0 $0xFFFFF086;
	s6 =	sadd.s32 @!p0 s3, s7;
	s7 =	simm.s32 @!p0 $0x108  }
0x21: {  	s3 =	sadd.s32 s3, s9;
	s6 =	sadd.s32 @!p0 $0x88, s6;
	s7 =	simm.s32 @p2 $0x1082  }
0x22: {  	[simem:s7], [sflag:s8] =	dma.local @!p0 [hbm:s6], $0xF7A  }
0x23: {  	s9 =	sor.u32 $0xD0000000, s2;
	s6 =	simm.s32 $0x108;
	_ =	swait.ge @!p0 [sflag:s8], $0x0  }
0x24: {  	s3 =	sadd.s32 $0x88, s3;
	s6 =	simm.s32 @!p1 $0x1082;
	[sflag:s4] =	ssyncset.s32 $0xFFFFF086  }
0x25: {  	[simem:s6], [sflag:s4] =	dma.local [hbm:s3], $0xF7A  }
0x26: {  	[smem:$0x3F9C] =	sst s1;
	(tag) =	ssettag s2;
	_ =	strace s9  }
0x27: {  	s1 =	sld [smem:$0x3FAC]  }
0x28: {  	s2 =	sld [smem:$0x3FAD]  }
0x29: {  	s4 =	sld [smem:$0x3FAF]  }
0x2a: {  	p0 =	seq.s32 s5, $0x0;
	s5 =	sld [smem:$0x3FB0]  }
0x2b: {  	s6 =	sld [smem:$0x3FB1]  }
0x2c: {  	s7 =	sld [smem:$0x3FB2]  }
0x2d: {  	s3 =	simm.s32 $0x108;
	s8 =	sld [smem:$0x3FB3]  }
0x2e: {  	s3 =	simm.s32 @!p0 $0x1082;
	s9 =	sld [smem:$0x3FB4]  }
0x2f: {  	lr =	sadd.s32 s0, s3;
	s0 =	sld [smem:$0x3FAB]  }
0x30: {  	s3 =	sld [smem:$0x3FAE]  }
0x31: {  	[smem:$0x3FB7] =	sst s10  }
0x32: {  	s10 =	sld [smem:$0x3FB5];
	_ =	sdelay $0x3  }
0x33: {  	p0 =	seq.s32 s10, $0x1;
	s10 =	sld [smem:$0x3FB7];
	_ =	sdelay $0x3  }
0x34: {  	[smem:$0x3FB7] =	sst s10  }
0x35: {  	s10 =	sld [smem:$0x3FB6];
	_ =	sdelay $0x3  }
0x36: {  	p1 =	seq.s32 s10, $0x1;
	s10 =	sld [smem:$0x3FB7];
	_ =	sdelay $0x3  }
0x37: {  	[smem:$0x3FB7] =	sst s10  }
0x38: {  	s10 =	sld [smem:$0x3FB8]  }
0x39: {  	_ = 	snop;
	(pc) =	sbr.ind lr, $3  }
0x3a: {  	_ = 	snop  }
0x3b: {  	_ = 	snop  }
0x3c: {  	p2 =	seq.s32 s10, $0x1;
	s10 =	sld [smem:$0x3FB7]  }
0x3d: {  	_ =	shalt  }
0x3e: {  	_ =	shalt  }
0x3f: {  	_ =	shalt  }
0x40: {  	_ =	shalt  }
0x41: {  	_ =	shalt  }
0x42: {  	_ =	shalt  }
0x43: {  	_ =	shalt  }
0x44: {  	_ =	shalt  }
0x45: {  	_ =	shalt  }
0x46: {  	_ =	shalt  }
0x47: {  	_ =	shalt  }
0x48: {  	_ =	shalt  }
0x49: {  	_ =	shalt  }
0x4a: {  	_ =	shalt  }
0x4b: {  	_ =	shalt  }
0x4c: {  	_ =	shalt  }
0x4d: {  	_ =	shalt  }
0x4e: {  	_ =	shalt  }
0x4f: {  	_ =	shalt  }
0x50: {  	_ =	shalt  }
0x51: {  	_ =	shalt  }
0x52: {  	_ =	shalt  }
0x53: {  	_ =	shalt  }
0x54: {  	_ =	shalt  }
0x55: {  	_ =	shalt  }
0x56: {  	_ =	shalt  }
0x57: {  	_ =	shalt  }
0x58: {  	_ =	shalt  }
0x59: {  	_ =	shalt  }
0x5a: {  	_ =	shalt  }
0x5b: {  	_ =	shalt  }
0x5c: {  	_ =	shalt  }
0x5d: {  	_ =	shalt  }
0x5e: {  	_ =	shalt  }
0x5f: {  	_ =	shalt  }
0x60: {  	_ =	shalt  }
0x61: {  	_ =	shalt  }
0x62: {  	_ =	shalt  }
0x63: {  	_ =	shalt  }
0x64: {  	_ =	shalt  }
0x65: {  	_ =	shalt  }
0x66: {  	_ =	shalt  }
0x67: {  	_ =	shalt  }
0x68: {  	_ =	shalt  }
0x69: {  	_ =	shalt  }
0x6a: {  	_ =	shalt  }
0x6b: {  	_ =	shalt  }
0x6c: {  	_ =	shalt  }
0x6d: {  	_ =	shalt  }
0x6e: {  	_ =	shalt  }
0x6f: {  	_ =	shalt  }
0x70: {  	_ =	shalt  }
0x71: {  	_ =	shalt  }
0x72: {  	_ =	shalt  }
0x73: {  	_ =	shalt  }
0x74: {  	_ =	shalt  }
0x75: {  	_ =	shalt  }
0x76: {  	_ =	shalt  }
0x77: {  	_ =	shalt  }
0x78: {  	_ =	shalt  }
0x79: {  	_ =	shalt  }
0x7a: {  	_ =	shalt  }
0x7b: {  	_ =	shalt  }
0x7c: {  	_ =	shalt  }
0x7d: {  	_ =	shalt  }
0x7e: {  	_ =	shalt  }
0x7f: {  	_ =	shalt  }
0x80: {  	_ =	shalt  }
0x81: {  	_ =	shalt  }
0x82: {  	_ =	shalt  }
0x83: {  	_ =	shalt  }
0x84: {  	_ =	shalt  }
0x85: {  	_ =	shalt  }
0x86: {  	_ =	shalt  }
0x87: {  	_ =	shalt  }
.Lfunc_end0:
.L_simem_size_0:
called_computation_lowered:
.L_overlay_start_0:
0x88: {  	s2 =	sld [smem:$0x3FD9]  }
0x89: {  	s3 =	sld [smem:$0x3FFE];
	_ =	sdelay $0x1  }
0x8a: {  	s1 =	srdreg.scid  }
0x8b: {  	s0 =	sand.u32 $0x1, s1  }
0x8c: {  	s17 =	sshll.u32 s0, $0xA;
	s2 =	sadd.s32 s3, s2  }
0x8d: {  	s2 =	sadd.s32 s2, s17  }
0x8e: {  	[smem:$0x3FC3] =	sst s2  }
0x8f: {  	_ = 	snop  }
0x90: {  	s2 =	sld [smem:$0x3FC9];
	(tm) =	ssettm $0x1  }
0x91: {  	s18 =	sld [smem:$0x3FFB];
	_ =	sdelay $0x3  }
0x92: {  	_ =	strace s18  }
0x93: {  	s3 =	sld [smem:$0x3FFC];
	_ =	sdelay $0x3  }
0x94: {  	_ =	strace s3  }
0x95: {  	s3 =	sld [smem:$0x3FFD];
	_ =	sdelay $0x3  }
0x96: {  	_ =	strace s3  }
0x97: {  	_ =	strace $0x8FFFFFFF  }
0x98: {  	s19 =	sld [smem:$0x3FDB];
	_ =	sdelay $0x1  }
0x99: {  	s4 =	simm.s32 $_scs_section_size  }
0x9a: {  	s5 =	simm.s32 $_size__tile_overlayer_lowered;
	s6 =	simm.s32 $_tile_overlayer_lowered  }
0x9b: {  	s22 =	simm.s32 $0x1BFF;
	s21 =	sshll.u32 s6, $0x1;
	s3 =	sadd.s32 s4, s19  }
0x9c: {  	s7 =	simm.s32 $0x0;
	s20 =	sshll.u32 s5, $0x1;
	s5 =	sadd.s32 s21, s3  }
0x9d: {  	[timem:s7], [sflag:s22] =	dma.local [hbm:s5], s20  }
0x9e: {  	_ =	swait.ge [sflag:s22], s20  }
0x9f: {  	s4 =	ssub.s32 $0x0, s20;
	[sflag:s22] =	ssyncset.done $0x0  }
0xa0: {  	[sflag:s22] =	ssyncadd.s32 s4;
	_ =	sdelay $0x1  }
0xa1: {  	s23 =	simm.s32 $0x1B8B  }
0xa2: {  	_ =	swait.ge [sflag:s23], $0x1  }
0xa3: {  	[sflag:s23] =	ssyncset.done $0x0  }
0xa4: {  	s25 =	simm.s32 $0x1B8E;
	s24 =	sld [smem:$0x3FFE];
	[sflag:s23] =	ssyncadd.s32 $0xFFFFFFFF  }
0xa5: {  	s26 =	simm.s32 $execute0_lowered;
	[smem:$0x3FD2] =	sst s25  }
0xa6: {  	s5 =	sshll.u32 s26, $0x1;
	_ =	strace $0x80000046;
	[dreg:$0x1] =	wrdreg $0xFFFFFFFF  }
0xa7: {  	s28 =	simm.s32 $_size_execute0_lowered;
	s3 =	sadd.s32 s3, s5;
	[dreg:$0x0] =	wrdreg $0x0  }
0xa8: {  	s5 =	sshll.u32 s28, $0x1;
	[dreg:$0x2] =	wrdreg s3  }
0xa9: {  	[dreg:$0x3] =	wrdreg s5  }
0xaa: {  	[dreg:$0x4] =	wrdreg $0xC0  }
0xab: {  	_ =	task [dreg:s7], $0x5FFFF  }
0xac: {  	[dreg:$0x1] =	wrdreg $0xFFFFFFFF  }
0xad: {  	[dreg:$0x0] =	wrdreg $0x60  }
0xae: {  	[dreg:$0x2] =	wrdreg s2  }
0xaf: {  	[dreg:$0x3] =	wrdreg s24  }
0xb0: {  	[dreg:$0x4] =	wrdreg $0x9  }
0xb1: {  	_ =	task.clear_ibuf [dreg:s7], $0x5FFFF;
	_ =	strace $0x90000046  }
0xb2: {  	s29 =	simm.s32 $0x9;
	_ =	strace $0x80000048  }
0xb3: {  	_ =	swait.ge [sflag:s29], $0x1  }
0xb4: {  	[sflag:s29] =	ssyncadd.s32 $0xFFFFFFFF  }
0xb5: {  	_ =	strace $0x90000048  }
0xb6: {  	_ =	sfence  }
0xb7: {  	s30 =	sld [smem:$0x0];
	_ =	sdelay $0x2  }
0xb8: {  	s31 =	sshll.u32 s1, $0xD;
	s1 =	sshrl.u32 s1, $0x2  }
0xb9: {  	s3 =	sand.u32 $0x4000, s31;
	s1 =	sadd.s32 s1, s30  }
0xba: {  	s0 =	sor.u32 s3, s0;
	s1 =	sshll.u32 s1, $0x11  }
0xbb: {  	s0 =	sor.u32 s1, s0  }
0xbc: {  	s0 =	sadd.s32 $0x8F2B, s0  }
0xbd: {  	[sflag:s0] =	ssyncadd.remote.s32 $0x1  }
0xbe: {  	_ =	sfence.sel $0xFFFF  }
0xbf: {  	[dreg:$0x0] =	wrdreg $0xFFFFFFFF;
	(pc) =	sbr.abs _section_cstart, $3  }
0xc0: {  	[dreg:$0x1] =	wrdreg $0xFFFFFFFF  }
0xc1: {  	_ =	task.clear_ibuf [dreg:s7], $0x2FFFF;
	_ =	strace $0x9FFFFFFF  }
0xc2: {  	(tm) =	ssettm $0x7FFFFFFF  }
0xc3: {  	_ =	shalt  }
tec
execute0_lowered:
.L_overlay_start_1:
0x0: {  	(tag) =	ssettag $0x1  }
0x1: {  	s0 =	rddreg [dreg:$0x0]  }
0x2: {  	s1 =	rddreg [dreg:$0x1];
	s2 =	srdreg.scid  }
0x3: {  	s4 =	stileid.u32;
	s26 =	simm.s32 $0x80;
	s8 =	simm.s32 $0x2  }
0x4: {  	s9 =	simm.s32 $0x100;
	s12 =	simm.s32 $0x1900;
	s13 =	simm.s32 $0x2100  }
0x5: {  	s14 =	simm.s32 $0x2900;
	s15 =	simm.s32 $0x3100;
	s16 =	simm.s32 $0x3900  }
0x6: {  	s17 =	simm.s32 $0x4100;
	s18 =	simm.s32 $0x4900;
	s19 =	simm.s32 $0x5100  }
0x7: {  	s20 =	simm.s32 $0x5900;
	s21 =	simm.s32 $0x6100;
	s22 =	simm.s32 $0x6900  }
0x8: {  	s23 =	simm.s32 $0x7100;
	s24 =	simm.s32 $0x7900;
	s25 =	simm.s32 $0x8100  }
0x9: {  	s28 =	simm.s32 $0x9100;
	s29 =	simm.s32 $0x9900;
	s30 =	simm.s32 $0xA100  }
0xa: {  	s31 =	simm.s32 $0xA900;
	s3 =	sand.u32 $0x1, s2;
	s2 =	simm.s32 $0x0  }
0xb: {  	s4 =	sshll.u32 s4, $0x4;
	s5 =	sshll.u32 s3, $0x3;
	[smem:$0x7FF] =	sst s2  }
0xc: {  	s3 =	ssub.s32 $0x2, s3;
	s4 =	sor.u32 s5, s4;
	_ =	strace $0x80000047  }
0xd: {  	s7 =	sshrl.u32 s3, $0x1;
	[dreg:$0x5] =	wrdreg s26;
	s26 =	simm.s32 $0x8900  }
0xe: {  	s6 =	sadd.s32 s1, s4;
	s5 =	smul.u32 $0x300, s4;
	s4 =	sadd.s32 $0x400, s1  }
0xf: {  	s3 =	ssub.s32 s3, s7;
	[dreg:$0x6] =	wrdreg s6;
	s6 =	sadd.s32 $0x200, s6  }
0x10: {  	v2 =	vlaneseq.u32;
	s7 =	smax.u32 s3, $0x1;
	s3 =	simm.s32 $0x1;
	[dreg:$0x3] =	wrdreg s6  }
0x11: {  	vm0 =	vmmov $0xffff;
	v1 =	vshrl.u32 v2, $0x3;
	s0 =	sadd.s32 s0, s5;
	s5 =	sadd.s32 $0x500, s1;
	s6 =	sadd.s32 $0x600, s1  }
0x12: {  	v0 =	vand.u32 $0x7, v2;
	v2 =	vor.u32 $0x8, v2;
	v1 =	vmul.u32 $0x8, v1;
	s1 =	simm.s32 $0xB900;
	[dreg:$0x4] =	wrdreg s0;
	s0 =	simm.s32 $0xB100  }
.LBB2_1:
0x13: {  	s10 =	rddreg [dreg:$0x3]  }
0x14: {  	[tilespmem:s2], [sflag:$0x2] =	stream.linear.gather [hbm4b:s10+s2], $0x40, $0x38;
	[tilespmem:$0xC100] =	vst v63  }
0x15: {  	_ =	swait.ge [sflag:s8], $0x40  }
0x16: {  	s10 =	rddreg [dreg:$0x5];
	[sflag:s8] =	ssyncset.done $0x0  }
0x17: {  	s11 =	rddreg [dreg:$0x6];
	[sflag:s8] =	ssyncadd.s32 $0xFFFFFFC0  }
0x18: {  	[tilespmem:s10], [sflag:$0x2] =	stream.linear.gather [hbm4b:s11+s2], $0x40, $0x38;
	[tilespmem:$0xC100] =	vst v63  }
0x19: {  	_ =	swait.ge [sflag:s8], $0x40  }
0x1a: {  	[sflag:s8] =	ssyncset.done $0x0  }
0x1b: {  	s11 =	rddreg [dreg:$0x4];
	[sflag:s8] =	ssyncadd.s32 $0xFFFFFFC0  }
0x1c: {  	[tilespmem:s9], [sflag:$0x2] =	stream.linear.gather [hbm4b:s11+s2], $0xC000, $0x38;
	[tilespmem:$0xC100] =	vst v63  }
0x1d: {  	_ =	swait.ge [sflag:s8], $0xC000  }
0x1e: {  	[sflag:s8] =	ssyncset.done $0x0  }
0x1f: {  	[sflag:s8] =	ssyncadd.s32 $0xFFFF4000  }
0x20: {  	v3 =	vld [tilespmem:$0x0];
	_ =	sdelay $0x4  }
0x21: {  	v4 =	vshrl.u32 v3, $0x3  }
0x22: {  	v4 =	vmul.u32 $0x30, v4  }
0x23: {  	v3 =	vand.u32 $0x7, v3  }
0x24: {  	v3 =	vor.u32 v3, v4  }
0x25: {  	v4 =	vperm.xlane v3, v0;
	_ =	sdelay $0x1  }
0x26: {  	v4 =	vadd.s32 v1, v4;
	_ =	sdelay $0x3  }
0x27: {  	v3 =	vperm.xlane v3, v2  }
0x28: {  	[hbm4b:s4+s2] =	stream.indirect_vreg.scatter [tilespmem:s9], [sflag:$0x1], $0x80, v4, vm0, $0xb8;
	[tilespmem:$0xC100] =	vst v63  }
0x29: {  	s10 =	simm.s32 $0x900;
	v3 =	vadd.s32 v1, v3  }
0x2a: {  	[hbm4b:s5+s2] =	stream.indirect_vreg.scatter [tilespmem:s10], [sflag:$0x1], $0x80, v4, vm0, $0xb8;
	[tilespmem:$0xC100] =	vst v63  }
0x2b: {  	s11 =	simm.s32 $0x1100  }
0x2c: {  	[hbm4b:s6+s2] =	stream.indirect_vreg.scatter [tilespmem:s11], [sflag:$0x1], $0x80, v4, vm0, $0xb8;
	[tilespmem:$0xC100] =	vst v63  }
0x2d: {  	_ = 	snop  }
0x2e: {  	[hbm4b:s4+s2] =	stream.indirect_vreg.scatter [tilespmem:s12], [sflag:$0x1], $0x80, v3, vm0, $0xb8;
	[tilespmem:$0xC100] =	vst v63  }
0x2f: {  	_ = 	snop  }
0x30: {  	[hbm4b:s5+s2] =	stream.indirect_vreg.scatter [tilespmem:s13], [sflag:$0x1], $0x80, v3, vm0, $0xb8;
	[tilespmem:$0xC100] =	vst v63  }
0x31: {  	_ = 	snop  }
0x32: {  	[hbm4b:s6+s2] =	stream.indirect_vreg.scatter [tilespmem:s14], [sflag:$0x1], $0x80, v3, vm0, $0xb8;
	[tilespmem:$0xC100] =	vst v63  }
0x33: {  	v3 =	vld [tilespmem:$0x10];
	_ =	sdelay $0x4  }
0x34: {  	v57 =	vshrl.u32 v3, $0x3  }
0x35: {  	v4 =	vmul.u32 $0x30, v57  }
0x36: {  	v3 =	vand.u32 $0x7, v3  }
0x37: {  	v3 =	vor.u32 v3, v4  }
0x38: {  	v4 =	vperm.xlane v3, v0;
	_ =	sdelay $0x1  }
0x39: {  	v4 =	vadd.s32 v1, v4;
	_ =	sdelay $0x3  }
0x3a: {  	v3 =	vperm.xlane v3, v2  }
0x3b: {  	[hbm4b:s4+s2] =	stream.indirect_vreg.scatter [tilespmem:s15], [sflag:$0x1], $0x80, v4, vm0, $0xb8;
	[tilespmem:$0xC100] =	vst v63  }
0x3c: {  	v3 =	vadd.s32 v1, v3  }
0x3d: {  	[hbm4b:s5+s2] =	stream.indirect_vreg.scatter [tilespmem:s16], [sflag:$0x1], $0x80, v4, vm0, $0xb8;
	[tilespmem:$0xC100] =	vst v63  }
0x3e: {  	_ = 	snop  }
0x3f: {  	[hbm4b:s6+s2] =	stream.indirect_vreg.scatter [tilespmem:s17], [sflag:$0x1], $0x80, v4, vm0, $0xb8;
	[tilespmem:$0xC100] =	vst v63  }
0x40: {  	_ = 	snop  }
0x41: {  	[hbm4b:s4+s2] =	stream.indirect_vreg.scatter [tilespmem:s18], [sflag:$0x1], $0x80, v3, vm0, $0xb8;
	[tilespmem:$0xC100] =	vst v63  }
0x42: {  	_ = 	snop  }
0x43: {  	[hbm4b:s5+s2] =	stream.indirect_vreg.scatter [tilespmem:s19], [sflag:$0x1], $0x80, v3, vm0, $0xb8;
	[tilespmem:$0xC100] =	vst v63  }
0x44: {  	_ = 	snop  }
0x45: {  	[hbm4b:s6+s2] =	stream.indirect_vreg.scatter [tilespmem:s20], [sflag:$0x1], $0x80, v3, vm0, $0xb8;
	[tilespmem:$0xC100] =	vst v63  }
0x46: {  	v3 =	vld [tilespmem:$0x20];
	_ =	sdelay $0x4  }
0x47: {  	v58 =	vshrl.u32 v3, $0x3  }
0x48: {  	v4 =	vmul.u32 $0x30, v58  }
0x49: {  	v3 =	vand.u32 $0x7, v3  }
0x4a: {  	v3 =	vor.u32 v3, v4  }
0x4b: {  	v4 =	vperm.xlane v3, v0;
	_ =	sdelay $0x1  }
0x4c: {  	v4 =	vadd.s32 v1, v4;
	_ =	sdelay $0x3  }
0x4d: {  	v3 =	vperm.xlane v3, v2  }
0x4e: {  	[hbm4b:s4+s2] =	stream.indirect_vreg.scatter [tilespmem:s21], [sflag:$0x1], $0x80, v4, vm0, $0xb8;
	[tilespmem:$0xC100] =	vst v63  }
0x4f: {  	v3 =	vadd.s32 v1, v3  }
0x50: {  	[hbm4b:s5+s2] =	stream.indirect_vreg.scatter [tilespmem:s22], [sflag:$0x1], $0x80, v4, vm0, $0xb8;
	[tilespmem:$0xC100] =	vst v63  }
0x51: {  	_ = 	snop  }
0x52: {  	[hbm4b:s6+s2] =	stream.indirect_vreg.scatter [tilespmem:s23], [sflag:$0x1], $0x80, v4, vm0, $0xb8;
	[tilespmem:$0xC100] =	vst v63  }
0x53: {  	_ = 	snop  }
0x54: {  	[hbm4b:s4+s2] =	stream.indirect_vreg.scatter [tilespmem:s24], [sflag:$0x1], $0x80, v3, vm0, $0xb8;
	[tilespmem:$0xC100] =	vst v63  }
0x55: {  	_ = 	snop  }
0x56: {  	[hbm4b:s5+s2] =	stream.indirect_vreg.scatter [tilespmem:s25], [sflag:$0x1], $0x80, v3, vm0, $0xb8;
	[tilespmem:$0xC100] =	vst v63  }
0x57: {  	_ = 	snop  }
0x58: {  	[hbm4b:s6+s2] =	stream.indirect_vreg.scatter [tilespmem:s26], [sflag:$0x1], $0x80, v3, vm0, $0xb8;
	[tilespmem:$0xC100] =	vst v63  }
0x59: {  	v3 =	vld [tilespmem:$0x30];
	_ =	sdelay $0x4  }
0x5a: {  	v59 =	vshrl.u32 v3, $0x3  }
0x5b: {  	v4 =	vmul.u32 $0x30, v59  }
0x5c: {  	v3 =	vand.u32 $0x7, v3  }
0x5d: {  	v3 =	vor.u32 v3, v4  }
0x5e: {  	v4 =	vperm.xlane v3, v0;
	_ =	sdelay $0x1  }
0x5f: {  	v4 =	vadd.s32 v1, v4;
	_ =	sdelay $0x3  }
0x60: {  	v3 =	vperm.xlane v3, v2  }
0x61: {  	[hbm4b:s4+s2] =	stream.indirect_vreg.scatter [tilespmem:s28], [sflag:$0x1], $0x80, v4, vm0, $0xb8;
	[tilespmem:$0xC100] =	vst v63  }
0x62: {  	v3 =	vadd.s32 v1, v3  }
0x63: {  	[hbm4b:s5+s2] =	stream.indirect_vreg.scatter [tilespmem:s29], [sflag:$0x1], $0x80, v4, vm0, $0xb8;
	[tilespmem:$0xC100] =	vst v63  }
0x64: {  	_ = 	snop  }
0x65: {  	[hbm4b:s6+s2] =	stream.indirect_vreg.scatter [tilespmem:s30], [sflag:$0x1], $0x80, v4, vm0, $0xb8;
	[tilespmem:$0xC100] =	vst v63  }
0x66: {  	_ = 	snop  }
0x67: {  	[hbm4b:s4+s2] =	stream.indirect_vreg.scatter [tilespmem:s31], [sflag:$0x1], $0x80, v3, vm0, $0xb8;
	[tilespmem:$0xC100] =	vst v63  }
0x68: {  	_ = 	snop  }
0x69: {  	[hbm4b:s5+s2] =	stream.indirect_vreg.scatter [tilespmem:s0], [sflag:$0x1], $0x80, v3, vm0, $0xb8;
	[tilespmem:$0xC100] =	vst v63  }
0x6a: {  	_ = 	snop  }
0x6b: {  	[hbm4b:s6+s2] =	stream.indirect_vreg.scatter [tilespmem:s1], [sflag:$0x1], $0x80, v3, vm0, $0xb8;
	[tilespmem:$0xC100] =	vst v63  }
0x6c: {  	v3 =	vld [tilespmem:$0x80];
	_ =	sdelay $0x4  }
0x6d: {  	v60 =	vshrl.u32 v3, $0x3  }
0x6e: {  	v4 =	vmul.u32 $0x30, v60  }
0x6f: {  	v3 =	vand.u32 $0x7, v3  }
0x70: {  	v3 =	vor.u32 v3, v4  }
0x71: {  	v4 =	vperm.xlane v3, v0;
	_ =	sdelay $0x1  }
0x72: {  	v4 =	vadd.s32 v1, v4;
	_ =	sdelay $0x3  }
0x73: {  	v3 =	vperm.xlane v3, v2  }
0x74: {  	[hbm4b:s4+s2] =	stream.indirect_vreg.scatter [tilespmem:s9], [sflag:$0x1], $0x80, v4, vm0, $0xb8;
	[tilespmem:$0xC100] =	vst v63  }
0x75: {  	v3 =	vadd.s32 v1, v3  }
0x76: {  	[hbm4b:s5+s2] =	stream.indirect_vreg.scatter [tilespmem:s10], [sflag:$0x1], $0x80, v4, vm0, $0xb8;
	[tilespmem:$0xC100] =	vst v63  }
0x77: {  	_ = 	snop  }
0x78: {  	[hbm4b:s6+s2] =	stream.indirect_vreg.scatter [tilespmem:s11], [sflag:$0x1], $0x80, v4, vm0, $0xb8;
	[tilespmem:$0xC100] =	vst v63  }
0x79: {  	_ = 	snop  }
0x7a: {  	[hbm4b:s4+s2] =	stream.indirect_vreg.scatter [tilespmem:s12], [sflag:$0x1], $0x80, v3, vm0, $0xb8;
	[tilespmem:$0xC100] =	vst v63  }
0x7b: {  	_ = 	snop  }
0x7c: {  	[hbm4b:s5+s2] =	stream.indirect_vreg.scatter [tilespmem:s13], [sflag:$0x1], $0x80, v3, vm0, $0xb8;
	[tilespmem:$0xC100] =	vst v63  }
0x7d: {  	_ = 	snop  }
0x7e: {  	[hbm4b:s6+s2] =	stream.indirect_vreg.scatter [tilespmem:s14], [sflag:$0x1], $0x80, v3, vm0, $0xb8;
	[tilespmem:$0xC100] =	vst v63  }
0x7f: {  	v3 =	vld [tilespmem:$0x90];
	_ =	sdelay $0x4  }
0x80: {  	v61 =	vshrl.u32 v3, $0x3  }
0x81: {  	v4 =	vmul.u32 $0x30, v61  }
0x82: {  	v3 =	vand.u32 $0x7, v3  }
0x83: {  	v3 =	vor.u32 v3, v4  }
0x84: {  	v4 =	vperm.xlane v3, v0;
	_ =	sdelay $0x1  }
0x85: {  	v4 =	vadd.s32 v1, v4;
	_ =	sdelay $0x3  }
0x86: {  	v3 =	vperm.xlane v3, v2  }
0x87: {  	[hbm4b:s4+s2] =	stream.indirect_vreg.scatter [tilespmem:s15], [sflag:$0x1], $0x80, v4, vm0, $0xb8;
	[tilespmem:$0xC100] =	vst v63  }
0x88: {  	v3 =	vadd.s32 v1, v3  }
0x89: {  	[hbm4b:s5+s2] =	stream.indirect_vreg.scatter [tilespmem:s16], [sflag:$0x1], $0x80, v4, vm0, $0xb8;
	[tilespmem:$0xC100] =	vst v63  }
0x8a: {  	_ = 	snop  }
0x8b: {  	[hbm4b:s6+s2] =	stream.indirect_vreg.scatter [tilespmem:s17], [sflag:$0x1], $0x80, v4, vm0, $0xb8;
	[tilespmem:$0xC100] =	vst v63  }
0x8c: {  	_ = 	snop  }
0x8d: {  	[hbm4b:s4+s2] =	stream.indirect_vreg.scatter [tilespmem:s18], [sflag:$0x1], $0x80, v3, vm0, $0xb8;
	[tilespmem:$0xC100] =	vst v63  }
0x8e: {  	_ = 	snop  }
0x8f: {  	[hbm4b:s5+s2] =	stream.indirect_vreg.scatter [tilespmem:s19], [sflag:$0x1], $0x80, v3, vm0, $0xb8;
	[tilespmem:$0xC100] =	vst v63  }
0x90: {  	_ = 	snop  }
0x91: {  	[hbm4b:s6+s2] =	stream.indirect_vreg.scatter [tilespmem:s20], [sflag:$0x1], $0x80, v3, vm0, $0xb8;
	[tilespmem:$0xC100] =	vst v63  }
0x92: {  	v3 =	vld [tilespmem:$0xA0];
	_ =	sdelay $0x4  }
0x93: {  	v62 =	vshrl.u32 v3, $0x3  }
0x94: {  	v4 =	vmul.u32 $0x30, v62  }
0x95: {  	v3 =	vand.u32 $0x7, v3  }
0x96: {  	v3 =	vor.u32 v3, v4  }
0x97: {  	v4 =	vperm.xlane v3, v0;
	_ =	sdelay $0x1  }
0x98: {  	v4 =	vadd.s32 v1, v4;
	_ =	sdelay $0x3  }
0x99: {  	v3 =	vperm.xlane v3, v2  }
0x9a: {  	[hbm4b:s4+s2] =	stream.indirect_vreg.scatter [tilespmem:s21], [sflag:$0x1], $0x80, v4, vm0, $0xb8;
	[tilespmem:$0xC100] =	vst v63  }
0x9b: {  	v3 =	vadd.s32 v1, v3  }
0x9c: {  	[hbm4b:s5+s2] =	stream.indirect_vreg.scatter [tilespmem:s22], [sflag:$0x1], $0x80, v4, vm0, $0xb8;
	[tilespmem:$0xC100] =	vst v63  }
0x9d: {  	_ = 	snop  }
0x9e: {  	[hbm4b:s6+s2] =	stream.indirect_vreg.scatter [tilespmem:s23], [sflag:$0x1], $0x80, v4, vm0, $0xb8;
	[tilespmem:$0xC100] =	vst v63  }
0x9f: {  	_ = 	snop  }
0xa0: {  	[hbm4b:s4+s2] =	stream.indirect_vreg.scatter [tilespmem:s24], [sflag:$0x1], $0x80, v3, vm0, $0xb8;
	[tilespmem:$0xC100] =	vst v63  }
0xa1: {  	_ = 	snop  }
0xa2: {  	[hbm4b:s5+s2] =	stream.indirect_vreg.scatter [tilespmem:s25], [sflag:$0x1], $0x80, v3, vm0, $0xb8;
	[tilespmem:$0xC100] =	vst v63  }
0xa3: {  	_ = 	snop  }
0xa4: {  	[hbm4b:s6+s2] =	stream.indirect_vreg.scatter [tilespmem:s26], [sflag:$0x1], $0x80, v3, vm0, $0xb8;
	[tilespmem:$0xC100] =	vst v63  }
0xa5: {  	v3 =	vld [tilespmem:$0xB0];
	_ =	sdelay $0x4  }
0xa6: {  	v63 =	vshrl.u32 v3, $0x3  }
0xa7: {  	v4 =	vmul.u32 $0x30, v63  }
0xa8: {  	v3 =	vand.u32 $0x7, v3  }
0xa9: {  	v3 =	vor.u32 v3, v4  }
0xaa: {  	v4 =	vperm.xlane v3, v0;
	_ =	sdelay $0x1  }
0xab: {  	v4 =	vadd.s32 v1, v4;
	_ =	sdelay $0x3  }
0xac: {  	v3 =	vperm.xlane v3, v2  }
0xad: {  	[hbm4b:s4+s2] =	stream.indirect_vreg.scatter [tilespmem:s28], [sflag:$0x1], $0x80, v4, vm0, $0xb8;
	[tilespmem:$0xC100] =	vst v63  }
0xae: {  	v3 =	vadd.s32 v1, v3  }
0xaf: {  	[hbm4b:s5+s2] =	stream.indirect_vreg.scatter [tilespmem:s29], [sflag:$0x1], $0x80, v4, vm0, $0xb8;
	[tilespmem:$0xC100] =	vst v63  }
0xb0: {  	_ = 	snop  }
0xb1: {  	[hbm4b:s6+s2] =	stream.indirect_vreg.scatter [tilespmem:s30], [sflag:$0x1], $0x80, v4, vm0, $0xb8;
	[tilespmem:$0xC100] =	vst v63  }
0xb2: {  	_ = 	snop  }
0xb3: {  	[hbm4b:s4+s2] =	stream.indirect_vreg.scatter [tilespmem:s31], [sflag:$0x1], $0x80, v3, vm0, $0xb8;
	[tilespmem:$0xC100] =	vst v63  }
0xb4: {  	_ = 	snop  }
0xb5: {  	[hbm4b:s5+s2] =	stream.indirect_vreg.scatter [tilespmem:s0], [sflag:$0x1], $0x80, v3, vm0, $0xb8;
	[tilespmem:$0xC100] =	vst v63  }
0xb6: {  	_ = 	snop  }
0xb7: {  	[hbm4b:s6+s2] =	stream.indirect_vreg.scatter [tilespmem:s1], [sflag:$0x1], $0x80, v3, vm0, $0xb8;
	[tilespmem:$0xC100] =	vst v63  }
0xb8: {  	p0 =	sne.s32 s7, $0x1;
	_ =	swait.ge [sflag:s3], $0xC000  }
.Ltmp0:
0xb9: {  	[sflag:s3] =	ssyncset.done $0x0;
	(pc) =	sbr.rel @p0 .LBB2_1-.Ltmp0, $4  }
0xba: {  	[sflag:s3] =	ssyncadd.s32 $0xFFFF4000  }
0xbb: {  	_ =	swait.ge [sflag:s3], $0xC000  }
0xbc: {  	[sflag:s3] =	ssyncset.done $0x0  }
0xbd: {  	s7 =	sadd.s32 $0xFFFFFFFF, s7;
	[sflag:s3] =	ssyncadd.s32 $0xFFFF4000  }
0xbe: {  	_ =	sfence.sel $0x180000  }
0xbf: {  	[bflag:$0x0] =	sbarrier.arrive $0xFFFF  }
0xc0: {  	_ =	strace $0x90000047  }
0xc1: {  	s0 =	stileid.u32;
	[bflag:$0x2] =	sbarrier.arrive $0xFFFF  }
0xc2: {  	p0 =	sne.s32 s0, $0x0;
	s0 =	rddreg [dreg:$0x2]  }
0xc3: {  	s0 =	sadd.s32 @!p0 $0x100000, s0  }
0xc4: {  	[sflag:s0] =	ssyncadd.tile.s32 @!p0 $0x1;
	_ =	shalt  }
.Lfunc_end2:
_tile_overlayer_lowered:
.L_overlay_start_2:
0xc5: {  	(tag) =	ssettag $0x2  }
0xc6: {  	s0 =	rddreg [dreg:$0x0];
	s2 =	stileid.u32  }
0xc7: {  	s1 =	rddreg [dreg:$0x1];
	p0 =	sne.s32 s2, $0x0  }
0xc8: {  	s3 =	rddreg [dreg:$0x2];
	[bflag:$0x3] =	sbarrier.arrive $0xFFFF;
	s2 =	simm.s32 @!p0 $0x1C02  }
0xc9: {  	[timem:s3], [sflag:s2] =	dma.local @!p0 [hbm:s0], s1  }
0xca: {  	s0 =	simm.s32 @!p0 $0x2  }
0xcb: {  	_ =	swait.ge @!p0 [sflag:s0], s1  }
0xcc: {  	s1 =	ssub.s32 @!p0 $0x0, s1;
	[sflag:s0] =	ssyncset.done @!p0 $0x0  }
0xcd: {  	[sflag:s0] =	ssyncadd.s32 @!p0 s1  }
0xce: {  	[bflag:$0x3] =	sbarrier.arrive $0xFFFF  }
0xcf: {  	_ =	shalt  }

// kernel: kernel.9.cloned.1.call-start
scs
__scs_entry_jumppad:
0x0: {  	(pc) =	sbr.rel $0x88, $3  }
0x1: {  	(tag) =	ssettag $0x0;
	lr =	simm.s32 $0x1  }
0x2: {  	[smem:$0x3F9C] =	sst lr;
	_ =	strace $0xD0000000  }
0x3: {  	_ = 	snop  }
0x4: {  	_ = 	snop  }
0x5: {  	_ = 	snop  }
0x6: {  	_ = 	snop  }
0x7: {  	_ = 	snop  }
__scs_overlays_trampoline_lowered:
0x8: {  	[smem:$0x3FAB] =	sst s0  }
0x9: {  	[smem:$0x3FAC] =	sst s1  }
0xa: {  	[smem:$0x3FAD] =	sst s2  }
0xb: {  	[smem:$0x3FAE] =	sst s3  }
0xc: {  	[smem:$0x3FAF] =	sst s4  }
0xd: {  	[smem:$0x3FB0] =	sst s5  }
0xe: {  	[smem:$0x3FB1] =	sst s6  }
0xf: {  	[smem:$0x3FB2] =	sst s7  }
0x10: {  	[smem:$0x3FB3] =	sst s8  }
0x11: {  	[smem:$0x3FB4] =	sst s9;
	s0 =	simm.s32 @!p0 $0x0  }
0x12: {  	s1 =	sld [smem:$0x3F9A];
	s0 =	simm.s32 @p0 $0x1  }
0x13: {  	[smem:$0x3FB5] =	sst s0;
	s0 =	simm.s32 @!p1 $0x0  }
0x14: {  	s2 =	sld [smem:$0x3F99];
	s0 =	simm.s32 @p1 $0x1  }
0x15: {  	[smem:$0x3FB6] =	sst s0;
	s0 =	simm.s32 @!p2 $0x0  }
0x16: {  	s3 =	sld [smem:$0x3FDB];
	s0 =	simm.s32 @p2 $0x1  }
0x17: {  	s4 =	simm.s32 $0x1BF5;
	[smem:$0x3FB8] =	sst s0  }
0x18: {  	s0 =	sld [smem:$0x3F9B];
	_ =	swait.ge [sflag:s4], $0x0  }
0x19: {  	s7 =	sld [smem:$0x3F9C]  }
0x1a: {  	s8 =	sadd.s32 $0xFFFFE003, lr  }
0x1b: {  	s9 =	sadd.s32 $0xFFFFFEF7, lr;
	s5 =	simm.s32 $0xFFFFFFFF;
	p2 =	slt.u32 s8, $0xFFFFF086  }
0x1c: {  	p1 =	slt.u32 s9, $0xF7A;
	s5 =	simm.s32 @!p2 $0x0  }
0x1d: {  	s5 =	simm.s32 @p1 $0x1;
	p0 =	seq.s32 s7, s2  }
0x1e: {  	s7 =	smul.u32 @!p0 $0xF7A, s2;
	p2 =	seq.s32 @!p0 s5, $0x0  }
0x1f: {  	s9 =	smul.u32 $0xF7A, s1;
	s8 =	simm.s32 @!p0 $0x1BF5;
	p2 =	por !p2, p0  }
0x20: {  	[sflag:s8] =	ssyncset.s32 @!p0 $0xFFFFF086;
	s6 =	sadd.s32 @!p0 s3, s7;
	s7 =	simm.s32 @!p0 $0x108  }
0x21: {  	s3 =	sadd.s32 s3, s9;
	s6 =	sadd.s32 @!p0 $0x88, s6;
	s7 =	simm.s32 @p2 $0x1082  }
0x22: {  	[simem:s7], [sflag:s8] =	dma.local @!p0 [hbm:s6], $0xF7A  }
0x23: {  	s9 =	sor.u32 $0xD0000000, s2;
	s6 =	simm.s32 $0x108;
	_ =	swait.ge @!p0 [sflag:s8], $0x0  }
0x24: {  	s3 =	sadd.s32 $0x88, s3;
	s6 =	simm.s32 @!p1 $0x1082;
	[sflag:s4] =	ssyncset.s32 $0xFFFFF086  }
0x25: {  	[simem:s6], [sflag:s4] =	dma.local [hbm:s3], $0xF7A  }
0x26: {  	[smem:$0x3F9C] =	sst s1;
	(tag) =	ssettag s2;
	_ =	strace s9  }
0x27: {  	s1 =	sld [smem:$0x3FAC]  }
0x28: {  	s2 =	sld [smem:$0x3FAD]  }
0x29: {  	s4 =	sld [smem:$0x3FAF]  }
0x2a: {  	p0 =	seq.s32 s5, $0x0;
	s5 =	sld [smem:$0x3FB0]  }
0x2b: {  	s6 =	sld [smem:$0x3FB1]  }
0x2c: {  	s7 =	sld [smem:$0x3FB2]  }
0x2d: {  	s3 =	simm.s32 $0x108;
	s8 =	sld [smem:$0x3FB3]  }
0x2e: {  	s3 =	simm.s32 @!p0 $0x1082;
	s9 =	sld [smem:$0x3FB4]  }
0x2f: {  	lr =	sadd.s32 s0, s3;
	s0 =	sld [smem:$0x3FAB]  }
0x30: {  	s3 =	sld [smem:$0x3FAE]  }
0x31: {  	[smem:$0x3FB7] =	sst s10  }
0x32: {  	s10 =	sld [smem:$0x3FB5];
	_ =	sdelay $0x3  }
0x33: {  	p0 =	seq.s32 s10, $0x1;
	s10 =	sld [smem:$0x3FB7];
	_ =	sdelay $0x3  }
0x34: {  	[smem:$0x3FB7] =	sst s10  }
0x35: {  	s10 =	sld [smem:$0x3FB6];
	_ =	sdelay $0x3  }
0x36: {  	p1 =	seq.s32 s10, $0x1;
	s10 =	sld [smem:$0x3FB7];
	_ =	sdelay $0x3  }
0x37: {  	[smem:$0x3FB7] =	sst s10  }
0x38: {  	s10 =	sld [smem:$0x3FB8]  }
0x39: {  	_ = 	snop;
	(pc) =	sbr.ind lr, $3  }
0x3a: {  	_ = 	snop  }
0x3b: {  	_ = 	snop  }
0x3c: {  	p2 =	seq.s32 s10, $0x1;
	s10 =	sld [smem:$0x3FB7]  }
0x3d: {  	_ =	shalt  }
0x3e: {  	_ =	shalt  }
0x3f: {  	_ =	shalt  }
0x40: {  	_ =	shalt  }
0x41: {  	_ =	shalt  }
0x42: {  	_ =	shalt  }
0x43: {  	_ =	shalt  }
0x44: {  	_ =	shalt  }
0x45: {  	_ =	shalt  }
0x46: {  	_ =	shalt  }
0x47: {  	_ =	shalt  }
0x48: {  	_ =	shalt  }
0x49: {  	_ =	shalt  }
0x4a: {  	_ =	shalt  }
0x4b: {  	_ =	shalt  }
0x4c: {  	_ =	shalt  }
0x4d: {  	_ =	shalt  }
0x4e: {  	_ =	shalt  }
0x4f: {  	_ =	shalt  }
0x50: {  	_ =	shalt  }
0x51: {  	_ =	shalt  }
0x52: {  	_ =	shalt  }
0x53: {  	_ =	shalt  }
0x54: {  	_ =	shalt  }
0x55: {  	_ =	shalt  }
0x56: {  	_ =	shalt  }
0x57: {  	_ =	shalt  }
0x58: {  	_ =	shalt  }
0x59: {  	_ =	shalt  }
0x5a: {  	_ =	shalt  }
0x5b: {  	_ =	shalt  }
0x5c: {  	_ =	shalt  }
0x5d: {  	_ =	shalt  }
0x5e: {  	_ =	shalt  }
0x5f: {  	_ =	shalt  }
0x60: {  	_ =	shalt  }
0x61: {  	_ =	shalt  }
0x62: {  	_ =	shalt  }
0x63: {  	_ =	shalt  }
0x64: {  	_ =	shalt  }
0x65: {  	_ =	shalt  }
0x66: {  	_ =	shalt  }
0x67: {  	_ =	shalt  }
0x68: {  	_ =	shalt  }
0x69: {  	_ =	shalt  }
0x6a: {  	_ =	shalt  }
0x6b: {  	_ =	shalt  }
0x6c: {  	_ =	shalt  }
0x6d: {  	_ =	shalt  }
0x6e: {  	_ =	shalt  }
0x6f: {  	_ =	shalt  }
0x70: {  	_ =	shalt  }
0x71: {  	_ =	shalt  }
0x72: {  	_ =	shalt  }
0x73: {  	_ =	shalt  }
0x74: {  	_ =	shalt  }
0x75: {  	_ =	shalt  }
0x76: {  	_ =	shalt  }
0x77: {  	_ =	shalt  }
0x78: {  	_ =	shalt  }
0x79: {  	_ =	shalt  }
0x7a: {  	_ =	shalt  }
0x7b: {  	_ =	shalt  }
0x7c: {  	_ =	shalt  }
0x7d: {  	_ =	shalt  }
0x7e: {  	_ =	shalt  }
0x7f: {  	_ =	shalt  }
0x80: {  	_ =	shalt  }
0x81: {  	_ =	shalt  }
0x82: {  	_ =	shalt  }
0x83: {  	_ =	shalt  }
0x84: {  	_ =	shalt  }
0x85: {  	_ =	shalt  }
0x86: {  	_ =	shalt  }
0x87: {  	_ =	shalt  }
.Lfunc_end0:
.L_simem_size_0:
called_computation.1_lowered:
.L_overlay_start_0:
0x88: {  	s2 =	sld [smem:$0x3FD9]  }
0x89: {  	s3 =	sld [smem:$0x3FFE];
	_ =	sdelay $0x1  }
0x8a: {  	s1 =	srdreg.scid  }
0x8b: {  	s0 =	sand.u32 $0x1, s1  }
0x8c: {  	s17 =	sshll.u32 s0, $0xA;
	s2 =	sadd.s32 s3, s2  }
0x8d: {  	s2 =	sadd.s32 s2, s17  }
0x8e: {  	[smem:$0x3FC3] =	sst s2  }
0x8f: {  	_ = 	snop  }
0x90: {  	s2 =	sld [smem:$0x3FD0];
	(tm) =	ssettm $0x1  }
0x91: {  	s18 =	sld [smem:$0x3FFB];
	_ =	sdelay $0x3  }
0x92: {  	_ =	strace s18  }
0x93: {  	s3 =	sld [smem:$0x3FFC];
	_ =	sdelay $0x3  }
0x94: {  	_ =	strace s3  }
0x95: {  	s3 =	sld [smem:$0x3FFD];
	_ =	sdelay $0x3  }
0x96: {  	_ =	strace s3  }
0x97: {  	_ =	strace $0x8FFFFFFF  }
0x98: {  	s19 =	sld [smem:$0x3FDB];
	_ =	sdelay $0x1  }
0x99: {  	s4 =	simm.s32 $_scs_section_size  }
0x9a: {  	s5 =	simm.s32 $_size__tile_overlayer_lowered;
	s6 =	simm.s32 $_tile_overlayer_lowered  }
0x9b: {  	s22 =	simm.s32 $0x1BFF;
	s21 =	sshll.u32 s6, $0x1;
	s3 =	sadd.s32 s4, s19  }
0x9c: {  	s7 =	simm.s32 $0x0;
	s20 =	sshll.u32 s5, $0x1;
	s5 =	sadd.s32 s21, s3  }
0x9d: {  	[timem:s7], [sflag:s22] =	dma.local [hbm:s5], s20  }
0x9e: {  	_ =	swait.ge [sflag:s22], s20  }
0x9f: {  	s4 =	ssub.s32 $0x0, s20;
	[sflag:s22] =	ssyncset.done $0x0  }
0xa0: {  	[sflag:s22] =	ssyncadd.s32 s4;
	_ =	sdelay $0x1  }
0xa1: {  	s23 =	simm.s32 $0x1B8B  }
0xa2: {  	_ =	swait.ge [sflag:s23], $0x1  }
0xa3: {  	[sflag:s23] =	ssyncset.done $0x0  }
0xa4: {  	s25 =	simm.s32 $0x1B8E;
	s24 =	sld [smem:$0x3FFE];
	[sflag:s23] =	ssyncadd.s32 $0xFFFFFFFF  }
0xa5: {  	s26 =	simm.s32 $execute0_lowered;
	[smem:$0x3FD2] =	sst s25  }
0xa6: {  	s5 =	sshll.u32 s26, $0x1;
	_ =	strace $0x80000049;
	[dreg:$0x1] =	wrdreg $0xFFFFFFFF  }
0xa7: {  	s28 =	simm.s32 $_size_execute0_lowered;
	s3 =	sadd.s32 s3, s5;
	[dreg:$0x0] =	wrdreg $0x0  }
0xa8: {  	s5 =	sshll.u32 s28, $0x1;
	[dreg:$0x2] =	wrdreg s3  }
0xa9: {  	[dreg:$0x3] =	wrdreg s5  }
0xaa: {  	[dreg:$0x4] =	wrdreg $0xC0  }
0xab: {  	_ =	task [dreg:s7], $0x5FFFF  }
0xac: {  	[dreg:$0x1] =	wrdreg $0xFFFFFFFF  }
0xad: {  	[dreg:$0x0] =	wrdreg $0x60  }
0xae: {  	[dreg:$0x2] =	wrdreg s24  }
0xaf: {  	[dreg:$0x3] =	wrdreg s2  }
0xb0: {  	[dreg:$0x4] =	wrdreg $0x9  }
0xb1: {  	_ =	task.clear_ibuf [dreg:s7], $0x5FFFF;
	_ =	strace $0x90000049  }
0xb2: {  	s29 =	simm.s32 $0x9;
	_ =	strace $0x8000004B  }
0xb3: {  	_ =	swait.ge [sflag:s29], $0x1  }
0xb4: {  	[sflag:s29] =	ssyncadd.s32 $0xFFFFFFFF  }
0xb5: {  	_ =	strace $0x9000004B  }
0xb6: {  	_ =	sfence  }
0xb7: {  	s30 =	sld [smem:$0x0];
	_ =	sdelay $0x2  }
0xb8: {  	s31 =	sshll.u32 s1, $0xD;
	s1 =	sshrl.u32 s1, $0x2  }
0xb9: {  	s3 =	sand.u32 $0x4000, s31;
	s1 =	sadd.s32 s1, s30  }
0xba: {  	s0 =	sor.u32 s3, s0;
	s1 =	sshll.u32 s1, $0x11  }
0xbb: {  	s0 =	sor.u32 s1, s0  }
0xbc: {  	s0 =	sadd.s32 $0x8F2B, s0  }
0xbd: {  	[sflag:s0] =	ssyncadd.remote.s32 $0x1  }
0xbe: {  	_ =	sfence.sel $0xFFFF  }
0xbf: {  	[dreg:$0x0] =	wrdreg $0xFFFFFFFF;
	(pc) =	sbr.abs _section_cstart, $3  }
0xc0: {  	[dreg:$0x1] =	wrdreg $0xFFFFFFFF  }
0xc1: {  	_ =	task.clear_ibuf [dreg:s7], $0x2FFFF;
	_ =	strace $0x9FFFFFFF  }
0xc2: {  	(tm) =	ssettm $0x7FFFFFFF  }
0xc3: {  	_ =	shalt  }
tec
execute0_lowered:
.L_overlay_start_1:
0x0: {  	(tag) =	ssettag $0x1  }
0x1: {  	s0 =	rddreg [dreg:$0x0]  }
0x2: {  	s1 =	rddreg [dreg:$0x1]  }
0x3: {  	s3 =	srdreg.scid;
	s2 =	simm.s32 $0x0;
	s4 =	stileid.u32  }
0x4: {  	s13 =	simm.s32 $0x3;
	s15 =	simm.s32 $0x200;
	s21 =	simm.s32 $0x6200  }
0x5: {  	s20 =	simm.s32 $0x14A00;
	s22 =	simm.s32 $0x15200;
	s23 =	simm.s32 $0x15A00  }
0x6: {  	s24 =	simm.s32 $0x16200;
	s25 =	simm.s32 $0x16A00;
	s28 =	simm.s32 $0x17A00  }
0x7: {  	s29 =	simm.s32 $0x1;
	s30 =	simm.s32 $0x2;
	s31 =	simm.s32 $0x0  }
0x8: {  	s3 =	sand.u32 $0x1, s3;
	[smem:$0x7FF] =	sst s2;
	s4 =	sshll.u32 s4, $0x4  }
0x9: {  	s5 =	sshll.u32 s3, $0x3;
	_ =	strace $0x8000004A;
	s6 =	ssub.s32 $0x2, s3  }
0xa: {  	s7 =	sor.u32 s5, s4;
	s26 =	sshrl.u32 s6, $0x1;
	s4 =	sadd.s32 $0x400, s0  }
0xb: {  	s3 =	sadd.s32 s0, s7;
	s8 =	smul.u32 $0x1800, s7;
	s12 =	ssub.s32 s6, s26  }
0xc: {  	s10 =	smul.u32 $0x300, s7;
	s26 =	simm.s32 $0x17200;
	s5 =	sadd.s32 $0x200, s3  }
0xd: {  	v2 =	vlaneseq.u32;
	s6 =	sadd.s32 $0x60600, s3;
	s7 =	sadd.s32 $0x60400, s3;
	s9 =	sshrl.u32 s8, $0x3  }
0xe: {  	vm0 =	vmmov $0xffff;
	v1 =	vshrl.u32 v2, $0x3;
	s12 =	smax.u32 s12, $0x1;
	s8 =	sadd.s32 $0x500, s0;
	s11 =	sadd.s32 s1, s9  }
0xf: {  	v0 =	vand.u32 $0x7, v2;
	v2 =	vor.u32 $0x8, v2;
	v1 =	vmul.u32 $0x8, v1;
	s10 =	sadd.s32 s1, s10;
	s9 =	sadd.s32 $0x600, s0;
	s11 =	sadd.s32 $0xC00, s11  }
.LBB2_1:
0x10: {  	[tilespmem:s2], [sflag:$0x3] =	stream.linear.gather [hbm4b:s5+s2], $0x40, $0x38;
	[tilespmem:$0x18200] =	vst v63  }
0x11: {  	_ =	swait.ge [sflag:s13], $0x40  }
0x12: {  	[sflag:s13] =	ssyncset.done $0x0  }
0x13: {  	s0 =	simm.s32 $0x80;
	[sflag:s13] =	ssyncadd.s32 $0xFFFFFFC0  }
0x14: {  	[tilespmem:s0], [sflag:$0x3] =	stream.linear.gather [hbm4b:s3+s2], $0x40, $0x38;
	[tilespmem:$0x18200] =	vst v63  }
0x15: {  	_ =	swait.ge [sflag:s13], $0x40  }
0x16: {  	[sflag:s13] =	ssyncset.done $0x0  }
0x17: {  	s0 =	simm.s32 $0x100;
	[sflag:s13] =	ssyncadd.s32 $0xFFFFFFC0  }
0x18: {  	[tilespmem:s0], [sflag:$0x3] =	stream.linear.gather [hbm4b:s6+s2], $0x40, $0x38;
	[tilespmem:$0x18200] =	vst v63  }
0x19: {  	_ =	swait.ge [sflag:s13], $0x40  }
0x1a: {  	[sflag:s13] =	ssyncset.done $0x0  }
0x1b: {  	s1 =	simm.s32 $0x180;
	[sflag:s13] =	ssyncadd.s32 $0xFFFFFFC0  }
0x1c: {  	[tilespmem:s1], [sflag:$0x3] =	stream.linear.gather [hbm4b:s7+s2], $0x40, $0x38;
	[tilespmem:$0x18200] =	vst v63  }
0x1d: {  	_ =	swait.ge [sflag:s13], $0x40  }
0x1e: {  	[sflag:s13] =	ssyncset.done $0x0  }
0x1f: {  	[sflag:s13] =	ssyncadd.s32 $0xFFFFFFC0  }
0x20: {  	v3 =	vld [tilespmem:$0x0];
	_ =	sdelay $0x4  }
0x21: {  	v4 =	vshrl.u32 v3, $0x3  }
0x22: {  	v4 =	vmul.u32 $0x30, v4  }
0x23: {  	v3 =	vand.u32 $0x7, v3  }
0x24: {  	v3 =	vor.u32 v3, v4  }
0x25: {  	v4 =	vperm.xlane v3, v0;
	_ =	sdelay $0x1  }
0x26: {  	v4 =	vadd.s32 v1, v4;
	_ =	sdelay $0x3  }
0x27: {  	v3 =	vperm.xlane v3, v2  }
0x28: {  	[tilespmem:s15], [sflag:$0x1] =	stream.indirect_vreg.gather [hbm4b:s4+s2], $0x80, v4, vm0, $0xb8;
	[tilespmem:$0x18200] =	vst v63  }
0x29: {  	s14 =	simm.s32 $0xA00;
	v3 =	vadd.s32 v1, v3  }
0x2a: {  	[tilespmem:s14], [sflag:$0x1] =	stream.indirect_vreg.gather [hbm4b:s8+s2], $0x80, v4, vm0, $0xb8;
	[tilespmem:$0x18200] =	vst v63  }
0x2b: {  	s16 =	simm.s32 $0x1200  }
0x2c: {  	[tilespmem:s16], [sflag:$0x1] =	stream.indirect_vreg.gather [hbm4b:s9+s2], $0x80, v4, vm0, $0xb8;
	[tilespmem:$0x18200] =	vst v63  }
0x2d: {  	s17 =	simm.s32 $0x1A00  }
0x2e: {  	[tilespmem:s17], [sflag:$0x1] =	stream.indirect_vreg.gather [hbm4b:s4+s2], $0x80, v3, vm0, $0xb8;
	[tilespmem:$0x18200] =	vst v63  }
0x2f: {  	s18 =	simm.s32 $0x2200  }
0x30: {  	[tilespmem:s18], [sflag:$0x1] =	stream.indirect_vreg.gather [hbm4b:s8+s2], $0x80, v3, vm0, $0xb8;
	[tilespmem:$0x18200] =	vst v63  }
0x31: {  	s19 =	simm.s32 $0x2A00  }
0x32: {  	[tilespmem:s19], [sflag:$0x1] =	stream.indirect_vreg.gather [hbm4b:s9+s2], $0x80, v3, vm0, $0xb8;
	[tilespmem:$0x18200] =	vst v63  }
0x33: {  	v3 =	vld [tilespmem:$0x10];
	_ =	sdelay $0x4  }
0x34: {  	v4 =	vshrl.u32 v3, $0x3  }
0x35: {  	v4 =	vmul.u32 $0x30, v4  }
0x36: {  	v3 =	vand.u32 $0x7, v3  }
0x37: {  	v3 =	vor.u32 v3, v4  }
0x38: {  	v4 =	vperm.xlane v3, v0;
	_ =	sdelay $0x1  }
0x39: {  	v4 =	vadd.s32 v1, v4;
	_ =	sdelay $0x3  }
0x3a: {  	s16 =	simm.s32 $0x3200;
	v3 =	vperm.xlane v3, v2  }
0x3b: {  	[tilespmem:s16], [sflag:$0x1] =	stream.indirect_vreg.gather [hbm4b:s4+s2], $0x80, v4, vm0, $0xb8;
	[tilespmem:$0x18200] =	vst v63  }
0x3c: {  	s17 =	simm.s32 $0x3A00;
	v3 =	vadd.s32 v1, v3  }
0x3d: {  	[tilespmem:s17], [sflag:$0x1] =	stream.indirect_vreg.gather [hbm4b:s8+s2], $0x80, v4, vm0, $0xb8;
	[tilespmem:$0x18200] =	vst v63  }
0x3e: {  	s18 =	simm.s32 $0x4200  }
0x3f: {  	[tilespmem:s18], [sflag:$0x1] =	stream.indirect_vreg.gather [hbm4b:s9+s2], $0x80, v4, vm0, $0xb8;
	[tilespmem:$0x18200] =	vst v63  }
0x40: {  	s19 =	simm.s32 $0x4A00  }
0x41: {  	[tilespmem:s19], [sflag:$0x1] =	stream.indirect_vreg.gather [hbm4b:s4+s2], $0x80, v3, vm0, $0xb8;
	[tilespmem:$0x18200] =	vst v63  }
0x42: {  	s16 =	simm.s32 $0x5200  }
0x43: {  	[tilespmem:s16], [sflag:$0x1] =	stream.indirect_vreg.gather [hbm4b:s8+s2], $0x80, v3, vm0, $0xb8;
	[tilespmem:$0x18200] =	vst v63  }
0x44: {  	s17 =	simm.s32 $0x5A00  }
0x45: {  	[tilespmem:s17], [sflag:$0x1] =	stream.indirect_vreg.gather [hbm4b:s9+s2], $0x80, v3, vm0, $0xb8;
	[tilespmem:$0x18200] =	vst v63  }
0x46: {  	v3 =	vld [tilespmem:$0x80];
	_ =	sdelay $0x4  }
0x47: {  	v4 =	vshrl.u32 v3, $0x3  }
0x48: {  	v4 =	vmul.u32 $0x30, v4  }
0x49: {  	v3 =	vand.u32 $0x7, v3  }
0x4a: {  	v3 =	vor.u32 v3, v4  }
0x4b: {  	v4 =	vperm.xlane v3, v0;
	_ =	sdelay $0x1  }
0x4c: {  	v4 =	vadd.s32 v1, v4;
	_ =	sdelay $0x3  }
0x4d: {  	s18 =	simm.s32 $0xC200;
	v3 =	vperm.xlane v3, v2  }
0x4e: {  	[tilespmem:s18], [sflag:$0x1] =	stream.indirect_vreg.gather [hbm4b:s4+s2], $0x80, v4, vm0, $0xb8;
	[tilespmem:$0x18200] =	vst v63  }
0x4f: {  	s19 =	simm.s32 $0xCA00;
	v3 =	vadd.s32 v1, v3  }
0x50: {  	[tilespmem:s19], [sflag:$0x1] =	stream.indirect_vreg.gather [hbm4b:s8+s2], $0x80, v4, vm0, $0xb8;
	[tilespmem:$0x18200] =	vst v63  }
0x51: {  	s16 =	simm.s32 $0xD200  }
0x52: {  	[tilespmem:s16], [sflag:$0x1] =	stream.indirect_vreg.gather [hbm4b:s9+s2], $0x80, v4, vm0, $0xb8;
	[tilespmem:$0x18200] =	vst v63  }
0x53: {  	s17 =	simm.s32 $0xDA00  }
0x54: {  	[tilespmem:s17], [sflag:$0x1] =	stream.indirect_vreg.gather [hbm4b:s4+s2], $0x80, v3, vm0, $0xb8;
	[tilespmem:$0x18200] =	vst v63  }
0x55: {  	s18 =	simm.s32 $0xE200  }
0x56: {  	[tilespmem:s18], [sflag:$0x1] =	stream.indirect_vreg.gather [hbm4b:s8+s2], $0x80, v3, vm0, $0xb8;
	[tilespmem:$0x18200] =	vst v63  }
0x57: {  	s19 =	simm.s32 $0xEA00  }
0x58: {  	[tilespmem:s19], [sflag:$0x1] =	stream.indirect_vreg.gather [hbm4b:s9+s2], $0x80, v3, vm0, $0xb8;
	[tilespmem:$0x18200] =	vst v63  }
0x59: {  	v3 =	vld [tilespmem:$0x90];
	_ =	sdelay $0x4  }
0x5a: {  	v4 =	vshrl.u32 v3, $0x3  }
0x5b: {  	v4 =	vmul.u32 $0x30, v4  }
0x5c: {  	v3 =	vand.u32 $0x7, v3  }
0x5d: {  	v3 =	vor.u32 v3, v4  }
0x5e: {  	v4 =	vperm.xlane v3, v0;
	_ =	sdelay $0x1  }
0x5f: {  	v4 =	vadd.s32 v1, v4;
	_ =	sdelay $0x3  }
0x60: {  	s16 =	simm.s32 $0xF200;
	v3 =	vperm.xlane v3, v2  }
0x61: {  	[tilespmem:s16], [sflag:$0x1] =	stream.indirect_vreg.gather [hbm4b:s4+s2], $0x80, v4, vm0, $0xb8;
	[tilespmem:$0x18200] =	vst v63  }
0x62: {  	s17 =	simm.s32 $0xFA00;
	v3 =	vadd.s32 v1, v3  }
0x63: {  	[tilespmem:s17], [sflag:$0x1] =	stream.indirect_vreg.gather [hbm4b:s8+s2], $0x80, v4, vm0, $0xb8;
	[tilespmem:$0x18200] =	vst v63  }
0x64: {  	s18 =	simm.s32 $0x10200  }
0x65: {  	[tilespmem:s18], [sflag:$0x1] =	stream.indirect_vreg.gather [hbm4b:s9+s2], $0x80, v4, vm0, $0xb8;
	[tilespmem:$0x18200] =	vst v63  }
0x66: {  	s19 =	simm.s32 $0x10A00  }
0x67: {  	[tilespmem:s19], [sflag:$0x1] =	stream.indirect_vreg.gather [hbm4b:s4+s2], $0x80, v3, vm0, $0xb8;
	[tilespmem:$0x18200] =	vst v63  }
0x68: {  	s16 =	simm.s32 $0x11200  }
0x69: {  	[tilespmem:s16], [sflag:$0x1] =	stream.indirect_vreg.gather [hbm4b:s8+s2], $0x80, v3, vm0, $0xb8;
	[tilespmem:$0x18200] =	vst v63  }
0x6a: {  	s17 =	simm.s32 $0x11A00  }
0x6b: {  	[tilespmem:s17], [sflag:$0x1] =	stream.indirect_vreg.gather [hbm4b:s9+s2], $0x80, v3, vm0, $0xb8;
	[tilespmem:$0x18200] =	vst v63  }
0x6c: {  	v3 =	vld [tilespmem:$0x20];
	_ =	sdelay $0x4  }
0x6d: {  	v4 =	vshrl.u32 v3, $0x3  }
0x6e: {  	v4 =	vmul.u32 $0x30, v4  }
0x6f: {  	v3 =	vand.u32 $0x7, v3  }
0x70: {  	v3 =	vor.u32 v3, v4  }
0x71: {  	v4 =	vperm.xlane v3, v0;
	_ =	sdelay $0x1  }
0x72: {  	v4 =	vadd.s32 v1, v4;
	_ =	sdelay $0x3  }
0x73: {  	v3 =	vperm.xlane v3, v2  }
0x74: {  	[tilespmem:s21], [sflag:$0x2] =	stream.indirect_vreg.gather [hbm4b:s4+s2], $0x80, v4, vm0, $0xb8;
	[tilespmem:$0x18200] =	vst v63  }
0x75: {  	s18 =	simm.s32 $0x6A00;
	v3 =	vadd.s32 v1, v3  }
0x76: {  	[tilespmem:s18], [sflag:$0x2] =	stream.indirect_vreg.gather [hbm4b:s8+s2], $0x80, v4, vm0, $0xb8;
	[tilespmem:$0x18200] =	vst v63  }
0x77: {  	s19 =	simm.s32 $0x7200  }
0x78: {  	[tilespmem:s19], [sflag:$0x2] =	stream.indirect_vreg.gather [hbm4b:s9+s2], $0x80, v4, vm0, $0xb8;
	[tilespmem:$0x18200] =	vst v63  }
0x79: {  	s16 =	simm.s32 $0x7A00  }
0x7a: {  	[tilespmem:s16], [sflag:$0x2] =	stream.indirect_vreg.gather [hbm4b:s4+s2], $0x80, v3, vm0, $0xb8;
	[tilespmem:$0x18200] =	vst v63  }
0x7b: {  	s17 =	simm.s32 $0x8200  }
0x7c: {  	[tilespmem:s17], [sflag:$0x2] =	stream.indirect_vreg.gather [hbm4b:s8+s2], $0x80, v3, vm0, $0xb8;
	[tilespmem:$0x18200] =	vst v63  }
0x7d: {  	s18 =	simm.s32 $0x8A00  }
0x7e: {  	[tilespmem:s18], [sflag:$0x2] =	stream.indirect_vreg.gather [hbm4b:s9+s2], $0x80, v3, vm0, $0xb8;
	[tilespmem:$0x18200] =	vst v63  }
0x7f: {  	v3 =	vld [tilespmem:$0x30];
	_ =	sdelay $0x4  }
0x80: {  	v4 =	vshrl.u32 v3, $0x3  }
0x81: {  	v4 =	vmul.u32 $0x30, v4  }
0x82: {  	v3 =	vand.u32 $0x7, v3  }
0x83: {  	v3 =	vor.u32 v3, v4  }
0x84: {  	v4 =	vperm.xlane v3, v0;
	_ =	sdelay $0x1  }
0x85: {  	v4 =	vadd.s32 v1, v4;
	_ =	sdelay $0x3  }
0x86: {  	s19 =	simm.s32 $0x9200;
	v3 =	vperm.xlane v3, v2  }
0x87: {  	[tilespmem:s19], [sflag:$0x2] =	stream.indirect_vreg.gather [hbm4b:s4+s2], $0x80, v4, vm0, $0xb8;
	[tilespmem:$0x18200] =	vst v63  }
0x88: {  	s16 =	simm.s32 $0x9A00;
	v3 =	vadd.s32 v1, v3  }
0x89: {  	[tilespmem:s16], [sflag:$0x2] =	stream.indirect_vreg.gather [hbm4b:s8+s2], $0x80, v4, vm0, $0xb8;
	[tilespmem:$0x18200] =	vst v63  }
0x8a: {  	s17 =	simm.s32 $0xA200  }
0x8b: {  	[tilespmem:s17], [sflag:$0x2] =	stream.indirect_vreg.gather [hbm4b:s9+s2], $0x80, v4, vm0, $0xb8;
	[tilespmem:$0x18200] =	vst v63  }
0x8c: {  	s18 =	simm.s32 $0xAA00  }
0x8d: {  	[tilespmem:s18], [sflag:$0x2] =	stream.indirect_vreg.gather [hbm4b:s4+s2], $0x80, v3, vm0, $0xb8;
	[tilespmem:$0x18200] =	vst v63  }
0x8e: {  	s19 =	simm.s32 $0xB200  }
0x8f: {  	[tilespmem:s19], [sflag:$0x2] =	stream.indirect_vreg.gather [hbm4b:s8+s2], $0x80, v3, vm0, $0xb8;
	[tilespmem:$0x18200] =	vst v63  }
0x90: {  	s16 =	simm.s32 $0xBA00  }
0x91: {  	[tilespmem:s16], [sflag:$0x2] =	stream.indirect_vreg.gather [hbm4b:s9+s2], $0x80, v3, vm0, $0xb8;
	[tilespmem:$0x18200] =	vst v63  }
0x92: {  	v3 =	vld [tilespmem:$0xA0];
	_ =	sdelay $0x4  }
0x93: {  	v4 =	vshrl.u32 v3, $0x3  }
0x94: {  	v4 =	vmul.u32 $0x30, v4  }
0x95: {  	v3 =	vand.u32 $0x7, v3  }
0x96: {  	v3 =	vor.u32 v3, v4  }
0x97: {  	v4 =	vperm.xlane v3, v0;
	_ =	sdelay $0x1  }
0x98: {  	v4 =	vadd.s32 v1, v4;
	_ =	sdelay $0x3  }
0x99: {  	s17 =	simm.s32 $0x12200;
	v3 =	vperm.xlane v3, v2  }
0x9a: {  	[tilespmem:s17], [sflag:$0x2] =	stream.indirect_vreg.gather [hbm4b:s4+s2], $0x80, v4, vm0, $0xb8;
	[tilespmem:$0x18200] =	vst v63  }
0x9b: {  	s18 =	simm.s32 $0x12A00;
	v3 =	vadd.s32 v1, v3  }
0x9c: {  	[tilespmem:s18], [sflag:$0x2] =	stream.indirect_vreg.gather [hbm4b:s8+s2], $0x80, v4, vm0, $0xb8;
	[tilespmem:$0x18200] =	vst v63  }
0x9d: {  	s19 =	simm.s32 $0x13200  }
0x9e: {  	[tilespmem:s19], [sflag:$0x2] =	stream.indirect_vreg.gather [hbm4b:s9+s2], $0x80, v4, vm0, $0xb8;
	[tilespmem:$0x18200] =	vst v63  }
0x9f: {  	s16 =	simm.s32 $0x13A00  }
0xa0: {  	[tilespmem:s16], [sflag:$0x2] =	stream.indirect_vreg.gather [hbm4b:s4+s2], $0x80, v3, vm0, $0xb8;
	[tilespmem:$0x18200] =	vst v63  }
0xa1: {  	s17 =	simm.s32 $0x14200  }
0xa2: {  	[tilespmem:s17], [sflag:$0x2] =	stream.indirect_vreg.gather [hbm4b:s8+s2], $0x80, v3, vm0, $0xb8;
	[tilespmem:$0x18200] =	vst v63  }
0xa3: {  	_ = 	snop  }
0xa4: {  	[tilespmem:s20], [sflag:$0x2] =	stream.indirect_vreg.gather [hbm4b:s9+s2], $0x80, v3, vm0, $0xb8;
	[tilespmem:$0x18200] =	vst v63  }
0xa5: {  	v3 =	vld [tilespmem:$0xB0];
	_ =	sdelay $0x4  }
0xa6: {  	v4 =	vshrl.u32 v3, $0x3  }
0xa7: {  	v4 =	vmul.u32 $0x30, v4  }
0xa8: {  	v3 =	vand.u32 $0x7, v3  }
0xa9: {  	v3 =	vor.u32 v3, v4  }
0xaa: {  	v4 =	vperm.xlane v3, v0;
	_ =	sdelay $0x1  }
0xab: {  	v4 =	vadd.s32 v1, v4;
	_ =	sdelay $0x3  }
0xac: {  	v3 =	vperm.xlane v3, v2  }
0xad: {  	[tilespmem:s22], [sflag:$0x2] =	stream.indirect_vreg.gather [hbm4b:s4+s2], $0x80, v4, vm0, $0xb8;
	[tilespmem:$0x18200] =	vst v63  }
0xae: {  	v3 =	vadd.s32 v1, v3  }
0xaf: {  	[tilespmem:s23], [sflag:$0x2] =	stream.indirect_vreg.gather [hbm4b:s8+s2], $0x80, v4, vm0, $0xb8;
	[tilespmem:$0x18200] =	vst v63  }
0xb0: {  	_ = 	snop  }
0xb1: {  	[tilespmem:s24], [sflag:$0x2] =	stream.indirect_vreg.gather [hbm4b:s9+s2], $0x80, v4, vm0, $0xb8;
	[tilespmem:$0x18200] =	vst v63  }
0xb2: {  	_ = 	snop  }
0xb3: {  	[tilespmem:s25], [sflag:$0x2] =	stream.indirect_vreg.gather [hbm4b:s4+s2], $0x80, v3, vm0, $0xb8;
	[tilespmem:$0x18200] =	vst v63  }
0xb4: {  	_ = 	snop  }
0xb5: {  	[tilespmem:s26], [sflag:$0x2] =	stream.indirect_vreg.gather [hbm4b:s8+s2], $0x80, v3, vm0, $0xb8;
	[tilespmem:$0x18200] =	vst v63  }
0xb6: {  	_ = 	snop  }
0xb7: {  	[tilespmem:s28], [sflag:$0x2] =	stream.indirect_vreg.gather [hbm4b:s9+s2], $0x80, v3, vm0, $0xb8;
	[tilespmem:$0x18200] =	vst v63  }
0xb8: {  	_ =	swait.ge [sflag:s29], $0x6000  }
0xb9: {  	[sflag:s29] =	ssyncset.done $0x0  }
0xba: {  	s18 =	simm.s32 $0x0;
	[sflag:s29] =	ssyncadd.s32 $0xFFFFA000  }
0xbb: {  	s14 =	smul.u32 $0x1800, s18;
	_ =	swait.ge [sflag:s29], $0x6000  }
0xbc: {  	s16 =	sand.u32 $0x380, s2;
	[sflag:s29] =	ssyncset.done $0x0  }
0xbd: {  	s17 =	sor.u32 s16, s14;
	[sflag:s29] =	ssyncadd.s32 $0xFFFFA000  }
0xbe: {  	v4 =	vld [tilespmem:s17+$0x210]  }
0xbf: {  	v3 =	vld [tilespmem:s17+$0xC210]  }
0xc0: {  	v6 =	vld [tilespmem:s17+$0x220]  }
0xc1: {  	v5 =	vld [tilespmem:s17+$0xC220]  }
0xc2: {  	v10 =	vld [tilespmem:s17+$0x230]  }
0xc3: {  	v9 =	vld [tilespmem:s17+$0xC230]  }
0xc4: {  	v12 =	vld [tilespmem:s17+$0x240]  }
0xc5: {  	v11 =	vld [tilespmem:s17+$0xC240]  }
0xc6: {  	v13 =	vld [tilespmem:s17+$0x260]  }
0xc7: {  	v14 =	vld [tilespmem:s17+$0x270]  }
0xc8: {  	v15 =	vld [tilespmem:s17+$0x600]  }
0xc9: {  	v16 =	vld [tilespmem:s17+$0x610]  }
0xca: {  	v17 =	vld [tilespmem:s17+$0x620]  }
0xcb: {  	v18 =	vld [tilespmem:s17+$0x630]  }
0xcc: {  	v19 =	vld [tilespmem:s17+$0x640]  }
0xcd: {  	v20 =	vld [tilespmem:s17+$0x650]  }
0xce: {  	v21 =	vld [tilespmem:s17+$0x660]  }
0xcf: {  	v22 =	vld [tilespmem:s17+$0x670]  }
0xd0: {  	v23 =	vld [tilespmem:s17+$0xA00]  }
0xd1: {  	v24 =	vld [tilespmem:s17+$0xA10]  }
0xd2: {  	v25 =	vld [tilespmem:s17+$0xA20]  }
0xd3: {  	v26 =	vld [tilespmem:s17+$0xA30]  }
0xd4: {  	v27 =	vld [tilespmem:s17+$0xA40]  }
0xd5: {  	v28 =	vld [tilespmem:s17+$0xA50]  }
0xd6: {  	v29 =	vld [tilespmem:s17+$0xA60]  }
0xd7: {  	v30 =	vld [tilespmem:s17+$0xA70]  }
0xd8: {  	v31 =	vld [tilespmem:s17+$0xE00]  }
0xd9: {  	v32 =	vld [tilespmem:s17+$0xE10]  }
0xda: {  	v33 =	vld [tilespmem:s17+$0xE20]  }
0xdb: {  	v34 =	vld [tilespmem:s17+$0xE30]  }
0xdc: {  	v35 =	vld [tilespmem:s17+$0xE40]  }
0xdd: {  	v36 =	vld [tilespmem:s17+$0xE50]  }
0xde: {  	v37 =	vld [tilespmem:s17+$0xE60]  }
0xdf: {  	v38 =	vld [tilespmem:s17+$0xE70]  }
0xe0: {  	v39 =	vld [tilespmem:s17+$0x1200]  }
0xe1: {  	v40 =	vld [tilespmem:s17+$0x1210]  }
0xe2: {  	v41 =	vld [tilespmem:s17+$0x1220]  }
0xe3: {  	v42 =	vld [tilespmem:s17+$0x1230]  }
0xe4: {  	v43 =	vld [tilespmem:s17+$0x1240]  }
0xe5: {  	v45 =	vld [tilespmem:s17+$0x1260]  }
0xe6: {  	v46 =	vld [tilespmem:s17+$0x1600]  }
0xe7: {  	v47 =	vld [tilespmem:s17+$0x1610]  }
0xe8: {  	v48 =	vld [tilespmem:s17+$0xD610]  }
0xe9: {  	v49 =	vld [tilespmem:s17+$0xD630]  }
0xea: {  	v50 =	vld [tilespmem:s17+$0x1620]  }
0xeb: {  	v7 =	vld.msk [tilespmem:s0+$0x0 ss:$0x0], $0xffff  }
0xec: {  	v8 =	vld.msk [tilespmem:s1+$0x0 ss:$0x0], $0xffff  }
0xed: {  	v51 =	vld [tilespmem:s17+$0x1630]  }
0xee: {  	v52 =	vld [tilespmem:s17+$0xD620]  }
0xef: {  	v53 =	vld [tilespmem:s17+$0xD600]  }
0xf0: {  	v54 =	vld [tilespmem:s17+$0x1270]  }
0xf1: {  	v55 =	vld [tilespmem:s17+$0xD270]  }
0xf2: {  	v57 =	vld [tilespmem:s17+$0xD250];
	v51 =	vmul.f32 v51, v7  }
0xf3: {  	v56 =	vld [tilespmem:s17+$0xD260];
	v49 =	vmul.f32 v49, v8;
	v50 =	vmul.f32 v50, v7  }
0xf4: {  	v44 =	vld [tilespmem:s17+$0x1250];
	v52 =	vmul.f32 v52, v8;
	v47 =	vmul.f32 v47, v7  }
0xf5: {  	v58 =	vld [tilespmem:s17+$0xD240];
	v48 =	vmul.f32 v48, v8;
	v46 =	vmul.f32 v46, v7  }
0xf6: {  	v63 =	vmul.f32 v53, v8;
	v53 =	vld [tilespmem:s17+$0xD230];
	v59 =	vmul.f32 v54, v7;
	v49 =	vadd.f32 v49, v51  }
0xf7: {  	v60 =	vmul.f32 v55, v8;
	v62 =	vmul.f32 v57, v8;
	v57 =	vld [tilespmem:s17+$0xCE60];
	v50 =	vadd.f32 v52, v50  }
0xf8: {  	v45 =	vmul.f32 v45, v7;
	v61 =	vmul.f32 v56, v8;
	v55 =	vld [tilespmem:s17+$0xCA70];
	v47 =	vadd.f32 v48, v47;
	[tilespmem:s17+$0x1630] =	vst v49  }
0xf9: {  	v44 =	vmul.f32 v44, v7;
	v43 =	vmul.f32 v43, v7;
	v56 =	vld [tilespmem:s17+$0xCA60];
	v46 =	vadd.f32 v63, v46;
	[tilespmem:s17+$0x1620] =	vst v50  }
0xfa: {  	v42 =	vmul.f32 v42, v7;
	v41 =	vmul.f32 v41, v7;
	v48 =	vld [tilespmem:s17+$0xD220];
	v52 =	vadd.f32 v60, v59;
	[tilespmem:s17+$0x1610] =	vst v47  }
0xfb: {  	v12 =	vmul.f32 v12, v7;
	v11 =	vmul.f32 v11, v8;
	v45 =	vadd.f32 v61, v45;
	v59 =	vld [tilespmem:s17+$0xCE50];
	[tilespmem:s17+$0x1600] =	vst v46  }
0xfc: {  	v40 =	vmul.f32 v40, v7;
	v63 =	vmul.f32 v58, v8;
	v44 =	vadd.f32 v62, v44;
	v60 =	vld [tilespmem:s17+$0xCE40];
	[tilespmem:s17+$0x1270] =	vst v52  }
0xfd: {  	v39 =	vmul.f32 v39, v7;
	v61 =	vld [tilespmem:s17+$0xCE30];
	v11 =	vadd.f32 v11, v12;
	[tilespmem:s17+$0x1260] =	vst v45;
	v58 =	vmul.f32 v53, v8  }
0xfe: {  	v37 =	vmul.f32 v37, v7;
	v62 =	vld [tilespmem:s17+$0xCE20];
	v43 =	vadd.f32 v63, v43;
	[tilespmem:s17+$0x1250] =	vst v44;
	v46 =	vmul.f32 v57, v8  }
0xff: {  	v38 =	vmul.f32 v38, v7;
	v49 =	vld [tilespmem:s17+$0xD210];
	[tilespmem:s17+$0x240] =	vst v11;
	v48 =	vmul.f32 v48, v8;
	v42 =	vadd.f32 v58, v42  }
0x100: {  	v36 =	vmul.f32 v36, v7;
	v50 =	vld [tilespmem:s17+$0xD200];
	[tilespmem:s17+$0x1240] =	vst v43;
	v54 =	vmul.f32 v59, v8;
	v37 =	vadd.f32 v46, v37  }
0x101: {  	v35 =	vmul.f32 v35, v7;
	v47 =	vld [tilespmem:s17+$0xCE70];
	v45 =	vmul.f32 v60, v8;
	v41 =	vadd.f32 v48, v41;
	[tilespmem:s17+$0x1230] =	vst v42  }
0x102: {  	v34 =	vmul.f32 v34, v7;
	v63 =	vld [tilespmem:s17+$0xCE10];
	v44 =	vmul.f32 v61, v8;
	v36 =	vadd.f32 v54, v36;
	[tilespmem:s17+$0xE60] =	vst v37  }
0x103: {  	v33 =	vmul.f32 v33, v7;
	v53 =	vld [tilespmem:s17+$0xCE00];
	v43 =	vmul.f32 v62, v8;
	v35 =	vadd.f32 v45, v35;
	[tilespmem:s17+$0x1220] =	vst v41  }
0x104: {  	v32 =	vmul.f32 v32, v7;
	v58 =	vld [tilespmem:s17+$0xCA40];
	v49 =	vmul.f32 v49, v8;
	v34 =	vadd.f32 v44, v34;
	[tilespmem:s17+$0xE50] =	vst v36  }
0x105: {  	v31 =	vmul.f32 v31, v7;
	v59 =	vld [tilespmem:s17+$0xCA30];
	v50 =	vmul.f32 v50, v8;
	v33 =	vadd.f32 v43, v33;
	[tilespmem:s17+$0xE40] =	vst v35  }
0x106: {  	v6 =	vmul.f32 v6, v7;
	v60 =	vld [tilespmem:s17+$0xCA20];
	v47 =	vmul.f32 v47, v8;
	v40 =	vadd.f32 v49, v40;
	[tilespmem:s17+$0xE30] =	vst v34  }
0x107: {  	v5 =	vmul.f32 v5, v8;
	v61 =	vld [tilespmem:s17+$0xCA10];
	v42 =	vmul.f32 v63, v8;
	v39 =	vadd.f32 v50, v39;
	[tilespmem:s17+$0xE20] =	vst v33  }
0x108: {  	v27 =	vmul.f32 v27, v7;
	v12 =	vld [tilespmem:s17+$0x1660];
	v38 =	vadd.f32 v47, v38;
	v41 =	vmul.f32 v53, v8;
	[tilespmem:s17+$0x1210] =	vst v40  }
0x109: {  	v5 =	vadd.f32 v5, v6;
	v6 =	vld [tilespmem:s17+$0x200];
	v32 =	vadd.f32 v42, v32;
	v37 =	vmul.f32 v58, v8;
	[tilespmem:s17+$0x1200] =	vst v39  }
0x10a: {  	v26 =	vmul.f32 v26, v7;
	v57 =	vld [tilespmem:s17+$0xCA50];
	v36 =	vmul.f32 v59, v8;
	[tilespmem:s17+$0xE70] =	vst v38;
	v31 =	vadd.f32 v41, v31  }
0x10b: {  	v25 =	vmul.f32 v25, v7;
	v62 =	vld [tilespmem:s17+$0xCA00];
	v35 =	vmul.f32 v60, v8;
	[tilespmem:s17+$0xE10] =	vst v32;
	v27 =	vadd.f32 v37, v27  }
0x10c: {  	v24 =	vmul.f32 v24, v7;
	v63 =	vld [tilespmem:s17+$0xC670];
	v34 =	vmul.f32 v61, v8;
	v26 =	vadd.f32 v36, v26;
	[tilespmem:s17+$0xE00] =	vst v31  }
0x10d: {  	v30 =	vmul.f32 v30, v7;
	v40 =	vmul.f32 v55, v8;
	v25 =	vadd.f32 v35, v25;
	v31 =	vld [tilespmem:s17+$0xC660];
	[tilespmem:s17+$0xA40] =	vst v27  }
0x10e: {  	v29 =	vmul.f32 v29, v7;
	v39 =	vmul.f32 v56, v8;
	v24 =	vadd.f32 v34, v24;
	v27 =	vld [tilespmem:s17+$0xC620];
	[tilespmem:s17+$0xA30] =	vst v26  }
0x10f: {  	v28 =	vmul.f32 v28, v7;
	v38 =	vmul.f32 v57, v8;
	v30 =	vadd.f32 v40, v30;
	v26 =	vld [tilespmem:s17+$0xC610];
	[tilespmem:s17+$0xA20] =	vst v25  }
0x110: {  	v23 =	vmul.f32 v23, v7;
	v33 =	vmul.f32 v62, v8;
	v29 =	vadd.f32 v39, v29;
	v25 =	vld [tilespmem:s17+$0xC600];
	[tilespmem:s17+$0xA10] =	vst v24  }
0x111: {  	v22 =	vmul.f32 v22, v7;
	v32 =	vmul.f32 v63, v8;
	v28 =	vadd.f32 v38, v28;
	[tilespmem:s17+$0xA70] =	vst v30;
	v30 =	vld [tilespmem:s17+$0xC650]  }
0x112: {  	v21 =	vmul.f32 v21, v7;
	v23 =	vadd.f32 v33, v23;
	[tilespmem:s17+$0xA60] =	vst v29;
	v29 =	vld [tilespmem:s17+$0xC640];
	v31 =	vmul.f32 v31, v8  }
0x113: {  	v17 =	vmul.f32 v17, v7;
	v22 =	vadd.f32 v32, v22;
	[tilespmem:s17+$0xA50] =	vst v28;
	v28 =	vld [tilespmem:s17+$0xC630];
	v27 =	vmul.f32 v27, v8  }
0x114: {  	v16 =	vmul.f32 v16, v7;
	[tilespmem:s17+$0xA00] =	vst v23;
	v23 =	vld [tilespmem:s17+$0xC260];
	v26 =	vmul.f32 v26, v8;
	v21 =	vadd.f32 v31, v21  }
0x115: {  	v15 =	vmul.f32 v15, v7;
	v24 =	vld [tilespmem:s17+$0xC270];
	[tilespmem:s17+$0x670] =	vst v22;
	v25 =	vmul.f32 v25, v8;
	v17 =	vadd.f32 v27, v17  }
0x116: {  	v20 =	vmul.f32 v20, v7;
	v22 =	vld [tilespmem:s17+$0x250];
	v30 =	vmul.f32 v30, v8;
	v16 =	vadd.f32 v26, v16;
	[tilespmem:s17+$0x660] =	vst v21  }
0x117: {  	v19 =	vmul.f32 v19, v7;
	v29 =	vmul.f32 v29, v8;
	v15 =	vadd.f32 v25, v15;
	v21 =	vld [tilespmem:s17+$0xC250];
	[tilespmem:s17+$0x620] =	vst v17  }
0x118: {  	v18 =	vmul.f32 v18, v7;
	v28 =	vmul.f32 v28, v8;
	v20 =	vadd.f32 v30, v20;
	v17 =	vld [tilespmem:s17+$0x1640];
	[tilespmem:s17+$0x610] =	vst v16  }
0x119: {  	v13 =	vmul.f32 v13, v7;
	v23 =	vmul.f32 v23, v8;
	v19 =	vadd.f32 v29, v19;
	[tilespmem:s17+$0x600] =	vst v15;
	v15 =	vld [tilespmem:s17+$0x1650]  }
0x11a: {  	v14 =	vmul.f32 v14, v7;
	v24 =	vmul.f32 v24, v8;
	v18 =	vadd.f32 v28, v18;
	[tilespmem:s17+$0x650] =	vst v20;
	v20 =	vld [tilespmem:s17+$0xD640]  }
0x11b: {  	v10 =	vmul.f32 v10, v7;
	v9 =	vmul.f32 v9, v8;
	v13 =	vadd.f32 v23, v13;
	[tilespmem:s17+$0x640] =	vst v19;
	v19 =	vld [tilespmem:s17+$0xD650]  }
0x11c: {  	v4 =	vmul.f32 v4, v7;
	v3 =	vmul.f32 v3, v8;
	v14 =	vadd.f32 v24, v14;
	[tilespmem:s17+$0x630] =	vst v18;
	v18 =	vld [tilespmem:s17+$0xD660]  }
0x11d: {  	v9 =	vadd.f32 v9, v10;
	v10 =	vmul.f32 v22, v7;
	v16 =	vld [tilespmem:s17+$0xD670];
	[tilespmem:s17+$0x260] =	vst v13;
	v13 =	vmul.f32 v21, v8  }
0x11e: {  	v3 =	vadd.f32 v3, v4;
	[tilespmem:s17+$0x270] =	vst v14;
	v14 =	vld [tilespmem:s17+$0x1670]  }
0x11f: {  	s19 =	simm.s32 $0x0;
	[tilespmem:s17+$0x230] =	vst v9;
	v9 =	vld [tilespmem:s17+$0xC200];
	v11 =	vmul.f32 v17, v7;
	v17 =	vmul.f32 v20, v8;
	v4 =	vadd.f32 v13, v10  }
0x120: {  	s14 =	smul.u32 $0x1800, s19;
	s16 =	simm.s32 $0x80;
	[tilespmem:s17+$0x220] =	vst v5;
	v5 =	vmul.f32 v15, v7;
	v10 =	vmul.f32 v19, v8  }
0x121: {  	s18 =	sand.u32 $0x380, s16;
	v11 =	vadd.f32 v17, v11;
	[tilespmem:s17+$0x250] =	vst v4;
	v4 =	vmul.f32 v12, v7;
	v12 =	vmul.f32 v18, v8  }
0x122: {  	s14 =	sor.u32 s18, s14;
	[tilespmem:s17+$0x210] =	vst v3;
	v5 =	vadd.f32 v10, v5  }
0x123: {  	v3 =	vld [tilespmem:s14+$0x210];
	v10 =	vmul.f32 v14, v7;
	[tilespmem:s17+$0x1640] =	vst v11;
	v11 =	vmul.f32 v16, v8;
	v12 =	vadd.f32 v12, v4  }
0x124: {  	v7 =	vmul.f32 v6, v7;
	v8 =	vmul.f32 v9, v8;
	v4 =	vld [tilespmem:s14+$0xC210];
	[tilespmem:s17+$0x1650] =	vst v5  }
0x125: {  	v9 =	vadd.f32 v11, v10;
	v6 =	vld [tilespmem:s14+$0x220];
	[tilespmem:s17+$0x1660] =	vst v12  }
0x126: {  	v7 =	vadd.f32 v8, v7;
	v5 =	vld [tilespmem:s14+$0xC220]  }
0x127: {  	v8 =	vld [tilespmem:s14+$0x230];
	[tilespmem:s17+$0x1670] =	vst v9  }
0x128: {  	v18 =	vld [tilespmem:s14+$0x630];
	[tilespmem:s17+$0x200] =	vst v7  }
0x129: {  	v7 =	vld [tilespmem:s14+$0xC230]  }
0x12a: {  	v10 =	vld [tilespmem:s14+$0x240]  }
0x12b: {  	v9 =	vld [tilespmem:s14+$0xC240]  }
0x12c: {  	v12 =	vld [tilespmem:s14+$0x250]  }
0x12d: {  	v11 =	vld [tilespmem:s14+$0xC250]  }
0x12e: {  	v13 =	vld [tilespmem:s14+$0x260]  }
0x12f: {  	v14 =	vld [tilespmem:s14+$0x270]  }
0x130: {  	v15 =	vld [tilespmem:s14+$0x600]  }
0x131: {  	v16 =	vld [tilespmem:s14+$0x610]  }
0x132: {  	v17 =	vld [tilespmem:s14+$0x620]  }
0x133: {  	v19 =	vld [tilespmem:s14+$0x640]  }
0x134: {  	v20 =	vld [tilespmem:s14+$0x650]  }
0x135: {  	v21 =	vld [tilespmem:s14+$0x660]  }
0x136: {  	v22 =	vld [tilespmem:s14+$0x670]  }
0x137: {  	v23 =	vld [tilespmem:s14+$0xA00]  }
0x138: {  	v24 =	vld [tilespmem:s14+$0xA10]  }
0x139: {  	v25 =	vld [tilespmem:s14+$0xA20]  }
0x13a: {  	v26 =	vld [tilespmem:s14+$0xA30]  }
0x13b: {  	v27 =	vld [tilespmem:s14+$0xA40]  }
0x13c: {  	v28 =	vld [tilespmem:s14+$0xA50]  }
0x13d: {  	v29 =	vld [tilespmem:s14+$0xA60]  }
0x13e: {  	v30 =	vld [tilespmem:s14+$0xA70]  }
0x13f: {  	v32 =	vld [tilespmem:s14+$0xE00]  }
0x140: {  	v34 =	vld [tilespmem:s14+$0xE10]  }
0x141: {  	v35 =	vld [tilespmem:s14+$0xE20]  }
0x142: {  	v36 =	vld [tilespmem:s14+$0xE30]  }
0x143: {  	v37 =	vld [tilespmem:s14+$0xE40]  }
0x144: {  	v38 =	vld [tilespmem:s14+$0xE50]  }
0x145: {  	v39 =	vld [tilespmem:s14+$0xE60]  }
0x146: {  	v40 =	vld [tilespmem:s14+$0xE70]  }
0x147: {  	v41 =	vld [tilespmem:s14+$0x1200]  }
0x148: {  	v42 =	vld [tilespmem:s14+$0x1210]  }
0x149: {  	v43 =	vld [tilespmem:s14+$0x1220]  }
0x14a: {  	v44 =	vld [tilespmem:s14+$0x1230]  }
0x14b: {  	v45 =	vld [tilespmem:s14+$0x1240]  }
0x14c: {  	v46 =	vld [tilespmem:s14+$0x1250]  }
0x14d: {  	v47 =	vld [tilespmem:s14+$0x1260]  }
0x14e: {  	v48 =	vld [tilespmem:s14+$0x1600]  }
0x14f: {  	v50 =	vld [tilespmem:s14+$0x1610]  }
0x150: {  	v49 =	vld [tilespmem:s14+$0xD610]  }
0x151: {  	s17 =	simm.s32 $0x2;
	v51 =	vld [tilespmem:s14+$0xD630]  }
.LBB2_2:
0x152: {  	p0 =	sne.s32 s17, $0x1F;
	v52 =	vld [tilespmem:s14+$0x1620];
	s0 =	sadd.s32 $0x1, s0  }
0x153: {  	s1 =	sadd.s32 $0x1, s1;
	v33 =	vld.msk [tilespmem:s0+$0x0 ss:$0x0], $0xffff  }
0x154: {  	v31 =	vld.msk [tilespmem:s1+$0x0 ss:$0x0], $0xffff  }
0x155: {  	v53 =	vld [tilespmem:s14+$0x1630]  }
0x156: {  	v54 =	vld [tilespmem:s14+$0xD620]  }
0x157: {  	v55 =	vld [tilespmem:s14+$0xD600]  }
0x158: {  	v56 =	vld [tilespmem:s14+$0x1270]  }
0x159: {  	v50 =	vmul.f32 v50, v33;
	v52 =	vmul.f32 v52, v33;
	v57 =	vld [tilespmem:s14+$0xD270]  }
0x15a: {  	v51 =	vmul.f32 v51, v31;
	v58 =	vld [tilespmem:s14+$0xD260];
	v53 =	vmul.f32 v53, v33  }
0x15b: {  	v49 =	vmul.f32 v49, v31;
	v59 =	vld [tilespmem:s14+$0xD250];
	v54 =	vmul.f32 v54, v31  }
0x15c: {  	v48 =	vmul.f32 v48, v33;
	v60 =	vld [tilespmem:s14+$0xD240];
	v55 =	vmul.f32 v55, v31;
	v51 =	vadd.f32 v51, v53  }
0x15d: {  	v49 =	vadd.f32 v49, v50;
	v53 =	vld [tilespmem:s14+$0xD230];
	v56 =	vmul.f32 v56, v33;
	v50 =	vadd.f32 v54, v52  }
0x15e: {  	v47 =	vmul.f32 v47, v33;
	v52 =	vld [tilespmem:s14+$0xD220];
	v54 =	vmul.f32 v57, v31;
	v48 =	vadd.f32 v55, v48;
	[tilespmem:s14+$0x1630] =	vst v51  }
0x15f: {  	v46 =	vmul.f32 v46, v33;
	v51 =	vld [tilespmem:s14+$0xD210];
	v55 =	vmul.f32 v58, v31;
	[tilespmem:s14+$0x1620] =	vst v50  }
0x160: {  	v45 =	vmul.f32 v45, v33;
	v50 =	vld [tilespmem:s14+$0xD200];
	v57 =	vmul.f32 v59, v31;
	v54 =	vadd.f32 v54, v56;
	[tilespmem:s14+$0x1610] =	vst v49  }
0x161: {  	v44 =	vmul.f32 v44, v33;
	v49 =	vld [tilespmem:s14+$0xCE70];
	v56 =	vmul.f32 v60, v31;
	v47 =	vadd.f32 v55, v47;
	[tilespmem:s14+$0x1600] =	vst v48  }
0x162: {  	v43 =	vmul.f32 v43, v33;
	v48 =	vld [tilespmem:s14+$0xCE60];
	v53 =	vmul.f32 v53, v31;
	v46 =	vadd.f32 v57, v46;
	[tilespmem:s14+$0x1270] =	vst v54  }
0x163: {  	v42 =	vmul.f32 v42, v33;
	v54 =	vld [tilespmem:s14+$0xCE50];
	v52 =	vmul.f32 v52, v31;
	v45 =	vadd.f32 v56, v45;
	[tilespmem:s14+$0x1260] =	vst v47  }
0x164: {  	v41 =	vmul.f32 v41, v33;
	v47 =	vld [tilespmem:s14+$0xCE40];
	v51 =	vmul.f32 v51, v31;
	v44 =	vadd.f32 v53, v44;
	[tilespmem:s14+$0x1250] =	vst v46  }
0x165: {  	v40 =	vmul.f32 v40, v33;
	v46 =	vld [tilespmem:s14+$0xCE30];
	v50 =	vmul.f32 v50, v31;
	v43 =	vadd.f32 v52, v43;
	[tilespmem:s14+$0x1240] =	vst v45  }
0x166: {  	v39 =	vmul.f32 v39, v33;
	v45 =	vld [tilespmem:s14+$0xCE20];
	v49 =	vmul.f32 v49, v31;
	v42 =	vadd.f32 v51, v42;
	[tilespmem:s14+$0x1230] =	vst v44  }
0x167: {  	v38 =	vmul.f32 v38, v33;
	v44 =	vld [tilespmem:s14+$0xCE10];
	v48 =	vmul.f32 v48, v31;
	v41 =	vadd.f32 v50, v41;
	[tilespmem:s14+$0x1220] =	vst v43  }
0x168: {  	v37 =	vmul.f32 v37, v33;
	v43 =	vld [tilespmem:s14+$0xCE00];
	v50 =	vmul.f32 v54, v31;
	v40 =	vadd.f32 v49, v40;
	[tilespmem:s14+$0x1210] =	vst v42  }
0x169: {  	v36 =	vmul.f32 v36, v33;
	v42 =	vld [tilespmem:s14+$0xCA70];
	v47 =	vmul.f32 v47, v31;
	v39 =	vadd.f32 v48, v39;
	[tilespmem:s14+$0x1200] =	vst v41  }
0x16a: {  	v35 =	vmul.f32 v35, v33;
	v41 =	vld [tilespmem:s14+$0xCA60];
	v46 =	vmul.f32 v46, v31;
	v38 =	vadd.f32 v50, v38;
	[tilespmem:s14+$0xE70] =	vst v40  }
0x16b: {  	v34 =	vmul.f32 v34, v33;
	v40 =	vld [tilespmem:s14+$0xCA50];
	v45 =	vmul.f32 v45, v31;
	v37 =	vadd.f32 v47, v37;
	[tilespmem:s14+$0xE60] =	vst v39  }
0x16c: {  	v32 =	vmul.f32 v32, v33;
	v39 =	vld [tilespmem:s14+$0xCA40];
	v44 =	vmul.f32 v44, v31;
	v36 =	vadd.f32 v46, v36;
	[tilespmem:s14+$0xE50] =	vst v38  }
0x16d: {  	v30 =	vmul.f32 v30, v33;
	v38 =	vld [tilespmem:s14+$0xCA30];
	v43 =	vmul.f32 v43, v31;
	v35 =	vadd.f32 v45, v35;
	[tilespmem:s14+$0xE40] =	vst v37  }
0x16e: {  	v29 =	vmul.f32 v29, v33;
	v37 =	vld [tilespmem:s14+$0xCA20];
	v42 =	vmul.f32 v42, v31;
	v34 =	vadd.f32 v44, v34;
	[tilespmem:s14+$0xE30] =	vst v36  }
0x16f: {  	v28 =	vmul.f32 v28, v33;
	v36 =	vld [tilespmem:s14+$0xCA10];
	v41 =	vmul.f32 v41, v31;
	v32 =	vadd.f32 v43, v32;
	[tilespmem:s14+$0xE20] =	vst v35  }
0x170: {  	v27 =	vmul.f32 v27, v33;
	v35 =	vld [tilespmem:s14+$0xCA00];
	v40 =	vmul.f32 v40, v31;
	v30 =	vadd.f32 v42, v30;
	[tilespmem:s14+$0xE10] =	vst v34  }
0x171: {  	v26 =	vmul.f32 v26, v33;
	v34 =	vld [tilespmem:s14+$0xC670];
	v39 =	vmul.f32 v39, v31;
	v29 =	vadd.f32 v41, v29;
	[tilespmem:s14+$0xE00] =	vst v32  }
0x172: {  	v25 =	vmul.f32 v25, v33;
	v32 =	vld [tilespmem:s14+$0xC660];
	v38 =	vmul.f32 v38, v31;
	v28 =	vadd.f32 v40, v28;
	[tilespmem:s14+$0xA70] =	vst v30  }
0x173: {  	v24 =	vmul.f32 v24, v33;
	v30 =	vld [tilespmem:s14+$0xC650];
	v37 =	vmul.f32 v37, v31;
	v27 =	vadd.f32 v39, v27;
	[tilespmem:s14+$0xA60] =	vst v29  }
0x174: {  	v23 =	vmul.f32 v23, v33;
	v29 =	vld [tilespmem:s14+$0xC640];
	v36 =	vmul.f32 v36, v31;
	v26 =	vadd.f32 v38, v26;
	[tilespmem:s14+$0xA50] =	vst v28  }
0x175: {  	v22 =	vmul.f32 v22, v33;
	v28 =	vld [tilespmem:s14+$0xC630];
	v35 =	vmul.f32 v35, v31;
	v25 =	vadd.f32 v37, v25;
	[tilespmem:s14+$0xA40] =	vst v27  }
0x176: {  	v21 =	vmul.f32 v21, v33;
	v27 =	vld [tilespmem:s14+$0xC620];
	v34 =	vmul.f32 v34, v31;
	v24 =	vadd.f32 v36, v24;
	[tilespmem:s14+$0xA30] =	vst v26  }
0x177: {  	v20 =	vmul.f32 v20, v33;
	v26 =	vld [tilespmem:s14+$0xC610];
	v32 =	vmul.f32 v32, v31;
	v23 =	vadd.f32 v35, v23;
	[tilespmem:s14+$0xA20] =	vst v25  }
0x178: {  	v19 =	vmul.f32 v19, v33;
	v25 =	vld [tilespmem:s14+$0xC600];
	v30 =	vmul.f32 v30, v31;
	v22 =	vadd.f32 v34, v22;
	[tilespmem:s14+$0xA10] =	vst v24  }
0x179: {  	v18 =	vmul.f32 v18, v33;
	v24 =	vld [tilespmem:s14+$0xC270];
	v29 =	vmul.f32 v29, v31;
	v21 =	vadd.f32 v32, v21;
	[tilespmem:s14+$0xA00] =	vst v23  }
0x17a: {  	v17 =	vmul.f32 v17, v33;
	v23 =	vld [tilespmem:s14+$0xC260];
	v28 =	vmul.f32 v28, v31;
	v20 =	vadd.f32 v30, v20;
	[tilespmem:s14+$0x670] =	vst v22  }
0x17b: {  	v16 =	vmul.f32 v16, v33;
	v22 =	vmul.f32 v27, v31;
	v19 =	vadd.f32 v29, v19;
	[tilespmem:s14+$0x660] =	vst v21;
	v21 =	vld [tilespmem:s14+$0xD640]  }
0x17c: {  	v15 =	vmul.f32 v15, v33;
	v26 =	vmul.f32 v26, v31;
	v18 =	vadd.f32 v28, v18;
	[tilespmem:s14+$0x650] =	vst v20;
	v20 =	vld [tilespmem:s14+$0xD650]  }
0x17d: {  	v14 =	vmul.f32 v14, v33;
	v25 =	vmul.f32 v25, v31;
	v17 =	vadd.f32 v22, v17;
	[tilespmem:s14+$0x640] =	vst v19;
	v19 =	vld [tilespmem:s14+$0xD660]  }
0x17e: {  	v13 =	vmul.f32 v13, v33;
	v22 =	vmul.f32 v24, v31;
	v16 =	vadd.f32 v26, v16;
	[tilespmem:s14+$0x630] =	vst v18;
	v18 =	vld [tilespmem:s14+$0xD670]  }
0x17f: {  	v12 =	vmul.f32 v12, v33;
	v23 =	vmul.f32 v23, v31;
	v15 =	vadd.f32 v25, v15;
	[tilespmem:s14+$0x620] =	vst v17;
	v17 =	vld [tilespmem:s14+$0x1640]  }
0x180: {  	v10 =	vmul.f32 v10, v33;
	v11 =	vmul.f32 v11, v31;
	v14 =	vadd.f32 v22, v14;
	[tilespmem:s14+$0x610] =	vst v16;
	v16 =	vld [tilespmem:s14+$0x1650]  }
0x181: {  	v8 =	vmul.f32 v8, v33;
	v9 =	vmul.f32 v9, v31;
	v13 =	vadd.f32 v23, v13;
	[tilespmem:s14+$0x600] =	vst v15;
	v15 =	vld [tilespmem:s14+$0x1660]  }
0x182: {  	v6 =	vmul.f32 v6, v33;
	v7 =	vmul.f32 v7, v31;
	v11 =	vadd.f32 v11, v12;
	[tilespmem:s14+$0x270] =	vst v14;
	v12 =	vld [tilespmem:s14+$0x1670]  }
0x183: {  	v3 =	vmul.f32 v3, v33;
	v5 =	vmul.f32 v5, v31;
	v9 =	vadd.f32 v9, v10;
	v14 =	vld [tilespmem:s14+$0x200];
	[tilespmem:s14+$0x260] =	vst v13  }
0x184: {  	v4 =	vmul.f32 v4, v31;
	v7 =	vadd.f32 v7, v8;
	v10 =	vld [tilespmem:s14+$0xC200];
	[tilespmem:s14+$0x250] =	vst v11;
	v8 =	vmul.f32 v17, v33  }
0x185: {  	s18 =	sshrl.u32 s17, $0x3;
	v5 =	vadd.f32 v5, v6;
	v6 =	vmul.f32 v21, v31;
	[tilespmem:s14+$0x240] =	vst v9;
	v9 =	vmul.f32 v16, v33  }
0x186: {  	s16 =	sadd.s32 $0x80, s16;
	s18 =	smul.u32 $0x1800, s18;
	v3 =	vadd.f32 v4, v3;
	v4 =	vmul.f32 v20, v31;
	[tilespmem:s14+$0x230] =	vst v7;
	v7 =	vmul.f32 v15, v33  }
0x187: {  	s19 =	sand.u32 $0x380, s16;
	[tilespmem:s14+$0x220] =	vst v5;
	v5 =	vadd.f32 v6, v8;
	v6 =	vmul.f32 v19, v31;
	v8 =	vmul.f32 v12, v33  }
0x188: {  	s18 =	sor.u32 s19, s18;
	v9 =	vadd.f32 v4, v9;
	v12 =	vmul.f32 v18, v31;
	v11 =	vmul.f32 v14, v33;
	[tilespmem:s14+$0x210] =	vst v3  }
0x189: {  	v3 =	vld [tilespmem:s18+$0x210];
	v10 =	vmul.f32 v10, v31;
	[tilespmem:s14+$0x1640] =	vst v5;
	v5 =	vadd.f32 v6, v7  }
0x18a: {  	v7 =	vadd.f32 v12, v8;
	v4 =	vld [tilespmem:s18+$0xC210];
	[tilespmem:s14+$0x1650] =	vst v9  }
0x18b: {  	v6 =	vld [tilespmem:s18+$0x220];
	v9 =	vadd.f32 v10, v11;
	[tilespmem:s14+$0x1660] =	vst v5  }
0x18c: {  	v5 =	vld [tilespmem:s18+$0xC220];
	[tilespmem:s14+$0x1670] =	vst v7  }
0x18d: {  	v8 =	vld [tilespmem:s18+$0x230];
	[tilespmem:s14+$0x200] =	vst v9;
	s14 =	smov.u32 s18  }
0x18e: {  	v7 =	vld [tilespmem:s14+$0xC230]  }
0x18f: {  	v10 =	vld [tilespmem:s14+$0x240]  }
0x190: {  	v9 =	vld [tilespmem:s14+$0xC240]  }
0x191: {  	v12 =	vld [tilespmem:s14+$0x250]  }
0x192: {  	v11 =	vld [tilespmem:s14+$0xC250]  }
0x193: {  	v13 =	vld [tilespmem:s14+$0x260]  }
0x194: {  	v14 =	vld [tilespmem:s14+$0x270]  }
0x195: {  	v15 =	vld [tilespmem:s14+$0x600]  }
0x196: {  	v16 =	vld [tilespmem:s14+$0x610]  }
0x197: {  	v17 =	vld [tilespmem:s14+$0x620]  }
0x198: {  	v18 =	vld [tilespmem:s14+$0x630]  }
0x199: {  	v19 =	vld [tilespmem:s14+$0x640]  }
0x19a: {  	v20 =	vld [tilespmem:s14+$0x650]  }
0x19b: {  	v21 =	vld [tilespmem:s14+$0x660]  }
0x19c: {  	v22 =	vld [tilespmem:s14+$0x670]  }
0x19d: {  	v23 =	vld [tilespmem:s14+$0xA00]  }
0x19e: {  	v24 =	vld [tilespmem:s14+$0xA10]  }
0x19f: {  	v25 =	vld [tilespmem:s14+$0xA20]  }
0x1a0: {  	v26 =	vld [tilespmem:s14+$0xA30]  }
0x1a1: {  	v27 =	vld [tilespmem:s14+$0xA40]  }
0x1a2: {  	v28 =	vld [tilespmem:s14+$0xA50]  }
0x1a3: {  	v29 =	vld [tilespmem:s14+$0xA60]  }
0x1a4: {  	v30 =	vld [tilespmem:s14+$0xA70]  }
0x1a5: {  	v32 =	vld [tilespmem:s14+$0xE00]  }
0x1a6: {  	v34 =	vld [tilespmem:s14+$0xE10]  }
0x1a7: {  	v35 =	vld [tilespmem:s14+$0xE20]  }
0x1a8: {  	v36 =	vld [tilespmem:s14+$0xE30]  }
0x1a9: {  	v37 =	vld [tilespmem:s14+$0xE40]  }
0x1aa: {  	v38 =	vld [tilespmem:s14+$0xE50]  }
0x1ab: {  	v39 =	vld [tilespmem:s14+$0xE60]  }
0x1ac: {  	v40 =	vld [tilespmem:s14+$0xE70]  }
0x1ad: {  	v41 =	vld [tilespmem:s14+$0x1200]  }
0x1ae: {  	v42 =	vld [tilespmem:s14+$0x1210]  }
0x1af: {  	v43 =	vld [tilespmem:s14+$0x1220]  }
0x1b0: {  	v44 =	vld [tilespmem:s14+$0x1230]  }
0x1b1: {  	v45 =	vld [tilespmem:s14+$0x1240]  }
0x1b2: {  	v46 =	vld [tilespmem:s14+$0x1250]  }
.Ltmp0:
0x1b3: {  	v47 =	vld [tilespmem:s14+$0x1260];
	(pc) =	sbr.rel @p0 .LBB2_2-.Ltmp0, $4  }
0x1b4: {  	v48 =	vld [tilespmem:s14+$0x1600]  }
0x1b5: {  	v50 =	vld [tilespmem:s14+$0x1610]  }
0x1b6: {  	v49 =	vld [tilespmem:s14+$0xD610]  }
0x1b7: {  	s17 =	sadd.s32 $0x1, s17;
	v51 =	vld [tilespmem:s14+$0xD630]  }
0x1b8: {  	v52 =	vld [tilespmem:s14+$0x1620]  }
0x1b9: {  	s0 =	sadd.s32 $0x1, s0;
	v53 =	vld [tilespmem:s14+$0x1630]  }
0x1ba: {  	s16 =	sadd.s32 $0x1, s1;
	v31 =	vld.msk [tilespmem:s0+$0x0 ss:$0x0], $0xffff  }
0x1bb: {  	v33 =	vld.msk [tilespmem:s16+$0x0 ss:$0x0], $0xffff  }
0x1bc: {  	v54 =	vld [tilespmem:s14+$0xD620]  }
0x1bd: {  	v55 =	vld [tilespmem:s14+$0xD600]  }
0x1be: {  	v56 =	vld [tilespmem:s14+$0x1270]  }
0x1bf: {  	v57 =	vld [tilespmem:s14+$0xD270];
	v53 =	vmul.f32 v53, v31  }
0x1c0: {  	v58 =	vld [tilespmem:s14+$0xD260];
	v51 =	vmul.f32 v51, v33;
	v52 =	vmul.f32 v52, v31  }
0x1c1: {  	v54 =	vmul.f32 v54, v33;
	v50 =	vmul.f32 v50, v31  }
0x1c2: {  	v49 =	vmul.f32 v49, v33;
	v48 =	vmul.f32 v48, v31  }
0x1c3: {  	v59 =	vld [tilespmem:s14+$0xD250];
	v62 =	vmul.f32 v55, v33;
	v63 =	vmul.f32 v56, v31  }
0x1c4: {  	v60 =	vld [tilespmem:s14+$0xD240];
	v57 =	vmul.f32 v57, v33;
	v47 =	vmul.f32 v47, v31;
	v51 =	vadd.f32 v51, v53  }
0x1c5: {  	v61 =	vld [tilespmem:s14+$0xD220];
	v58 =	vmul.f32 v58, v33;
	v46 =	vmul.f32 v46, v31;
	v52 =	vadd.f32 v54, v52  }
0x1c6: {  	v45 =	vmul.f32 v45, v31;
	v44 =	vmul.f32 v44, v31;
	v53 =	vld [tilespmem:s14+$0xD230];
	v49 =	vadd.f32 v49, v50;
	[tilespmem:s14+$0x1630] =	vst v51  }
0x1c7: {  	v43 =	vmul.f32 v43, v31;
	v42 =	vmul.f32 v42, v31;
	v50 =	vld [tilespmem:s14+$0xD200];
	v48 =	vadd.f32 v62, v48;
	[tilespmem:s14+$0x1620] =	vst v52  }
0x1c8: {  	v41 =	vmul.f32 v41, v31;
	v62 =	vmul.f32 v59, v33;
	v47 =	vadd.f32 v58, v47;
	v59 =	vld [tilespmem:s14+$0xCE20];
	[tilespmem:s14+$0x1610] =	vst v49  }
0x1c9: {  	v40 =	vmul.f32 v40, v31;
	v51 =	vld [tilespmem:s14+$0xD210];
	v52 =	vadd.f32 v57, v63;
	[tilespmem:s14+$0x1600] =	vst v48;
	v63 =	vmul.f32 v60, v33  }
0x1ca: {  	v39 =	vmul.f32 v39, v31;
	v58 =	vmul.f32 v61, v33;
	v49 =	vld [tilespmem:s14+$0xCE70];
	v46 =	vadd.f32 v62, v46;
	[tilespmem:s14+$0x1260] =	vst v47  }
0x1cb: {  	v38 =	vmul.f32 v38, v31;
	v48 =	vld [tilespmem:s14+$0xCE60];
	[tilespmem:s14+$0x1270] =	vst v52;
	v45 =	vadd.f32 v63, v45;
	v53 =	vmul.f32 v53, v33  }
0x1cc: {  	v37 =	vmul.f32 v37, v31;
	v47 =	vld [tilespmem:s14+$0xCE40];
	v43 =	vadd.f32 v58, v43;
	[tilespmem:s14+$0x1250] =	vst v46;
	v50 =	vmul.f32 v50, v33  }
0x1cd: {  	v35 =	vmul.f32 v35, v31;
	v57 =	vld [tilespmem:s14+$0xCE30];
	[tilespmem:s14+$0x1240] =	vst v45;
	v45 =	vmul.f32 v59, v33;
	v44 =	vadd.f32 v53, v44  }
0x1ce: {  	v36 =	vmul.f32 v36, v31;
	v52 =	vld [tilespmem:s14+$0xCE50];
	[tilespmem:s14+$0x1220] =	vst v43;
	v51 =	vmul.f32 v51, v33;
	v41 =	vadd.f32 v50, v41  }
0x1cf: {  	v34 =	vmul.f32 v34, v31;
	v60 =	vld [tilespmem:s14+$0xCE10];
	v49 =	vmul.f32 v49, v33;
	v35 =	vadd.f32 v45, v35;
	[tilespmem:s14+$0x1230] =	vst v44  }
0x1d0: {  	v30 =	vmul.f32 v30, v31;
	v63 =	vld [tilespmem:s14+$0xCA60];
	v48 =	vmul.f32 v48, v33;
	v42 =	vadd.f32 v51, v42;
	[tilespmem:s14+$0x1200] =	vst v41  }
0x1d1: {  	v29 =	vmul.f32 v29, v31;
	v58 =	vld [tilespmem:s14+$0xCA00];
	v47 =	vmul.f32 v47, v33;
	v40 =	vadd.f32 v49, v40;
	[tilespmem:s14+$0xE20] =	vst v35  }
0x1d2: {  	v28 =	vmul.f32 v28, v31;
	v62 =	vld [tilespmem:s14+$0xCA70];
	v46 =	vmul.f32 v57, v33;
	v39 =	vadd.f32 v48, v39;
	[tilespmem:s14+$0x1210] =	vst v42  }
0x1d3: {  	v27 =	vmul.f32 v27, v31;
	v54 =	vld [tilespmem:s14+$0xCA40];
	v52 =	vmul.f32 v52, v33;
	v37 =	vadd.f32 v47, v37;
	[tilespmem:s14+$0xE70] =	vst v40  }
0x1d4: {  	v26 =	vmul.f32 v26, v31;
	v53 =	vld [tilespmem:s14+$0xCA50];
	v36 =	vadd.f32 v46, v36;
	v44 =	vmul.f32 v60, v33;
	[tilespmem:s14+$0xE60] =	vst v39  }
0x1d5: {  	v25 =	vmul.f32 v25, v31;
	v57 =	vld [tilespmem:s14+$0xCA10];
	v41 =	vmul.f32 v63, v33;
	v38 =	vadd.f32 v52, v38;
	[tilespmem:s14+$0xE40] =	vst v37  }
0x1d6: {  	v55 =	vld [tilespmem:s14+$0xCA30];
	v23 =	vmul.f32 v23, v31;
	v35 =	vmul.f32 v58, v33;
	[tilespmem:s14+$0xE30] =	vst v36;
	v34 =	vadd.f32 v44, v34  }
0x1d7: {  	v24 =	vmul.f32 v24, v31;
	v59 =	vld [tilespmem:s14+$0xC670];
	v42 =	vmul.f32 v62, v33;
	v29 =	vadd.f32 v41, v29;
	[tilespmem:s14+$0xE50] =	vst v38  }
0x1d8: {  	v56 =	vld [tilespmem:s14+$0xCA20];
	v22 =	vmul.f32 v22, v31;
	v39 =	vmul.f32 v54, v33;
	v23 =	vadd.f32 v35, v23;
	[tilespmem:s14+$0xE10] =	vst v34  }
0x1d9: {  	v21 =	vmul.f32 v21, v31;
	v60 =	vld [tilespmem:s14+$0xC660];
	v40 =	vmul.f32 v53, v33;
	v30 =	vadd.f32 v42, v30;
	[tilespmem:s14+$0xA60] =	vst v29  }
0x1da: {  	v20 =	vmul.f32 v20, v31;
	v36 =	vmul.f32 v57, v33;
	v29 =	vld [tilespmem:s14+$0xC640];
	v27 =	vadd.f32 v39, v27;
	[tilespmem:s14+$0xA00] =	vst v23  }
0x1db: {  	v19 =	vmul.f32 v19, v31;
	v38 =	vmul.f32 v55, v33;
	v28 =	vadd.f32 v40, v28;
	[tilespmem:s14+$0xA70] =	vst v30;
	v30 =	vld [tilespmem:s14+$0xC650]  }
0x1dc: {  	v10 =	vmul.f32 v10, v31;
	v61 =	vld [tilespmem:s14+$0xCE00];
	v34 =	vmul.f32 v59, v33;
	v24 =	vadd.f32 v36, v24;
	[tilespmem:s14+$0xA40] =	vst v27  }
0x1dd: {  	v9 =	vmul.f32 v9, v33;
	v37 =	vmul.f32 v56, v33;
	v26 =	vadd.f32 v38, v26;
	[tilespmem:s14+$0xA50] =	vst v28;
	v28 =	vld [tilespmem:s14+$0xC630]  }
0x1de: {  	v12 =	vmul.f32 v12, v31;
	v11 =	vmul.f32 v11, v33;
	v27 =	vld [tilespmem:s14+$0xC620];
	v22 =	vadd.f32 v34, v22;
	[tilespmem:s14+$0xA10] =	vst v24  }
0x1df: {  	v9 =	vadd.f32 v9, v10;
	v10 =	vld [tilespmem:s14+$0xC200];
	v25 =	vadd.f32 v37, v25;
	v24 =	vmul.f32 v60, v33;
	[tilespmem:s14+$0xA30] =	vst v26  }
0x1e0: {  	v11 =	vadd.f32 v11, v12;
	v26 =	vld [tilespmem:s14+$0xC610];
	[tilespmem:s14+$0x670] =	vst v22;
	v22 =	vmul.f32 v29, v33;
	v23 =	vmul.f32 v30, v33  }
0x1e1: {  	v18 =	vmul.f32 v18, v31;
	v43 =	vmul.f32 v61, v33;
	[tilespmem:s14+$0xA20] =	vst v25;
	v25 =	vld [tilespmem:s14+$0xC600];
	v21 =	vadd.f32 v24, v21  }
0x1e2: {  	[tilespmem:s14+$0x250] =	vst v11;
	v61 =	vld [tilespmem:s14+$0xC270];
	v19 =	vadd.f32 v22, v19;
	v20 =	vadd.f32 v23, v20;
	v23 =	vmul.f32 v28, v33  }
0x1e3: {  	v17 =	vmul.f32 v17, v31;
	v24 =	vld [tilespmem:s14+$0xC260];
	[tilespmem:s14+$0x660] =	vst v21;
	v22 =	vmul.f32 v27, v33  }
0x1e4: {  	v21 =	vld [tilespmem:s14+$0xD640];
	[tilespmem:s14+$0x640] =	vst v19;
	v18 =	vadd.f32 v23, v18  }
0x1e5: {  	v16 =	vmul.f32 v16, v31;
	v19 =	vld [tilespmem:s14+$0xD660];
	v17 =	vadd.f32 v22, v17;
	[tilespmem:s14+$0x650] =	vst v20;
	v23 =	vmul.f32 v26, v33  }
0x1e6: {  	v15 =	vmul.f32 v15, v31;
	v22 =	vld [tilespmem:s14+$0xD670];
	[tilespmem:s14+$0x630] =	vst v18;
	v18 =	vmul.f32 v25, v33  }
0x1e7: {  	v14 =	vmul.f32 v14, v31;
	v20 =	vld [tilespmem:s14+$0xD650];
	[tilespmem:s14+$0x620] =	vst v17;
	v17 =	vmul.f32 v61, v33;
	v16 =	vadd.f32 v23, v16  }
0x1e8: {  	v8 =	vmul.f32 v8, v31;
	v7 =	vmul.f32 v7, v33;
	[tilespmem:s14+$0x240] =	vst v9;
	v15 =	vadd.f32 v18, v15;
	v18 =	vld [tilespmem:s14+$0x1640]  }
0x1e9: {  	v6 =	vmul.f32 v6, v31;
	v5 =	vmul.f32 v5, v33;
	v14 =	vadd.f32 v17, v14;
	[tilespmem:s14+$0x610] =	vst v16;
	v16 =	vld [tilespmem:s14+$0x1650]  }
0x1ea: {  	v3 =	vmul.f32 v3, v31;
	v4 =	vmul.f32 v4, v33;
	v7 =	vadd.f32 v7, v8;
	[tilespmem:s14+$0x600] =	vst v15;
	v15 =	vld [tilespmem:s14+$0x1660]  }
0x1eb: {  	v32 =	vmul.f32 v32, v31;
	v5 =	vadd.f32 v5, v6;
	[tilespmem:s14+$0x270] =	vst v14;
	v14 =	vld [tilespmem:s14+$0x1670]  }
0x1ec: {  	v13 =	vmul.f32 v13, v31;
	v12 =	vld [tilespmem:s14+$0x200];
	v3 =	vadd.f32 v4, v3;
	[tilespmem:s14+$0x230] =	vst v7;
	v23 =	vmul.f32 v24, v33  }
0x1ed: {  	[tilespmem:s14+$0x220] =	vst v5;
	v32 =	vadd.f32 v43, v32;
	v6 =	vmul.f32 v21, v33;
	v8 =	vmul.f32 v18, v31  }
0x1ee: {  	[tilespmem:s14+$0x210] =	vst v3;
	v13 =	vadd.f32 v23, v13;
	v4 =	vmul.f32 v20, v33;
	v9 =	vmul.f32 v16, v31  }
0x1ef: {  	[tilespmem:s14+$0xE00] =	vst v32;
	v7 =	vmul.f32 v15, v31;
	v5 =	vadd.f32 v6, v8;
	v6 =	vmul.f32 v19, v33  }
0x1f0: {  	[tilespmem:s14+$0x260] =	vst v13;
	v8 =	vmul.f32 v14, v31;
	v3 =	vadd.f32 v4, v9;
	v4 =	vmul.f32 v22, v33  }
0x1f1: {  	v10 =	vmul.f32 v10, v33;
	v9 =	vmul.f32 v12, v31;
	[tilespmem:s14+$0x1640] =	vst v5;
	v5 =	vadd.f32 v6, v7  }
0x1f2: {  	[tilespmem:s14+$0x1650] =	vst v3;
	v3 =	vadd.f32 v4, v8  }
0x1f3: {  	v4 =	vadd.f32 v10, v9;
	[tilespmem:s14+$0x1660] =	vst v5  }
0x1f4: {  	[tilespmem:s14+$0x1670] =	vst v3  }
0x1f5: {  	[tilespmem:s14+$0x200] =	vst v4  }
0x1f6: {  	[hbm4b:s10+s2] =	stream.linear.scatter [tilespmem:s15], [sflag:$0x3], $0x6000, $0x38;
	[tilespmem:$0x18200] =	vst v63  }
0x1f7: {  	_ =	swait.ge [sflag:s13], $0x6000  }
0x1f8: {  	[sflag:s13] =	ssyncset.done $0x0  }
0x1f9: {  	[sflag:s13] =	ssyncadd.s32 $0xFFFFA000  }
0x1fa: {  	_ =	swait.ge [sflag:s30], $0x6000  }
0x1fb: {  	[sflag:s30] =	ssyncset.done $0x0  }
0x1fc: {  	s17 =	simm.s32 $0x4;
	[sflag:s30] =	ssyncadd.s32 $0xFFFFA000  }
0x1fd: {  	s18 =	simm.s32 $0x1000;
	s0 =	smul.u32 $0x1800, s17;
	_ =	swait.ge [sflag:s30], $0x6000  }
0x1fe: {  	s1 =	sand.u32 $0x380, s18;
	[sflag:s30] =	ssyncset.done $0x0  }
0x1ff: {  	s17 =	sor.u32 s1, s0;
	[sflag:s30] =	ssyncadd.s32 $0xFFFFA000  }
0x200: {  	v4 =	vld [tilespmem:s17+$0x210]  }
0x201: {  	v3 =	vld [tilespmem:s17+$0xC210]  }
0x202: {  	v6 =	vld [tilespmem:s17+$0x220]  }
0x203: {  	v5 =	vld [tilespmem:s17+$0xC220]  }
0x204: {  	v10 =	vld [tilespmem:s17+$0x230]  }
0x205: {  	v7 =	vld [tilespmem:s17+$0xC230]  }
0x206: {  	v12 =	vld [tilespmem:s17+$0x240]  }
0x207: {  	v11 =	vld [tilespmem:s17+$0xC240]  }
0x208: {  	v13 =	vld [tilespmem:s17+$0x260]  }
0x209: {  	v14 =	vld [tilespmem:s17+$0x270]  }
0x20a: {  	v15 =	vld [tilespmem:s17+$0x600]  }
0x20b: {  	v16 =	vld [tilespmem:s17+$0x610]  }
0x20c: {  	v17 =	vld [tilespmem:s17+$0x620]  }
0x20d: {  	v18 =	vld [tilespmem:s17+$0x630]  }
0x20e: {  	v19 =	vld [tilespmem:s17+$0x640]  }
0x20f: {  	v20 =	vld [tilespmem:s17+$0x650]  }
0x210: {  	v21 =	vld [tilespmem:s17+$0x660]  }
0x211: {  	v22 =	vld [tilespmem:s17+$0x670]  }
0x212: {  	v23 =	vld [tilespmem:s17+$0xA00]  }
0x213: {  	v24 =	vld [tilespmem:s17+$0xA10]  }
0x214: {  	v25 =	vld [tilespmem:s17+$0xA20]  }
0x215: {  	v26 =	vld [tilespmem:s17+$0xA30]  }
0x216: {  	v27 =	vld [tilespmem:s17+$0xA40]  }
0x217: {  	v28 =	vld [tilespmem:s17+$0xA50]  }
0x218: {  	v29 =	vld [tilespmem:s17+$0xA60]  }
0x219: {  	v30 =	vld [tilespmem:s17+$0xA70]  }
0x21a: {  	v31 =	vld [tilespmem:s17+$0xE00]  }
0x21b: {  	v32 =	vld [tilespmem:s17+$0xE10]  }
0x21c: {  	v33 =	vld [tilespmem:s17+$0xE20]  }
0x21d: {  	v34 =	vld [tilespmem:s17+$0xE30]  }
0x21e: {  	v35 =	vld [tilespmem:s17+$0xE40]  }
0x21f: {  	v36 =	vld [tilespmem:s17+$0xE50]  }
0x220: {  	v37 =	vld [tilespmem:s17+$0xE60]  }
0x221: {  	v38 =	vld [tilespmem:s17+$0xE70]  }
0x222: {  	v39 =	vld [tilespmem:s17+$0x1200]  }
0x223: {  	v40 =	vld [tilespmem:s17+$0x1210]  }
0x224: {  	v41 =	vld [tilespmem:s17+$0x1220]  }
0x225: {  	v42 =	vld [tilespmem:s17+$0x1230]  }
0x226: {  	v43 =	vld [tilespmem:s17+$0x1240]  }
0x227: {  	v44 =	vld [tilespmem:s17+$0x1250]  }
0x228: {  	v45 =	vld [tilespmem:s17+$0x1260]  }
0x229: {  	v46 =	vld [tilespmem:s17+$0x1600]  }
0x22a: {  	v47 =	vld [tilespmem:s17+$0x1610]  }
0x22b: {  	v48 =	vld [tilespmem:s17+$0xD610]  }
0x22c: {  	v49 =	vld [tilespmem:s17+$0xD630]  }
0x22d: {  	s1 =	simm.s32 $0x120;
	v50 =	vld [tilespmem:s17+$0x1620]  }
0x22e: {  	v8 =	vld.msk [tilespmem:s1+$0x0 ss:$0x0], $0xffff  }
0x22f: {  	s14 =	simm.s32 $0x1A0;
	v62 =	vld [tilespmem:s17+$0x1630]  }
0x230: {  	v9 =	vld.msk [tilespmem:s14+$0x0 ss:$0x0], $0xffff  }
0x231: {  	v52 =	vld [tilespmem:s17+$0xD620]  }
0x232: {  	v63 =	vld [tilespmem:s17+$0xD600]  }
0x233: {  	v54 =	vld [tilespmem:s17+$0x1270]  }
0x234: {  	v60 =	vld [tilespmem:s17+$0xD270];
	v51 =	vmul.f32 v62, v8  }
0x235: {  	v61 =	vld [tilespmem:s17+$0xD260];
	v49 =	vmul.f32 v49, v9;
	v50 =	vmul.f32 v50, v8  }
0x236: {  	v58 =	vld [tilespmem:s17+$0xD240];
	v52 =	vmul.f32 v52, v9;
	v47 =	vmul.f32 v47, v8  }
0x237: {  	v53 =	vld [tilespmem:s17+$0xD230];
	v48 =	vmul.f32 v48, v9;
	v46 =	vmul.f32 v46, v8  }
0x238: {  	v57 =	vld [tilespmem:s17+$0xCE60];
	v63 =	vmul.f32 v63, v9;
	v59 =	vmul.f32 v54, v8;
	v49 =	vadd.f32 v49, v51  }
0x239: {  	v55 =	vld [tilespmem:s17+$0xCA70];
	v60 =	vmul.f32 v60, v9;
	v45 =	vmul.f32 v45, v8;
	v50 =	vadd.f32 v52, v50  }
0x23a: {  	v56 =	vld [tilespmem:s17+$0xCA60];
	v61 =	vmul.f32 v61, v9;
	v44 =	vmul.f32 v44, v8;
	v47 =	vadd.f32 v48, v47;
	[tilespmem:s17+$0x1630] =	vst v49  }
0x23b: {  	v62 =	vld [tilespmem:s17+$0xD250];
	v43 =	vmul.f32 v43, v8;
	v42 =	vmul.f32 v42, v8;
	v46 =	vadd.f32 v63, v46;
	[tilespmem:s17+$0x1620] =	vst v50  }
0x23c: {  	v12 =	vmul.f32 v12, v8;
	v11 =	vmul.f32 v11, v9;
	v48 =	vld [tilespmem:s17+$0xD220];
	v52 =	vadd.f32 v60, v59;
	[tilespmem:s17+$0x1610] =	vst v47  }
0x23d: {  	v41 =	vmul.f32 v41, v8;
	v63 =	vmul.f32 v58, v9;
	v45 =	vadd.f32 v61, v45;
	v59 =	vld [tilespmem:s17+$0xCE50];
	[tilespmem:s17+$0x1600] =	vst v46  }
0x23e: {  	v40 =	vmul.f32 v40, v8;
	v58 =	vmul.f32 v53, v9;
	v60 =	vld [tilespmem:s17+$0xCE40];
	v11 =	vadd.f32 v11, v12;
	[tilespmem:s17+$0x1270] =	vst v52  }
0x23f: {  	v37 =	vmul.f32 v37, v8;
	v49 =	vld [tilespmem:s17+$0xD210];
	v43 =	vadd.f32 v63, v43;
	[tilespmem:s17+$0x1260] =	vst v45;
	v46 =	vmul.f32 v57, v9  }
0x240: {  	v39 =	vmul.f32 v39, v8;
	v50 =	vld [tilespmem:s17+$0xD200];
	v42 =	vadd.f32 v58, v42;
	[tilespmem:s17+$0x240] =	vst v11;
	v62 =	vmul.f32 v62, v9  }
0x241: {  	v38 =	vmul.f32 v38, v8;
	v47 =	vld [tilespmem:s17+$0xCE70];
	[tilespmem:s17+$0x1240] =	vst v43;
	v37 =	vadd.f32 v46, v37;
	v48 =	vmul.f32 v48, v9  }
0x242: {  	v36 =	vmul.f32 v36, v8;
	v61 =	vld [tilespmem:s17+$0xCE30];
	[tilespmem:s17+$0x1230] =	vst v42;
	v44 =	vadd.f32 v62, v44;
	v54 =	vmul.f32 v59, v9  }
0x243: {  	v35 =	vmul.f32 v35, v8;
	v63 =	vld [tilespmem:s17+$0xCE10];
	v45 =	vmul.f32 v60, v9;
	[tilespmem:s17+$0xE60] =	vst v37;
	v41 =	vadd.f32 v48, v41  }
0x244: {  	v34 =	vmul.f32 v34, v8;
	v58 =	vld [tilespmem:s17+$0xCA40];
	v49 =	vmul.f32 v49, v9;
	[tilespmem:s17+$0x1250] =	vst v44;
	v36 =	vadd.f32 v54, v36  }
0x245: {  	v32 =	vmul.f32 v32, v8;
	v53 =	vld [tilespmem:s17+$0xCE00];
	v50 =	vmul.f32 v50, v9;
	v35 =	vadd.f32 v45, v35;
	[tilespmem:s17+$0x1220] =	vst v41  }
0x246: {  	v31 =	vmul.f32 v31, v8;
	v62 =	vld [tilespmem:s17+$0xCE20];
	v47 =	vmul.f32 v47, v9;
	v40 =	vadd.f32 v49, v40;
	[tilespmem:s17+$0xE50] =	vst v36  }
0x247: {  	v6 =	vmul.f32 v6, v8;
	v59 =	vld [tilespmem:s17+$0xCA30];
	v44 =	vmul.f32 v61, v9;
	v39 =	vadd.f32 v50, v39;
	[tilespmem:s17+$0xE40] =	vst v35  }
0x248: {  	v5 =	vmul.f32 v5, v9;
	v60 =	vld [tilespmem:s17+$0xCA20];
	v42 =	vmul.f32 v63, v9;
	v38 =	vadd.f32 v47, v38;
	[tilespmem:s17+$0x1210] =	vst v40  }
0x249: {  	v27 =	vmul.f32 v27, v8;
	v12 =	vld [tilespmem:s17+$0x1660];
	v37 =	vmul.f32 v58, v9;
	v34 =	vadd.f32 v44, v34;
	[tilespmem:s17+$0x1200] =	vst v39  }
0x24a: {  	v5 =	vadd.f32 v5, v6;
	v6 =	vld [tilespmem:s17+$0x200];
	v41 =	vmul.f32 v53, v9;
	v32 =	vadd.f32 v42, v32;
	[tilespmem:s17+$0xE70] =	vst v38  }
0x24b: {  	v33 =	vmul.f32 v33, v8;
	v57 =	vld [tilespmem:s17+$0xCA50];
	v27 =	vadd.f32 v37, v27;
	v43 =	vmul.f32 v62, v9;
	[tilespmem:s17+$0xE30] =	vst v34  }
0x24c: {  	v26 =	vmul.f32 v26, v8;
	v61 =	vld [tilespmem:s17+$0xCA10];
	v36 =	vmul.f32 v59, v9;
	v31 =	vadd.f32 v41, v31;
	[tilespmem:s17+$0xE10] =	vst v32  }
0x24d: {  	v25 =	vmul.f32 v25, v8;
	v62 =	vld [tilespmem:s17+$0xCA00];
	v35 =	vmul.f32 v60, v9;
	[tilespmem:s17+$0xA40] =	vst v27;
	v33 =	vadd.f32 v43, v33  }
0x24e: {  	v30 =	vmul.f32 v30, v8;
	v63 =	vld [tilespmem:s17+$0xC670];
	v40 =	vmul.f32 v55, v9;
	v26 =	vadd.f32 v36, v26;
	[tilespmem:s17+$0xE00] =	vst v31  }
0x24f: {  	v29 =	vmul.f32 v29, v8;
	v39 =	vmul.f32 v56, v9;
	v27 =	vld [tilespmem:s17+$0xC620];
	v25 =	vadd.f32 v35, v25;
	[tilespmem:s17+$0xE20] =	vst v33  }
0x250: {  	v28 =	vmul.f32 v28, v8;
	v38 =	vmul.f32 v57, v9;
	v30 =	vadd.f32 v40, v30;
	v31 =	vld [tilespmem:s17+$0xC660];
	[tilespmem:s17+$0xA30] =	vst v26  }
0x251: {  	v24 =	vmul.f32 v24, v8;
	v34 =	vmul.f32 v61, v9;
	v29 =	vadd.f32 v39, v29;
	v26 =	vld [tilespmem:s17+$0xC610];
	[tilespmem:s17+$0xA20] =	vst v25  }
0x252: {  	v23 =	vmul.f32 v23, v8;
	v28 =	vadd.f32 v38, v28;
	v25 =	vld [tilespmem:s17+$0xC600];
	[tilespmem:s17+$0xA70] =	vst v30;
	v33 =	vmul.f32 v62, v9  }
0x253: {  	v22 =	vmul.f32 v22, v8;
	v32 =	vmul.f32 v63, v9;
	v24 =	vadd.f32 v34, v24;
	v30 =	vld [tilespmem:s17+$0xC650];
	[tilespmem:s17+$0xA60] =	vst v29  }
0x254: {  	v17 =	vmul.f32 v17, v8;
	v29 =	vld [tilespmem:s17+$0xC640];
	[tilespmem:s17+$0xA50] =	vst v28;
	v27 =	vmul.f32 v27, v9;
	v23 =	vadd.f32 v33, v23  }
0x255: {  	v21 =	vmul.f32 v21, v8;
	v22 =	vadd.f32 v32, v22;
	v28 =	vld [tilespmem:s17+$0xC630];
	[tilespmem:s17+$0xA10] =	vst v24;
	v31 =	vmul.f32 v31, v9  }
0x256: {  	v16 =	vmul.f32 v16, v8;
	v17 =	vadd.f32 v27, v17;
	[tilespmem:s17+$0xA00] =	vst v23;
	v23 =	vld [tilespmem:s17+$0xC260];
	v26 =	vmul.f32 v26, v9  }
0x257: {  	v15 =	vmul.f32 v15, v8;
	v24 =	vld [tilespmem:s17+$0xC270];
	[tilespmem:s17+$0x670] =	vst v22;
	v25 =	vmul.f32 v25, v9;
	v21 =	vadd.f32 v31, v21  }
0x258: {  	v20 =	vmul.f32 v20, v8;
	v22 =	vld [tilespmem:s17+$0x250];
	v30 =	vmul.f32 v30, v9;
	[tilespmem:s17+$0x620] =	vst v17;
	v16 =	vadd.f32 v26, v16  }
0x259: {  	v19 =	vmul.f32 v19, v8;
	v29 =	vmul.f32 v29, v9;
	v17 =	vld [tilespmem:s17+$0x1640];
	v15 =	vadd.f32 v25, v15;
	[tilespmem:s17+$0x660] =	vst v21  }
0x25a: {  	v18 =	vmul.f32 v18, v8;
	v28 =	vmul.f32 v28, v9;
	v20 =	vadd.f32 v30, v20;
	v21 =	vld [tilespmem:s17+$0xC250];
	[tilespmem:s17+$0x610] =	vst v16  }
0x25b: {  	v13 =	vmul.f32 v13, v8;
	v19 =	vadd.f32 v29, v19;
	[tilespmem:s17+$0x600] =	vst v15;
	v15 =	vld [tilespmem:s17+$0x1650];
	v23 =	vmul.f32 v23, v9  }
0x25c: {  	v14 =	vmul.f32 v14, v8;
	v24 =	vmul.f32 v24, v9;
	v18 =	vadd.f32 v28, v18;
	[tilespmem:s17+$0x650] =	vst v20;
	v20 =	vld [tilespmem:s17+$0xD640]  }
0x25d: {  	v10 =	vmul.f32 v10, v8;
	v7 =	vmul.f32 v7, v9;
	[tilespmem:s17+$0x640] =	vst v19;
	v19 =	vld [tilespmem:s17+$0xD650];
	v13 =	vadd.f32 v23, v13  }
0x25e: {  	v4 =	vmul.f32 v4, v8;
	v3 =	vmul.f32 v3, v9;
	v14 =	vadd.f32 v24, v14;
	[tilespmem:s17+$0x630] =	vst v18;
	v18 =	vld [tilespmem:s17+$0xD660]  }
0x25f: {  	v7 =	vadd.f32 v7, v10;
	v10 =	vmul.f32 v22, v8;
	v16 =	vld [tilespmem:s17+$0xD670];
	[tilespmem:s17+$0x260] =	vst v13;
	v13 =	vmul.f32 v21, v9  }
0x260: {  	v3 =	vadd.f32 v3, v4;
	[tilespmem:s17+$0x270] =	vst v14;
	v14 =	vld [tilespmem:s17+$0x1670]  }
0x261: {  	s19 =	simm.s32 $0x4;
	[tilespmem:s17+$0x230] =	vst v7;
	v7 =	vld [tilespmem:s17+$0xC200];
	v11 =	vmul.f32 v17, v8;
	v17 =	vmul.f32 v20, v9;
	v4 =	vadd.f32 v13, v10  }
0x262: {  	s16 =	simm.s32 $0x1080;
	s0 =	smul.u32 $0x1800, s19;
	[tilespmem:s17+$0x220] =	vst v5;
	v5 =	vmul.f32 v15, v8;
	v10 =	vmul.f32 v19, v9  }
0x263: {  	s18 =	sand.u32 $0x380, s16;
	v11 =	vadd.f32 v17, v11;
	[tilespmem:s17+$0x250] =	vst v4;
	v4 =	vmul.f32 v12, v8;
	v12 =	vmul.f32 v18, v9  }
0x264: {  	s0 =	sor.u32 s18, s0;
	[tilespmem:s17+$0x210] =	vst v3;
	v5 =	vadd.f32 v10, v5  }
0x265: {  	v3 =	vld [tilespmem:s0+$0x210];
	v10 =	vmul.f32 v14, v8;
	[tilespmem:s17+$0x1640] =	vst v11;
	v11 =	vmul.f32 v16, v9;
	v12 =	vadd.f32 v12, v4  }
0x266: {  	v7 =	vmul.f32 v7, v9;
	v8 =	vmul.f32 v6, v8;
	v4 =	vld [tilespmem:s0+$0xC210];
	[tilespmem:s17+$0x1650] =	vst v5  }
0x267: {  	v9 =	vadd.f32 v11, v10;
	v6 =	vld [tilespmem:s0+$0x220];
	[tilespmem:s17+$0x1660] =	vst v12  }
0x268: {  	v7 =	vadd.f32 v7, v8;
	v5 =	vld [tilespmem:s0+$0xC220]  }
0x269: {  	[tilespmem:s17+$0x1670] =	vst v9;
	v8 =	vld [tilespmem:s0+$0x230]  }
0x26a: {  	[tilespmem:s17+$0x200] =	vst v7;
	v18 =	vld [tilespmem:s0+$0x630]  }
0x26b: {  	v7 =	vld [tilespmem:s0+$0xC230]  }
0x26c: {  	v10 =	vld [tilespmem:s0+$0x240]  }
0x26d: {  	v9 =	vld [tilespmem:s0+$0xC240]  }
0x26e: {  	v12 =	vld [tilespmem:s0+$0x250]  }
0x26f: {  	v11 =	vld [tilespmem:s0+$0xC250]  }
0x270: {  	v13 =	vld [tilespmem:s0+$0x260]  }
0x271: {  	v14 =	vld [tilespmem:s0+$0x270]  }
0x272: {  	v15 =	vld [tilespmem:s0+$0x600]  }
0x273: {  	v16 =	vld [tilespmem:s0+$0x610]  }
0x274: {  	v17 =	vld [tilespmem:s0+$0x620]  }
0x275: {  	v19 =	vld [tilespmem:s0+$0x640]  }
0x276: {  	v20 =	vld [tilespmem:s0+$0x650]  }
0x277: {  	v21 =	vld [tilespmem:s0+$0x660]  }
0x278: {  	v22 =	vld [tilespmem:s0+$0x670]  }
0x279: {  	v23 =	vld [tilespmem:s0+$0xA00]  }
0x27a: {  	v24 =	vld [tilespmem:s0+$0xA10]  }
0x27b: {  	v25 =	vld [tilespmem:s0+$0xA20]  }
0x27c: {  	v26 =	vld [tilespmem:s0+$0xA30]  }
0x27d: {  	v27 =	vld [tilespmem:s0+$0xA40]  }
0x27e: {  	v28 =	vld [tilespmem:s0+$0xA50]  }
0x27f: {  	v29 =	vld [tilespmem:s0+$0xA60]  }
0x280: {  	v30 =	vld [tilespmem:s0+$0xA70]  }
0x281: {  	v32 =	vld [tilespmem:s0+$0xE00]  }
0x282: {  	v34 =	vld [tilespmem:s0+$0xE10]  }
0x283: {  	v35 =	vld [tilespmem:s0+$0xE20]  }
0x284: {  	v36 =	vld [tilespmem:s0+$0xE30]  }
0x285: {  	v37 =	vld [tilespmem:s0+$0xE40]  }
0x286: {  	v38 =	vld [tilespmem:s0+$0xE50]  }
0x287: {  	v39 =	vld [tilespmem:s0+$0xE60]  }
0x288: {  	v40 =	vld [tilespmem:s0+$0xE70]  }
0x289: {  	v41 =	vld [tilespmem:s0+$0x1200]  }
0x28a: {  	v42 =	vld [tilespmem:s0+$0x1210]  }
0x28b: {  	v43 =	vld [tilespmem:s0+$0x1220]  }
0x28c: {  	v44 =	vld [tilespmem:s0+$0x1230]  }
0x28d: {  	v45 =	vld [tilespmem:s0+$0x1240]  }
0x28e: {  	v46 =	vld [tilespmem:s0+$0x1250]  }
0x28f: {  	v47 =	vld [tilespmem:s0+$0x1260]  }
0x290: {  	v48 =	vld [tilespmem:s0+$0x1600]  }
0x291: {  	v50 =	vld [tilespmem:s0+$0x1610]  }
0x292: {  	v49 =	vld [tilespmem:s0+$0xD610]  }
0x293: {  	s17 =	simm.s32 $0x22;
	v51 =	vld [tilespmem:s0+$0xD630]  }
.LBB2_4:
0x294: {  	p0 =	sne.s32 s17, $0x3F;
	v52 =	vld [tilespmem:s0+$0x1620];
	s1 =	sadd.s32 $0x1, s1  }
0x295: {  	s14 =	sadd.s32 $0x1, s14;
	v33 =	vld.msk [tilespmem:s1+$0x0 ss:$0x0], $0xffff  }
0x296: {  	v31 =	vld.msk [tilespmem:s14+$0x0 ss:$0x0], $0xffff  }
0x297: {  	v53 =	vld [tilespmem:s0+$0x1630]  }
0x298: {  	v54 =	vld [tilespmem:s0+$0xD620]  }
0x299: {  	v55 =	vld [tilespmem:s0+$0xD600]  }
0x29a: {  	v56 =	vld [tilespmem:s0+$0x1270]  }
0x29b: {  	v50 =	vmul.f32 v50, v33;
	v52 =	vmul.f32 v52, v33;
	v57 =	vld [tilespmem:s0+$0xD270]  }
0x29c: {  	v51 =	vmul.f32 v51, v31;
	v58 =	vld [tilespmem:s0+$0xD260];
	v53 =	vmul.f32 v53, v33  }
0x29d: {  	v49 =	vmul.f32 v49, v31;
	v59 =	vld [tilespmem:s0+$0xD250];
	v54 =	vmul.f32 v54, v31  }
0x29e: {  	v48 =	vmul.f32 v48, v33;
	v60 =	vld [tilespmem:s0+$0xD240];
	v55 =	vmul.f32 v55, v31;
	v51 =	vadd.f32 v51, v53  }
0x29f: {  	v49 =	vadd.f32 v49, v50;
	v53 =	vld [tilespmem:s0+$0xD230];
	v56 =	vmul.f32 v56, v33;
	v50 =	vadd.f32 v54, v52  }
0x2a0: {  	v47 =	vmul.f32 v47, v33;
	v52 =	vld [tilespmem:s0+$0xD220];
	v54 =	vmul.f32 v57, v31;
	v48 =	vadd.f32 v55, v48;
	[tilespmem:s0+$0x1630] =	vst v51  }
0x2a1: {  	v46 =	vmul.f32 v46, v33;
	v51 =	vld [tilespmem:s0+$0xD210];
	v55 =	vmul.f32 v58, v31;
	[tilespmem:s0+$0x1620] =	vst v50  }
0x2a2: {  	v45 =	vmul.f32 v45, v33;
	v50 =	vld [tilespmem:s0+$0xD200];
	v57 =	vmul.f32 v59, v31;
	v54 =	vadd.f32 v54, v56;
	[tilespmem:s0+$0x1610] =	vst v49  }
0x2a3: {  	v44 =	vmul.f32 v44, v33;
	v49 =	vld [tilespmem:s0+$0xCE70];
	v56 =	vmul.f32 v60, v31;
	v47 =	vadd.f32 v55, v47;
	[tilespmem:s0+$0x1600] =	vst v48  }
0x2a4: {  	v43 =	vmul.f32 v43, v33;
	v48 =	vld [tilespmem:s0+$0xCE60];
	v53 =	vmul.f32 v53, v31;
	v46 =	vadd.f32 v57, v46;
	[tilespmem:s0+$0x1270] =	vst v54  }
0x2a5: {  	v42 =	vmul.f32 v42, v33;
	v54 =	vld [tilespmem:s0+$0xCE50];
	v52 =	vmul.f32 v52, v31;
	v45 =	vadd.f32 v56, v45;
	[tilespmem:s0+$0x1260] =	vst v47  }
0x2a6: {  	v41 =	vmul.f32 v41, v33;
	v47 =	vld [tilespmem:s0+$0xCE40];
	v51 =	vmul.f32 v51, v31;
	v44 =	vadd.f32 v53, v44;
	[tilespmem:s0+$0x1250] =	vst v46  }
0x2a7: {  	v40 =	vmul.f32 v40, v33;
	v46 =	vld [tilespmem:s0+$0xCE30];
	v50 =	vmul.f32 v50, v31;
	v43 =	vadd.f32 v52, v43;
	[tilespmem:s0+$0x1240] =	vst v45  }
0x2a8: {  	v39 =	vmul.f32 v39, v33;
	v45 =	vld [tilespmem:s0+$0xCE20];
	v49 =	vmul.f32 v49, v31;
	v42 =	vadd.f32 v51, v42;
	[tilespmem:s0+$0x1230] =	vst v44  }
0x2a9: {  	v38 =	vmul.f32 v38, v33;
	v44 =	vld [tilespmem:s0+$0xCE10];
	v48 =	vmul.f32 v48, v31;
	v41 =	vadd.f32 v50, v41;
	[tilespmem:s0+$0x1220] =	vst v43  }
0x2aa: {  	v37 =	vmul.f32 v37, v33;
	v43 =	vld [tilespmem:s0+$0xCE00];
	v50 =	vmul.f32 v54, v31;
	v40 =	vadd.f32 v49, v40;
	[tilespmem:s0+$0x1210] =	vst v42  }
0x2ab: {  	v36 =	vmul.f32 v36, v33;
	v42 =	vld [tilespmem:s0+$0xCA70];
	v47 =	vmul.f32 v47, v31;
	v39 =	vadd.f32 v48, v39;
	[tilespmem:s0+$0x1200] =	vst v41  }
0x2ac: {  	v35 =	vmul.f32 v35, v33;
	v41 =	vld [tilespmem:s0+$0xCA60];
	v46 =	vmul.f32 v46, v31;
	v38 =	vadd.f32 v50, v38;
	[tilespmem:s0+$0xE70] =	vst v40  }
0x2ad: {  	v34 =	vmul.f32 v34, v33;
	v40 =	vld [tilespmem:s0+$0xCA50];
	v45 =	vmul.f32 v45, v31;
	v37 =	vadd.f32 v47, v37;
	[tilespmem:s0+$0xE60] =	vst v39  }
0x2ae: {  	v32 =	vmul.f32 v32, v33;
	v39 =	vld [tilespmem:s0+$0xCA40];
	v44 =	vmul.f32 v44, v31;
	v36 =	vadd.f32 v46, v36;
	[tilespmem:s0+$0xE50] =	vst v38  }
0x2af: {  	v30 =	vmul.f32 v30, v33;
	v38 =	vld [tilespmem:s0+$0xCA30];
	v43 =	vmul.f32 v43, v31;
	v35 =	vadd.f32 v45, v35;
	[tilespmem:s0+$0xE40] =	vst v37  }
0x2b0: {  	v29 =	vmul.f32 v29, v33;
	v37 =	vld [tilespmem:s0+$0xCA20];
	v42 =	vmul.f32 v42, v31;
	v34 =	vadd.f32 v44, v34;
	[tilespmem:s0+$0xE30] =	vst v36  }
0x2b1: {  	v28 =	vmul.f32 v28, v33;
	v36 =	vld [tilespmem:s0+$0xCA10];
	v41 =	vmul.f32 v41, v31;
	v32 =	vadd.f32 v43, v32;
	[tilespmem:s0+$0xE20] =	vst v35  }
0x2b2: {  	v27 =	vmul.f32 v27, v33;
	v35 =	vld [tilespmem:s0+$0xCA00];
	v40 =	vmul.f32 v40, v31;
	v30 =	vadd.f32 v42, v30;
	[tilespmem:s0+$0xE10] =	vst v34  }
0x2b3: {  	v26 =	vmul.f32 v26, v33;
	v34 =	vld [tilespmem:s0+$0xC670];
	v39 =	vmul.f32 v39, v31;
	v29 =	vadd.f32 v41, v29;
	[tilespmem:s0+$0xE00] =	vst v32  }
0x2b4: {  	v25 =	vmul.f32 v25, v33;
	v32 =	vld [tilespmem:s0+$0xC660];
	v38 =	vmul.f32 v38, v31;
	v28 =	vadd.f32 v40, v28;
	[tilespmem:s0+$0xA70] =	vst v30  }
0x2b5: {  	v24 =	vmul.f32 v24, v33;
	v30 =	vld [tilespmem:s0+$0xC650];
	v37 =	vmul.f32 v37, v31;
	v27 =	vadd.f32 v39, v27;
	[tilespmem:s0+$0xA60] =	vst v29  }
0x2b6: {  	v23 =	vmul.f32 v23, v33;
	v29 =	vld [tilespmem:s0+$0xC640];
	v36 =	vmul.f32 v36, v31;
	v26 =	vadd.f32 v38, v26;
	[tilespmem:s0+$0xA50] =	vst v28  }
0x2b7: {  	v22 =	vmul.f32 v22, v33;
	v28 =	vld [tilespmem:s0+$0xC630];
	v35 =	vmul.f32 v35, v31;
	v25 =	vadd.f32 v37, v25;
	[tilespmem:s0+$0xA40] =	vst v27  }
0x2b8: {  	v21 =	vmul.f32 v21, v33;
	v27 =	vld [tilespmem:s0+$0xC620];
	v34 =	vmul.f32 v34, v31;
	v24 =	vadd.f32 v36, v24;
	[tilespmem:s0+$0xA30] =	vst v26  }
0x2b9: {  	v20 =	vmul.f32 v20, v33;
	v26 =	vld [tilespmem:s0+$0xC610];
	v32 =	vmul.f32 v32, v31;
	v23 =	vadd.f32 v35, v23;
	[tilespmem:s0+$0xA20] =	vst v25  }
0x2ba: {  	v19 =	vmul.f32 v19, v33;
	v25 =	vld [tilespmem:s0+$0xC600];
	v30 =	vmul.f32 v30, v31;
	v22 =	vadd.f32 v34, v22;
	[tilespmem:s0+$0xA10] =	vst v24  }
0x2bb: {  	v18 =	vmul.f32 v18, v33;
	v24 =	vld [tilespmem:s0+$0xC270];
	v29 =	vmul.f32 v29, v31;
	v21 =	vadd.f32 v32, v21;
	[tilespmem:s0+$0xA00] =	vst v23  }
0x2bc: {  	v17 =	vmul.f32 v17, v33;
	v23 =	vld [tilespmem:s0+$0xC260];
	v28 =	vmul.f32 v28, v31;
	v20 =	vadd.f32 v30, v20;
	[tilespmem:s0+$0x670] =	vst v22  }
0x2bd: {  	v16 =	vmul.f32 v16, v33;
	v22 =	vmul.f32 v27, v31;
	v19 =	vadd.f32 v29, v19;
	[tilespmem:s0+$0x660] =	vst v21;
	v21 =	vld [tilespmem:s0+$0xD640]  }
0x2be: {  	v15 =	vmul.f32 v15, v33;
	v26 =	vmul.f32 v26, v31;
	v18 =	vadd.f32 v28, v18;
	[tilespmem:s0+$0x650] =	vst v20;
	v20 =	vld [tilespmem:s0+$0xD650]  }
0x2bf: {  	v14 =	vmul.f32 v14, v33;
	v25 =	vmul.f32 v25, v31;
	v17 =	vadd.f32 v22, v17;
	[tilespmem:s0+$0x640] =	vst v19;
	v19 =	vld [tilespmem:s0+$0xD660]  }
0x2c0: {  	v13 =	vmul.f32 v13, v33;
	v22 =	vmul.f32 v24, v31;
	v16 =	vadd.f32 v26, v16;
	[tilespmem:s0+$0x630] =	vst v18;
	v18 =	vld [tilespmem:s0+$0xD670]  }
0x2c1: {  	v12 =	vmul.f32 v12, v33;
	v23 =	vmul.f32 v23, v31;
	v15 =	vadd.f32 v25, v15;
	[tilespmem:s0+$0x620] =	vst v17;
	v17 =	vld [tilespmem:s0+$0x1640]  }
0x2c2: {  	v10 =	vmul.f32 v10, v33;
	v11 =	vmul.f32 v11, v31;
	v14 =	vadd.f32 v22, v14;
	[tilespmem:s0+$0x610] =	vst v16;
	v16 =	vld [tilespmem:s0+$0x1650]  }
0x2c3: {  	v8 =	vmul.f32 v8, v33;
	v9 =	vmul.f32 v9, v31;
	v13 =	vadd.f32 v23, v13;
	[tilespmem:s0+$0x600] =	vst v15;
	v15 =	vld [tilespmem:s0+$0x1660]  }
0x2c4: {  	v6 =	vmul.f32 v6, v33;
	v7 =	vmul.f32 v7, v31;
	v11 =	vadd.f32 v11, v12;
	[tilespmem:s0+$0x270] =	vst v14;
	v12 =	vld [tilespmem:s0+$0x1670]  }
0x2c5: {  	v3 =	vmul.f32 v3, v33;
	v5 =	vmul.f32 v5, v31;
	v9 =	vadd.f32 v9, v10;
	v14 =	vld [tilespmem:s0+$0x200];
	[tilespmem:s0+$0x260] =	vst v13  }
0x2c6: {  	v4 =	vmul.f32 v4, v31;
	v7 =	vadd.f32 v7, v8;
	v10 =	vld [tilespmem:s0+$0xC200];
	[tilespmem:s0+$0x250] =	vst v11;
	v8 =	vmul.f32 v17, v33  }
0x2c7: {  	s18 =	sshrl.u32 s17, $0x3;
	v5 =	vadd.f32 v5, v6;
	v6 =	vmul.f32 v21, v31;
	[tilespmem:s0+$0x240] =	vst v9;
	v9 =	vmul.f32 v16, v33  }
0x2c8: {  	s16 =	sadd.s32 $0x80, s16;
	s18 =	smul.u32 $0x1800, s18;
	v3 =	vadd.f32 v4, v3;
	v4 =	vmul.f32 v20, v31;
	[tilespmem:s0+$0x230] =	vst v7;
	v7 =	vmul.f32 v15, v33  }
0x2c9: {  	s19 =	sand.u32 $0x380, s16;
	[tilespmem:s0+$0x220] =	vst v5;
	v5 =	vadd.f32 v6, v8;
	v6 =	vmul.f32 v19, v31;
	v8 =	vmul.f32 v12, v33  }
0x2ca: {  	s18 =	sor.u32 s19, s18;
	v9 =	vadd.f32 v4, v9;
	v12 =	vmul.f32 v18, v31;
	v11 =	vmul.f32 v14, v33;
	[tilespmem:s0+$0x210] =	vst v3  }
0x2cb: {  	v3 =	vld [tilespmem:s18+$0x210];
	v10 =	vmul.f32 v10, v31;
	[tilespmem:s0+$0x1640] =	vst v5;
	v5 =	vadd.f32 v6, v7  }
0x2cc: {  	v7 =	vadd.f32 v12, v8;
	v4 =	vld [tilespmem:s18+$0xC210];
	[tilespmem:s0+$0x1650] =	vst v9  }
0x2cd: {  	v6 =	vld [tilespmem:s18+$0x220];
	v9 =	vadd.f32 v10, v11;
	[tilespmem:s0+$0x1660] =	vst v5  }
0x2ce: {  	v5 =	vld [tilespmem:s18+$0xC220];
	[tilespmem:s0+$0x1670] =	vst v7  }
0x2cf: {  	v8 =	vld [tilespmem:s18+$0x230];
	[tilespmem:s0+$0x200] =	vst v9;
	s0 =	smov.u32 s18  }
0x2d0: {  	v7 =	vld [tilespmem:s0+$0xC230]  }
0x2d1: {  	v10 =	vld [tilespmem:s0+$0x240]  }
0x2d2: {  	v9 =	vld [tilespmem:s0+$0xC240]  }
0x2d3: {  	v12 =	vld [tilespmem:s0+$0x250]  }
0x2d4: {  	v11 =	vld [tilespmem:s0+$0xC250]  }
0x2d5: {  	v13 =	vld [tilespmem:s0+$0x260]  }
0x2d6: {  	v14 =	vld [tilespmem:s0+$0x270]  }
0x2d7: {  	v15 =	vld [tilespmem:s0+$0x600]  }
0x2d8: {  	v16 =	vld [tilespmem:s0+$0x610]  }
0x2d9: {  	v17 =	vld [tilespmem:s0+$0x620]  }
0x2da: {  	v18 =	vld [tilespmem:s0+$0x630]  }
0x2db: {  	v19 =	vld [tilespmem:s0+$0x640]  }
0x2dc: {  	v20 =	vld [tilespmem:s0+$0x650]  }
0x2dd: {  	v21 =	vld [tilespmem:s0+$0x660]  }
0x2de: {  	v22 =	vld [tilespmem:s0+$0x670]  }
0x2df: {  	v23 =	vld [tilespmem:s0+$0xA00]  }
0x2e0: {  	v24 =	vld [tilespmem:s0+$0xA10]  }
0x2e1: {  	v25 =	vld [tilespmem:s0+$0xA20]  }
0x2e2: {  	v26 =	vld [tilespmem:s0+$0xA30]  }
0x2e3: {  	v27 =	vld [tilespmem:s0+$0xA40]  }
0x2e4: {  	v28 =	vld [tilespmem:s0+$0xA50]  }
0x2e5: {  	v29 =	vld [tilespmem:s0+$0xA60]  }
0x2e6: {  	v30 =	vld [tilespmem:s0+$0xA70]  }
0x2e7: {  	v32 =	vld [tilespmem:s0+$0xE00]  }
0x2e8: {  	v34 =	vld [tilespmem:s0+$0xE10]  }
0x2e9: {  	v35 =	vld [tilespmem:s0+$0xE20]  }
0x2ea: {  	v36 =	vld [tilespmem:s0+$0xE30]  }
0x2eb: {  	v37 =	vld [tilespmem:s0+$0xE40]  }
0x2ec: {  	v38 =	vld [tilespmem:s0+$0xE50]  }
0x2ed: {  	v39 =	vld [tilespmem:s0+$0xE60]  }
0x2ee: {  	v40 =	vld [tilespmem:s0+$0xE70]  }
0x2ef: {  	v41 =	vld [tilespmem:s0+$0x1200]  }
0x2f0: {  	v42 =	vld [tilespmem:s0+$0x1210]  }
0x2f1: {  	v43 =	vld [tilespmem:s0+$0x1220]  }
0x2f2: {  	v44 =	vld [tilespmem:s0+$0x1230]  }
0x2f3: {  	v45 =	vld [tilespmem:s0+$0x1240]  }
0x2f4: {  	v46 =	vld [tilespmem:s0+$0x1250]  }
.Ltmp1:
0x2f5: {  	v47 =	vld [tilespmem:s0+$0x1260];
	(pc) =	sbr.rel @p0 .LBB2_4-.Ltmp1, $4  }
0x2f6: {  	v48 =	vld [tilespmem:s0+$0x1600]  }
0x2f7: {  	v50 =	vld [tilespmem:s0+$0x1610]  }
0x2f8: {  	v49 =	vld [tilespmem:s0+$0xD610]  }
0x2f9: {  	s17 =	sadd.s32 $0x1, s17;
	v51 =	vld [tilespmem:s0+$0xD630]  }
0x2fa: {  	v52 =	vld [tilespmem:s0+$0x1620]  }
0x2fb: {  	s1 =	sadd.s32 $0x1, s1;
	v53 =	vld [tilespmem:s0+$0x1630]  }
0x2fc: {  	s19 =	sadd.s32 $0x1, s14;
	v31 =	vld.msk [tilespmem:s1+$0x0 ss:$0x0], $0xffff  }
0x2fd: {  	v33 =	vld.msk [tilespmem:s19+$0x0 ss:$0x0], $0xffff  }
0x2fe: {  	v54 =	vld [tilespmem:s0+$0xD620];
	_ =	sdelay $0x1  }
0x2ff: {  	v55 =	vld [tilespmem:s0+$0xD600]  }
0x300: {  	v56 =	vld [tilespmem:s0+$0x1270]  }
0x301: {  	v58 =	vld [tilespmem:s0+$0xD260];
	v53 =	vmul.f32 v53, v31;
	v51 =	vmul.f32 v51, v33  }
0x302: {  	v57 =	vld [tilespmem:s0+$0xD270];
	v52 =	vmul.f32 v52, v31;
	v54 =	vmul.f32 v54, v33  }
0x303: {  	v59 =	vld [tilespmem:s0+$0xD250];
	v50 =	vmul.f32 v50, v31;
	v49 =	vmul.f32 v49, v33  }
0x304: {  	v60 =	vld [tilespmem:s0+$0xD240];
	v48 =	vmul.f32 v48, v31;
	v62 =	vmul.f32 v55, v33;
	v51 =	vadd.f32 v51, v53  }
0x305: {  	v61 =	vld [tilespmem:s0+$0xD220];
	v63 =	vmul.f32 v56, v31;
	v47 =	vmul.f32 v47, v31;
	v52 =	vadd.f32 v54, v52  }
0x306: {  	v58 =	vmul.f32 v58, v33;
	v55 =	vld [tilespmem:s0+$0xC660];
	v12 =	vmul.f32 v12, v31;
	v49 =	vadd.f32 v49, v50;
	[tilespmem:s0+$0x1630] =	vst v51  }
0x307: {  	v56 =	vld [tilespmem:s0+$0xC650];
	v11 =	vmul.f32 v11, v33;
	v10 =	vmul.f32 v10, v31;
	v48 =	vadd.f32 v62, v48;
	[tilespmem:s0+$0x1620] =	vst v52  }
0x308: {  	v9 =	vmul.f32 v9, v33;
	v8 =	vmul.f32 v8, v31;
	v53 =	vld [tilespmem:s0+$0xD230];
	v47 =	vadd.f32 v58, v47;
	[tilespmem:s0+$0x1610] =	vst v49  }
0x309: {  	v7 =	vmul.f32 v7, v33;
	v6 =	vmul.f32 v6, v31;
	v50 =	vld [tilespmem:s0+$0xD200];
	v11 =	vadd.f32 v11, v12;
	[tilespmem:s0+$0x1600] =	vst v48  }
0x30a: {  	v5 =	vmul.f32 v5, v33;
	v3 =	vmul.f32 v3, v31;
	v58 =	vld [tilespmem:s0+$0xCE20];
	v9 =	vadd.f32 v9, v10;
	[tilespmem:s0+$0x1260] =	vst v47  }
0x30b: {  	v4 =	vmul.f32 v4, v33;
	v62 =	vmul.f32 v59, v33;
	v59 =	vld [tilespmem:s0+$0xCE10];
	v7 =	vadd.f32 v7, v8;
	[tilespmem:s0+$0x250] =	vst v11  }
0x30c: {  	v57 =	vmul.f32 v57, v33;
	v54 =	vld [tilespmem:s0+$0xC670];
	v5 =	vadd.f32 v5, v6;
	[tilespmem:s0+$0x240] =	vst v9  }
0x30d: {  	v46 =	vmul.f32 v46, v31;
	v3 =	vadd.f32 v4, v3;
	v51 =	vld [tilespmem:s0+$0xD210];
	[tilespmem:s0+$0x230] =	vst v7  }
0x30e: {  	v45 =	vmul.f32 v45, v31;
	v49 =	vld [tilespmem:s0+$0xCE70];
	v52 =	vadd.f32 v57, v63;
	v63 =	vmul.f32 v60, v33;
	[tilespmem:s0+$0x220] =	vst v5  }
0x30f: {  	v43 =	vmul.f32 v43, v31;
	v48 =	vld [tilespmem:s0+$0xCE60];
	v46 =	vadd.f32 v62, v46;
	v57 =	vmul.f32 v61, v33;
	[tilespmem:s0+$0x210] =	vst v3  }
0x310: {  	v44 =	vmul.f32 v44, v31;
	v47 =	vld [tilespmem:s0+$0xCE40];
	[tilespmem:s0+$0x1270] =	vst v52;
	v45 =	vadd.f32 v63, v45;
	v53 =	vmul.f32 v53, v33  }
0x311: {  	v41 =	vmul.f32 v41, v31;
	v60 =	vld [tilespmem:s0+$0xCE00];
	[tilespmem:s0+$0x1250] =	vst v46;
	v43 =	vadd.f32 v57, v43;
	v50 =	vmul.f32 v50, v33  }
0x312: {  	v35 =	vmul.f32 v35, v31;
	v61 =	vld [tilespmem:s0+$0xCA70];
	[tilespmem:s0+$0x1240] =	vst v45;
	v45 =	vmul.f32 v58, v33;
	v44 =	vadd.f32 v53, v44  }
0x313: {  	v42 =	vmul.f32 v42, v31;
	v52 =	vld [tilespmem:s0+$0xCE50];
	[tilespmem:s0+$0x1220] =	vst v43;
	v51 =	vmul.f32 v51, v33;
	v41 =	vadd.f32 v50, v41  }
0x314: {  	v40 =	vmul.f32 v40, v31;
	v46 =	vld [tilespmem:s0+$0xCE30];
	v49 =	vmul.f32 v49, v33;
	v35 =	vadd.f32 v45, v35;
	[tilespmem:s0+$0x1230] =	vst v44  }
0x315: {  	v39 =	vmul.f32 v39, v31;
	v62 =	vld [tilespmem:s0+$0xCA60];
	v48 =	vmul.f32 v48, v33;
	v42 =	vadd.f32 v51, v42;
	[tilespmem:s0+$0x1200] =	vst v41  }
0x316: {  	v37 =	vmul.f32 v37, v31;
	v57 =	vld [tilespmem:s0+$0xC640];
	v47 =	vmul.f32 v47, v33;
	v40 =	vadd.f32 v49, v40;
	[tilespmem:s0+$0xE20] =	vst v35  }
0x317: {  	v32 =	vmul.f32 v32, v31;
	v58 =	vld [tilespmem:s0+$0xC630];
	v43 =	vmul.f32 v60, v33;
	v39 =	vadd.f32 v48, v39;
	[tilespmem:s0+$0x1210] =	vst v42  }
0x318: {  	v38 =	vmul.f32 v38, v31;
	v50 =	vld [tilespmem:s0+$0xCA30];
	v63 =	vmul.f32 v52, v33;
	v37 =	vadd.f32 v47, v37;
	[tilespmem:s0+$0xE70] =	vst v40  }
0x319: {  	v36 =	vmul.f32 v36, v31;
	v53 =	vld [tilespmem:s0+$0xCA00];
	v46 =	vmul.f32 v46, v33;
	v32 =	vadd.f32 v43, v32;
	[tilespmem:s0+$0xE60] =	vst v39  }
0x31a: {  	v34 =	vmul.f32 v34, v31;
	v60 =	vld [tilespmem:s0+$0xC610];
	v44 =	vmul.f32 v59, v33;
	v38 =	vadd.f32 v63, v38;
	[tilespmem:s0+$0xE40] =	vst v37  }
0x31b: {  	v29 =	vmul.f32 v29, v31;
	v45 =	vld [tilespmem:s0+$0x1640];
	v41 =	vmul.f32 v62, v33;
	v36 =	vadd.f32 v46, v36;
	[tilespmem:s0+$0xE00] =	vst v32  }
0x31c: {  	v21 =	vmul.f32 v21, v31;
	v48 =	vld [tilespmem:s0+$0xCA50];
	v62 =	vmul.f32 v55, v33;
	v34 =	vadd.f32 v44, v34;
	[tilespmem:s0+$0xE50] =	vst v38  }
0x31d: {  	v30 =	vmul.f32 v30, v31;
	v49 =	vld [tilespmem:s0+$0xCA40];
	v42 =	vmul.f32 v61, v33;
	v29 =	vadd.f32 v41, v29;
	[tilespmem:s0+$0xE30] =	vst v36  }
0x31e: {  	v23 =	vmul.f32 v23, v31;
	v51 =	vld [tilespmem:s0+$0xCA20];
	v21 =	vadd.f32 v62, v21;
	v35 =	vmul.f32 v53, v33;
	[tilespmem:s0+$0xE10] =	vst v34  }
0x31f: {  	v16 =	vmul.f32 v16, v31;
	v52 =	vld [tilespmem:s0+$0xCA10];
	v41 =	vmul.f32 v60, v33;
	v30 =	vadd.f32 v42, v30;
	[tilespmem:s0+$0xA60] =	vst v29  }
0x320: {  	v26 =	vmul.f32 v26, v31;
	v59 =	vld [tilespmem:s0+$0xC620];
	v38 =	vmul.f32 v50, v33;
	[tilespmem:s0+$0x660] =	vst v21;
	v23 =	vadd.f32 v35, v23  }
0x321: {  	v22 =	vmul.f32 v22, v31;
	v43 =	vld [tilespmem:s0+$0xD670];
	v34 =	vmul.f32 v54, v33;
	v16 =	vadd.f32 v41, v16;
	[tilespmem:s0+$0xA70] =	vst v30  }
0x322: {  	v28 =	vmul.f32 v28, v31;
	v61 =	vld [tilespmem:s0+$0xC600];
	v40 =	vmul.f32 v48, v33;
	v26 =	vadd.f32 v38, v26;
	[tilespmem:s0+$0xA00] =	vst v23  }
0x323: {  	v27 =	vmul.f32 v27, v31;
	v63 =	vld [tilespmem:s0+$0xC270];
	v39 =	vmul.f32 v49, v33;
	v22 =	vadd.f32 v34, v22;
	[tilespmem:s0+$0x610] =	vst v16  }
0x324: {  	v25 =	vmul.f32 v25, v31;
	v46 =	vld [tilespmem:s0+$0x1650];
	v37 =	vmul.f32 v51, v33;
	v28 =	vadd.f32 v40, v28;
	[tilespmem:s0+$0xA30] =	vst v26  }
0x325: {  	v24 =	vmul.f32 v24, v31;
	v50 =	vld [tilespmem:s0+$0xC200];
	v36 =	vmul.f32 v52, v33;
	v27 =	vadd.f32 v39, v27;
	[tilespmem:s0+$0x670] =	vst v22  }
0x326: {  	v19 =	vmul.f32 v19, v31;
	v35 =	vmul.f32 v57, v33;
	v48 =	vld [tilespmem:s0+$0x1660];
	v25 =	vadd.f32 v37, v25;
	[tilespmem:s0+$0xA50] =	vst v28  }
0x327: {  	v20 =	vmul.f32 v20, v31;
	v51 =	vld [tilespmem:s0+$0x200];
	v30 =	vmul.f32 v56, v33;
	v24 =	vadd.f32 v36, v24;
	[tilespmem:s0+$0xA40] =	vst v27  }
0x328: {  	v18 =	vmul.f32 v18, v31;
	v34 =	vld [tilespmem:s0+$0xC260];
	v37 =	vmul.f32 v58, v33;
	v19 =	vadd.f32 v35, v19;
	[tilespmem:s0+$0xA20] =	vst v25  }
0x329: {  	v17 =	vmul.f32 v17, v31;
	v38 =	vld [tilespmem:s0+$0xD650];
	v39 =	vmul.f32 v59, v33;
	v20 =	vadd.f32 v30, v20;
	[tilespmem:s0+$0xA10] =	vst v24  }
0x32a: {  	v15 =	vmul.f32 v15, v31;
	v36 =	vld [tilespmem:s0+$0xD640];
	v42 =	vmul.f32 v61, v33;
	v18 =	vadd.f32 v37, v18;
	[tilespmem:s0+$0x640] =	vst v19  }
0x32b: {  	v14 =	vmul.f32 v14, v31;
	v40 =	vld [tilespmem:s0+$0xD660];
	v44 =	vmul.f32 v63, v33;
	v17 =	vadd.f32 v39, v17;
	[tilespmem:s0+$0x650] =	vst v20  }
0x32c: {  	v49 =	vld [tilespmem:s0+$0x1670];
	v15 =	vadd.f32 v42, v15;
	v10 =	vmul.f32 v50, v33;
	v61 =	vmul.f32 v51, v31;
	[tilespmem:s0+$0x630] =	vst v18  }
0x32d: {  	v13 =	vmul.f32 v13, v31;
	v14 =	vadd.f32 v44, v14;
	[tilespmem:s0+$0x620] =	vst v17;
	v47 =	vmul.f32 v34, v33  }
0x32e: {  	v54 =	vmul.f32 v46, v31;
	[tilespmem:s0+$0x600] =	vst v15;
	v55 =	vmul.f32 v38, v33;
	v63 =	vadd.f32 v10, v61  }
0x32f: {  	v52 =	vmul.f32 v45, v31;
	[tilespmem:s0+$0x270] =	vst v14;
	v53 =	vmul.f32 v36, v33;
	v13 =	vadd.f32 v47, v13  }
0x330: {  	v56 =	vmul.f32 v48, v31;
	v58 =	vmul.f32 v40, v33;
	v3 =	vadd.f32 v55, v54;
	[tilespmem:s0+$0x200] =	vst v63  }
0x331: {  	v60 =	vmul.f32 v43, v33;
	v59 =	vmul.f32 v49, v31;
	v57 =	vadd.f32 v53, v52;
	[tilespmem:s0+$0x260] =	vst v13  }
0x332: {  	v62 =	vadd.f32 v58, v56;
	[tilespmem:s0+$0x1650] =	vst v3  }
0x333: {  	s31 =	sadd.s32 $0x1, s31;
	v3 =	vadd.f32 v60, v59;
	[tilespmem:s0+$0x1640] =	vst v57  }
0x334: {  	p0 =	sne.s32 s31, s12;
	[tilespmem:s0+$0x1660] =	vst v62  }
.Ltmp2:
0x335: {  	[tilespmem:s0+$0x1670] =	vst v3;
	(pc) =	sbr.rel @p0 .LBB2_1-.Ltmp2, $4  }
0x336: {  	[hbm4b:s11+s2] =	stream.linear.scatter [tilespmem:s21], [sflag:$0x3], $0x6000, $0x38;
	[tilespmem:$0x18200] =	vst v63  }
0x337: {  	_ =	swait.ge [sflag:s13], $0x6000  }
0x338: {  	[sflag:s13] =	ssyncset.done $0x0  }
0x339: {  	[sflag:s13] =	ssyncadd.s32 $0xFFFFA000  }
0x33a: {  	_ =	sfence.sel $0x180000  }
0x33b: {  	[bflag:$0x0] =	sbarrier.arrive $0xFFFF  }
0x33c: {  	_ =	strace $0x9000004A  }
0x33d: {  	s0 =	stileid.u32;
	[bflag:$0x2] =	sbarrier.arrive $0xFFFF  }
0x33e: {  	p0 =	sne.s32 s0, $0x0;
	s0 =	rddreg [dreg:$0x2]  }
0x33f: {  	s0 =	sadd.s32 @!p0 $0x100000, s0  }
0x340: {  	[sflag:s0] =	ssyncadd.tile.s32 @!p0 $0x1;
	_ =	shalt  }
.Lfunc_end2:
_tile_overlayer_lowered:
.L_overlay_start_2:
0x341: {  	(tag) =	ssettag $0x2  }
0x342: {  	s0 =	rddreg [dreg:$0x0];
	s2 =	stileid.u32  }
0x343: {  	s1 =	rddreg [dreg:$0x1];
	p0 =	sne.s32 s2, $0x0  }
0x344: {  	s3 =	rddreg [dreg:$0x2];
	[bflag:$0x3] =	sbarrier.arrive $0xFFFF;
	s2 =	simm.s32 @!p0 $0x1C03  }
0x345: {  	[timem:s3], [sflag:s2] =	dma.local @!p0 [hbm:s0], s1  }
0x346: {  	s0 =	simm.s32 @!p0 $0x3  }
0x347: {  	_ =	swait.ge @!p0 [sflag:s0], s1  }
0x348: {  	s1 =	ssub.s32 @!p0 $0x0, s1;
	[sflag:s0] =	ssyncset.done @!p0 $0x0  }
0x349: {  	[sflag:s0] =	ssyncadd.s32 @!p0 s1  }
0x34a: {  	[bflag:$0x3] =	sbarrier.arrive $0xFFFF  }
0x34b: {  	_ =	shalt  }

</sc_bundles>
